<compile_context>
chip_gen: v7x
topology: tpu7x:2x2x1
jax: 0.10.2.dev20260603
libtpu: 0.0.44.dev20260713+nightly
codegen_flags: <defaults>
</compile_context>

<pallas_src>
import functools

import jax
import jax.numpy as jnp
from jax import lax
from jax.experimental import pallas as pl
from jax.experimental.pallas import tpu as pltpu
from jax.experimental.pallas import tpu_sc as plsc

_LANES = 16
_NUM_WORKERS = 32
_CHUNK_ROWS = 8
_UNROLL = 16


def _lookup_sc(x, table_len):
    rows, cols = x.shape
    per_worker_rows = rows // _NUM_WORKERS
    n_chunks = per_worker_rows // _CHUNK_ROWS
    assert rows % _NUM_WORKERS == 0 and per_worker_rows % _CHUNK_ROWS == 0
    assert n_chunks % 2 == 0 and cols % _LANES == 0
    vecs_per_row = cols // _LANES
    steps = _CHUNK_ROWS * vecs_per_row
    fmax = float(table_len - 1)

    mesh = plsc.VectorSubcoreMesh(core_axis_name="c", subcore_axis_name="s")

    @functools.partial(
        pl.kernel,
        out_type=jax.ShapeDtypeStruct((rows, cols), jnp.float32),
        mesh=mesh,
        compiler_params=pltpu.CompilerParams(needs_layout_passes=False),
        scratch_types=[
            pltpu.VMEM((table_len,), jnp.float32),
            pltpu.VMEM((_LANES,), jnp.float32),
            pltpu.VMEM((_LANES,), jnp.float32),
            pltpu.VMEM((_CHUNK_ROWS, cols), jnp.float32),
            pltpu.VMEM((_CHUNK_ROWS, cols), jnp.float32),
            pltpu.VMEM((_CHUNK_ROWS, cols), jnp.float32),
            pltpu.VMEM((_CHUNK_ROWS, cols), jnp.float32),
            pltpu.SemaphoreType.DMA,
            pltpu.SemaphoreType.DMA,
            pltpu.SemaphoreType.DMA,
            pltpu.SemaphoreType.DMA,
        ],
    )
    def body(x_hbm, tab_hbm, scale_hbm, min_hbm, out_hbm,
             tab_v, scale_v, min_v, in0, in1, ob0, ob1,
             si0, si1, so0, so1):
        ins = (in0, in1)
        obs = (ob0, ob1)
        sis = (si0, si1)
        sos = (so0, so1)

        wid = lax.axis_index("s") * 2 + lax.axis_index("c")
        base_row = wid * per_worker_rows

        pltpu.sync_copy(tab_hbm, tab_v)
        pltpu.sync_copy(scale_hbm, scale_v)
        pltpu.sync_copy(min_hbm, min_v)
        scale = scale_v[...]
        minv = min_v[...]

        def start_in(c, b):
            pltpu.async_copy(
                x_hbm.at[pl.ds(base_row + c * _CHUNK_ROWS, _CHUNK_ROWS), :],
                ins[b], sis[b])

        def wait_in(b):
            pltpu.make_async_copy(
                x_hbm.at[pl.ds(0, _CHUNK_ROWS), :], ins[b], sis[b]).wait()

        def start_out(c, b):
            pltpu.async_copy(
                obs[b],
                out_hbm.at[pl.ds(base_row + c * _CHUNK_ROWS, _CHUNK_ROWS), :],
                sos[b])

        def wait_out(b):
            pltpu.make_async_copy(
                obs[b], out_hbm.at[pl.ds(0, _CHUNK_ROWS), :], sos[b]).wait()

        def compute(b):
            src = ins[b]
            dst = obs[b]

            for r in range(_CHUNK_ROWS):
                @plsc.parallel_loop(0, vecs_per_row, unroll=_UNROLL)
                def _steps(i, r=r):
                    off = i * _LANES
                    v = src[r, pl.ds(off, _LANES)]
                    q = jnp.clip((v - minv) * scale, 0.0, fmax)
                    idx = q.astype(jnp.int32)
                    dst[r, pl.ds(off, _LANES)] = plsc.load_gather(tab_v, [idx])

        nbuf = len(ins)
        rounds = n_chunks // nbuf
        leftover = n_chunks - rounds * nbuf

        for b in range(nbuf):
            start_in(b, b)

        @pl.loop(0, rounds)
        def _rounds(r2):
            for b in range(nbuf):
                c = r2 * nbuf + b
                wait_in(b)

                @pl.when(r2 > 0)
                def _():
                    wait_out(b)

                compute(b)
                start_out(c, b)

                @pl.when(c + nbuf < n_chunks)
                def _():
                    start_in(c + nbuf, b)

        for i in range(leftover):
            c = rounds * nbuf + i
            wait_in(i)
            wait_out(i)
            compute(i)
            start_out(c, i)

        for b in range(nbuf):
            wait_out(b)

    return body


def kernel(x, forward_values, backward_values, input_min, input_max):
    del backward_values
    table_len = forward_values.shape[0]
    idx_max = table_len - 1
    scale = jnp.float32(idx_max) / (
        jnp.asarray(input_max, jnp.float32) - jnp.asarray(input_min, jnp.float32))
    scale16 = jnp.full((_LANES,), scale, jnp.float32)
    min16 = jnp.full((_LANES,), jnp.asarray(input_min, jnp.float32))

    fn = _lookup_sc(x, table_len)
    return fn(x, forward_values.astype(jnp.float32), scale16, min16)

# --- scband reference (transcript-rebuilt; emitter-appended) ---
"""Pipeline reference for scband-lookup-function-4870492914047 (READ-ONLY COPY).

The authoritative reference and input builder live on the scoring server;
editing this copy changes nothing except your own understanding.
"""

import jax, jax.numpy as jnp
import numpy as np


def setup_inputs(seed: int = 0) -> dict:
    key = jax.random.key(seed)
    x = jax.random.uniform(key, (16384, 2048), dtype=jnp.float32)
    forward_values = jnp.arange(64, dtype=jnp.float32) * 0.125
    backward_values = jnp.full((64,), 0.7, dtype=jnp.float32)
    return {
        "x": x,
        "forward_values": forward_values,
        "backward_values": backward_values,
        "input_min": 0.0,
        "input_max": 1.0,
    }


def reference(x, forward_values, backward_values, input_min, input_max):
    # Faithful translation of _LookupFunction.forward:
    #   idx_max = len(forward_values) - 1
    #   idx_scale = idx_max / (input_max - input_min)
    #   idx = clamp(long(idx_scale * (x - input_min)), 0, idx_max)
    #   return forward_values[idx]
    idx_max = forward_values.shape[0] - 1
    idx_scale = idx_max / (input_max - input_min)
    idx = (idx_scale * (x - input_min)).astype(jnp.int32)  # trunc toward zero, same as torch .type(torch.long)
    idx = jnp.clip(idx, 0, idx_max)
    return jnp.take(forward_values, idx, axis=0)

if __name__ == "__main__":
    import jax
    _d = setup_inputs()
    print(jax.jit(kernel)(*tuple(_d.values())))

</pallas_src>

<mosaic_0001>
#map = affine_map<(d0, d1) -> (0, 0)>
#map1 = affine_map<(d0, d1) -> (0)>
module attributes {stable_mosaic.version = 14 : i64} {
  func.func @body(%arg0: i32, %arg1: i32, %arg2: memref<16384x2048xf32, #tpu.memory_space<hbm>>, %arg3: memref<64xf32, #tpu.memory_space<hbm>>, %arg4: memref<16xf32, #tpu.memory_space<hbm>>, %arg5: memref<16xf32, #tpu.memory_space<hbm>>, %arg6: memref<16384x2048xf32, #tpu.memory_space<hbm>>, %arg7: memref<64xf32, #tpu.memory_space<vmem>>, %arg8: memref<16xf32, #tpu.memory_space<vmem>>, %arg9: memref<16xf32, #tpu.memory_space<vmem>>, %arg10: memref<8x2048xf32, #tpu.memory_space<vmem>>, %arg11: memref<8x2048xf32, #tpu.memory_space<vmem>>, %arg12: memref<8x2048xf32, #tpu.memory_space<vmem>>, %arg13: memref<8x2048xf32, #tpu.memory_space<vmem>>, %arg14: memref<!tpu.dma_semaphore, #tpu.memory_space<semaphore_mem>>, %arg15: memref<!tpu.dma_semaphore, #tpu.memory_space<semaphore_mem>>, %arg16: memref<!tpu.dma_semaphore, #tpu.memory_space<semaphore_mem>>, %arg17: memref<!tpu.dma_semaphore, #tpu.memory_space<semaphore_mem>>) attributes {dimension_semantics = [#tpu.dimension_semantics<core_parallel>, #tpu.dimension_semantics<subcore_parallel>], iteration_bounds = array<i64: 2, 16>, scalar_prefetch = 0 : i64, scratch_operands = 11 : i64, tpu.core_type = #tpu.core_type<sc_vector_subcore>, window_params = [{transform_indices = #map}, {transform_indices = #map1}, {transform_indices = #map1}, {transform_indices = #map1}, {transform_indices = #map}]} {
    %mul3A = arith.constant 2 : i32
    %mul3A_0 = arith.muli %arg1, %mul3A : i32
    %add3A = arith.addi %mul3A_0, %arg0 : i32
    %mul3A_1 = arith.constant 512 : i32
    %mul3A_2 = arith.muli %add3A, %mul3A_1 : i32
    "tpu.region"() ({
      %run_scoped3A = tpu.sem_alloc : memref<!tpu.dma_semaphore, #tpu.memory_space<semaphore_mem>>
      tpu.enqueue_dma source(%arg3 : memref<64xf32, #tpu.memory_space<hbm>>) target(%arg7 : memref<64xf32, #tpu.memory_space<vmem>>) target_semaphore(%run_scoped3A : memref<!tpu.dma_semaphore, #tpu.memory_space<semaphore_mem>>)
      tpu.wait_dma2 semaphore(%run_scoped3A : memref<!tpu.dma_semaphore, #tpu.memory_space<semaphore_mem>>) src(%arg3 : memref<64xf32, #tpu.memory_space<hbm>>) dst(%arg7 : memref<64xf32, #tpu.memory_space<vmem>>)
      tpu.yield
    }) : () -> ()
    "tpu.region"() ({
      %run_scoped3A = tpu.sem_alloc : memref<!tpu.dma_semaphore, #tpu.memory_space<semaphore_mem>>
      tpu.enqueue_dma source(%arg4 : memref<16xf32, #tpu.memory_space<hbm>>) target(%arg8 : memref<16xf32, #tpu.memory_space<vmem>>) target_semaphore(%run_scoped3A : memref<!tpu.dma_semaphore, #tpu.memory_space<semaphore_mem>>)
      tpu.wait_dma2 semaphore(%run_scoped3A : memref<!tpu.dma_semaphore, #tpu.memory_space<semaphore_mem>>) src(%arg4 : memref<16xf32, #tpu.memory_space<hbm>>) dst(%arg8 : memref<16xf32, #tpu.memory_space<vmem>>)
      tpu.yield
    }) : () -> ()
    "tpu.region"() ({
      %run_scoped3A = tpu.sem_alloc : memref<!tpu.dma_semaphore, #tpu.memory_space<semaphore_mem>>
      tpu.enqueue_dma source(%arg5 : memref<16xf32, #tpu.memory_space<hbm>>) target(%arg9 : memref<16xf32, #tpu.memory_space<vmem>>) target_semaphore(%run_scoped3A : memref<!tpu.dma_semaphore, #tpu.memory_space<semaphore_mem>>)
      tpu.wait_dma2 semaphore(%run_scoped3A : memref<!tpu.dma_semaphore, #tpu.memory_space<semaphore_mem>>) src(%arg5 : memref<16xf32, #tpu.memory_space<hbm>>) dst(%arg9 : memref<16xf32, #tpu.memory_space<vmem>>)
      tpu.yield
    }) : () -> ()
    %get3A = arith.constant 0 : index
    %get3A_3 = tpu.vector_load %arg8[%get3A] {strides = array<i32>} : memref<16xf32, #tpu.memory_space<vmem>>, vector<16xf32>,
    %get3A_4 = arith.constant 0 : index
    %get3A_5 = tpu.vector_load %arg9[%get3A_4] {strides = array<i32>} : memref<16xf32, #tpu.memory_space<vmem>>, vector<16xf32>,
    %add3A_6 = arith.constant 0 : i32
    %add3A_7 = arith.addi %mul3A_2, %add3A_6 : i32
    %dma_start3A = arith.constant 0 : i32
    %dma_start3A_8 = tpu.memref_slice %arg2[%add3A_7, %dma_start3A] : memref<16384x2048xf32, #tpu.memory_space<hbm>> -> memref<8x2048xf32, #tpu.memory_space<hbm>>
    %dma_start3A_9 = arith.constant 0 : i32
    %dma_start3A_10 = tpu.memref_slice %arg2[%add3A_7, %dma_start3A_9] : memref<16384x2048xf32, #tpu.memory_space<hbm>> -> memref<8x2048xf32, #tpu.memory_space<hbm>>
    tpu.enqueue_dma source(%dma_start3A_10 : memref<8x2048xf32, #tpu.memory_space<hbm>>) target(%arg10 : memref<8x2048xf32, #tpu.memory_space<vmem>>) target_semaphore(%arg14 : memref<!tpu.dma_semaphore, #tpu.memory_space<semaphore_mem>>)
    %add3A_11 = arith.constant 8 : i32
    %add3A_12 = arith.addi %mul3A_2, %add3A_11 : i32
    %dma_start3A_13 = arith.constant 0 : i32
    %dma_start3A_14 = tpu.memref_slice %arg2[%add3A_12, %dma_start3A_13] : memref<16384x2048xf32, #tpu.memory_space<hbm>> -> memref<8x2048xf32, #tpu.memory_space<hbm>>
    %dma_start3A_15 = arith.constant 0 : i32
    %dma_start3A_16 = tpu.memref_slice %arg2[%add3A_12, %dma_start3A_15] : memref<16384x2048xf32, #tpu.memory_space<hbm>> -> memref<8x2048xf32, #tpu.memory_space<hbm>>
    tpu.enqueue_dma source(%dma_start3A_16 : memref<8x2048xf32, #tpu.memory_space<hbm>>) target(%arg11 : memref<8x2048xf32, #tpu.memory_space<vmem>>) target_semaphore(%arg15 : memref<!tpu.dma_semaphore, #tpu.memory_space<semaphore_mem>>)
    %scan3A = arith.constant 0 : i32
    %scan3A_17 = arith.constant 32 : i32
    %scan3A_18 = arith.addi %scan3A, %scan3A_17 : i32
    %scan3A_19 = arith.constant 1 : i32
    scf.for %scan3A_32 = %scan3A to %scan3A_18 step %scan3A_19  : i32 {
      %mul3A_33 = arith.constant 1 : i32
      %mul3A_34 = arith.muli %scan3A_32, %mul3A_33 : i32
      %add3A_35 = arith.constant 0 : i32
      %add3A_36 = arith.addi %add3A_35, %mul3A_34 : i32
      %mul3A_37 = arith.constant 2 : i32
      %mul3A_38 = arith.muli %add3A_36, %mul3A_37 : i32
      %add3A_39 = arith.constant 0 : i32
      %add3A_40 = arith.addi %mul3A_38, %add3A_39 : i32
      %dma_wait3A_41 = arith.constant 0 : i32
      %dma_wait3A_42 = arith.constant 0 : i32
      %dma_wait3A_43 = tpu.memref_slice %arg2[%dma_wait3A_41, %dma_wait3A_42] : memref<16384x2048xf32, #tpu.memory_space<hbm>> -> memref<8x2048xf32, #tpu.memory_space<hbm>>
      %dma_wait3A_44 = arith.constant 0 : i32
      %dma_wait3A_45 = arith.constant 0 : i32
      %dma_wait3A_46 = tpu.memref_slice %arg2[%dma_wait3A_44, %dma_wait3A_45] : memref<16384x2048xf32, #tpu.memory_space<hbm>> -> memref<8x2048xf32, #tpu.memory_space<hbm>>
      tpu.wait_dma2 semaphore(%arg14 : memref<!tpu.dma_semaphore, #tpu.memory_space<semaphore_mem>>) src(%dma_wait3A_46 : memref<8x2048xf32, #tpu.memory_space<hbm>>) dst(%arg10 : memref<8x2048xf32, #tpu.memory_space<vmem>>)
      %gt3A = arith.constant 0 : i32
      %gt3A_47 = arith.cmpi sgt, %add3A_36, %gt3A : i32
      %convert_element_type3A = arith.extui %gt3A_47 : i1 to i32
      %cond3A = arith.constant 0 : i32
      %cond3A_48 = arith.cmpi ne, %convert_element_type3A, %cond3A : i32
      scf.if %cond3A_48 {
        %dma_wait3A_138 = arith.constant 0 : i32
        %dma_wait3A_139 = arith.constant 0 : i32
        %dma_wait3A_140 = tpu.memref_slice %arg6[%dma_wait3A_138, %dma_wait3A_139] : memref<16384x2048xf32, #tpu.memory_space<hbm>> -> memref<8x2048xf32, #tpu.memory_space<hbm>>
        %dma_wait3A_141 = arith.constant 0 : i32
        %dma_wait3A_142 = arith.constant 0 : i32
        %dma_wait3A_143 = tpu.memref_slice %arg6[%dma_wait3A_141, %dma_wait3A_142] : memref<16384x2048xf32, #tpu.memory_space<hbm>> -> memref<8x2048xf32, #tpu.memory_space<hbm>>
        tpu.wait_dma2 semaphore(%arg16 : memref<!tpu.dma_semaphore, #tpu.memory_space<semaphore_mem>>) src(%arg12 : memref<8x2048xf32, #tpu.memory_space<vmem>>) dst(%dma_wait3A_143 : memref<8x2048xf32, #tpu.memory_space<hbm>>)
      } else {
      }
      %parallel_loop3A = arith.constant 0 : i32
      %parallel_loop3A_49 = arith.constant 128 : i32
      %parallel_loop3A_50 = arith.constant 1 : i32
      scf.for %parallel_loop3A_138 = %parallel_loop3A to %parallel_loop3A_49 step %parallel_loop3A_50  : i32 {
        %parallel_loop3A_139 = arith.constant 16 : i32
        %parallel_loop3A_140 = arith.muli %parallel_loop3A_138, %parallel_loop3A_139 : i32
        %parallel_loop3A_141 = arith.constant 0 : i32
        %parallel_loop3A_142 = arith.index_cast %parallel_loop3A_141 : i32 to index
        %parallel_loop3A_143 = arith.index_cast %parallel_loop3A_140 : i32 to index
        %parallel_loop3A_144 = tpu.vector_load %arg10[%parallel_loop3A_142, %parallel_loop3A_143] {strides = array<i32>} : memref<8x2048xf32, #tpu.memory_space<vmem>>, vector<16xf32>,
        %parallel_loop3A_145 = arith.subf %parallel_loop3A_144, %get3A_5 : vector<16xf32>
        %parallel_loop3A_146 = arith.mulf %parallel_loop3A_145, %get3A_3 : vector<16xf32>
        %parallel_loop3A_147 = arith.constant 0.000000e+00 : f32
        %parallel_loop3A_148 = arith.constant 6.300000e+01 : f32
        %parallel_loop3A_149 = vector.broadcast %parallel_loop3A_147 : f32 to vector<16xf32>
        %parallel_loop3A_150 = arith.maximumf %parallel_loop3A_149, %parallel_loop3A_146 : vector<16xf32>
        %parallel_loop3A_151 = vector.broadcast %parallel_loop3A_148 : f32 to vector<16xf32>
        %parallel_loop3A_152 = arith.minimumf %parallel_loop3A_151, %parallel_loop3A_150 : vector<16xf32>
        %parallel_loop3A_153 = arith.fptosi %parallel_loop3A_152 : vector<16xf32> to vector<16xi32>
        %parallel_loop3A_154 = tpu.vector_load_idx %arg7[%parallel_loop3A_153] : memref<64xf32, #tpu.memory_space<vmem>>[vector<16xi32>], vector<16xf32>,
        %parallel_loop3A_155 = arith.constant 0 : i32
        %parallel_loop3A_156 = arith.index_cast %parallel_loop3A_155 : i32 to index
        %parallel_loop3A_157 = arith.index_cast %parallel_loop3A_140 : i32 to index
        %parallel_loop3A_158 = tpu.vector_load %arg12[%parallel_loop3A_156, %parallel_loop3A_157] {strides = array<i32>} : memref<8x2048xf32, #tpu.memory_space<vmem>>, vector<16xf32>,
        tpu.vector_store %arg12[%parallel_loop3A_156, %parallel_loop3A_157], %parallel_loop3A_154 {strides = array<i32>} : memref<8x2048xf32, #tpu.memory_space<vmem>>, vector<16xf32>,
      } {sc.loop_unroll_factor = 16 : i64, sc.parallel_access}
      %parallel_loop3A_51 = arith.constant 0 : i32
      %parallel_loop3A_52 = arith.constant 128 : i32
      %parallel_loop3A_53 = arith.constant 1 : i32
      scf.for %parallel_loop3A_138 = %parallel_loop3A_51 to %parallel_loop3A_52 step %parallel_loop3A_53  : i32 {
        %parallel_loop3A_139 = arith.constant 16 : i32
        %parallel_loop3A_140 = arith.muli %parallel_loop3A_138, %parallel_loop3A_139 : i32
        %parallel_loop3A_141 = arith.constant 1 : i32
        %parallel_loop3A_142 = arith.index_cast %parallel_loop3A_141 : i32 to index
        %parallel_loop3A_143 = arith.index_cast %parallel_loop3A_140 : i32 to index
        %parallel_loop3A_144 = tpu.vector_load %arg10[%parallel_loop3A_142, %parallel_loop3A_143] {strides = array<i32>} : memref<8x2048xf32, #tpu.memory_space<vmem>>, vector<16xf32>,
        %parallel_loop3A_145 = arith.subf %parallel_loop3A_144, %get3A_5 : vector<16xf32>
        %parallel_loop3A_146 = arith.mulf %parallel_loop3A_145, %get3A_3 : vector<16xf32>
        %parallel_loop3A_147 = arith.constant 0.000000e+00 : f32
        %parallel_loop3A_148 = arith.constant 6.300000e+01 : f32
        %parallel_loop3A_149 = vector.broadcast %parallel_loop3A_147 : f32 to vector<16xf32>
        %parallel_loop3A_150 = arith.maximumf %parallel_loop3A_149, %parallel_loop3A_146 : vector<16xf32>
        %parallel_loop3A_151 = vector.broadcast %parallel_loop3A_148 : f32 to vector<16xf32>
        %parallel_loop3A_152 = arith.minimumf %parallel_loop3A_151, %parallel_loop3A_150 : vector<16xf32>
        %parallel_loop3A_153 = arith.fptosi %parallel_loop3A_152 : vector<16xf32> to vector<16xi32>
        %parallel_loop3A_154 = tpu.vector_load_idx %arg7[%parallel_loop3A_153] : memref<64xf32, #tpu.memory_space<vmem>>[vector<16xi32>], vector<16xf32>,
        %parallel_loop3A_155 = arith.constant 1 : i32
        %parallel_loop3A_156 = arith.index_cast %parallel_loop3A_155 : i32 to index
        %parallel_loop3A_157 = arith.index_cast %parallel_loop3A_140 : i32 to index
        %parallel_loop3A_158 = tpu.vector_load %arg12[%parallel_loop3A_156, %parallel_loop3A_157] {strides = array<i32>} : memref<8x2048xf32, #tpu.memory_space<vmem>>, vector<16xf32>,
        tpu.vector_store %arg12[%parallel_loop3A_156, %parallel_loop3A_157], %parallel_loop3A_154 {strides = array<i32>} : memref<8x2048xf32, #tpu.memory_space<vmem>>, vector<16xf32>,
      } {sc.loop_unroll_factor = 16 : i64, sc.parallel_access}
      %parallel_loop3A_54 = arith.constant 0 : i32
      %parallel_loop3A_55 = arith.constant 128 : i32
      %parallel_loop3A_56 = arith.constant 1 : i32
      scf.for %parallel_loop3A_138 = %parallel_loop3A_54 to %parallel_loop3A_55 step %parallel_loop3A_56  : i32 {
        %parallel_loop3A_139 = arith.constant 16 : i32
        %parallel_loop3A_140 = arith.muli %parallel_loop3A_138, %parallel_loop3A_139 : i32
        %parallel_loop3A_141 = arith.constant 2 : i32
        %parallel_loop3A_142 = arith.index_cast %parallel_loop3A_141 : i32 to index
        %parallel_loop3A_143 = arith.index_cast %parallel_loop3A_140 : i32 to index
        %parallel_loop3A_144 = tpu.vector_load %arg10[%parallel_loop3A_142, %parallel_loop3A_143] {strides = array<i32>} : memref<8x2048xf32, #tpu.memory_space<vmem>>, vector<16xf32>,
        %parallel_loop3A_145 = arith.subf %parallel_loop3A_144, %get3A_5 : vector<16xf32>
        %parallel_loop3A_146 = arith.mulf %parallel_loop3A_145, %get3A_3 : vector<16xf32>
        %parallel_loop3A_147 = arith.constant 0.000000e+00 : f32
        %parallel_loop3A_148 = arith.constant 6.300000e+01 : f32
        %parallel_loop3A_149 = vector.broadcast %parallel_loop3A_147 : f32 to vector<16xf32>
        %parallel_loop3A_150 = arith.maximumf %parallel_loop3A_149, %parallel_loop3A_146 : vector<16xf32>
        %parallel_loop3A_151 = vector.broadcast %parallel_loop3A_148 : f32 to vector<16xf32>
        %parallel_loop3A_152 = arith.minimumf %parallel_loop3A_151, %parallel_loop3A_150 : vector<16xf32>
        %parallel_loop3A_153 = arith.fptosi %parallel_loop3A_152 : vector<16xf32> to vector<16xi32>
        %parallel_loop3A_154 = tpu.vector_load_idx %arg7[%parallel_loop3A_153] : memref<64xf32, #tpu.memory_space<vmem>>[vector<16xi32>], vector<16xf32>,
        %parallel_loop3A_155 = arith.constant 2 : i32
        %parallel_loop3A_156 = arith.index_cast %parallel_loop3A_155 : i32 to index
        %parallel_loop3A_157 = arith.index_cast %parallel_loop3A_140 : i32 to index
        %parallel_loop3A_158 = tpu.vector_load %arg12[%parallel_loop3A_156, %parallel_loop3A_157] {strides = array<i32>} : memref<8x2048xf32, #tpu.memory_space<vmem>>, vector<16xf32>,
        tpu.vector_store %arg12[%parallel_loop3A_156, %parallel_loop3A_157], %parallel_loop3A_154 {strides = array<i32>} : memref<8x2048xf32, #tpu.memory_space<vmem>>, vector<16xf32>,
      } {sc.loop_unroll_factor = 16 : i64, sc.parallel_access}
      %parallel_loop3A_57 = arith.constant 0 : i32
      %parallel_loop3A_58 = arith.constant 128 : i32
      %parallel_loop3A_59 = arith.constant 1 : i32
      scf.for %parallel_loop3A_138 = %parallel_loop3A_57 to %parallel_loop3A_58 step %parallel_loop3A_59  : i32 {
        %parallel_loop3A_139 = arith.constant 16 : i32
        %parallel_loop3A_140 = arith.muli %parallel_loop3A_138, %parallel_loop3A_139 : i32
        %parallel_loop3A_141 = arith.constant 3 : i32
        %parallel_loop3A_142 = arith.index_cast %parallel_loop3A_141 : i32 to index
        %parallel_loop3A_143 = arith.index_cast %parallel_loop3A_140 : i32 to index
        %parallel_loop3A_144 = tpu.vector_load %arg10[%parallel_loop3A_142, %parallel_loop3A_143] {strides = array<i32>} : memref<8x2048xf32, #tpu.memory_space<vmem>>, vector<16xf32>,
        %parallel_loop3A_145 = arith.subf %parallel_loop3A_144, %get3A_5 : vector<16xf32>
        %parallel_loop3A_146 = arith.mulf %parallel_loop3A_145, %get3A_3 : vector<16xf32>
        %parallel_loop3A_147 = arith.constant 0.000000e+00 : f32
        %parallel_loop3A_148 = arith.constant 6.300000e+01 : f32
        %parallel_loop3A_149 = vector.broadcast %parallel_loop3A_147 : f32 to vector<16xf32>
        %parallel_loop3A_150 = arith.maximumf %parallel_loop3A_149, %parallel_loop3A_146 : vector<16xf32>
        %parallel_loop3A_151 = vector.broadcast %parallel_loop3A_148 : f32 to vector<16xf32>
        %parallel_loop3A_152 = arith.minimumf %parallel_loop3A_151, %parallel_loop3A_150 : vector<16xf32>
        %parallel_loop3A_153 = arith.fptosi %parallel_loop3A_152 : vector<16xf32> to vector<16xi32>
        %parallel_loop3A_154 = tpu.vector_load_idx %arg7[%parallel_loop3A_153] : memref<64xf32, #tpu.memory_space<vmem>>[vector<16xi32>], vector<16xf32>,
        %parallel_loop3A_155 = arith.constant 3 : i32
        %parallel_loop3A_156 = arith.index_cast %parallel_loop3A_155 : i32 to index
        %parallel_loop3A_157 = arith.index_cast %parallel_loop3A_140 : i32 to index
        %parallel_loop3A_158 = tpu.vector_load %arg12[%parallel_loop3A_156, %parallel_loop3A_157] {strides = array<i32>} : memref<8x2048xf32, #tpu.memory_space<vmem>>, vector<16xf32>,
        tpu.vector_store %arg12[%parallel_loop3A_156, %parallel_loop3A_157], %parallel_loop3A_154 {strides = array<i32>} : memref<8x2048xf32, #tpu.memory_space<vmem>>, vector<16xf32>,
      } {sc.loop_unroll_factor = 16 : i64, sc.parallel_access}
      %parallel_loop3A_60 = arith.constant 0 : i32
      %parallel_loop3A_61 = arith.constant 128 : i32
      %parallel_loop3A_62 = arith.constant 1 : i32
      scf.for %parallel_loop3A_138 = %parallel_loop3A_60 to %parallel_loop3A_61 step %parallel_loop3A_62  : i32 {
        %parallel_loop3A_139 = arith.constant 16 : i32
        %parallel_loop3A_140 = arith.muli %parallel_loop3A_138, %parallel_loop3A_139 : i32
        %parallel_loop3A_141 = arith.constant 4 : i32
        %parallel_loop3A_142 = arith.index_cast %parallel_loop3A_141 : i32 to index
        %parallel_loop3A_143 = arith.index_cast %parallel_loop3A_140 : i32 to index
        %parallel_loop3A_144 = tpu.vector_load %arg10[%parallel_loop3A_142, %parallel_loop3A_143] {strides = array<i32>} : memref<8x2048xf32, #tpu.memory_space<vmem>>, vector<16xf32>,
        %parallel_loop3A_145 = arith.subf %parallel_loop3A_144, %get3A_5 : vector<16xf32>
        %parallel_loop3A_146 = arith.mulf %parallel_loop3A_145, %get3A_3 : vector<16xf32>
        %parallel_loop3A_147 = arith.constant 0.000000e+00 : f32
        %parallel_loop3A_148 = arith.constant 6.300000e+01 : f32
        %parallel_loop3A_149 = vector.broadcast %parallel_loop3A_147 : f32 to vector<16xf32>
        %parallel_loop3A_150 = arith.maximumf %parallel_loop3A_149, %parallel_loop3A_146 : vector<16xf32>
        %parallel_loop3A_151 = vector.broadcast %parallel_loop3A_148 : f32 to vector<16xf32>
        %parallel_loop3A_152 = arith.minimumf %parallel_loop3A_151, %parallel_loop3A_150 : vector<16xf32>
        %parallel_loop3A_153 = arith.fptosi %parallel_loop3A_152 : vector<16xf32> to vector<16xi32>
        %parallel_loop3A_154 = tpu.vector_load_idx %arg7[%parallel_loop3A_153] : memref<64xf32, #tpu.memory_space<vmem>>[vector<16xi32>], vector<16xf32>,
        %parallel_loop3A_155 = arith.constant 4 : i32
        %parallel_loop3A_156 = arith.index_cast %parallel_loop3A_155 : i32 to index
        %parallel_loop3A_157 = arith.index_cast %parallel_loop3A_140 : i32 to index
        %parallel_loop3A_158 = tpu.vector_load %arg12[%parallel_loop3A_156, %parallel_loop3A_157] {strides = array<i32>} : memref<8x2048xf32, #tpu.memory_space<vmem>>, vector<16xf32>,
        tpu.vector_store %arg12[%parallel_loop3A_156, %parallel_loop3A_157], %parallel_loop3A_154 {strides = array<i32>} : memref<8x2048xf32, #tpu.memory_space<vmem>>, vector<16xf32>,
      } {sc.loop_unroll_factor = 16 : i64, sc.parallel_access}
      %parallel_loop3A_63 = arith.constant 0 : i32
      %parallel_loop3A_64 = arith.constant 128 : i32
      %parallel_loop3A_65 = arith.constant 1 : i32
      scf.for %parallel_loop3A_138 = %parallel_loop3A_63 to %parallel_loop3A_64 step %parallel_loop3A_65  : i32 {
        %parallel_loop3A_139 = arith.constant 16 : i32
        %parallel_loop3A_140 = arith.muli %parallel_loop3A_138, %parallel_loop3A_139 : i32
        %parallel_loop3A_141 = arith.constant 5 : i32
        %parallel_loop3A_142 = arith.index_cast %parallel_loop3A_141 : i32 to index
        %parallel_loop3A_143 = arith.index_cast %parallel_loop3A_140 : i32 to index
        %parallel_loop3A_144 = tpu.vector_load %arg10[%parallel_loop3A_142, %parallel_loop3A_143] {strides = array<i32>} : memref<8x2048xf32, #tpu.memory_space<vmem>>, vector<16xf32>,
        %parallel_loop3A_145 = arith.subf %parallel_loop3A_144, %get3A_5 : vector<16xf32>
        %parallel_loop3A_146 = arith.mulf %parallel_loop3A_145, %get3A_3 : vector<16xf32>
        %parallel_loop3A_147 = arith.constant 0.000000e+00 : f32
        %parallel_loop3A_148 = arith.constant 6.300000e+01 : f32
        %parallel_loop3A_149 = vector.broadcast %parallel_loop3A_147 : f32 to vector<16xf32>
        %parallel_loop3A_150 = arith.maximumf %parallel_loop3A_149, %parallel_loop3A_146 : vector<16xf32>
        %parallel_loop3A_151 = vector.broadcast %parallel_loop3A_148 : f32 to vector<16xf32>
        %parallel_loop3A_152 = arith.minimumf %parallel_loop3A_151, %parallel_loop3A_150 : vector<16xf32>
        %parallel_loop3A_153 = arith.fptosi %parallel_loop3A_152 : vector<16xf32> to vector<16xi32>
        %parallel_loop3A_154 = tpu.vector_load_idx %arg7[%parallel_loop3A_153] : memref<64xf32, #tpu.memory_space<vmem>>[vector<16xi32>], vector<16xf32>,
        %parallel_loop3A_155 = arith.constant 5 : i32
        %parallel_loop3A_156 = arith.index_cast %parallel_loop3A_155 : i32 to index
        %parallel_loop3A_157 = arith.index_cast %parallel_loop3A_140 : i32 to index
        %parallel_loop3A_158 = tpu.vector_load %arg12[%parallel_loop3A_156, %parallel_loop3A_157] {strides = array<i32>} : memref<8x2048xf32, #tpu.memory_space<vmem>>, vector<16xf32>,
        tpu.vector_store %arg12[%parallel_loop3A_156, %parallel_loop3A_157], %parallel_loop3A_154 {strides = array<i32>} : memref<8x2048xf32, #tpu.memory_space<vmem>>, vector<16xf32>,
      } {sc.loop_unroll_factor = 16 : i64, sc.parallel_access}
      %parallel_loop3A_66 = arith.constant 0 : i32
      %parallel_loop3A_67 = arith.constant 128 : i32
      %parallel_loop3A_68 = arith.constant 1 : i32
      scf.for %parallel_loop3A_138 = %parallel_loop3A_66 to %parallel_loop3A_67 step %parallel_loop3A_68  : i32 {
        %parallel_loop3A_139 = arith.constant 16 : i32
        %parallel_loop3A_140 = arith.muli %parallel_loop3A_138, %parallel_loop3A_139 : i32
        %parallel_loop3A_141 = arith.constant 6 : i32
        %parallel_loop3A_142 = arith.index_cast %parallel_loop3A_141 : i32 to index
        %parallel_loop3A_143 = arith.index_cast %parallel_loop3A_140 : i32 to index
        %parallel_loop3A_144 = tpu.vector_load %arg10[%parallel_loop3A_142, %parallel_loop3A_143] {strides = array<i32>} : memref<8x2048xf32, #tpu.memory_space<vmem>>, vector<16xf32>,
        %parallel_loop3A_145 = arith.subf %parallel_loop3A_144, %get3A_5 : vector<16xf32>
        %parallel_loop3A_146 = arith.mulf %parallel_loop3A_145, %get3A_3 : vector<16xf32>
        %parallel_loop3A_147 = arith.constant 0.000000e+00 : f32
        %parallel_loop3A_148 = arith.constant 6.300000e+01 : f32
        %parallel_loop3A_149 = vector.broadcast %parallel_loop3A_147 : f32 to vector<16xf32>
        %parallel_loop3A_150 = arith.maximumf %parallel_loop3A_149, %parallel_loop3A_146 : vector<16xf32>
        %parallel_loop3A_151 = vector.broadcast %parallel_loop3A_148 : f32 to vector<16xf32>
        %parallel_loop3A_152 = arith.minimumf %parallel_loop3A_151, %parallel_loop3A_150 : vector<16xf32>
        %parallel_loop3A_153 = arith.fptosi %parallel_loop3A_152 : vector<16xf32> to vector<16xi32>
        %parallel_loop3A_154 = tpu.vector_load_idx %arg7[%parallel_loop3A_153] : memref<64xf32, #tpu.memory_space<vmem>>[vector<16xi32>], vector<16xf32>,
        %parallel_loop3A_155 = arith.constant 6 : i32
        %parallel_loop3A_156 = arith.index_cast %parallel_loop3A_155 : i32 to index
        %parallel_loop3A_157 = arith.index_cast %parallel_loop3A_140 : i32 to index
        %parallel_loop3A_158 = tpu.vector_load %arg12[%parallel_loop3A_156, %parallel_loop3A_157] {strides = array<i32>} : memref<8x2048xf32, #tpu.memory_space<vmem>>, vector<16xf32>,
        tpu.vector_store %arg12[%parallel_loop3A_156, %parallel_loop3A_157], %parallel_loop3A_154 {strides = array<i32>} : memref<8x2048xf32, #tpu.memory_space<vmem>>, vector<16xf32>,
      } {sc.loop_unroll_factor = 16 : i64, sc.parallel_access}
      %parallel_loop3A_69 = arith.constant 0 : i32
      %parallel_loop3A_70 = arith.constant 128 : i32
      %parallel_loop3A_71 = arith.constant 1 : i32
      scf.for %parallel_loop3A_138 = %parallel_loop3A_69 to %parallel_loop3A_70 step %parallel_loop3A_71  : i32 {
        %parallel_loop3A_139 = arith.constant 16 : i32
        %parallel_loop3A_140 = arith.muli %parallel_loop3A_138, %parallel_loop3A_139 : i32
        %parallel_loop3A_141 = arith.constant 7 : i32
        %parallel_loop3A_142 = arith.index_cast %parallel_loop3A_141 : i32 to index
        %parallel_loop3A_143 = arith.index_cast %parallel_loop3A_140 : i32 to index
        %parallel_loop3A_144 = tpu.vector_load %arg10[%parallel_loop3A_142, %parallel_loop3A_143] {strides = array<i32>} : memref<8x2048xf32, #tpu.memory_space<vmem>>, vector<16xf32>,
        %parallel_loop3A_145 = arith.subf %parallel_loop3A_144, %get3A_5 : vector<16xf32>
        %parallel_loop3A_146 = arith.mulf %parallel_loop3A_145, %get3A_3 : vector<16xf32>
        %parallel_loop3A_147 = arith.constant 0.000000e+00 : f32
        %parallel_loop3A_148 = arith.constant 6.300000e+01 : f32
        %parallel_loop3A_149 = vector.broadcast %parallel_loop3A_147 : f32 to vector<16xf32>
        %parallel_loop3A_150 = arith.maximumf %parallel_loop3A_149, %parallel_loop3A_146 : vector<16xf32>
        %parallel_loop3A_151 = vector.broadcast %parallel_loop3A_148 : f32 to vector<16xf32>
        %parallel_loop3A_152 = arith.minimumf %parallel_loop3A_151, %parallel_loop3A_150 : vector<16xf32>
        %parallel_loop3A_153 = arith.fptosi %parallel_loop3A_152 : vector<16xf32> to vector<16xi32>
        %parallel_loop3A_154 = tpu.vector_load_idx %arg7[%parallel_loop3A_153] : memref<64xf32, #tpu.memory_space<vmem>>[vector<16xi32>], vector<16xf32>,
        %parallel_loop3A_155 = arith.constant 7 : i32
        %parallel_loop3A_156 = arith.index_cast %parallel_loop3A_155 : i32 to index
        %parallel_loop3A_157 = arith.index_cast %parallel_loop3A_140 : i32 to index
        %parallel_loop3A_158 = tpu.vector_load %arg12[%parallel_loop3A_156, %parallel_loop3A_157] {strides = array<i32>} : memref<8x2048xf32, #tpu.memory_space<vmem>>, vector<16xf32>,
        tpu.vector_store %arg12[%parallel_loop3A_156, %parallel_loop3A_157], %parallel_loop3A_154 {strides = array<i32>} : memref<8x2048xf32, #tpu.memory_space<vmem>>, vector<16xf32>,
      } {sc.loop_unroll_factor = 16 : i64, sc.parallel_access}
      %mul3A_72 = arith.constant 8 : i32
      %mul3A_73 = arith.muli %add3A_40, %mul3A_72 : i32
      %add3A_74 = arith.addi %mul3A_2, %mul3A_73 : i32
      %dma_start3A_75 = arith.constant 0 : i32
      %dma_start3A_76 = tpu.memref_slice %arg6[%add3A_74, %dma_start3A_75] : memref<16384x2048xf32, #tpu.memory_space<hbm>> -> memref<8x2048xf32, #tpu.memory_space<hbm>>
      %dma_start3A_77 = arith.constant 0 : i32
      %dma_start3A_78 = tpu.memref_slice %arg6[%add3A_74, %dma_start3A_77] : memref<16384x2048xf32, #tpu.memory_space<hbm>> -> memref<8x2048xf32, #tpu.memory_space<hbm>>
      tpu.enqueue_dma source(%arg12 : memref<8x2048xf32, #tpu.memory_space<vmem>>) target(%dma_start3A_78 : memref<8x2048xf32, #tpu.memory_space<hbm>>) target_semaphore(%arg16 : memref<!tpu.dma_semaphore, #tpu.memory_space<semaphore_mem>>)
      %add3A_79 = arith.constant 2 : i32
      %add3A_80 = arith.addi %add3A_40, %add3A_79 : i32
      %lt3A = arith.constant 64 : i32
      %lt3A_81 = arith.cmpi slt, %add3A_80, %lt3A : i32
      %convert_element_type3A_82 = arith.extui %lt3A_81 : i1 to i32
      %cond3A_83 = arith.constant 0 : i32
      %cond3A_84 = arith.cmpi ne, %convert_element_type3A_82, %cond3A_83 : i32
      scf.if %cond3A_84 {
        %add3A_138 = arith.constant 2 : i32
        %add3A_139 = arith.addi %add3A_40, %add3A_138 : i32
        %mul3A_140 = arith.constant 8 : i32
        %mul3A_141 = arith.muli %add3A_139, %mul3A_140 : i32
        %add3A_142 = arith.addi %mul3A_2, %mul3A_141 : i32
        %dma_start3A_143 = arith.constant 0 : i32
        %dma_start3A_144 = tpu.memref_slice %arg2[%add3A_142, %dma_start3A_143] : memref<16384x2048xf32, #tpu.memory_space<hbm>> -> memref<8x2048xf32, #tpu.memory_space<hbm>>
        %dma_start3A_145 = arith.constant 0 : i32
        %dma_start3A_146 = tpu.memref_slice %arg2[%add3A_142, %dma_start3A_145] : memref<16384x2048xf32, #tpu.memory_space<hbm>> -> memref<8x2048xf32, #tpu.memory_space<hbm>>
        tpu.enqueue_dma source(%dma_start3A_146 : memref<8x2048xf32, #tpu.memory_space<hbm>>) target(%arg10 : memref<8x2048xf32, #tpu.memory_space<vmem>>) target_semaphore(%arg14 : memref<!tpu.dma_semaphore, #tpu.memory_space<semaphore_mem>>)
      } else {
      }
      %mul3A_85 = arith.constant 2 : i32
      %mul3A_86 = arith.muli %add3A_36, %mul3A_85 : i32
      %add3A_87 = arith.constant 1 : i32
      %add3A_88 = arith.addi %mul3A_86, %add3A_87 : i32
      %dma_wait3A_89 = arith.constant 0 : i32
      %dma_wait3A_90 = arith.constant 0 : i32
      %dma_wait3A_91 = tpu.memref_slice %arg2[%dma_wait3A_89, %dma_wait3A_90] : memref<16384x2048xf32, #tpu.memory_space<hbm>> -> memref<8x2048xf32, #tpu.memory_space<hbm>>
      %dma_wait3A_92 = arith.constant 0 : i32
      %dma_wait3A_93 = arith.constant 0 : i32
      %dma_wait3A_94 = tpu.memref_slice %arg2[%dma_wait3A_92, %dma_wait3A_93] : memref<16384x2048xf32, #tpu.memory_space<hbm>> -> memref<8x2048xf32, #tpu.memory_space<hbm>>
      tpu.wait_dma2 semaphore(%arg15 : memref<!tpu.dma_semaphore, #tpu.memory_space<semaphore_mem>>) src(%dma_wait3A_94 : memref<8x2048xf32, #tpu.memory_space<hbm>>) dst(%arg11 : memref<8x2048xf32, #tpu.memory_space<vmem>>)
      %gt3A_95 = arith.constant 0 : i32
      %gt3A_96 = arith.cmpi sgt, %add3A_36, %gt3A_95 : i32
      %convert_element_type3A_97 = arith.extui %gt3A_96 : i1 to i32
      %cond3A_98 = arith.constant 0 : i32
      %cond3A_99 = arith.cmpi ne, %convert_element_type3A_97, %cond3A_98 : i32
      scf.if %cond3A_99 {
        %dma_wait3A_138 = arith.constant 0 : i32
        %dma_wait3A_139 = arith.constant 0 : i32
        %dma_wait3A_140 = tpu.memref_slice %arg6[%dma_wait3A_138, %dma_wait3A_139] : memref<16384x2048xf32, #tpu.memory_space<hbm>> -> memref<8x2048xf32, #tpu.memory_space<hbm>>
        %dma_wait3A_141 = arith.constant 0 : i32
        %dma_wait3A_142 = arith.constant 0 : i32
        %dma_wait3A_143 = tpu.memref_slice %arg6[%dma_wait3A_141, %dma_wait3A_142] : memref<16384x2048xf32, #tpu.memory_space<hbm>> -> memref<8x2048xf32, #tpu.memory_space<hbm>>
        tpu.wait_dma2 semaphore(%arg17 : memref<!tpu.dma_semaphore, #tpu.memory_space<semaphore_mem>>) src(%arg13 : memref<8x2048xf32, #tpu.memory_space<vmem>>) dst(%dma_wait3A_143 : memref<8x2048xf32, #tpu.memory_space<hbm>>)
      } else {
      }
      %parallel_loop3A_100 = arith.constant 0 : i32
      %parallel_loop3A_101 = arith.constant 128 : i32
      %parallel_loop3A_102 = arith.constant 1 : i32
      scf.for %parallel_loop3A_138 = %parallel_loop3A_100 to %parallel_loop3A_101 step %parallel_loop3A_102  : i32 {
        %parallel_loop3A_139 = arith.constant 16 : i32
        %parallel_loop3A_140 = arith.muli %parallel_loop3A_138, %parallel_loop3A_139 : i32
        %parallel_loop3A_141 = arith.constant 0 : i32
        %parallel_loop3A_142 = arith.index_cast %parallel_loop3A_141 : i32 to index
        %parallel_loop3A_143 = arith.index_cast %parallel_loop3A_140 : i32 to index
        %parallel_loop3A_144 = tpu.vector_load %arg11[%parallel_loop3A_142, %parallel_loop3A_143] {strides = array<i32>} : memref<8x2048xf32, #tpu.memory_space<vmem>>, vector<16xf32>,
        %parallel_loop3A_145 = arith.subf %parallel_loop3A_144, %get3A_5 : vector<16xf32>
        %parallel_loop3A_146 = arith.mulf %parallel_loop3A_145, %get3A_3 : vector<16xf32>
        %parallel_loop3A_147 = arith.constant 0.000000e+00 : f32
        %parallel_loop3A_148 = arith.constant 6.300000e+01 : f32
        %parallel_loop3A_149 = vector.broadcast %parallel_loop3A_147 : f32 to vector<16xf32>
        %parallel_loop3A_150 = arith.maximumf %parallel_loop3A_149, %parallel_loop3A_146 : vector<16xf32>
        %parallel_loop3A_151 = vector.broadcast %parallel_loop3A_148 : f32 to vector<16xf32>
        %parallel_loop3A_152 = arith.minimumf %parallel_loop3A_151, %parallel_loop3A_150 : vector<16xf32>
        %parallel_loop3A_153 = arith.fptosi %parallel_loop3A_152 : vector<16xf32> to vector<16xi32>
        %parallel_loop3A_154 = tpu.vector_load_idx %arg7[%parallel_loop3A_153] : memref<64xf32, #tpu.memory_space<vmem>>[vector<16xi32>], vector<16xf32>,
        %parallel_loop3A_155 = arith.constant 0 : i32
        %parallel_loop3A_156 = arith.index_cast %parallel_loop3A_155 : i32 to index
        %parallel_loop3A_157 = arith.index_cast %parallel_loop3A_140 : i32 to index
        %parallel_loop3A_158 = tpu.vector_load %arg13[%parallel_loop3A_156, %parallel_loop3A_157] {strides = array<i32>} : memref<8x2048xf32, #tpu.memory_space<vmem>>, vector<16xf32>,
        tpu.vector_store %arg13[%parallel_loop3A_156, %parallel_loop3A_157], %parallel_loop3A_154 {strides = array<i32>} : memref<8x2048xf32, #tpu.memory_space<vmem>>, vector<16xf32>,
      } {sc.loop_unroll_factor = 16 : i64, sc.parallel_access}
      %parallel_loop3A_103 = arith.constant 0 : i32
      %parallel_loop3A_104 = arith.constant 128 : i32
      %parallel_loop3A_105 = arith.constant 1 : i32
      scf.for %parallel_loop3A_138 = %parallel_loop3A_103 to %parallel_loop3A_104 step %parallel_loop3A_105  : i32 {
        %parallel_loop3A_139 = arith.constant 16 : i32
        %parallel_loop3A_140 = arith.muli %parallel_loop3A_138, %parallel_loop3A_139 : i32
        %parallel_loop3A_141 = arith.constant 1 : i32
        %parallel_loop3A_142 = arith.index_cast %parallel_loop3A_141 : i32 to index
        %parallel_loop3A_143 = arith.index_cast %parallel_loop3A_140 : i32 to index
        %parallel_loop3A_144 = tpu.vector_load %arg11[%parallel_loop3A_142, %parallel_loop3A_143] {strides = array<i32>} : memref<8x2048xf32, #tpu.memory_space<vmem>>, vector<16xf32>,
        %parallel_loop3A_145 = arith.subf %parallel_loop3A_144, %get3A_5 : vector<16xf32>
        %parallel_loop3A_146 = arith.mulf %parallel_loop3A_145, %get3A_3 : vector<16xf32>
        %parallel_loop3A_147 = arith.constant 0.000000e+00 : f32
        %parallel_loop3A_148 = arith.constant 6.300000e+01 : f32
        %parallel_loop3A_149 = vector.broadcast %parallel_loop3A_147 : f32 to vector<16xf32>
        %parallel_loop3A_150 = arith.maximumf %parallel_loop3A_149, %parallel_loop3A_146 : vector<16xf32>
        %parallel_loop3A_151 = vector.broadcast %parallel_loop3A_148 : f32 to vector<16xf32>
        %parallel_loop3A_152 = arith.minimumf %parallel_loop3A_151, %parallel_loop3A_150 : vector<16xf32>
        %parallel_loop3A_153 = arith.fptosi %parallel_loop3A_152 : vector<16xf32> to vector<16xi32>
        %parallel_loop3A_154 = tpu.vector_load_idx %arg7[%parallel_loop3A_153] : memref<64xf32, #tpu.memory_space<vmem>>[vector<16xi32>], vector<16xf32>,
        %parallel_loop3A_155 = arith.constant 1 : i32
        %parallel_loop3A_156 = arith.index_cast %parallel_loop3A_155 : i32 to index
        %parallel_loop3A_157 = arith.index_cast %parallel_loop3A_140 : i32 to index
        %parallel_loop3A_158 = tpu.vector_load %arg13[%parallel_loop3A_156, %parallel_loop3A_157] {strides = array<i32>} : memref<8x2048xf32, #tpu.memory_space<vmem>>, vector<16xf32>,
        tpu.vector_store %arg13[%parallel_loop3A_156, %parallel_loop3A_157], %parallel_loop3A_154 {strides = array<i32>} : memref<8x2048xf32, #tpu.memory_space<vmem>>, vector<16xf32>,
      } {sc.loop_unroll_factor = 16 : i64, sc.parallel_access}
      %parallel_loop3A_106 = arith.constant 0 : i32
      %parallel_loop3A_107 = arith.constant 128 : i32
      %parallel_loop3A_108 = arith.constant 1 : i32
      scf.for %parallel_loop3A_138 = %parallel_loop3A_106 to %parallel_loop3A_107 step %parallel_loop3A_108  : i32 {
        %parallel_loop3A_139 = arith.constant 16 : i32
        %parallel_loop3A_140 = arith.muli %parallel_loop3A_138, %parallel_loop3A_139 : i32
        %parallel_loop3A_141 = arith.constant 2 : i32
        %parallel_loop3A_142 = arith.index_cast %parallel_loop3A_141 : i32 to index
        %parallel_loop3A_143 = arith.index_cast %parallel_loop3A_140 : i32 to index
        %parallel_loop3A_144 = tpu.vector_load %arg11[%parallel_loop3A_142, %parallel_loop3A_143] {strides = array<i32>} : memref<8x2048xf32, #tpu.memory_space<vmem>>, vector<16xf32>,
        %parallel_loop3A_145 = arith.subf %parallel_loop3A_144, %get3A_5 : vector<16xf32>
        %parallel_loop3A_146 = arith.mulf %parallel_loop3A_145, %get3A_3 : vector<16xf32>
        %parallel_loop3A_147 = arith.constant 0.000000e+00 : f32
        %parallel_loop3A_148 = arith.constant 6.300000e+01 : f32
        %parallel_loop3A_149 = vector.broadcast %parallel_loop3A_147 : f32 to vector<16xf32>
        %parallel_loop3A_150 = arith.maximumf %parallel_loop3A_149, %parallel_loop3A_146 : vector<16xf32>
        %parallel_loop3A_151 = vector.broadcast %parallel_loop3A_148 : f32 to vector<16xf32>
        %parallel_loop3A_152 = arith.minimumf %parallel_loop3A_151, %parallel_loop3A_150 : vector<16xf32>
        %parallel_loop3A_153 = arith.fptosi %parallel_loop3A_152 : vector<16xf32> to vector<16xi32>
        %parallel_loop3A_154 = tpu.vector_load_idx %arg7[%parallel_loop3A_153] : memref<64xf32, #tpu.memory_space<vmem>>[vector<16xi32>], vector<16xf32>,
        %parallel_loop3A_155 = arith.constant 2 : i32
        %parallel_loop3A_156 = arith.index_cast %parallel_loop3A_155 : i32 to index
        %parallel_loop3A_157 = arith.index_cast %parallel_loop3A_140 : i32 to index
        %parallel_loop3A_158 = tpu.vector_load %arg13[%parallel_loop3A_156, %parallel_loop3A_157] {strides = array<i32>} : memref<8x2048xf32, #tpu.memory_space<vmem>>, vector<16xf32>,
        tpu.vector_store %arg13[%parallel_loop3A_156, %parallel_loop3A_157], %parallel_loop3A_154 {strides = array<i32>} : memref<8x2048xf32, #tpu.memory_space<vmem>>, vector<16xf32>,
      } {sc.loop_unroll_factor = 16 : i64, sc.parallel_access}
      %parallel_loop3A_109 = arith.constant 0 : i32
      %parallel_loop3A_110 = arith.constant 128 : i32
      %parallel_loop3A_111 = arith.constant 1 : i32
      scf.for %parallel_loop3A_138 = %parallel_loop3A_109 to %parallel_loop3A_110 step %parallel_loop3A_111  : i32 {
        %parallel_loop3A_139 = arith.constant 16 : i32
        %parallel_loop3A_140 = arith.muli %parallel_loop3A_138, %parallel_loop3A_139 : i32
        %parallel_loop3A_141 = arith.constant 3 : i32
        %parallel_loop3A_142 = arith.index_cast %parallel_loop3A_141 : i32 to index
        %parallel_loop3A_143 = arith.index_cast %parallel_loop3A_140 : i32 to index
        %parallel_loop3A_144 = tpu.vector_load %arg11[%parallel_loop3A_142, %parallel_loop3A_143] {strides = array<i32>} : memref<8x2048xf32, #tpu.memory_space<vmem>>, vector<16xf32>,
        %parallel_loop3A_145 = arith.subf %parallel_loop3A_144, %get3A_5 : vector<16xf32>
        %parallel_loop3A_146 = arith.mulf %parallel_loop3A_145, %get3A_3 : vector<16xf32>
        %parallel_loop3A_147 = arith.constant 0.000000e+00 : f32
        %parallel_loop3A_148 = arith.constant 6.300000e+01 : f32
        %parallel_loop3A_149 = vector.broadcast %parallel_loop3A_147 : f32 to vector<16xf32>
        %parallel_loop3A_150 = arith.maximumf %parallel_loop3A_149, %parallel_loop3A_146 : vector<16xf32>
        %parallel_loop3A_151 = vector.broadcast %parallel_loop3A_148 : f32 to vector<16xf32>
        %parallel_loop3A_152 = arith.minimumf %parallel_loop3A_151, %parallel_loop3A_150 : vector<16xf32>
        %parallel_loop3A_153 = arith.fptosi %parallel_loop3A_152 : vector<16xf32> to vector<16xi32>
        %parallel_loop3A_154 = tpu.vector_load_idx %arg7[%parallel_loop3A_153] : memref<64xf32, #tpu.memory_space<vmem>>[vector<16xi32>], vector<16xf32>,
        %parallel_loop3A_155 = arith.constant 3 : i32
        %parallel_loop3A_156 = arith.index_cast %parallel_loop3A_155 : i32 to index
        %parallel_loop3A_157 = arith.index_cast %parallel_loop3A_140 : i32 to index
        %parallel_loop3A_158 = tpu.vector_load %arg13[%parallel_loop3A_156, %parallel_loop3A_157] {strides = array<i32>} : memref<8x2048xf32, #tpu.memory_space<vmem>>, vector<16xf32>,
        tpu.vector_store %arg13[%parallel_loop3A_156, %parallel_loop3A_157], %parallel_loop3A_154 {strides = array<i32>} : memref<8x2048xf32, #tpu.memory_space<vmem>>, vector<16xf32>,
      } {sc.loop_unroll_factor = 16 : i64, sc.parallel_access}
      %parallel_loop3A_112 = arith.constant 0 : i32
      %parallel_loop3A_113 = arith.constant 128 : i32
      %parallel_loop3A_114 = arith.constant 1 : i32
      scf.for %parallel_loop3A_138 = %parallel_loop3A_112 to %parallel_loop3A_113 step %parallel_loop3A_114  : i32 {
        %parallel_loop3A_139 = arith.constant 16 : i32
        %parallel_loop3A_140 = arith.muli %parallel_loop3A_138, %parallel_loop3A_139 : i32
        %parallel_loop3A_141 = arith.constant 4 : i32
        %parallel_loop3A_142 = arith.index_cast %parallel_loop3A_141 : i32 to index
        %parallel_loop3A_143 = arith.index_cast %parallel_loop3A_140 : i32 to index
        %parallel_loop3A_144 = tpu.vector_load %arg11[%parallel_loop3A_142, %parallel_loop3A_143] {strides = array<i32>} : memref<8x2048xf32, #tpu.memory_space<vmem>>, vector<16xf32>,
        %parallel_loop3A_145 = arith.subf %parallel_loop3A_144, %get3A_5 : vector<16xf32>
        %parallel_loop3A_146 = arith.mulf %parallel_loop3A_145, %get3A_3 : vector<16xf32>
        %parallel_loop3A_147 = arith.constant 0.000000e+00 : f32
        %parallel_loop3A_148 = arith.constant 6.300000e+01 : f32
        %parallel_loop3A_149 = vector.broadcast %parallel_loop3A_147 : f32 to vector<16xf32>
        %parallel_loop3A_150 = arith.maximumf %parallel_loop3A_149, %parallel_loop3A_146 : vector<16xf32>
        %parallel_loop3A_151 = vector.broadcast %parallel_loop3A_148 : f32 to vector<16xf32>
        %parallel_loop3A_152 = arith.minimumf %parallel_loop3A_151, %parallel_loop3A_150 : vector<16xf32>
        %parallel_loop3A_153 = arith.fptosi %parallel_loop3A_152 : vector<16xf32> to vector<16xi32>
        %parallel_loop3A_154 = tpu.vector_load_idx %arg7[%parallel_loop3A_153] : memref<64xf32, #tpu.memory_space<vmem>>[vector<16xi32>], vector<16xf32>,
        %parallel_loop3A_155 = arith.constant 4 : i32
        %parallel_loop3A_156 = arith.index_cast %parallel_loop3A_155 : i32 to index
        %parallel_loop3A_157 = arith.index_cast %parallel_loop3A_140 : i32 to index
        %parallel_loop3A_158 = tpu.vector_load %arg13[%parallel_loop3A_156, %parallel_loop3A_157] {strides = array<i32>} : memref<8x2048xf32, #tpu.memory_space<vmem>>, vector<16xf32>,
        tpu.vector_store %arg13[%parallel_loop3A_156, %parallel_loop3A_157], %parallel_loop3A_154 {strides = array<i32>} : memref<8x2048xf32, #tpu.memory_space<vmem>>, vector<16xf32>,
      } {sc.loop_unroll_factor = 16 : i64, sc.parallel_access}
      %parallel_loop3A_115 = arith.constant 0 : i32
      %parallel_loop3A_116 = arith.constant 128 : i32
      %parallel_loop3A_117 = arith.constant 1 : i32
      scf.for %parallel_loop3A_138 = %parallel_loop3A_115 to %parallel_loop3A_116 step %parallel_loop3A_117  : i32 {
        %parallel_loop3A_139 = arith.constant 16 : i32
        %parallel_loop3A_140 = arith.muli %parallel_loop3A_138, %parallel_loop3A_139 : i32
        %parallel_loop3A_141 = arith.constant 5 : i32
        %parallel_loop3A_142 = arith.index_cast %parallel_loop3A_141 : i32 to index
        %parallel_loop3A_143 = arith.index_cast %parallel_loop3A_140 : i32 to index
        %parallel_loop3A_144 = tpu.vector_load %arg11[%parallel_loop3A_142, %parallel_loop3A_143] {strides = array<i32>} : memref<8x2048xf32, #tpu.memory_space<vmem>>, vector<16xf32>,
        %parallel_loop3A_145 = arith.subf %parallel_loop3A_144, %get3A_5 : vector<16xf32>
        %parallel_loop3A_146 = arith.mulf %parallel_loop3A_145, %get3A_3 : vector<16xf32>
        %parallel_loop3A_147 = arith.constant 0.000000e+00 : f32
        %parallel_loop3A_148 = arith.constant 6.300000e+01 : f32
        %parallel_loop3A_149 = vector.broadcast %parallel_loop3A_147 : f32 to vector<16xf32>
        %parallel_loop3A_150 = arith.maximumf %parallel_loop3A_149, %parallel_loop3A_146 : vector<16xf32>
        %parallel_loop3A_151 = vector.broadcast %parallel_loop3A_148 : f32 to vector<16xf32>
        %parallel_loop3A_152 = arith.minimumf %parallel_loop3A_151, %parallel_loop3A_150 : vector<16xf32>
        %parallel_loop3A_153 = arith.fptosi %parallel_loop3A_152 : vector<16xf32> to vector<16xi32>
        %parallel_loop3A_154 = tpu.vector_load_idx %arg7[%parallel_loop3A_153] : memref<64xf32, #tpu.memory_space<vmem>>[vector<16xi32>], vector<16xf32>,
        %parallel_loop3A_155 = arith.constant 5 : i32
        %parallel_loop3A_156 = arith.index_cast %parallel_loop3A_155 : i32 to index
        %parallel_loop3A_157 = arith.index_cast %parallel_loop3A_140 : i32 to index
        %parallel_loop3A_158 = tpu.vector_load %arg13[%parallel_loop3A_156, %parallel_loop3A_157] {strides = array<i32>} : memref<8x2048xf32, #tpu.memory_space<vmem>>, vector<16xf32>,
        tpu.vector_store %arg13[%parallel_loop3A_156, %parallel_loop3A_157], %parallel_loop3A_154 {strides = array<i32>} : memref<8x2048xf32, #tpu.memory_space<vmem>>, vector<16xf32>,
      } {sc.loop_unroll_factor = 16 : i64, sc.parallel_access}
      %parallel_loop3A_118 = arith.constant 0 : i32
      %parallel_loop3A_119 = arith.constant 128 : i32
      %parallel_loop3A_120 = arith.constant 1 : i32
      scf.for %parallel_loop3A_138 = %parallel_loop3A_118 to %parallel_loop3A_119 step %parallel_loop3A_120  : i32 {
        %parallel_loop3A_139 = arith.constant 16 : i32
        %parallel_loop3A_140 = arith.muli %parallel_loop3A_138, %parallel_loop3A_139 : i32
        %parallel_loop3A_141 = arith.constant 6 : i32
        %parallel_loop3A_142 = arith.index_cast %parallel_loop3A_141 : i32 to index
        %parallel_loop3A_143 = arith.index_cast %parallel_loop3A_140 : i32 to index
        %parallel_loop3A_144 = tpu.vector_load %arg11[%parallel_loop3A_142, %parallel_loop3A_143] {strides = array<i32>} : memref<8x2048xf32, #tpu.memory_space<vmem>>, vector<16xf32>,
        %parallel_loop3A_145 = arith.subf %parallel_loop3A_144, %get3A_5 : vector<16xf32>
        %parallel_loop3A_146 = arith.mulf %parallel_loop3A_145, %get3A_3 : vector<16xf32>
        %parallel_loop3A_147 = arith.constant 0.000000e+00 : f32
        %parallel_loop3A_148 = arith.constant 6.300000e+01 : f32
        %parallel_loop3A_149 = vector.broadcast %parallel_loop3A_147 : f32 to vector<16xf32>
        %parallel_loop3A_150 = arith.maximumf %parallel_loop3A_149, %parallel_loop3A_146 : vector<16xf32>
        %parallel_loop3A_151 = vector.broadcast %parallel_loop3A_148 : f32 to vector<16xf32>
        %parallel_loop3A_152 = arith.minimumf %parallel_loop3A_151, %parallel_loop3A_150 : vector<16xf32>
        %parallel_loop3A_153 = arith.fptosi %parallel_loop3A_152 : vector<16xf32> to vector<16xi32>
        %parallel_loop3A_154 = tpu.vector_load_idx %arg7[%parallel_loop3A_153] : memref<64xf32, #tpu.memory_space<vmem>>[vector<16xi32>], vector<16xf32>,
        %parallel_loop3A_155 = arith.constant 6 : i32
        %parallel_loop3A_156 = arith.index_cast %parallel_loop3A_155 : i32 to index
        %parallel_loop3A_157 = arith.index_cast %parallel_loop3A_140 : i32 to index
        %parallel_loop3A_158 = tpu.vector_load %arg13[%parallel_loop3A_156, %parallel_loop3A_157] {strides = array<i32>} : memref<8x2048xf32, #tpu.memory_space<vmem>>, vector<16xf32>,
        tpu.vector_store %arg13[%parallel_loop3A_156, %parallel_loop3A_157], %parallel_loop3A_154 {strides = array<i32>} : memref<8x2048xf32, #tpu.memory_space<vmem>>, vector<16xf32>,
      } {sc.loop_unroll_factor = 16 : i64, sc.parallel_access}
      %parallel_loop3A_121 = arith.constant 0 : i32
      %parallel_loop3A_122 = arith.constant 128 : i32
      %parallel_loop3A_123 = arith.constant 1 : i32
      scf.for %parallel_loop3A_138 = %parallel_loop3A_121 to %parallel_loop3A_122 step %parallel_loop3A_123  : i32 {
        %parallel_loop3A_139 = arith.constant 16 : i32
        %parallel_loop3A_140 = arith.muli %parallel_loop3A_138, %parallel_loop3A_139 : i32
        %parallel_loop3A_141 = arith.constant 7 : i32
        %parallel_loop3A_142 = arith.index_cast %parallel_loop3A_141 : i32 to index
        %parallel_loop3A_143 = arith.index_cast %parallel_loop3A_140 : i32 to index
        %parallel_loop3A_144 = tpu.vector_load %arg11[%parallel_loop3A_142, %parallel_loop3A_143] {strides = array<i32>} : memref<8x2048xf32, #tpu.memory_space<vmem>>, vector<16xf32>,
        %parallel_loop3A_145 = arith.subf %parallel_loop3A_144, %get3A_5 : vector<16xf32>
        %parallel_loop3A_146 = arith.mulf %parallel_loop3A_145, %get3A_3 : vector<16xf32>
        %parallel_loop3A_147 = arith.constant 0.000000e+00 : f32
        %parallel_loop3A_148 = arith.constant 6.300000e+01 : f32
        %parallel_loop3A_149 = vector.broadcast %parallel_loop3A_147 : f32 to vector<16xf32>
        %parallel_loop3A_150 = arith.maximumf %parallel_loop3A_149, %parallel_loop3A_146 : vector<16xf32>
        %parallel_loop3A_151 = vector.broadcast %parallel_loop3A_148 : f32 to vector<16xf32>
        %parallel_loop3A_152 = arith.minimumf %parallel_loop3A_151, %parallel_loop3A_150 : vector<16xf32>
        %parallel_loop3A_153 = arith.fptosi %parallel_loop3A_152 : vector<16xf32> to vector<16xi32>
        %parallel_loop3A_154 = tpu.vector_load_idx %arg7[%parallel_loop3A_153] : memref<64xf32, #tpu.memory_space<vmem>>[vector<16xi32>], vector<16xf32>,
        %parallel_loop3A_155 = arith.constant 7 : i32
        %parallel_loop3A_156 = arith.index_cast %parallel_loop3A_155 : i32 to index
        %parallel_loop3A_157 = arith.index_cast %parallel_loop3A_140 : i32 to index
        %parallel_loop3A_158 = tpu.vector_load %arg13[%parallel_loop3A_156, %parallel_loop3A_157] {strides = array<i32>} : memref<8x2048xf32, #tpu.memory_space<vmem>>, vector<16xf32>,
        tpu.vector_store %arg13[%parallel_loop3A_156, %parallel_loop3A_157], %parallel_loop3A_154 {strides = array<i32>} : memref<8x2048xf32, #tpu.memory_space<vmem>>, vector<16xf32>,
      } {sc.loop_unroll_factor = 16 : i64, sc.parallel_access}
      %mul3A_124 = arith.constant 8 : i32
      %mul3A_125 = arith.muli %add3A_88, %mul3A_124 : i32
      %add3A_126 = arith.addi %mul3A_2, %mul3A_125 : i32
      %dma_start3A_127 = arith.constant 0 : i32
      %dma_start3A_128 = tpu.memref_slice %arg6[%add3A_126, %dma_start3A_127] : memref<16384x2048xf32, #tpu.memory_space<hbm>> -> memref<8x2048xf32, #tpu.memory_space<hbm>>
      %dma_start3A_129 = arith.constant 0 : i32
      %dma_start3A_130 = tpu.memref_slice %arg6[%add3A_126, %dma_start3A_129] : memref<16384x2048xf32, #tpu.memory_space<hbm>> -> memref<8x2048xf32, #tpu.memory_space<hbm>>
      tpu.enqueue_dma source(%arg13 : memref<8x2048xf32, #tpu.memory_space<vmem>>) target(%dma_start3A_130 : memref<8x2048xf32, #tpu.memory_space<hbm>>) target_semaphore(%arg17 : memref<!tpu.dma_semaphore, #tpu.memory_space<semaphore_mem>>)
      %add3A_131 = arith.constant 2 : i32
      %add3A_132 = arith.addi %add3A_88, %add3A_131 : i32
      %lt3A_133 = arith.constant 64 : i32
      %lt3A_134 = arith.cmpi slt, %add3A_132, %lt3A_133 : i32
      %convert_element_type3A_135 = arith.extui %lt3A_134 : i1 to i32
      %cond3A_136 = arith.constant 0 : i32
      %cond3A_137 = arith.cmpi ne, %convert_element_type3A_135, %cond3A_136 : i32
      scf.if %cond3A_137 {
        %add3A_138 = arith.constant 2 : i32
        %add3A_139 = arith.addi %add3A_88, %add3A_138 : i32
        %mul3A_140 = arith.constant 8 : i32
        %mul3A_141 = arith.muli %add3A_139, %mul3A_140 : i32
        %add3A_142 = arith.addi %mul3A_2, %mul3A_141 : i32
        %dma_start3A_143 = arith.constant 0 : i32
        %dma_start3A_144 = tpu.memref_slice %arg2[%add3A_142, %dma_start3A_143] : memref<16384x2048xf32, #tpu.memory_space<hbm>> -> memref<8x2048xf32, #tpu.memory_space<hbm>>
        %dma_start3A_145 = arith.constant 0 : i32
        %dma_start3A_146 = tpu.memref_slice %arg2[%add3A_142, %dma_start3A_145] : memref<16384x2048xf32, #tpu.memory_space<hbm>> -> memref<8x2048xf32, #tpu.memory_space<hbm>>
        tpu.enqueue_dma source(%dma_start3A_146 : memref<8x2048xf32, #tpu.memory_space<hbm>>) target(%arg11 : memref<8x2048xf32, #tpu.memory_space<vmem>>) target_semaphore(%arg15 : memref<!tpu.dma_semaphore, #tpu.memory_space<semaphore_mem>>)
      } else {
      }
    }
    %scan3A_20 = arith.constant 32 : i32
    %dma_wait3A = arith.constant 0 : i32
    %dma_wait3A_21 = arith.constant 0 : i32
    %dma_wait3A_22 = tpu.memref_slice %arg6[%dma_wait3A, %dma_wait3A_21] : memref<16384x2048xf32, #tpu.memory_space<hbm>> -> memref<8x2048xf32, #tpu.memory_space<hbm>>
    %dma_wait3A_23 = arith.constant 0 : i32
    %dma_wait3A_24 = arith.constant 0 : i32
    %dma_wait3A_25 = tpu.memref_slice %arg6[%dma_wait3A_23, %dma_wait3A_24] : memref<16384x2048xf32, #tpu.memory_space<hbm>> -> memref<8x2048xf32, #tpu.memory_space<hbm>>
    tpu.wait_dma2 semaphore(%arg16 : memref<!tpu.dma_semaphore, #tpu.memory_space<semaphore_mem>>) src(%arg12 : memref<8x2048xf32, #tpu.memory_space<vmem>>) dst(%dma_wait3A_25 : memref<8x2048xf32, #tpu.memory_space<hbm>>)
    %dma_wait3A_26 = arith.constant 0 : i32
    %dma_wait3A_27 = arith.constant 0 : i32
    %dma_wait3A_28 = tpu.memref_slice %arg6[%dma_wait3A_26, %dma_wait3A_27] : memref<16384x2048xf32, #tpu.memory_space<hbm>> -> memref<8x2048xf32, #tpu.memory_space<hbm>>
    %dma_wait3A_29 = arith.constant 0 : i32
    %dma_wait3A_30 = arith.constant 0 : i32
    %dma_wait3A_31 = tpu.memref_slice %arg6[%dma_wait3A_29, %dma_wait3A_30] : memref<16384x2048xf32, #tpu.memory_space<hbm>> -> memref<8x2048xf32, #tpu.memory_space<hbm>>
    tpu.wait_dma2 semaphore(%arg17 : memref<!tpu.dma_semaphore, #tpu.memory_space<semaphore_mem>>) src(%arg13 : memref<8x2048xf32, #tpu.memory_space<vmem>>) dst(%dma_wait3A_31 : memref<8x2048xf32, #tpu.memory_space<hbm>>)
    return
  }
}

</mosaic_0001>

<sc_bundles>
// kernel: kernel.3.cloned.1.call-start
scs
__scs_entry_jumppad:
0x0: {  	(pc) =	sbr.rel $0x88, $3  }
0x1: {  	(tag) =	ssettag $0x0;
	lr =	simm.s32 $0x1  }
0x2: {  	[smem:$0x3F9D] =	sst lr;
	_ =	strace $0xD0000000  }
0x3: {  	_ = 	snop  }
0x4: {  	_ = 	snop  }
0x5: {  	_ = 	snop  }
0x6: {  	_ = 	snop  }
0x7: {  	_ = 	snop  }
__scs_overlays_trampoline_lowered:
0x8: {  	[smem:$0x3FAC] =	sst s0  }
0x9: {  	[smem:$0x3FAD] =	sst s1  }
0xa: {  	[smem:$0x3FAE] =	sst s2  }
0xb: {  	[smem:$0x3FAF] =	sst s3  }
0xc: {  	[smem:$0x3FB0] =	sst s4  }
0xd: {  	[smem:$0x3FB1] =	sst s5  }
0xe: {  	[smem:$0x3FB2] =	sst s6  }
0xf: {  	[smem:$0x3FB3] =	sst s7  }
0x10: {  	[smem:$0x3FB4] =	sst s8  }
0x11: {  	[smem:$0x3FB5] =	sst s9;
	s0 =	simm.s32 @!p0 $0x0  }
0x12: {  	s1 =	sld [smem:$0x3F9B];
	s0 =	simm.s32 @p0 $0x1  }
0x13: {  	[smem:$0x3FB6] =	sst s0;
	s0 =	simm.s32 @!p1 $0x0  }
0x14: {  	s2 =	sld [smem:$0x3F9A];
	s0 =	simm.s32 @p1 $0x1  }
0x15: {  	[smem:$0x3FB7] =	sst s0;
	s0 =	simm.s32 @!p2 $0x0  }
0x16: {  	s3 =	sld [smem:$0x3FDB];
	s0 =	simm.s32 @p2 $0x1  }
0x17: {  	s4 =	simm.s32 $0x1BF5;
	[smem:$0x3FB9] =	sst s0  }
0x18: {  	s0 =	sld [smem:$0x3F9C];
	_ =	swait.ge [sflag:s4], $0x0  }
0x19: {  	s7 =	sld [smem:$0x3F9D]  }
0x1a: {  	s8 =	sadd.s32 $0xFFFFE003, lr  }
0x1b: {  	s9 =	sadd.s32 $0xFFFFFEF7, lr;
	s5 =	simm.s32 $0xFFFFFFFF;
	p2 =	slt.u32 s8, $0xFFFFF086  }
0x1c: {  	p1 =	slt.u32 s9, $0xF7A;
	s5 =	simm.s32 @!p2 $0x0  }
0x1d: {  	s5 =	simm.s32 @p1 $0x1;
	p0 =	seq.s32 s7, s2  }
0x1e: {  	s7 =	smul.u32 @!p0 $0xF7A, s2;
	p2 =	seq.s32 @!p0 s5, $0x0  }
0x1f: {  	s9 =	smul.u32 $0xF7A, s1;
	s8 =	simm.s32 @!p0 $0x1BF5;
	p2 =	por !p2, p0  }
0x20: {  	[sflag:s8] =	ssyncset.s32 @!p0 $0xFFFFF086;
	s6 =	sadd.s32 @!p0 s3, s7;
	s7 =	simm.s32 @!p0 $0x108  }
0x21: {  	s3 =	sadd.s32 s3, s9;
	s6 =	sadd.s32 @!p0 $0x88, s6;
	s7 =	simm.s32 @p2 $0x1082  }
0x22: {  	[simem:s7], [sflag:s8] =	dma.local @!p0 [hbm:s6], $0xF7A  }
0x23: {  	s9 =	sor.u32 $0xD0000000, s2;
	s6 =	simm.s32 $0x108;
	_ =	swait.ge @!p0 [sflag:s8], $0x0  }
0x24: {  	s3 =	sadd.s32 $0x88, s3;
	s6 =	simm.s32 @!p1 $0x1082;
	[sflag:s4] =	ssyncset.s32 $0xFFFFF086  }
0x25: {  	[simem:s6], [sflag:s4] =	dma.local [hbm:s3], $0xF7A  }
0x26: {  	[smem:$0x3F9D] =	sst s1;
	(tag) =	ssettag s2;
	_ =	strace s9  }
0x27: {  	s1 =	sld [smem:$0x3FAD]  }
0x28: {  	s2 =	sld [smem:$0x3FAE]  }
0x29: {  	s4 =	sld [smem:$0x3FB0]  }
0x2a: {  	p0 =	seq.s32 s5, $0x0;
	s5 =	sld [smem:$0x3FB1]  }
0x2b: {  	s6 =	sld [smem:$0x3FB2]  }
0x2c: {  	s7 =	sld [smem:$0x3FB3]  }
0x2d: {  	s3 =	simm.s32 $0x108;
	s8 =	sld [smem:$0x3FB4]  }
0x2e: {  	s3 =	simm.s32 @!p0 $0x1082;
	s9 =	sld [smem:$0x3FB5]  }
0x2f: {  	lr =	sadd.s32 s0, s3;
	s0 =	sld [smem:$0x3FAC]  }
0x30: {  	s3 =	sld [smem:$0x3FAF]  }
0x31: {  	[smem:$0x3FB8] =	sst s10  }
0x32: {  	s10 =	sld [smem:$0x3FB6];
	_ =	sdelay $0x3  }
0x33: {  	p0 =	seq.s32 s10, $0x1;
	s10 =	sld [smem:$0x3FB8];
	_ =	sdelay $0x3  }
0x34: {  	[smem:$0x3FB8] =	sst s10  }
0x35: {  	s10 =	sld [smem:$0x3FB7];
	_ =	sdelay $0x3  }
0x36: {  	p1 =	seq.s32 s10, $0x1;
	s10 =	sld [smem:$0x3FB8];
	_ =	sdelay $0x3  }
0x37: {  	[smem:$0x3FB8] =	sst s10  }
0x38: {  	s10 =	sld [smem:$0x3FB9]  }
0x39: {  	_ = 	snop;
	(pc) =	sbr.ind lr, $3  }
0x3a: {  	_ = 	snop  }
0x3b: {  	_ = 	snop  }
0x3c: {  	p2 =	seq.s32 s10, $0x1;
	s10 =	sld [smem:$0x3FB8]  }
0x3d: {  	_ =	shalt  }
0x3e: {  	_ =	shalt  }
0x3f: {  	_ =	shalt  }
0x40: {  	_ =	shalt  }
0x41: {  	_ =	shalt  }
0x42: {  	_ =	shalt  }
0x43: {  	_ =	shalt  }
0x44: {  	_ =	shalt  }
0x45: {  	_ =	shalt  }
0x46: {  	_ =	shalt  }
0x47: {  	_ =	shalt  }
0x48: {  	_ =	shalt  }
0x49: {  	_ =	shalt  }
0x4a: {  	_ =	shalt  }
0x4b: {  	_ =	shalt  }
0x4c: {  	_ =	shalt  }
0x4d: {  	_ =	shalt  }
0x4e: {  	_ =	shalt  }
0x4f: {  	_ =	shalt  }
0x50: {  	_ =	shalt  }
0x51: {  	_ =	shalt  }
0x52: {  	_ =	shalt  }
0x53: {  	_ =	shalt  }
0x54: {  	_ =	shalt  }
0x55: {  	_ =	shalt  }
0x56: {  	_ =	shalt  }
0x57: {  	_ =	shalt  }
0x58: {  	_ =	shalt  }
0x59: {  	_ =	shalt  }
0x5a: {  	_ =	shalt  }
0x5b: {  	_ =	shalt  }
0x5c: {  	_ =	shalt  }
0x5d: {  	_ =	shalt  }
0x5e: {  	_ =	shalt  }
0x5f: {  	_ =	shalt  }
0x60: {  	_ =	shalt  }
0x61: {  	_ =	shalt  }
0x62: {  	_ =	shalt  }
0x63: {  	_ =	shalt  }
0x64: {  	_ =	shalt  }
0x65: {  	_ =	shalt  }
0x66: {  	_ =	shalt  }
0x67: {  	_ =	shalt  }
0x68: {  	_ =	shalt  }
0x69: {  	_ =	shalt  }
0x6a: {  	_ =	shalt  }
0x6b: {  	_ =	shalt  }
0x6c: {  	_ =	shalt  }
0x6d: {  	_ =	shalt  }
0x6e: {  	_ =	shalt  }
0x6f: {  	_ =	shalt  }
0x70: {  	_ =	shalt  }
0x71: {  	_ =	shalt  }
0x72: {  	_ =	shalt  }
0x73: {  	_ =	shalt  }
0x74: {  	_ =	shalt  }
0x75: {  	_ =	shalt  }
0x76: {  	_ =	shalt  }
0x77: {  	_ =	shalt  }
0x78: {  	_ =	shalt  }
0x79: {  	_ =	shalt  }
0x7a: {  	_ =	shalt  }
0x7b: {  	_ =	shalt  }
0x7c: {  	_ =	shalt  }
0x7d: {  	_ =	shalt  }
0x7e: {  	_ =	shalt  }
0x7f: {  	_ =	shalt  }
0x80: {  	_ =	shalt  }
0x81: {  	_ =	shalt  }
0x82: {  	_ =	shalt  }
0x83: {  	_ =	shalt  }
0x84: {  	_ =	shalt  }
0x85: {  	_ =	shalt  }
0x86: {  	_ =	shalt  }
0x87: {  	_ =	shalt  }
.Lfunc_end0:
.L_simem_size_0:
called_computation_lowered:
.L_overlay_start_0:
0x88: {  	s2 =	sld [smem:$0x3FD9]  }
0x89: {  	s3 =	sld [smem:$0x3FFE];
	_ =	sdelay $0x1  }
0x8a: {  	s1 =	srdreg.scid  }
0x8b: {  	s0 =	sand.u32 $0x1, s1  }
0x8c: {  	s17 =	sshll.u32 s0, $0xA;
	s2 =	sadd.s32 s3, s2  }
0x8d: {  	s2 =	sadd.s32 s2, s17  }
0x8e: {  	[smem:$0x3FC4] =	sst s2  }
0x8f: {  	_ = 	snop  }
0x90: {  	s2 =	sld [smem:$0x3FC9]  }
0x91: {  	s18 =	sld [smem:$0x3FC8]  }
0x92: {  	s4 =	sld [smem:$0x3FD0];
	(tm) =	ssettm $0x1  }
0x93: {  	s5 =	sld [smem:$0x3FFB];
	_ =	sdelay $0x3  }
0x94: {  	_ =	strace s5  }
0x95: {  	s5 =	sld [smem:$0x3FFC];
	_ =	sdelay $0x3  }
0x96: {  	_ =	strace s5  }
0x97: {  	s5 =	sld [smem:$0x3FFD];
	_ =	sdelay $0x3  }
0x98: {  	_ =	strace s5  }
0x99: {  	_ =	strace $0x8FFFFFFF  }
0x9a: {  	s19 =	sld [smem:$0x3FDB];
	_ =	sdelay $0x1  }
0x9b: {  	s6 =	simm.s32 $_scs_section_size  }
0x9c: {  	s7 =	simm.s32 $_size__tile_overlayer_lowered;
	s8 =	simm.s32 $_tile_overlayer_lowered  }
0x9d: {  	s22 =	simm.s32 $0x1BFF;
	s21 =	sshll.u32 s8, $0x1;
	s5 =	sadd.s32 s6, s19  }
0x9e: {  	s9 =	simm.s32 $0x0;
	s20 =	sshll.u32 s7, $0x1;
	s7 =	sadd.s32 s21, s5  }
0x9f: {  	[timem:s9], [sflag:s22] =	dma.local [hbm:s7], s20  }
0xa0: {  	_ =	swait.ge [sflag:s22], s20  }
0xa1: {  	s6 =	ssub.s32 $0x0, s20;
	[sflag:s22] =	ssyncset.done $0x0  }
0xa2: {  	[sflag:s22] =	ssyncadd.s32 s6;
	_ =	sdelay $0x1  }
0xa3: {  	s23 =	simm.s32 $0x1B8B  }
0xa4: {  	_ =	swait.ge [sflag:s23], $0x1  }
0xa5: {  	[sflag:s23] =	ssyncset.done $0x0  }
0xa6: {  	s25 =	simm.s32 $0x1B8E;
	s24 =	sld [smem:$0x3FFE];
	[sflag:s23] =	ssyncadd.s32 $0xFFFFFFFF  }
0xa7: {  	s26 =	simm.s32 $execute0_lowered;
	[smem:$0x3FD2] =	sst s25  }
0xa8: {  	s7 =	sshll.u32 s26, $0x1;
	_ =	strace $0x80000046;
	[dreg:$0x1] =	wrdreg $0xFFFFFFFF  }
0xa9: {  	s28 =	simm.s32 $_size_execute0_lowered;
	s5 =	sadd.s32 s5, s7;
	[dreg:$0x0] =	wrdreg $0x0  }
0xaa: {  	s7 =	sshll.u32 s28, $0x1;
	[dreg:$0x2] =	wrdreg s5  }
0xab: {  	[dreg:$0x3] =	wrdreg s7  }
0xac: {  	[dreg:$0x4] =	wrdreg $0xC0  }
0xad: {  	_ =	task [dreg:s9], $0x5FFFF  }
0xae: {  	[dreg:$0x1] =	wrdreg $0xFFFFFFFF  }
0xaf: {  	[dreg:$0x0] =	wrdreg $0x60  }
0xb0: {  	[dreg:$0x2] =	wrdreg s2  }
0xb1: {  	[dreg:$0x3] =	wrdreg s18  }
0xb2: {  	[dreg:$0x4] =	wrdreg s24  }
0xb3: {  	[dreg:$0x5] =	wrdreg s4  }
0xb4: {  	[dreg:$0x6] =	wrdreg $0x9  }
0xb5: {  	_ =	task.clear_ibuf [dreg:s9], $0x7FFFF;
	_ =	strace $0x90000046  }
0xb6: {  	s29 =	simm.s32 $0x9;
	_ =	strace $0x80000048  }
0xb7: {  	_ =	swait.ge [sflag:s29], $0x1  }
0xb8: {  	[sflag:s29] =	ssyncadd.s32 $0xFFFFFFFF  }
0xb9: {  	_ =	strace $0x90000048  }
0xba: {  	_ =	sfence  }
0xbb: {  	s30 =	sld [smem:$0x0];
	_ =	sdelay $0x2  }
0xbc: {  	s31 =	sshll.u32 s1, $0xD;
	s1 =	sshrl.u32 s1, $0x2  }
0xbd: {  	s3 =	sand.u32 $0x4000, s31;
	s1 =	sadd.s32 s1, s30  }
0xbe: {  	s0 =	sor.u32 s3, s0;
	s1 =	sshll.u32 s1, $0x11  }
0xbf: {  	s0 =	sor.u32 s1, s0  }
0xc0: {  	s0 =	sadd.s32 $0x8F2B, s0  }
0xc1: {  	[sflag:s0] =	ssyncadd.remote.s32 $0x1  }
0xc2: {  	_ =	sfence.sel $0xFFFF  }
0xc3: {  	[dreg:$0x0] =	wrdreg $0xFFFFFFFF;
	(pc) =	sbr.abs _section_cstart, $3  }
0xc4: {  	[dreg:$0x1] =	wrdreg $0xFFFFFFFF  }
0xc5: {  	_ =	task.clear_ibuf [dreg:s9], $0x2FFFF;
	_ =	strace $0x9FFFFFFF  }
0xc6: {  	(tm) =	ssettm $0x7FFFFFFF  }
0xc7: {  	_ =	shalt  }
tec
execute0_lowered:
.L_overlay_start_1:
0x0: {  	(tag) =	ssettag $0x1  }
0x1: {  	s1 =	rddreg [dreg:$0x0]  }
0x2: {  	s0 =	rddreg [dreg:$0x2]  }
0x3: {  	s2 =	rddreg [dreg:$0x3];
	s4 =	simm.s32 $0x0  }
0x4: {  	s3 =	srdreg.scid;
	s5 =	stileid.u32;
	s14 =	simm.s32 $0x5  }
0x5: {  	s17 =	simm.s32 $0x180;
	s18 =	simm.s32 $0x4180;
	s19 =	simm.s32 $0x1  }
0x6: {  	s20 =	simm.s32 $0x8180;
	s21 =	simm.s32 $0x2;
	s22 =	simm.s32 $0x4  }
0x7: {  	s23 =	simm.s32 $0xC180;
	s24 =	simm.s32 $0x3;
	s25 =	simm.s32 $0x0  }
0x8: {  	[smem:$0x7FF] =	sst s4;
	s3 =	sand.u32 $0x1, s3;
	s6 =	sshll.u32 s5, $0xA  }
0x9: {  	s5 =	sadd.s32 $0x400, s0;
	_ =	strace $0x80000047;
	s7 =	sshll.u32 s3, $0x9  }
.Ltmp0:
0xa: {  	s3 =	ssub.s32 $0x2, s3;
	s8 =	sor.u32 s7, s6;
	(pc) =	sbr.rel .LBB2_1-.Ltmp0, $4  }
0xb: {  	s6 =	sadd.s32 $0x600, s0;
	s30 =	sshrl.u32 s3, $0x1;
	s9 =	sshll.u32 s8, $0x8  }
0xc: {  	s0 =	ssub.s32 s3, s30;
	s31 =	sshrl.u32 s8, $0x3;
	s7 =	sadd.s32 s1, s9  }
0xd: {  	s9 =	sadd.s32 s2, s9;
	s10 =	sor.u32 $0x2, s31;
	s11 =	sor.u32 $0x3, s31  }
0xe: {  	s12 =	smax.u32 s0, $0x1;
	s8 =	sadd.s32 $0x800, s7;
	s13 =	sadd.s32 $0x800, s9  }
.LBB2_88:
0xf: {  	s25 =	sadd.s32 $0x1, s25  }
0x10: {  	_ =	swait.ge [sflag:s24], $0x4000;
	p0 =	sne.s32 s25, s12  }
.Ltmp1:
0x11: {  	[sflag:s24] =	ssyncset.done $0x0;
	(pc) =	sbr.rel @!p0 .LBB2_89-.Ltmp1, $4  }
0x12: {  	[sflag:s24] =	ssyncadd.s32 $0xFFFFC000  }
0x13: {  	_ =	swait.ge [sflag:s22], $0x4000  }
0x14: {  	[sflag:s22] =	ssyncset.done $0x0  }
0x15: {  	[sflag:s22] =	ssyncadd.s32 $0xFFFFC000  }
.LBB2_1:
0x16: {  	s0 =	rddreg [dreg:$0x1]  }
0x17: {  	[tilespmem:s4], [sflag:$0x5] =	stream.linear.gather [hbm4b:s0+s4], $0x80, $0x38;
	[tilespmem:$0x10180] =	vst v63  }
0x18: {  	_ =	swait.ge [sflag:s14], $0x80  }
0x19: {  	[sflag:s14] =	ssyncset.done $0x0  }
0x1a: {  	s30 =	simm.s32 $0x80;
	[sflag:s14] =	ssyncadd.s32 $0xFFFFFF80  }
0x1b: {  	[tilespmem:s30], [sflag:$0x5] =	stream.linear.gather [hbm4b:s5+s4], $0x80, $0x38;
	[tilespmem:$0x10180] =	vst v63  }
0x1c: {  	_ =	swait.ge [sflag:s14], $0x80  }
0x1d: {  	[sflag:s14] =	ssyncset.done $0x0  }
0x1e: {  	s31 =	simm.s32 $0x100;
	[sflag:s14] =	ssyncadd.s32 $0xFFFFFF80  }
0x1f: {  	[tilespmem:s31], [sflag:$0x5] =	stream.linear.gather [hbm4b:s6+s4], $0x80, $0x38;
	[tilespmem:$0x10180] =	vst v63  }
0x20: {  	_ =	swait.ge [sflag:s14], $0x80  }
0x21: {  	[sflag:s14] =	ssyncset.done $0x0  }
0x22: {  	[sflag:s14] =	ssyncadd.s32 $0xFFFFFF80  }
0x23: {  	v0 =	vld [tilespmem:$0x80];
	_ =	sdelay $0x1  }
0x24: {  	v1 =	vld [tilespmem:$0x100];
	[tilespmem:s17], [sflag:$0x1] =	stream.linear.gather [hbm4b:s7+s4], $0x4000, $0x38  }
0x25: {  	s26 =	simm.s32 $0x0  }
0x26: {  	[tilespmem:s18], [sflag:$0x2] =	stream.linear.gather [hbm4b:s8+s4], $0x4000, $0x38;
	[tilespmem:$0x10180] =	vst v63  }
.LBB2_2:
0x27: {  	_ =	swait.ge [sflag:s19], $0x4000  }
0x28: {  	p0 =	seq.s32 s26, $0x0;
	[sflag:s19] =	ssyncset.done $0x0  }
0x29: {  	s0 =	simm.s32 @!p0 $0x3;
	[sflag:s19] =	ssyncadd.s32 $0xFFFFC000  }
0x2a: {  	_ =	swait.ge @!p0 [sflag:s0], $0x4000  }
0x2b: {  	[sflag:s0] =	ssyncset.done @!p0 $0x0  }
0x2c: {  	s31 =	simm.s32 $0x580;
	[sflag:s0] =	ssyncadd.s32 @!p0 $0xFFFFC000  }
0x2d: {  	v2 =	vld [tilespmem:s31+$0x10]  }
0x2e: {  	v3 =	vld [tilespmem:s31+$0x60]  }
0x2f: {  	v4 =	vld [tilespmem:s31+$0xFFFFFC10]  }
0x30: {  	v5 =	vld [tilespmem:s31+$0xFFFFFC00]  }
0x31: {  	v6 =	vld [tilespmem:s31+$0xFFFFFC20]  }
0x32: {  	v7 =	vld [tilespmem:s31+$0xFFFFFC30]  }
0x33: {  	v8 =	vld [tilespmem:s31+$0x20]  }
0x34: {  	v9 =	vld [tilespmem:s31+$0xFFFFFC70]  }
0x35: {  	v10 =	vld [tilespmem:s31+$0x0]  }
0x36: {  	v11 =	vld [tilespmem:s31+$0x50]  }
0x37: {  	v12 =	vld [tilespmem:s31+$0xFFFFFC50]  }
0x38: {  	v13 =	vld [tilespmem:s31+$0x30];
	v2 =	vsub.f32 v2, v1;
	v3 =	vsub.f32 v3, v1  }
0x39: {  	v14 =	vld [tilespmem:s31+$0xFFFFFC40];
	v4 =	vsub.f32 v4, v1;
	v5 =	vsub.f32 v5, v1  }
0x3a: {  	v15 =	vld [tilespmem:s31+$0x40];
	v6 =	vsub.f32 v6, v1;
	v8 =	vsub.f32 v8, v1  }
0x3b: {  	v16 =	vld [tilespmem:s31+$0xFFFFFC60];
	v7 =	vsub.f32 v7, v1;
	v10 =	vsub.f32 v10, v1  }
0x3c: {  	s15 =	simm.s32 $0xD80;
	v17 =	vld [tilespmem:s31+$0x70];
	v9 =	vsub.f32 v9, v1;
	v11 =	vsub.f32 v11, v1  }
0x3d: {  	v21 =	vld [tilespmem:s15+$0x10];
	v12 =	vsub.f32 v12, v1;
	v13 =	vsub.f32 v13, v1  }
0x3e: {  	v24 =	vld [tilespmem:s15+$0x60];
	v14 =	vsub.f32 v14, v1;
	v2 =	vmul.f32 v2, v0;
	v3 =	vmul.f32 v3, v0  }
0x3f: {  	v20 =	vld [tilespmem:s15+$0xFFFFFC10];
	v15 =	vsub.f32 v15, v1;
	v4 =	vmul.f32 v4, v0;
	v5 =	vmul.f32 v5, v0  }
0x40: {  	v18 =	vld [tilespmem:s15+$0xFFFFFC30];
	v16 =	vsub.f32 v16, v1;
	v8 =	vmul.f32 v8, v0;
	v7 =	vmul.f32 v7, v0  }
0x41: {  	v17 =	vsub.f32 v17, v1;
	v10 =	vmul.f32 v10, v0;
	v12 =	vmul.f32 v12, v0  }
0x42: {  	v21 =	vsub.f32 v21, v1;
	v11 =	vmul.f32 v11, v0;
	v6 =	vmul.f32 v6, v0  }
0x43: {  	v24 =	vsub.f32 v24, v1;
	v9 =	vmul.f32 v9, v0;
	v15 =	vmul.f32 v15, v0  }
0x44: {  	v20 =	vsub.f32 v20, v1;
	v16 =	vmul.f32 v16, v0;
	v14 =	vmul.f32 v14, v0  }
0x45: {  	v18 =	vsub.f32 v18, v1;
	v13 =	vmul.f32 v13, v0;
	v17 =	vmul.f32 v17, v0  }
0x46: {  	v21 =	vmul.f32 v21, v0;
	v24 =	vmul.f32 v24, v0  }
0x47: {  	v20 =	vmul.f32 v20, v0;
	v60 =	vmul.f32 v18, v0;
	v2 =	vmax.f32 v2, $0.0e+00  }
0x48: {  	v3 =	vmax.f32 v3, $0.0e+00;
	v4 =	vmax.f32 v4, $0.0e+00;
	v5 =	vmax.f32 v5, $0.0e+00  }
0x49: {  	v10 =	vmax.f32 v10, $0.0e+00;
	v8 =	vmax.f32 v8, $0.0e+00;
	v7 =	vmax.f32 v7, $0.0e+00  }
0x4a: {  	v9 =	vmax.f32 v9, $0.0e+00;
	v12 =	vmax.f32 v12, $0.0e+00;
	v11 =	vmax.f32 v11, $0.0e+00  }
0x4b: {  	v16 =	vmax.f32 v16, $0.0e+00;
	v15 =	vmax.f32 v15, $0.0e+00;
	v14 =	vmax.f32 v14, $0.0e+00  }
0x4c: {  	v13 =	vmax.f32 v13, $0.0e+00;
	v6 =	vmax.f32 v6, $0.0e+00;
	v17 =	vmax.f32 v17, $0.0e+00  }
0x4d: {  	v2 =	vmin.f32 v2, $6.300000000e+01;
	v3 =	vmin.f32 v3, $6.300000000e+01;
	v4 =	vmin.f32 v4, $6.300000000e+01  }
0x4e: {  	v5 =	vmin.f32 v5, $6.300000000e+01;
	v10 =	vmin.f32 v10, $6.300000000e+01;
	v8 =	vmin.f32 v8, $6.300000000e+01  }
0x4f: {  	v9 =	vmin.f32 v9, $6.300000000e+01;
	v2 =	vtrunc.f32 v2;
	v4 =	vtrunc.f32 v4  }
0x50: {  	v19 =	vld [tilespmem:s15+$0xFFFFFC70];
	v12 =	vmin.f32 v12, $6.300000000e+01;
	v3 =	vtrunc.f32 v3;
	v5 =	vtrunc.f32 v5  }
0x51: {  	v22 =	vld [tilespmem:s15+$0x30];
	v11 =	vmin.f32 v11, $6.300000000e+01;
	v10 =	vtrunc.f32 v10;
	v8 =	vtrunc.f32 v8  }
0x52: {  	v23 =	vld [tilespmem:s15+$0x20];
	v15 =	vmin.f32 v15, $6.300000000e+01;
	v9 =	vtrunc.f32 v9;
	v11 =	vtrunc.f32 v11  }
0x53: {  	v25 =	vld [tilespmem:s15+$0xFFFFFC40];
	v14 =	vmin.f32 v14, $6.300000000e+01;
	v12 =	vtrunc.f32 v12;
	v15 =	vtrunc.f32 v15  }
0x54: {  	v27 =	vld [tilespmem:s15+$0xFFFFFC50];
	v16 =	vmin.f32 v16, $6.300000000e+01;
	v14 =	vtrunc.f32 v14;
	v5 =	vcvt.f32.s32 v5  }
0x55: {  	v28 =	vld [tilespmem:s15+$0xFFFFFC20];
	v13 =	vmin.f32 v13, $6.300000000e+01;
	v16 =	vtrunc.f32 v16;
	v4 =	vcvt.f32.s32 v4  }
0x56: {  	v29 =	vld [tilespmem:s15+$0xFFFFFC60];
	v6 =	vmin.f32 v6, $6.300000000e+01;
	v13 =	vtrunc.f32 v13;
	v16 =	vcvt.f32.s32 v16  }
0x57: {  	v30 =	vld [tilespmem:s15+$0x0];
	v21 =	vmax.f32 v21, $0.0e+00;
	v6 =	vtrunc.f32 v6;
	v2 =	vcvt.f32.s32 v2  }
0x58: {  	v7 =	vmin.f32 v7, $6.300000000e+01;
	v26 =	vcvt.f32.s32 v14;
	v14 =	vld [tilespmem:s15+$0xFFFFFC00];
	v11 =	vcvt.f32.s32 v11  }
0x59: {  	v31 =	vld [tilespmem:s15+$0x50];
	v17 =	vmin.f32 v17, $6.300000000e+01;
	v7 =	vtrunc.f32 v7;
	v3 =	vcvt.f32.s32 v3  }
0x5a: {  	v24 =	vmax.f32 v24, $0.0e+00;
	v17 =	vtrunc.f32 v17;
	v6 =	vcvt.f32.s32 v6;
	v5 =	vld.idx.msk [tilespmem:v5+s4+$0x0], $0xffff  }
0x5b: {  	v20 =	vmax.f32 v20, $0.0e+00;
	v10 =	vcvt.f32.s32 v10;
	v9 =	vcvt.f32.s32 v9;
	v4 =	vld.idx.msk [tilespmem:v4+s4+$0x0], $0xffff  }
0x5c: {  	v21 =	vmin.f32 v21, $6.300000000e+01;
	v8 =	vcvt.f32.s32 v8;
	v32 =	vcvt.f32.s32 v7;
	v7 =	vld.idx.msk [tilespmem:v16+s4+$0x0], $0xffff  }
0x5d: {  	v12 =	vcvt.f32.s32 v12;
	v15 =	vcvt.f32.s32 v15;
	v14 =	vsub.f32 v14, v1;
	v58 =	vld.idx.msk [tilespmem:v2+s4+$0x0], $0xffff  }
0x5e: {  	v17 =	vcvt.f32.s32 v17;
	v2 =	vtrunc.f32 v21;
	v21 =	vld.idx.msk [tilespmem:v11+s4+$0x0], $0xffff;
	v11 =	vmin.f32 v20, $6.300000000e+01  }
0x5f: {  	v24 =	vmin.f32 v24, $6.300000000e+01;
	v33 =	vld.idx.msk [tilespmem:v3+s4+$0x0], $0xffff;
	v14 =	vmul.f32 v14, v0;
	v11 =	vtrunc.f32 v11  }
0x60: {  	v13 =	vcvt.f32.s32 v13;
	v6 =	vld.idx.msk [tilespmem:v6+s4+$0x0], $0xffff;
	v3 =	vcvt.f32.s32 v11;
	v11 =	vsub.f32 v30, v1  }
0x61: {  	s29 =	simm.s32 $0x8580;
	v16 =	vsub.f32 v28, v1;
	v20 =	vsub.f32 v23, v1;
	v23 =	vld [tilespmem:s15+$0x40];
	v14 =	vmax.f32 v14, $0.0e+00  }
0x62: {  	v59 =	vld.idx.msk [tilespmem:v10+s4+$0x0], $0xffff;
	v10 =	vsub.f32 v27, v1;
	v14 =	vmin.f32 v14, $6.300000000e+01;
	v18 =	vmul.f32 v11, v0;
	[tilespmem:s29+$0xFFFFFC00] =	vst v5  }
0x63: {  	v61 =	vld.idx.msk [tilespmem:v15+s4+$0x0], $0xffff;
	v11 =	vsub.f32 v25, v1;
	[tilespmem:s29+$0xFFFFFC10] =	vst v4;
	v4 =	vsub.f32 v19, v1;
	v5 =	vtrunc.f32 v24  }
0x64: {  	v62 =	vld.idx.msk [tilespmem:v17+s4+$0x0], $0xffff;
	v19 =	vsub.f32 v31, v1;
	[tilespmem:s29+$0xFFFFFC60] =	vst v7;
	v7 =	vtrunc.f32 v14;
	v14 =	vmul.f32 v20, v0  }
0x65: {  	v20 =	vld.idx.msk [tilespmem:v9+s4+$0x0], $0xffff;
	v9 =	vsub.f32 v22, v1;
	[tilespmem:s29+$0xFFFFFC20] =	vst v6;
	v6 =	vmax.f32 v60, $0.0e+00;
	v22 =	vcvt.f32.s32 v7  }
0x66: {  	[tilespmem:s29+$0x50] =	vst v21;
	v7 =	vmul.f32 v10, v0;
	v15 =	vmax.f32 v18, $0.0e+00;
	v17 =	vmax.f32 v14, $0.0e+00;
	v14 =	vld.idx.msk [tilespmem:v13+s4+$0x0], $0xffff  }
0x67: {  	[tilespmem:s29+$0x60] =	vst v33;
	v10 =	vmul.f32 v16, v0;
	v4 =	vmul.f32 v4, v0;
	v13 =	vmin.f32 v15, $6.300000000e+01;
	v15 =	vld.idx.msk [tilespmem:v12+s4+$0x0], $0xffff  }
0x68: {  	[tilespmem:s29+$0x10] =	vst v58;
	v21 =	vsub.f32 v23, v1;
	v18 =	vmul.f32 v19, v0;
	v12 =	vld.idx.msk [tilespmem:v26+s4+$0x0], $0xffff;
	v13 =	vtrunc.f32 v13  }
0x69: {  	[tilespmem:s29+$0x0] =	vst v59;
	v16 =	vmin.f32 v17, $6.300000000e+01;
	v17 =	vld.idx.msk [tilespmem:v8+s4+$0x0], $0xffff;
	v23 =	vmax.f32 v7, $0.0e+00;
	v19 =	vmax.f32 v4, $0.0e+00  }
0x6a: {  	[tilespmem:s29+$0x40] =	vst v61;
	v4 =	vcvt.f32.s32 v13;
	v7 =	vtrunc.f32 v16;
	v16 =	vld.idx.msk [tilespmem:v32+s4+$0x0], $0xffff;
	v8 =	vmin.f32 v19, $6.300000000e+01  }
0x6b: {  	s28 =	sshll.u32 s26, $0x1;
	s2 =	simm.s32 $0x10;
	s3 =	simm.s32 $0x8D80;
	[tilespmem:s29+$0xFFFFFC70] =	vst v20;
	v20 =	vmul.f32 v21, v0;
	v63 =	vtrunc.f32 v8;
	v13 =	vld.idx.msk [tilespmem:v22+s4+$0x0], $0xffff;
	v22 =	vsub.f32 v29, v1  }
0x6c: {  	s30 =	simm.s32 $0x8D80;
	s0 =	simm.s32 $0x600;
	[tilespmem:s29+$0x70] =	vst v62;
	v19 =	vmin.f32 v23, $6.300000000e+01;
	v21 =	vld [tilespmem:s15+$0x70];
	s15 =	simm.s32 $0x1580;
	v8 =	vmin.f32 v6, $6.300000000e+01;
	v6 =	vcvt.f32.s32 v63  }
.LBB2_3:
0x6d: {  	v23 =	vld [tilespmem:s15+$0xFFFFFC30];
	s2 =	sadd.s32 $0x10, s2;
	v22 =	vmul.f32 v22, v0;
	v7 =	vcvt.f32.s32 v7;
	v18 =	vmax.f32 v18, $0.0e+00;
	s3 =	sadd.s32 $0x800, s3;
	[tilespmem:s29+$0x30] =	vst v14  }
0x6e: {  	v11 =	vmul.f32 v11, v0;
	v9 =	vmul.f32 v9, v0;
	v14 =	vld [tilespmem:s15+$0xFFFFFC70];
	p1 =	slt.u32 s2, $0x70;
	v18 =	vmin.f32 v18, $6.300000000e+01;
	[tilespmem:s29+$0xFFFFFC50] =	vst v15  }
0x6f: {  	v20 =	vmax.f32 v20, $0.0e+00;
	v15 =	vld [tilespmem:s15+$0xFFFFFC10];
	v22 =	vmax.f32 v22, $0.0e+00;
	v18 =	vtrunc.f32 v18;
	[tilespmem:s29+$0x20] =	vst v17  }
0x70: {  	v20 =	vmin.f32 v20, $6.300000000e+01;
	v11 =	vmax.f32 v11, $0.0e+00;
	v17 =	vld [tilespmem:s15+$0x10];
	v22 =	vmin.f32 v22, $6.300000000e+01;
	[tilespmem:s29+$0xFFFFFC30] =	vst v16  }
0x71: {  	v19 =	vtrunc.f32 v19;
	v11 =	vmin.f32 v11, $6.300000000e+01;
	v16 =	vld [tilespmem:s15+$0x30];
	v21 =	vsub.f32 v21, v1;
	[tilespmem:s29+$0xFFFFFC40] =	vst v12;
	s29 =	smov.u32 s30;
	s30 =	smov.u32 s3  }
0x72: {  	v9 =	vmax.f32 v9, $0.0e+00;
	v12 =	vld [tilespmem:s15+$0x20];
	[tilespmem:s29+$0xFFFFFC00] =	vst v13;
	v13 =	vcvt.f32.s32 v19;
	v19 =	vtrunc.f32 v20  }
0x73: {  	v9 =	vmin.f32 v9, $6.300000000e+01;
	v11 =	vtrunc.f32 v11;
	v22 =	vtrunc.f32 v22;
	v20 =	vld [tilespmem:s15+$0x60]  }
0x74: {  	v10 =	vmax.f32 v10, $0.0e+00;
	v9 =	vtrunc.f32 v9;
	v25 =	vcvt.f32.s32 v11;
	v24 =	vld [tilespmem:s15+$0xFFFFFC40]  }
0x75: {  	v10 =	vmin.f32 v10, $6.300000000e+01;
	v26 =	vcvt.f32.s32 v9;
	v9 =	vmul.f32 v21, v0;
	v11 =	vld [tilespmem:s15+$0xFFFFFC00]  }
0x76: {  	v22 =	vcvt.f32.s32 v22;
	v19 =	vcvt.f32.s32 v19;
	v17 =	vsub.f32 v17, v1;
	v21 =	vld [tilespmem:s15+$0xFFFFFC50]  }
0x77: {  	v2 =	vcvt.f32.s32 v2;
	v10 =	vtrunc.f32 v10;
	v9 =	vmax.f32 v9, $0.0e+00;
	v27 =	vld [tilespmem:s15+$0xFFFFFC20]  }
0x78: {  	v18 =	vcvt.f32.s32 v18;
	v17 =	vmul.f32 v17, v0;
	v28 =	vld [tilespmem:s15+$0xFFFFFC60];
	v20 =	vsub.f32 v20, v1  }
0x79: {  	v5 =	vcvt.f32.s32 v5;
	v10 =	vcvt.f32.s32 v10;
	v9 =	vmin.f32 v9, $6.300000000e+01;
	v29 =	vld [tilespmem:s15+$0x0]  }
0x7a: {  	v15 =	vsub.f32 v15, v1;
	v11 =	vsub.f32 v11, v1;
	v20 =	vmul.f32 v20, v0;
	v3 =	vld.idx.msk [tilespmem:v3+s4+$0x0], $0xffff  }
0x7b: {  	v8 =	vtrunc.f32 v8;
	v9 =	vtrunc.f32 v9;
	v17 =	vmax.f32 v17, $0.0e+00;
	v30 =	vld [tilespmem:s15+$0x50]  }
0x7c: {  	v8 =	vcvt.f32.s32 v8;
	v15 =	vmul.f32 v15, v0;
	v20 =	vmax.f32 v20, $0.0e+00;
	v22 =	vld.idx.msk [tilespmem:v22+s4+$0x0], $0xffff  }
0x7d: {  	v17 =	vmin.f32 v17, $6.300000000e+01;
	v27 =	vsub.f32 v27, v1;
	v20 =	vmin.f32 v20, $6.300000000e+01;
	v31 =	vld.idx.msk [tilespmem:v2+s4+$0x0], $0xffff  }
0x7e: {  	v15 =	vmax.f32 v15, $0.0e+00;
	v11 =	vmul.f32 v11, v0;
	v2 =	vtrunc.f32 v17;
	v17 =	vld.idx.msk [tilespmem:v18+s4+$0x0], $0xffff  }
0x7f: {  	v12 =	vsub.f32 v12, v1;
	v15 =	vmin.f32 v15, $6.300000000e+01;
	v18 =	vcvt.f32.s32 v9;
	v32 =	vld [tilespmem:s15+$0x40]  }
0x80: {  	v9 =	vmax.f32 v11, $0.0e+00;
	v11 =	vtrunc.f32 v15;
	v15 =	vsub.f32 v23, v1;
	[tilespmem:s29+$0xFFFFFC10] =	vst v3;
	v23 =	vld.idx.msk [tilespmem:v5+s4+$0x0], $0xffff  }
0x81: {  	v9 =	vmin.f32 v9, $6.300000000e+01;
	v3 =	vcvt.f32.s32 v11;
	v11 =	vsub.f32 v29, v1;
	v29 =	vld.idx.msk [tilespmem:v10+s4+$0x0], $0xffff  }
0x82: {  	v33 =	vsub.f32 v14, v1;
	v5 =	vtrunc.f32 v20;
	v10 =	vsub.f32 v30, v1;
	[tilespmem:s29+$0xFFFFFC60] =	vst v22;
	v20 =	vld.idx.msk [tilespmem:v4+s4+$0x0], $0xffff  }
0x83: {  	v12 =	vmul.f32 v12, v0;
	v14 =	vsub.f32 v21, v1;
	v4 =	vtrunc.f32 v9;
	v6 =	vld.idx.msk [tilespmem:v6+s4+$0x0], $0xffff  }
0x84: {  	v21 =	vmul.f32 v15, v0;
	v15 =	vmul.f32 v11, v0;
	v9 =	vsub.f32 v16, v1;
	v19 =	vld.idx.msk [tilespmem:v19+s4+$0x0], $0xffff  }
0x85: {  	v11 =	vsub.f32 v24, v1;
	v16 =	vmul.f32 v14, v0;
	v22 =	vcvt.f32.s32 v4;
	[tilespmem:s29+$0x50] =	vst v17;
	v24 =	vld.idx.msk [tilespmem:v18+s4+$0x0], $0xffff  }
0x86: {  	v12 =	vmax.f32 v12, $0.0e+00;
	v4 =	vmax.f32 v15, $0.0e+00;
	v18 =	vmul.f32 v10, v0;
	v14 =	vld.idx.msk [tilespmem:v26+s4+$0x0], $0xffff;
	[tilespmem:s29+$0x60] =	vst v23  }
0x87: {  	v10 =	vmul.f32 v27, v0;
	v17 =	vmul.f32 v33, v0;
	v4 =	vmin.f32 v4, $6.300000000e+01;
	[tilespmem:s29+$0xFFFFFC20] =	vst v29;
	v15 =	vld.idx.msk [tilespmem:v13+s4+$0x0], $0xffff  }
.Ltmp2:
0x88: {  	v21 =	vmax.f32 v21, $0.0e+00;
	v4 =	vtrunc.f32 v4;
	v13 =	vmin.f32 v12, $6.300000000e+01;
	v12 =	vld.idx.msk [tilespmem:v25+s4+$0x0], $0xffff;
	[tilespmem:s29+$0x10] =	vst v31;
	(pc) =	sbr.rel @p1 .LBB2_3-.Ltmp2, $4  }
0x89: {  	v23 =	vmax.f32 v17, $0.0e+00;
	v4 =	vcvt.f32.s32 v4;
	v25 =	vsub.f32 v32, v1;
	[tilespmem:s29+$0xFFFFFC70] =	vst v6;
	v17 =	vld.idx.msk [tilespmem:v7+s4+$0x0], $0xffff  }
0x8a: {  	v23 =	vmin.f32 v23, $6.300000000e+01;
	v6 =	vmax.f32 v16, $0.0e+00;
	v7 =	vtrunc.f32 v13;
	v16 =	vld.idx.msk [tilespmem:v8+s4+$0x0], $0xffff;
	[tilespmem:s29+$0x0] =	vst v20  }
0x8b: {  	v23 =	vtrunc.f32 v23;
	v20 =	vmul.f32 v25, v0;
	v13 =	vld.idx.msk [tilespmem:v22+s4+$0x0], $0xffff;
	v22 =	vsub.f32 v28, v1;
	[tilespmem:s29+$0x40] =	vst v19  }
0x8c: {  	v8 =	vmin.f32 v21, $6.300000000e+01;
	v19 =	vmin.f32 v6, $6.300000000e+01;
	v6 =	vcvt.f32.s32 v23;
	v21 =	vld [tilespmem:s15+$0x70];
	s15 =	sadd.s32 $0x800, s15;
	[tilespmem:s29+$0x70] =	vst v24  }
0x8d: {  	v22 =	vmul.f32 v22, v0  }
0x8e: {  	v18 =	vmax.f32 v18, $0.0e+00;
	v10 =	vmax.f32 v10, $0.0e+00;
	v5 =	vcvt.f32.s32 v5  }
0x8f: {  	[tilespmem:s29+$0x30] =	vst v14;
	v9 =	vmul.f32 v9, v0;
	v14 =	vmax.f32 v20, $0.0e+00;
	v2 =	vcvt.f32.s32 v2  }
0x90: {  	v11 =	vmul.f32 v11, v0;
	v8 =	vtrunc.f32 v8;
	v18 =	vmin.f32 v18, $6.300000000e+01  }
0x91: {  	v10 =	vmin.f32 v10, $6.300000000e+01;
	v14 =	vmin.f32 v14, $6.300000000e+01;
	v8 =	vcvt.f32.s32 v8  }
0x92: {  	v22 =	vmax.f32 v22, $0.0e+00;
	v18 =	vtrunc.f32 v18;
	v10 =	vtrunc.f32 v10  }
0x93: {  	v3 =	vld.idx.msk [tilespmem:v3+s4+$0x0], $0xffff;
	v9 =	vmax.f32 v9, $0.0e+00;
	v14 =	vtrunc.f32 v14;
	v22 =	vmin.f32 v22, $6.300000000e+01  }
0x94: {  	[tilespmem:s29+$0xFFFFFC50] =	vst v15;
	v4 =	vld.idx.msk [tilespmem:v4+s4+$0x0], $0xffff;
	v18 =	vcvt.f32.s32 v18;
	v10 =	vcvt.f32.s32 v10;
	v21 =	vsub.f32 v21, v1  }
0x95: {  	[tilespmem:s29+$0xFFFFFC40] =	vst v12;
	v9 =	vmin.f32 v9, $6.300000000e+01;
	v14 =	vcvt.f32.s32 v14;
	v22 =	vtrunc.f32 v22  }
0x96: {  	[tilespmem:s29+$0x20] =	vst v17;
	v6 =	vld.idx.msk [tilespmem:v6+s4+$0x0], $0xffff;
	v9 =	vtrunc.f32 v9;
	v21 =	vmul.f32 v21, v0  }
0x97: {  	[tilespmem:s29+$0xFFFFFC30] =	vst v16;
	v11 =	vmax.f32 v11, $0.0e+00;
	v22 =	vcvt.f32.s32 v22;
	v9 =	vcvt.f32.s32 v9;
	v5 =	vld.idx.msk [tilespmem:v5+s4+$0x0], $0xffff  }
0x98: {  	[tilespmem:s30+$0xFFFFFC10] =	vst v3;
	v3 =	vcvt.f32.s32 v7;
	v7 =	vmin.f32 v11, $6.300000000e+01;
	v2 =	vld.idx.msk [tilespmem:v2+s4+$0x0], $0xffff;
	v15 =	vmax.f32 v21, $0.0e+00  }
0x99: {  	[tilespmem:s30+$0x0] =	vst v4;
	v7 =	vtrunc.f32 v7;
	v4 =	vld.idx.msk [tilespmem:v8+s4+$0x0], $0xffff;
	v15 =	vmin.f32 v15, $6.300000000e+01  }
0x9a: {  	[tilespmem:s30+$0xFFFFFC00] =	vst v13;
	v7 =	vcvt.f32.s32 v7;
	v16 =	vld.idx.msk [tilespmem:v18+s4+$0x0], $0xffff;
	v15 =	vtrunc.f32 v15  }
0x9b: {  	[tilespmem:s30+$0xFFFFFC70] =	vst v6;
	v10 =	vld.idx.msk [tilespmem:v10+s4+$0x0], $0xffff;
	v12 =	vcvt.f32.s32 v15;
	v15 =	vtrunc.f32 v19  }
0x9c: {  	v11 =	vld.idx.msk [tilespmem:v14+s4+$0x0], $0xffff;
	[tilespmem:s30+$0x60] =	vst v5;
	v13 =	vcvt.f32.s32 v15  }
0x9d: {  	v17 =	vld.idx.msk [tilespmem:v22+s4+$0x0], $0xffff;
	[tilespmem:s30+$0x10] =	vst v2  }
0x9e: {  	v9 =	vld.idx.msk [tilespmem:v9+s4+$0x0], $0xffff;
	[tilespmem:s30+$0xFFFFFC30] =	vst v4  }
0x9f: {  	v3 =	vld.idx.msk [tilespmem:v3+s4+$0x0], $0xffff;
	[tilespmem:s30+$0x50] =	vst v16  }
0xa0: {  	v6 =	vld.idx.msk [tilespmem:v7+s4+$0x0], $0xffff;
	[tilespmem:s30+$0xFFFFFC20] =	vst v10  }
0xa1: {  	[tilespmem:s30+$0x40] =	vst v11;
	v5 =	vld.idx.msk [tilespmem:v12+s4+$0x0], $0xffff  }
0xa2: {  	[tilespmem:s30+$0xFFFFFC60] =	vst v17;
	v2 =	vld.idx.msk [tilespmem:v13+s4+$0x0], $0xffff  }
0xa3: {  	[tilespmem:s30+$0x30] =	vst v9  }
0xa4: {  	[tilespmem:s30+$0x20] =	vst v3  }
0xa5: {  	[tilespmem:s30+$0xFFFFFC40] =	vst v6  }
0xa6: {  	[tilespmem:s30+$0x70] =	vst v5  }
0xa7: {  	[tilespmem:s30+$0xFFFFFC50] =	vst v2  }
0xa8: {  	v2 =	vld [tilespmem:s0+$0x10]  }
0xa9: {  	v3 =	vld [tilespmem:s0+$0x60]  }
0xaa: {  	v4 =	vld [tilespmem:s0+$0xFFFFFC10]  }
0xab: {  	v5 =	vld [tilespmem:s0+$0xFFFFFC00]  }
0xac: {  	v6 =	vld [tilespmem:s0+$0xFFFFFC20]  }
0xad: {  	v7 =	vld [tilespmem:s0+$0xFFFFFC30]  }
0xae: {  	v8 =	vld [tilespmem:s0+$0x20]  }
0xaf: {  	v9 =	vld [tilespmem:s0+$0xFFFFFC70]  }
0xb0: {  	v10 =	vld [tilespmem:s0+$0x0]  }
0xb1: {  	v11 =	vld [tilespmem:s0+$0x50]  }
0xb2: {  	v12 =	vld [tilespmem:s0+$0xFFFFFC50]  }
0xb3: {  	v13 =	vld [tilespmem:s0+$0x30];
	v2 =	vsub.f32 v2, v1;
	v3 =	vsub.f32 v3, v1  }
0xb4: {  	v14 =	vld [tilespmem:s0+$0xFFFFFC40];
	v4 =	vsub.f32 v4, v1;
	v5 =	vsub.f32 v5, v1  }
0xb5: {  	v15 =	vld [tilespmem:s0+$0x40];
	v6 =	vsub.f32 v6, v1;
	v8 =	vsub.f32 v8, v1  }
0xb6: {  	v16 =	vld [tilespmem:s0+$0xFFFFFC60];
	v7 =	vsub.f32 v7, v1;
	v10 =	vsub.f32 v10, v1  }
0xb7: {  	s15 =	simm.s32 $0xE00;
	v17 =	vld [tilespmem:s0+$0x70];
	v9 =	vsub.f32 v9, v1;
	v11 =	vsub.f32 v11, v1  }
0xb8: {  	v21 =	vld [tilespmem:s15+$0x10];
	v12 =	vsub.f32 v12, v1;
	v13 =	vsub.f32 v13, v1  }
0xb9: {  	v24 =	vld [tilespmem:s15+$0x60];
	v14 =	vsub.f32 v14, v1;
	v2 =	vmul.f32 v2, v0;
	v3 =	vmul.f32 v3, v0  }
0xba: {  	v20 =	vld [tilespmem:s15+$0xFFFFFC10];
	v15 =	vsub.f32 v15, v1;
	v4 =	vmul.f32 v4, v0;
	v5 =	vmul.f32 v5, v0  }
0xbb: {  	v18 =	vld [tilespmem:s15+$0xFFFFFC30];
	v16 =	vsub.f32 v16, v1;
	v8 =	vmul.f32 v8, v0;
	v7 =	vmul.f32 v7, v0  }
0xbc: {  	v17 =	vsub.f32 v17, v1;
	v10 =	vmul.f32 v10, v0;
	v12 =	vmul.f32 v12, v0  }
0xbd: {  	v21 =	vsub.f32 v21, v1;
	v11 =	vmul.f32 v11, v0;
	v6 =	vmul.f32 v6, v0  }
0xbe: {  	v24 =	vsub.f32 v24, v1;
	v9 =	vmul.f32 v9, v0;
	v15 =	vmul.f32 v15, v0  }
0xbf: {  	v20 =	vsub.f32 v20, v1;
	v16 =	vmul.f32 v16, v0;
	v14 =	vmul.f32 v14, v0  }
0xc0: {  	v18 =	vsub.f32 v18, v1;
	v13 =	vmul.f32 v13, v0;
	v17 =	vmul.f32 v17, v0  }
0xc1: {  	v21 =	vmul.f32 v21, v0;
	v24 =	vmul.f32 v24, v0  }
0xc2: {  	v20 =	vmul.f32 v20, v0;
	v60 =	vmul.f32 v18, v0;
	v2 =	vmax.f32 v2, $0.0e+00  }
0xc3: {  	v3 =	vmax.f32 v3, $0.0e+00;
	v4 =	vmax.f32 v4, $0.0e+00;
	v5 =	vmax.f32 v5, $0.0e+00  }
0xc4: {  	v10 =	vmax.f32 v10, $0.0e+00;
	v8 =	vmax.f32 v8, $0.0e+00;
	v7 =	vmax.f32 v7, $0.0e+00  }
0xc5: {  	v9 =	vmax.f32 v9, $0.0e+00;
	v12 =	vmax.f32 v12, $0.0e+00;
	v11 =	vmax.f32 v11, $0.0e+00  }
0xc6: {  	v16 =	vmax.f32 v16, $0.0e+00;
	v15 =	vmax.f32 v15, $0.0e+00;
	v14 =	vmax.f32 v14, $0.0e+00  }
0xc7: {  	v13 =	vmax.f32 v13, $0.0e+00;
	v6 =	vmax.f32 v6, $0.0e+00;
	v17 =	vmax.f32 v17, $0.0e+00  }
0xc8: {  	v2 =	vmin.f32 v2, $6.300000000e+01;
	v3 =	vmin.f32 v3, $6.300000000e+01;
	v4 =	vmin.f32 v4, $6.300000000e+01  }
0xc9: {  	v5 =	vmin.f32 v5, $6.300000000e+01;
	v10 =	vmin.f32 v10, $6.300000000e+01;
	v8 =	vmin.f32 v8, $6.300000000e+01  }
0xca: {  	v9 =	vmin.f32 v9, $6.300000000e+01;
	v2 =	vtrunc.f32 v2;
	v4 =	vtrunc.f32 v4  }
0xcb: {  	v19 =	vld [tilespmem:s15+$0xFFFFFC70];
	v12 =	vmin.f32 v12, $6.300000000e+01;
	v3 =	vtrunc.f32 v3;
	v5 =	vtrunc.f32 v5  }
0xcc: {  	v22 =	vld [tilespmem:s15+$0x30];
	v11 =	vmin.f32 v11, $6.300000000e+01;
	v10 =	vtrunc.f32 v10;
	v8 =	vtrunc.f32 v8  }
0xcd: {  	v23 =	vld [tilespmem:s15+$0x20];
	v15 =	vmin.f32 v15, $6.300000000e+01;
	v9 =	vtrunc.f32 v9;
	v11 =	vtrunc.f32 v11  }
0xce: {  	v25 =	vld [tilespmem:s15+$0xFFFFFC40];
	v14 =	vmin.f32 v14, $6.300000000e+01;
	v12 =	vtrunc.f32 v12;
	v15 =	vtrunc.f32 v15  }
0xcf: {  	v27 =	vld [tilespmem:s15+$0xFFFFFC50];
	v16 =	vmin.f32 v16, $6.300000000e+01;
	v14 =	vtrunc.f32 v14;
	v5 =	vcvt.f32.s32 v5  }
0xd0: {  	v28 =	vld [tilespmem:s15+$0xFFFFFC20];
	v13 =	vmin.f32 v13, $6.300000000e+01;
	v16 =	vtrunc.f32 v16;
	v4 =	vcvt.f32.s32 v4  }
0xd1: {  	v29 =	vld [tilespmem:s15+$0xFFFFFC60];
	v6 =	vmin.f32 v6, $6.300000000e+01;
	v13 =	vtrunc.f32 v13;
	v16 =	vcvt.f32.s32 v16  }
0xd2: {  	v30 =	vld [tilespmem:s15+$0x0];
	v21 =	vmax.f32 v21, $0.0e+00;
	v6 =	vtrunc.f32 v6;
	v2 =	vcvt.f32.s32 v2  }
0xd3: {  	v7 =	vmin.f32 v7, $6.300000000e+01;
	v26 =	vcvt.f32.s32 v14;
	v14 =	vld [tilespmem:s15+$0xFFFFFC00];
	v11 =	vcvt.f32.s32 v11  }
0xd4: {  	v31 =	vld [tilespmem:s15+$0x50];
	v17 =	vmin.f32 v17, $6.300000000e+01;
	v7 =	vtrunc.f32 v7;
	v3 =	vcvt.f32.s32 v3  }
0xd5: {  	v24 =	vmax.f32 v24, $0.0e+00;
	v17 =	vtrunc.f32 v17;
	v6 =	vcvt.f32.s32 v6;
	v5 =	vld.idx.msk [tilespmem:v5+s4+$0x0], $0xffff  }
0xd6: {  	v20 =	vmax.f32 v20, $0.0e+00;
	v10 =	vcvt.f32.s32 v10;
	v9 =	vcvt.f32.s32 v9;
	v4 =	vld.idx.msk [tilespmem:v4+s4+$0x0], $0xffff  }
0xd7: {  	v21 =	vmin.f32 v21, $6.300000000e+01;
	v8 =	vcvt.f32.s32 v8;
	v32 =	vcvt.f32.s32 v7;
	v7 =	vld.idx.msk [tilespmem:v16+s4+$0x0], $0xffff  }
0xd8: {  	v12 =	vcvt.f32.s32 v12;
	v15 =	vcvt.f32.s32 v15;
	v14 =	vsub.f32 v14, v1;
	v58 =	vld.idx.msk [tilespmem:v2+s4+$0x0], $0xffff  }
0xd9: {  	v17 =	vcvt.f32.s32 v17;
	v2 =	vtrunc.f32 v21;
	v21 =	vld.idx.msk [tilespmem:v11+s4+$0x0], $0xffff;
	v11 =	vmin.f32 v20, $6.300000000e+01  }
0xda: {  	v24 =	vmin.f32 v24, $6.300000000e+01;
	v33 =	vld.idx.msk [tilespmem:v3+s4+$0x0], $0xffff;
	v14 =	vmul.f32 v14, v0;
	v11 =	vtrunc.f32 v11  }
0xdb: {  	v13 =	vcvt.f32.s32 v13;
	v6 =	vld.idx.msk [tilespmem:v6+s4+$0x0], $0xffff;
	v3 =	vcvt.f32.s32 v11;
	v11 =	vsub.f32 v30, v1  }
0xdc: {  	s30 =	simm.s32 $0x8600;
	v16 =	vsub.f32 v28, v1;
	v20 =	vsub.f32 v23, v1;
	v23 =	vld [tilespmem:s15+$0x40];
	v14 =	vmax.f32 v14, $0.0e+00  }
0xdd: {  	v59 =	vld.idx.msk [tilespmem:v10+s4+$0x0], $0xffff;
	v10 =	vsub.f32 v27, v1;
	v14 =	vmin.f32 v14, $6.300000000e+01;
	v18 =	vmul.f32 v11, v0;
	[tilespmem:s30+$0xFFFFFC00] =	vst v5  }
0xde: {  	v61 =	vld.idx.msk [tilespmem:v15+s4+$0x0], $0xffff;
	v11 =	vsub.f32 v25, v1;
	[tilespmem:s30+$0xFFFFFC10] =	vst v4;
	v4 =	vsub.f32 v19, v1;
	v5 =	vtrunc.f32 v24  }
0xdf: {  	v62 =	vld.idx.msk [tilespmem:v17+s4+$0x0], $0xffff;
	v19 =	vsub.f32 v31, v1;
	[tilespmem:s30+$0xFFFFFC60] =	vst v7;
	v7 =	vtrunc.f32 v14;
	v14 =	vmul.f32 v20, v0  }
0xe0: {  	v20 =	vld.idx.msk [tilespmem:v9+s4+$0x0], $0xffff;
	v9 =	vsub.f32 v22, v1;
	[tilespmem:s30+$0xFFFFFC20] =	vst v6;
	v6 =	vmax.f32 v60, $0.0e+00;
	v22 =	vcvt.f32.s32 v7  }
0xe1: {  	[tilespmem:s30+$0x50] =	vst v21;
	v7 =	vmul.f32 v10, v0;
	v15 =	vmax.f32 v18, $0.0e+00;
	v17 =	vmax.f32 v14, $0.0e+00;
	v14 =	vld.idx.msk [tilespmem:v13+s4+$0x0], $0xffff  }
0xe2: {  	[tilespmem:s30+$0x60] =	vst v33;
	v10 =	vmul.f32 v16, v0;
	v4 =	vmul.f32 v4, v0;
	v13 =	vmin.f32 v15, $6.300000000e+01;
	v15 =	vld.idx.msk [tilespmem:v12+s4+$0x0], $0xffff  }
0xe3: {  	[tilespmem:s30+$0x10] =	vst v58;
	v21 =	vsub.f32 v23, v1;
	v18 =	vmul.f32 v19, v0;
	v12 =	vld.idx.msk [tilespmem:v26+s4+$0x0], $0xffff;
	v13 =	vtrunc.f32 v13  }
0xe4: {  	[tilespmem:s30+$0x0] =	vst v59;
	v16 =	vmin.f32 v17, $6.300000000e+01;
	v17 =	vld.idx.msk [tilespmem:v8+s4+$0x0], $0xffff;
	v23 =	vmax.f32 v7, $0.0e+00;
	v19 =	vmax.f32 v4, $0.0e+00  }
0xe5: {  	[tilespmem:s30+$0x40] =	vst v61;
	v4 =	vcvt.f32.s32 v13;
	v7 =	vtrunc.f32 v16;
	v16 =	vld.idx.msk [tilespmem:v32+s4+$0x0], $0xffff;
	v8 =	vmin.f32 v19, $6.300000000e+01  }
0xe6: {  	s2 =	simm.s32 $0x10;
	s3 =	simm.s32 $0x8E00;
	s31 =	simm.s32 $0x8E00;
	[tilespmem:s30+$0xFFFFFC70] =	vst v20;
	v20 =	vmul.f32 v21, v0;
	v63 =	vtrunc.f32 v8;
	v13 =	vld.idx.msk [tilespmem:v22+s4+$0x0], $0xffff;
	v22 =	vsub.f32 v29, v1  }
0xe7: {  	s29 =	simm.s32 $0x8680;
	s0 =	simm.s32 $0x680;
	[tilespmem:s30+$0x70] =	vst v62;
	v19 =	vmin.f32 v23, $6.300000000e+01;
	v21 =	vld [tilespmem:s15+$0x70];
	s15 =	simm.s32 $0x1600;
	v8 =	vmin.f32 v6, $6.300000000e+01;
	v6 =	vcvt.f32.s32 v63  }
.LBB2_5:
0xe8: {  	v23 =	vld [tilespmem:s15+$0xFFFFFC30];
	s2 =	sadd.s32 $0x10, s2;
	v22 =	vmul.f32 v22, v0;
	v7 =	vcvt.f32.s32 v7;
	v18 =	vmax.f32 v18, $0.0e+00;
	s3 =	sadd.s32 $0x800, s3;
	[tilespmem:s30+$0x30] =	vst v14  }
0xe9: {  	v11 =	vmul.f32 v11, v0;
	v9 =	vmul.f32 v9, v0;
	v14 =	vld [tilespmem:s15+$0xFFFFFC70];
	p1 =	slt.u32 s2, $0x70;
	v18 =	vmin.f32 v18, $6.300000000e+01;
	[tilespmem:s30+$0xFFFFFC50] =	vst v15  }
0xea: {  	v20 =	vmax.f32 v20, $0.0e+00;
	v15 =	vld [tilespmem:s15+$0xFFFFFC10];
	v22 =	vmax.f32 v22, $0.0e+00;
	v18 =	vtrunc.f32 v18;
	[tilespmem:s30+$0x20] =	vst v17  }
0xeb: {  	v20 =	vmin.f32 v20, $6.300000000e+01;
	v11 =	vmax.f32 v11, $0.0e+00;
	v17 =	vld [tilespmem:s15+$0x10];
	v22 =	vmin.f32 v22, $6.300000000e+01;
	[tilespmem:s30+$0xFFFFFC30] =	vst v16  }
0xec: {  	v19 =	vtrunc.f32 v19;
	v11 =	vmin.f32 v11, $6.300000000e+01;
	v16 =	vld [tilespmem:s15+$0x30];
	v21 =	vsub.f32 v21, v1;
	[tilespmem:s30+$0xFFFFFC40] =	vst v12;
	s30 =	smov.u32 s31;
	s31 =	smov.u32 s3  }
0xed: {  	v9 =	vmax.f32 v9, $0.0e+00;
	v12 =	vld [tilespmem:s15+$0x20];
	[tilespmem:s30+$0xFFFFFC00] =	vst v13;
	v13 =	vcvt.f32.s32 v19;
	v19 =	vtrunc.f32 v20  }
0xee: {  	v9 =	vmin.f32 v9, $6.300000000e+01;
	v11 =	vtrunc.f32 v11;
	v22 =	vtrunc.f32 v22;
	v20 =	vld [tilespmem:s15+$0x60]  }
0xef: {  	v10 =	vmax.f32 v10, $0.0e+00;
	v9 =	vtrunc.f32 v9;
	v25 =	vcvt.f32.s32 v11;
	v24 =	vld [tilespmem:s15+$0xFFFFFC40]  }
0xf0: {  	v10 =	vmin.f32 v10, $6.300000000e+01;
	v26 =	vcvt.f32.s32 v9;
	v9 =	vmul.f32 v21, v0;
	v11 =	vld [tilespmem:s15+$0xFFFFFC00]  }
0xf1: {  	v22 =	vcvt.f32.s32 v22;
	v19 =	vcvt.f32.s32 v19;
	v17 =	vsub.f32 v17, v1;
	v21 =	vld [tilespmem:s15+$0xFFFFFC50]  }
0xf2: {  	v2 =	vcvt.f32.s32 v2;
	v10 =	vtrunc.f32 v10;
	v9 =	vmax.f32 v9, $0.0e+00;
	v27 =	vld [tilespmem:s15+$0xFFFFFC20]  }
0xf3: {  	v18 =	vcvt.f32.s32 v18;
	v17 =	vmul.f32 v17, v0;
	v28 =	vld [tilespmem:s15+$0xFFFFFC60];
	v20 =	vsub.f32 v20, v1  }
0xf4: {  	v5 =	vcvt.f32.s32 v5;
	v10 =	vcvt.f32.s32 v10;
	v9 =	vmin.f32 v9, $6.300000000e+01;
	v29 =	vld [tilespmem:s15+$0x0]  }
0xf5: {  	v15 =	vsub.f32 v15, v1;
	v11 =	vsub.f32 v11, v1;
	v20 =	vmul.f32 v20, v0;
	v3 =	vld.idx.msk [tilespmem:v3+s4+$0x0], $0xffff  }
0xf6: {  	v8 =	vtrunc.f32 v8;
	v9 =	vtrunc.f32 v9;
	v17 =	vmax.f32 v17, $0.0e+00;
	v30 =	vld [tilespmem:s15+$0x50]  }
0xf7: {  	v8 =	vcvt.f32.s32 v8;
	v15 =	vmul.f32 v15, v0;
	v20 =	vmax.f32 v20, $0.0e+00;
	v22 =	vld.idx.msk [tilespmem:v22+s4+$0x0], $0xffff  }
0xf8: {  	v17 =	vmin.f32 v17, $6.300000000e+01;
	v27 =	vsub.f32 v27, v1;
	v20 =	vmin.f32 v20, $6.300000000e+01;
	v31 =	vld.idx.msk [tilespmem:v2+s4+$0x0], $0xffff  }
0xf9: {  	v15 =	vmax.f32 v15, $0.0e+00;
	v11 =	vmul.f32 v11, v0;
	v2 =	vtrunc.f32 v17;
	v17 =	vld.idx.msk [tilespmem:v18+s4+$0x0], $0xffff  }
0xfa: {  	v12 =	vsub.f32 v12, v1;
	v15 =	vmin.f32 v15, $6.300000000e+01;
	v18 =	vcvt.f32.s32 v9;
	v32 =	vld [tilespmem:s15+$0x40]  }
0xfb: {  	v9 =	vmax.f32 v11, $0.0e+00;
	v11 =	vtrunc.f32 v15;
	v15 =	vsub.f32 v23, v1;
	[tilespmem:s30+$0xFFFFFC10] =	vst v3;
	v23 =	vld.idx.msk [tilespmem:v5+s4+$0x0], $0xffff  }
0xfc: {  	v9 =	vmin.f32 v9, $6.300000000e+01;
	v3 =	vcvt.f32.s32 v11;
	v11 =	vsub.f32 v29, v1;
	v29 =	vld.idx.msk [tilespmem:v10+s4+$0x0], $0xffff  }
0xfd: {  	v33 =	vsub.f32 v14, v1;
	v5 =	vtrunc.f32 v20;
	v10 =	vsub.f32 v30, v1;
	[tilespmem:s30+$0xFFFFFC60] =	vst v22;
	v20 =	vld.idx.msk [tilespmem:v4+s4+$0x0], $0xffff  }
0xfe: {  	v12 =	vmul.f32 v12, v0;
	v14 =	vsub.f32 v21, v1;
	v4 =	vtrunc.f32 v9;
	v6 =	vld.idx.msk [tilespmem:v6+s4+$0x0], $0xffff  }
0xff: {  	v21 =	vmul.f32 v15, v0;
	v15 =	vmul.f32 v11, v0;
	v9 =	vsub.f32 v16, v1;
	v19 =	vld.idx.msk [tilespmem:v19+s4+$0x0], $0xffff  }
0x100: {  	v11 =	vsub.f32 v24, v1;
	v16 =	vmul.f32 v14, v0;
	v22 =	vcvt.f32.s32 v4;
	[tilespmem:s30+$0x50] =	vst v17;
	v24 =	vld.idx.msk [tilespmem:v18+s4+$0x0], $0xffff  }
0x101: {  	v12 =	vmax.f32 v12, $0.0e+00;
	v4 =	vmax.f32 v15, $0.0e+00;
	v18 =	vmul.f32 v10, v0;
	v14 =	vld.idx.msk [tilespmem:v26+s4+$0x0], $0xffff;
	[tilespmem:s30+$0x60] =	vst v23  }
0x102: {  	v10 =	vmul.f32 v27, v0;
	v17 =	vmul.f32 v33, v0;
	v4 =	vmin.f32 v4, $6.300000000e+01;
	[tilespmem:s30+$0xFFFFFC20] =	vst v29;
	v15 =	vld.idx.msk [tilespmem:v13+s4+$0x0], $0xffff  }
.Ltmp3:
0x103: {  	v21 =	vmax.f32 v21, $0.0e+00;
	v4 =	vtrunc.f32 v4;
	v13 =	vmin.f32 v12, $6.300000000e+01;
	v12 =	vld.idx.msk [tilespmem:v25+s4+$0x0], $0xffff;
	[tilespmem:s30+$0x10] =	vst v31;
	(pc) =	sbr.rel @p1 .LBB2_5-.Ltmp3, $4  }
0x104: {  	v23 =	vmax.f32 v17, $0.0e+00;
	v4 =	vcvt.f32.s32 v4;
	v25 =	vsub.f32 v32, v1;
	[tilespmem:s30+$0xFFFFFC70] =	vst v6;
	v17 =	vld.idx.msk [tilespmem:v7+s4+$0x0], $0xffff  }
0x105: {  	v23 =	vmin.f32 v23, $6.300000000e+01;
	v6 =	vmax.f32 v16, $0.0e+00;
	v7 =	vtrunc.f32 v13;
	v16 =	vld.idx.msk [tilespmem:v8+s4+$0x0], $0xffff;
	[tilespmem:s30+$0x0] =	vst v20  }
0x106: {  	v23 =	vtrunc.f32 v23;
	v20 =	vmul.f32 v25, v0;
	v13 =	vld.idx.msk [tilespmem:v22+s4+$0x0], $0xffff;
	v22 =	vsub.f32 v28, v1;
	[tilespmem:s30+$0x40] =	vst v19  }
0x107: {  	v8 =	vmin.f32 v21, $6.300000000e+01;
	v19 =	vmin.f32 v6, $6.300000000e+01;
	v6 =	vcvt.f32.s32 v23;
	v21 =	vld [tilespmem:s15+$0x70];
	s15 =	sadd.s32 $0x800, s15;
	[tilespmem:s30+$0x70] =	vst v24  }
0x108: {  	v22 =	vmul.f32 v22, v0  }
0x109: {  	v18 =	vmax.f32 v18, $0.0e+00;
	v10 =	vmax.f32 v10, $0.0e+00;
	v5 =	vcvt.f32.s32 v5  }
0x10a: {  	[tilespmem:s30+$0x30] =	vst v14;
	v9 =	vmul.f32 v9, v0;
	v14 =	vmax.f32 v20, $0.0e+00;
	v2 =	vcvt.f32.s32 v2  }
0x10b: {  	v11 =	vmul.f32 v11, v0;
	v8 =	vtrunc.f32 v8;
	v18 =	vmin.f32 v18, $6.300000000e+01  }
0x10c: {  	v10 =	vmin.f32 v10, $6.300000000e+01;
	v14 =	vmin.f32 v14, $6.300000000e+01;
	v8 =	vcvt.f32.s32 v8  }
0x10d: {  	v22 =	vmax.f32 v22, $0.0e+00;
	v18 =	vtrunc.f32 v18;
	v10 =	vtrunc.f32 v10  }
0x10e: {  	v3 =	vld.idx.msk [tilespmem:v3+s4+$0x0], $0xffff;
	v9 =	vmax.f32 v9, $0.0e+00;
	v14 =	vtrunc.f32 v14;
	v22 =	vmin.f32 v22, $6.300000000e+01  }
0x10f: {  	[tilespmem:s30+$0xFFFFFC50] =	vst v15;
	v4 =	vld.idx.msk [tilespmem:v4+s4+$0x0], $0xffff;
	v18 =	vcvt.f32.s32 v18;
	v10 =	vcvt.f32.s32 v10;
	v21 =	vsub.f32 v21, v1  }
0x110: {  	[tilespmem:s30+$0xFFFFFC40] =	vst v12;
	v9 =	vmin.f32 v9, $6.300000000e+01;
	v14 =	vcvt.f32.s32 v14;
	v22 =	vtrunc.f32 v22  }
0x111: {  	[tilespmem:s30+$0x20] =	vst v17;
	v6 =	vld.idx.msk [tilespmem:v6+s4+$0x0], $0xffff;
	v9 =	vtrunc.f32 v9;
	v21 =	vmul.f32 v21, v0  }
0x112: {  	[tilespmem:s30+$0xFFFFFC30] =	vst v16;
	v11 =	vmax.f32 v11, $0.0e+00;
	v22 =	vcvt.f32.s32 v22;
	v9 =	vcvt.f32.s32 v9;
	v5 =	vld.idx.msk [tilespmem:v5+s4+$0x0], $0xffff  }
0x113: {  	[tilespmem:s31+$0xFFFFFC10] =	vst v3;
	v3 =	vcvt.f32.s32 v7;
	v7 =	vmin.f32 v11, $6.300000000e+01;
	v2 =	vld.idx.msk [tilespmem:v2+s4+$0x0], $0xffff;
	v15 =	vmax.f32 v21, $0.0e+00  }
0x114: {  	[tilespmem:s31+$0x0] =	vst v4;
	v7 =	vtrunc.f32 v7;
	v4 =	vld.idx.msk [tilespmem:v8+s4+$0x0], $0xffff;
	v15 =	vmin.f32 v15, $6.300000000e+01  }
0x115: {  	[tilespmem:s31+$0xFFFFFC00] =	vst v13;
	v7 =	vcvt.f32.s32 v7;
	v16 =	vld.idx.msk [tilespmem:v18+s4+$0x0], $0xffff;
	v15 =	vtrunc.f32 v15  }
0x116: {  	[tilespmem:s31+$0xFFFFFC70] =	vst v6;
	v10 =	vld.idx.msk [tilespmem:v10+s4+$0x0], $0xffff;
	v12 =	vcvt.f32.s32 v15;
	v15 =	vtrunc.f32 v19  }
0x117: {  	v11 =	vld.idx.msk [tilespmem:v14+s4+$0x0], $0xffff;
	[tilespmem:s31+$0x60] =	vst v5;
	v13 =	vcvt.f32.s32 v15  }
0x118: {  	v17 =	vld.idx.msk [tilespmem:v22+s4+$0x0], $0xffff;
	[tilespmem:s31+$0x10] =	vst v2  }
0x119: {  	v9 =	vld.idx.msk [tilespmem:v9+s4+$0x0], $0xffff;
	[tilespmem:s31+$0xFFFFFC30] =	vst v4  }
0x11a: {  	v3 =	vld.idx.msk [tilespmem:v3+s4+$0x0], $0xffff;
	[tilespmem:s31+$0x50] =	vst v16  }
0x11b: {  	v6 =	vld.idx.msk [tilespmem:v7+s4+$0x0], $0xffff;
	[tilespmem:s31+$0xFFFFFC20] =	vst v10  }
0x11c: {  	[tilespmem:s31+$0x40] =	vst v11;
	v5 =	vld.idx.msk [tilespmem:v12+s4+$0x0], $0xffff  }
0x11d: {  	[tilespmem:s31+$0xFFFFFC60] =	vst v17;
	v2 =	vld.idx.msk [tilespmem:v13+s4+$0x0], $0xffff  }
0x11e: {  	[tilespmem:s31+$0x30] =	vst v9  }
0x11f: {  	[tilespmem:s31+$0x20] =	vst v3  }
0x120: {  	[tilespmem:s31+$0xFFFFFC40] =	vst v6  }
0x121: {  	[tilespmem:s31+$0x70] =	vst v5  }
0x122: {  	[tilespmem:s31+$0xFFFFFC50] =	vst v2  }
0x123: {  	v2 =	vld [tilespmem:s0+$0x10]  }
0x124: {  	v3 =	vld [tilespmem:s0+$0x60]  }
0x125: {  	v4 =	vld [tilespmem:s0+$0xFFFFFC10]  }
0x126: {  	v5 =	vld [tilespmem:s0+$0xFFFFFC00]  }
0x127: {  	v6 =	vld [tilespmem:s0+$0xFFFFFC20]  }
0x128: {  	v7 =	vld [tilespmem:s0+$0xFFFFFC30]  }
0x129: {  	v8 =	vld [tilespmem:s0+$0x20]  }
0x12a: {  	v9 =	vld [tilespmem:s0+$0xFFFFFC70]  }
0x12b: {  	v12 =	vld [tilespmem:s0+$0xFFFFFC50]  }
0x12c: {  	v11 =	vld [tilespmem:s0+$0x50];
	v2 =	vsub.f32 v2, v1;
	v3 =	vsub.f32 v3, v1  }
0x12d: {  	v4 =	vsub.f32 v4, v1;
	v5 =	vsub.f32 v5, v1  }
0x12e: {  	v6 =	vsub.f32 v6, v1;
	v8 =	vsub.f32 v8, v1  }
0x12f: {  	v7 =	vsub.f32 v7, v1;
	v17 =	vsub.f32 v9, v1  }
0x130: {  	v12 =	vsub.f32 v12, v1;
	v2 =	vmul.f32 v2, v0;
	v3 =	vmul.f32 v3, v0  }
0x131: {  	v9 =	vsub.f32 v11, v1;
	v4 =	vmul.f32 v4, v0;
	v8 =	vmul.f32 v8, v0  }
0x132: {  	v10 =	vld [tilespmem:s0+$0x0];
	v7 =	vmul.f32 v7, v0;
	v12 =	vmul.f32 v12, v0;
	v2 =	vmax.f32 v2, $0.0e+00  }
0x133: {  	v3 =	vmax.f32 v3, $0.0e+00;
	v4 =	vmax.f32 v4, $0.0e+00;
	v8 =	vmax.f32 v8, $0.0e+00  }
0x134: {  	v14 =	vld [tilespmem:s0+$0x30];
	v13 =	vmin.f32 v3, $6.300000000e+01;
	v3 =	vmul.f32 v5, v0;
	v4 =	vmin.f32 v4, $6.300000000e+01  }
0x135: {  	v15 =	vld [tilespmem:s0+$0xFFFFFC40];
	v7 =	vmax.f32 v7, $0.0e+00;
	v4 =	vtrunc.f32 v4;
	v5 =	vtrunc.f32 v13  }
0x136: {  	v13 =	vmul.f32 v9, v0;
	v9 =	vmul.f32 v6, v0;
	v3 =	vmax.f32 v3, $0.0e+00  }
0x137: {  	v16 =	vmin.f32 v3, $6.300000000e+01;
	v3 =	vcvt.f32.s32 v4;
	v4 =	vsub.f32 v10, v1  }
0x138: {  	v2 =	vmin.f32 v2, $6.300000000e+01;
	v6 =	vmul.f32 v17, v0;
	v11 =	vtrunc.f32 v16;
	v16 =	vld [tilespmem:s0+$0x40]  }
0x139: {  	v10 =	vsub.f32 v14, v1;
	v4 =	vmul.f32 v4, v0;
	v14 =	vcvt.f32.s32 v11  }
0x13a: {  	p2 =	por $0x1, $0x1;
	v8 =	vmin.f32 v8, $6.300000000e+01;
	v2 =	vtrunc.f32 v2;
	v11 =	vsub.f32 v15, v1;
	v15 =	vld [tilespmem:s0+$0xFFFFFC60]  }
.Ltmp4:
0x13b: {  	v17 =	vmax.f32 v12, $0.0e+00;
	v6 =	vmax.f32 v6, $0.0e+00;
	v4 =	vmax.f32 v4, $0.0e+00;
	(pc) =	sbr.rel @!p2 .LBB2_7-.Ltmp4, $4  }
0x13c: {  	v12 =	vtrunc.f32 v8;
	v6 =	vmin.f32 v6, $6.300000000e+01;
	v4 =	vmin.f32 v4, $6.300000000e+01  }
0x13d: {  	v6 =	vtrunc.f32 v6;
	v4 =	vtrunc.f32 v4;
	v16 =	vsub.f32 v16, v1  }
0x13e: {  	v21 =	vld [tilespmem:s0+$0x70];
	v7 =	vmin.f32 v7, $6.300000000e+01;
	v6 =	vcvt.f32.s32 v6;
	v4 =	vcvt.f32.s32 v4  }
0x13f: {  	s2 =	simm.s32 $0xE80;
	p1 =	por $0x0, $0x0;
	s30 =	simm.s32 $0x700;
	v22 =	vsub.f32 v15, v1;
	v15 =	vmin.f32 v17, $6.300000000e+01;
	v8 =	vld.idx.msk [tilespmem:v14+s4+$0x0], $0xffff;
	v20 =	vmul.f32 v16, v0  }
0x140: {  	v12 =	vcvt.f32.s32 v12;
	v11 =	vmul.f32 v11, v0  }
0x141: {  	v14 =	vld [tilespmem:s2+$0xFFFFFC30];
	v10 =	vmul.f32 v10, v0;
	v15 =	vtrunc.f32 v15  }
0x142: {  	v13 =	vmax.f32 v13, $0.0e+00;
	v17 =	vld [tilespmem:s2+$0xFFFFFC70];
	v2 =	vcvt.f32.s32 v2;
	v5 =	vcvt.f32.s32 v5  }
0x143: {  	v18 =	vld [tilespmem:s2+$0xFFFFFC10];
	v9 =	vmax.f32 v9, $0.0e+00;
	v7 =	vtrunc.f32 v7;
	v16 =	vmul.f32 v22, v0  }
0x144: {  	v23 =	vld [tilespmem:s2+$0x20];
	v13 =	vmin.f32 v13, $6.300000000e+01;
	v19 =	vmax.f32 v20, $0.0e+00;
	v15 =	vcvt.f32.s32 v15  }
0x145: {  	v24 =	vld [tilespmem:s2+$0x60];
	v9 =	vmin.f32 v9, $6.300000000e+01;
	v7 =	vcvt.f32.s32 v7;
	v13 =	vtrunc.f32 v13  }
0x146: {  	v25 =	vld [tilespmem:s2+$0xFFFFFC40];
	v11 =	vmax.f32 v11, $0.0e+00;
	v19 =	vmin.f32 v19, $6.300000000e+01;
	v10 =	vmax.f32 v10, $0.0e+00  }
0x147: {  	v28 =	vld [tilespmem:s2+$0xFFFFFC20];
	v9 =	vtrunc.f32 v9;
	v16 =	vmax.f32 v16, $0.0e+00;
	v11 =	vmin.f32 v11, $6.300000000e+01  }
0x148: {  	v20 =	vld [tilespmem:s2+$0x10];
	v19 =	vtrunc.f32 v19;
	v10 =	vmin.f32 v10, $6.300000000e+01;
	v13 =	vcvt.f32.s32 v13  }
0x149: {  	v29 =	vld [tilespmem:s2+$0xFFFFFC60];
	v9 =	vcvt.f32.s32 v9;
	v16 =	vmin.f32 v16, $6.300000000e+01;
	v11 =	vtrunc.f32 v11  }
0x14a: {  	v30 =	vld [tilespmem:s2+$0x0];
	v21 =	vsub.f32 v21, v1;
	v10 =	vtrunc.f32 v10;
	v16 =	vtrunc.f32 v16  }
0x14b: {  	v26 =	vcvt.f32.s32 v11;
	v11 =	vld [tilespmem:s2+$0xFFFFFC00];
	v27 =	vcvt.f32.s32 v10  }
0x14c: {  	v31 =	vld.idx.msk [tilespmem:v3+s4+$0x0], $0xffff;
	v10 =	vmul.f32 v21, v0;
	v24 =	vsub.f32 v24, v1;
	v16 =	vcvt.f32.s32 v16  }
0x14d: {  	v6 =	vld.idx.msk [tilespmem:v6+s4+$0x0], $0xffff;
	v19 =	vcvt.f32.s32 v19;
	v18 =	vsub.f32 v18, v1;
	v20 =	vsub.f32 v20, v1  }
0x14e: {  	v22 =	vld [tilespmem:s2+$0x30];
	v28 =	vsub.f32 v28, v1;
	v10 =	vmax.f32 v10, $0.0e+00;
	v24 =	vmul.f32 v24, v0  }
0x14f: {  	v21 =	vld [tilespmem:s2+$0xFFFFFC50];
	v18 =	vmul.f32 v18, v0;
	v20 =	vmul.f32 v20, v0;
	v10 =	vmin.f32 v10, $6.300000000e+01  }
0x150: {  	v17 =	vsub.f32 v17, v1;
	v32 =	vld.idx.msk [tilespmem:v2+s4+$0x0], $0xffff;
	v10 =	vtrunc.f32 v10;
	v11 =	vsub.f32 v11, v1  }
0x151: {  	v24 =	vmax.f32 v24, $0.0e+00;
	v18 =	vmax.f32 v18, $0.0e+00;
	v3 =	vmax.f32 v20, $0.0e+00;
	v20 =	vld [tilespmem:s2+$0x50]  }
0x152: {  	v24 =	vmin.f32 v24, $6.300000000e+01;
	v3 =	vmin.f32 v3, $6.300000000e+01;
	v16 =	vld.idx.msk [tilespmem:v16+s4+$0x0], $0xffff;
	v11 =	vmul.f32 v11, v0  }
0x153: {  	v13 =	vld.idx.msk [tilespmem:v13+s4+$0x0], $0xffff;
	v33 =	vcvt.f32.s32 v10;
	v2 =	vtrunc.f32 v3;
	v3 =	vmin.f32 v18, $6.300000000e+01  }
0x154: {  	v18 =	vsub.f32 v23, v1;
	v23 =	vld [tilespmem:s2+$0x40];
	v3 =	vtrunc.f32 v3;
	v10 =	vmax.f32 v11, $0.0e+00  }
0x155: {  	[tilespmem:s29+$0xFFFFFC00] =	vst v8;
	v11 =	vsub.f32 v14, v1;
	v14 =	vld.idx.msk [tilespmem:v5+s4+$0x0], $0xffff;
	v3 =	vcvt.f32.s32 v3;
	v5 =	vtrunc.f32 v24  }
0x156: {  	[tilespmem:s29+$0xFFFFFC10] =	vst v31;
	v61 =	vld.idx.msk [tilespmem:v9+s4+$0x0], $0xffff;
	v8 =	vmin.f32 v10, $6.300000000e+01;
	v10 =	vsub.f32 v30, v1;
	v9 =	vsub.f32 v20, v1  }
0x157: {  	v20 =	vld.idx.msk [tilespmem:v4+s4+$0x0], $0xffff;
	v4 =	vtrunc.f32 v8;
	v8 =	vsub.f32 v21, v1;
	[tilespmem:s29+$0xFFFFFC60] =	vst v16;
	v16 =	vmul.f32 v18, v0  }
0x158: {  	v62 =	vld.idx.msk [tilespmem:v19+s4+$0x0], $0xffff;
	v18 =	vmul.f32 v11, v0;
	v21 =	vmul.f32 v10, v0;
	v10 =	vsub.f32 v22, v1  }
0x159: {  	[tilespmem:s29+$0x50] =	vst v13;
	v63 =	vld.idx.msk [tilespmem:v33+s4+$0x0], $0xffff;
	v22 =	vcvt.f32.s32 v4;
	v11 =	vsub.f32 v25, v1;
	v13 =	vmul.f32 v9, v0  }
0x15a: {  	[tilespmem:s29+$0xFFFFFC70] =	vst v6;
	v9 =	vmul.f32 v28, v0;
	v23 =	vsub.f32 v23, v1;
	v19 =	vmax.f32 v16, $0.0e+00;
	v16 =	vld.idx.msk [tilespmem:v27+s4+$0x0], $0xffff  }
0x15b: {  	p4 =	por $0x1, $0x1;
	[tilespmem:s29+$0x10] =	vst v32;
	v8 =	vmul.f32 v8, v0;
	v4 =	vmax.f32 v21, $0.0e+00;
	v21 =	vmul.f32 v17, v0;
	v17 =	vld.idx.msk [tilespmem:v15+s4+$0x0], $0xffff  }
.Ltmp5:
0x15c: {  	[tilespmem:s29+$0x60] =	vst v14;
	v15 =	vmax.f32 v18, $0.0e+00;
	v14 =	vld.idx.msk [tilespmem:v26+s4+$0x0], $0xffff;
	v4 =	vmin.f32 v4, $6.300000000e+01;
	v18 =	vmin.f32 v19, $6.300000000e+01;
	(pc) =	sbr.rel @!p4 .LBB2_9-.Ltmp5, $4  }
0x15d: {  	v19 =	vld.idx.msk [tilespmem:v12+s4+$0x0], $0xffff;
	v6 =	vmax.f32 v8, $0.0e+00;
	[tilespmem:s29+$0x0] =	vst v20;
	v20 =	vmul.f32 v23, v0;
	v21 =	vmax.f32 v21, $0.0e+00  }
0x15e: {  	[tilespmem:s29+$0xFFFFFC20] =	vst v61;
	v4 =	vtrunc.f32 v4;
	v12 =	vtrunc.f32 v18;
	v18 =	vld.idx.msk [tilespmem:v7+s4+$0x0], $0xffff;
	v21 =	vmin.f32 v21, $6.300000000e+01  }
0x15f: {  	s3 =	simm.s32 $0x10;
	s0 =	simm.s32 $0x8E80;
	[tilespmem:s29+$0x40] =	vst v62;
	v7 =	vmin.f32 v15, $6.300000000e+01;
	v8 =	vld.idx.msk [tilespmem:v22+s4+$0x0], $0xffff;
	v22 =	vsub.f32 v29, v1;
	v21 =	vtrunc.f32 v21  }
0x160: {  	p3 =	por $0x1, $0x1;
	s15 =	simm.s32 $0x8E80;
	v15 =	vmin.f32 v6, $6.300000000e+01;
	[tilespmem:s29+$0x70] =	vst v63;
	v4 =	vcvt.f32.s32 v4;
	v6 =	vcvt.f32.s32 v21;
	v21 =	vld [tilespmem:s2+$0x70];
	s2 =	simm.s32 $0x1680  }
.LBB2_10:
0x161: {  	v23 =	vld [tilespmem:s2+$0xFFFFFC30];
	s3 =	sadd.s32 $0x10, s3;
	v22 =	vmul.f32 v22, v0;
	v12 =	vcvt.f32.s32 v12;
	v13 =	vmax.f32 v13, $0.0e+00;
	s15 =	sadd.s32 $0x800, s15;
	[tilespmem:s29+$0x30] =	vst v16  }
0x162: {  	v11 =	vmul.f32 v11, v0;
	v10 =	vmul.f32 v10, v0;
	v16 =	vld [tilespmem:s2+$0xFFFFFC70];
	p4 =	slt.u32 s3, $0x70;
	v13 =	vmin.f32 v13, $6.300000000e+01;
	[tilespmem:s29+$0xFFFFFC50] =	vst v17  }
0x163: {  	v20 =	vmax.f32 v20, $0.0e+00;
	v17 =	vld [tilespmem:s2+$0xFFFFFC10];
	v22 =	vmax.f32 v22, $0.0e+00;
	v13 =	vtrunc.f32 v13;
	[tilespmem:s29+$0x20] =	vst v19  }
0x164: {  	v20 =	vmin.f32 v20, $6.300000000e+01;
	v11 =	vmax.f32 v11, $0.0e+00;
	v19 =	vld [tilespmem:s2+$0x10];
	v22 =	vmin.f32 v22, $6.300000000e+01;
	[tilespmem:s29+$0xFFFFFC30] =	vst v18  }
0x165: {  	v15 =	vtrunc.f32 v15;
	v11 =	vmin.f32 v11, $6.300000000e+01;
	v18 =	vld [tilespmem:s2+$0x30];
	v21 =	vsub.f32 v21, v1;
	[tilespmem:s29+$0xFFFFFC40] =	vst v14;
	s29 =	smov.u32 s0;
	s0 =	smov.u32 s15  }
0x166: {  	v10 =	vmax.f32 v10, $0.0e+00;
	v14 =	vld [tilespmem:s2+$0x20];
	[tilespmem:s29+$0xFFFFFC00] =	vst v8;
	v8 =	vcvt.f32.s32 v15;
	v15 =	vtrunc.f32 v20  }
0x167: {  	v10 =	vmin.f32 v10, $6.300000000e+01;
	v11 =	vtrunc.f32 v11;
	v22 =	vtrunc.f32 v22;
	v20 =	vld [tilespmem:s2+$0x60]  }
0x168: {  	v9 =	vmax.f32 v9, $0.0e+00;
	v10 =	vtrunc.f32 v10;
	v25 =	vcvt.f32.s32 v11;
	v24 =	vld [tilespmem:s2+$0xFFFFFC40]  }
0x169: {  	v9 =	vmin.f32 v9, $6.300000000e+01;
	v26 =	vcvt.f32.s32 v10;
	v10 =	vmul.f32 v21, v0;
	v11 =	vld [tilespmem:s2+$0xFFFFFC00]  }
0x16a: {  	v22 =	vcvt.f32.s32 v22;
	v15 =	vcvt.f32.s32 v15;
	v19 =	vsub.f32 v19, v1;
	v21 =	vld [tilespmem:s2+$0xFFFFFC50]  }
0x16b: {  	v2 =	vcvt.f32.s32 v2;
	v9 =	vtrunc.f32 v9;
	v10 =	vmax.f32 v10, $0.0e+00;
	v27 =	vld [tilespmem:s2+$0xFFFFFC20]  }
0x16c: {  	v13 =	vcvt.f32.s32 v13;
	v19 =	vmul.f32 v19, v0;
	v28 =	vld [tilespmem:s2+$0xFFFFFC60];
	v20 =	vsub.f32 v20, v1  }
0x16d: {  	v5 =	vcvt.f32.s32 v5;
	v9 =	vcvt.f32.s32 v9;
	v10 =	vmin.f32 v10, $6.300000000e+01;
	v29 =	vld [tilespmem:s2+$0x0]  }
0x16e: {  	v17 =	vsub.f32 v17, v1;
	v11 =	vsub.f32 v11, v1;
	v20 =	vmul.f32 v20, v0;
	v3 =	vld.idx.msk [tilespmem:v3+s4+$0x0], $0xffff  }
0x16f: {  	v7 =	vtrunc.f32 v7;
	v10 =	vtrunc.f32 v10;
	v19 =	vmax.f32 v19, $0.0e+00;
	v30 =	vld [tilespmem:s2+$0x50]  }
0x170: {  	v7 =	vcvt.f32.s32 v7;
	v17 =	vmul.f32 v17, v0;
	v20 =	vmax.f32 v20, $0.0e+00;
	v22 =	vld.idx.msk [tilespmem:v22+s4+$0x0], $0xffff  }
0x171: {  	v19 =	vmin.f32 v19, $6.300000000e+01;
	v27 =	vsub.f32 v27, v1;
	v20 =	vmin.f32 v20, $6.300000000e+01;
	v31 =	vld.idx.msk [tilespmem:v2+s4+$0x0], $0xffff  }
0x172: {  	v17 =	vmax.f32 v17, $0.0e+00;
	v11 =	vmul.f32 v11, v0;
	v2 =	vtrunc.f32 v19;
	v13 =	vld.idx.msk [tilespmem:v13+s4+$0x0], $0xffff  }
0x173: {  	v14 =	vsub.f32 v14, v1;
	v32 =	vcvt.f32.s32 v10;
	v17 =	vmin.f32 v17, $6.300000000e+01;
	v19 =	vld [tilespmem:s2+$0x40]  }
0x174: {  	v10 =	vmax.f32 v11, $0.0e+00;
	v11 =	vtrunc.f32 v17;
	v17 =	vsub.f32 v23, v1;
	[tilespmem:s29+$0xFFFFFC10] =	vst v3;
	v23 =	vld.idx.msk [tilespmem:v5+s4+$0x0], $0xffff  }
0x175: {  	v10 =	vmin.f32 v10, $6.300000000e+01;
	v3 =	vcvt.f32.s32 v11;
	v11 =	vsub.f32 v29, v1;
	v29 =	vld.idx.msk [tilespmem:v9+s4+$0x0], $0xffff  }
0x176: {  	v33 =	vsub.f32 v16, v1;
	v5 =	vtrunc.f32 v20;
	v9 =	vsub.f32 v30, v1;
	[tilespmem:s29+$0xFFFFFC60] =	vst v22;
	v20 =	vld.idx.msk [tilespmem:v4+s4+$0x0], $0xffff  }
0x177: {  	v14 =	vmul.f32 v14, v0;
	v16 =	vsub.f32 v21, v1;
	v4 =	vtrunc.f32 v10;
	v6 =	vld.idx.msk [tilespmem:v6+s4+$0x0], $0xffff  }
0x178: {  	v21 =	vmul.f32 v17, v0;
	v17 =	vmul.f32 v11, v0;
	v10 =	vsub.f32 v18, v1;
	v15 =	vld.idx.msk [tilespmem:v15+s4+$0x0], $0xffff  }
0x179: {  	v11 =	vsub.f32 v24, v1;
	v18 =	vmul.f32 v16, v0;
	v22 =	vcvt.f32.s32 v4;
	[tilespmem:s29+$0x50] =	vst v13;
	v24 =	vld.idx.msk [tilespmem:v32+s4+$0x0], $0xffff  }
0x17a: {  	v14 =	vmax.f32 v14, $0.0e+00;
	v4 =	vmax.f32 v17, $0.0e+00;
	v13 =	vmul.f32 v9, v0;
	v16 =	vld.idx.msk [tilespmem:v26+s4+$0x0], $0xffff;
	[tilespmem:s29+$0x60] =	vst v23  }
0x17b: {  	v9 =	vmul.f32 v27, v0;
	v4 =	vmin.f32 v4, $6.300000000e+01;
	v23 =	vmul.f32 v33, v0;
	[tilespmem:s29+$0xFFFFFC20] =	vst v29;
	v17 =	vld.idx.msk [tilespmem:v8+s4+$0x0], $0xffff  }
.Ltmp6:
0x17c: {  	v21 =	vmax.f32 v21, $0.0e+00;
	v4 =	vtrunc.f32 v4;
	v8 =	vmin.f32 v14, $6.300000000e+01;
	v14 =	vld.idx.msk [tilespmem:v25+s4+$0x0], $0xffff;
	[tilespmem:s29+$0x10] =	vst v31;
	(pc) =	sbr.rel @p4 .LBB2_10-.Ltmp6, $4  }
0x17d: {  	v4 =	vcvt.f32.s32 v4;
	v23 =	vmax.f32 v23, $0.0e+00;
	v25 =	vsub.f32 v19, v1;
	[tilespmem:s29+$0xFFFFFC70] =	vst v6;
	v19 =	vld.idx.msk [tilespmem:v12+s4+$0x0], $0xffff  }
0x17e: {  	v6 =	vmax.f32 v18, $0.0e+00;
	v23 =	vmin.f32 v23, $6.300000000e+01;
	v12 =	vtrunc.f32 v8;
	v18 =	vld.idx.msk [tilespmem:v7+s4+$0x0], $0xffff;
	[tilespmem:s29+$0x0] =	vst v20  }
0x17f: {  	v23 =	vtrunc.f32 v23;
	v20 =	vmul.f32 v25, v0;
	v8 =	vld.idx.msk [tilespmem:v22+s4+$0x0], $0xffff;
	v22 =	vsub.f32 v28, v1;
	[tilespmem:s29+$0x40] =	vst v15  }
0x180: {  	v7 =	vmin.f32 v21, $6.300000000e+01;
	v15 =	vmin.f32 v6, $6.300000000e+01;
	v6 =	vcvt.f32.s32 v23;
	v21 =	vld [tilespmem:s2+$0x70];
	s2 =	sadd.s32 $0x800, s2;
	[tilespmem:s29+$0x70] =	vst v24  }
0x181: {  	s2 =	smov.u32 s29;
	s29 =	smov.u32 s0  }
.LBB2_12:
0x182: {  	v22 =	vmul.f32 v22, v0;
	v13 =	vmax.f32 v13, $0.0e+00;
	v5 =	vcvt.f32.s32 v5  }
0x183: {  	v9 =	vmax.f32 v9, $0.0e+00;
	v10 =	vmul.f32 v10, v0;
	v2 =	vcvt.f32.s32 v2  }
0x184: {  	[tilespmem:s2+$0x30] =	vst @p3 v16;
	v16 =	vmax.f32 v20, $0.0e+00;
	v11 =	vmul.f32 v11, v0;
	v7 =	vtrunc.f32 v7  }
0x185: {  	v13 =	vmin.f32 v13, $6.300000000e+01;
	v9 =	vmin.f32 v9, $6.300000000e+01;
	v16 =	vmin.f32 v16, $6.300000000e+01  }
0x186: {  	v7 =	vcvt.f32.s32 v7;
	v22 =	vmax.f32 v22, $0.0e+00;
	v13 =	vtrunc.f32 v13  }
0x187: {  	v9 =	vtrunc.f32 v9;
	v10 =	vmax.f32 v10, $0.0e+00;
	v16 =	vtrunc.f32 v16  }
0x188: {  	[tilespmem:s2+$0xFFFFFC50] =	vst @p3 v17;
	v4 =	vld.idx.msk [tilespmem:v4+s4+$0x0], $0xffff;
	v22 =	vmin.f32 v22, $6.300000000e+01;
	v21 =	vsub.f32 v21, v1;
	v13 =	vcvt.f32.s32 v13  }
0x189: {  	v3 =	vld.idx.msk [tilespmem:v3+s4+$0x0], $0xffff;
	[tilespmem:s2+$0x20] =	vst @p3 v19;
	v9 =	vcvt.f32.s32 v9;
	v10 =	vmin.f32 v10, $6.300000000e+01;
	v16 =	vcvt.f32.s32 v16  }
0x18a: {  	[tilespmem:s2+$0xFFFFFC40] =	vst @p3 v14;
	v6 =	vld.idx.msk [tilespmem:v6+s4+$0x0], $0xffff;
	v22 =	vtrunc.f32 v22;
	v10 =	vtrunc.f32 v10  }
0x18b: {  	[tilespmem:s2+$0xFFFFFC30] =	vst @p3 v18;
	v22 =	vcvt.f32.s32 v22;
	v21 =	vmul.f32 v21, v0;
	v5 =	vld.idx.msk [tilespmem:v5+s4+$0x0], $0xffff  }
0x18c: {  	v15 =	vtrunc.f32 v15;
	[tilespmem:s29+$0xFFFFFC00] =	vst v8;
	v8 =	vcvt.f32.s32 v10;
	v10 =	vmax.f32 v11, $0.0e+00;
	v2 =	vld.idx.msk [tilespmem:v2+s4+$0x0], $0xffff  }
0x18d: {  	v11 =	vcvt.f32.s32 v15;
	[tilespmem:s29+$0x0] =	vst v4;
	v10 =	vmin.f32 v10, $6.300000000e+01;
	v17 =	vmax.f32 v21, $0.0e+00;
	v4 =	vld.idx.msk [tilespmem:v7+s4+$0x0], $0xffff  }
0x18e: {  	[tilespmem:s29+$0xFFFFFC10] =	vst v3;
	v3 =	vcvt.f32.s32 v12;
	v10 =	vtrunc.f32 v10;
	v17 =	vmin.f32 v17, $6.300000000e+01;
	v13 =	vld.idx.msk [tilespmem:v13+s4+$0x0], $0xffff  }
0x18f: {  	[tilespmem:s29+$0xFFFFFC70] =	vst v6;
	v10 =	vcvt.f32.s32 v10;
	v17 =	vtrunc.f32 v17;
	v9 =	vld.idx.msk [tilespmem:v9+s4+$0x0], $0xffff  }
0x190: {  	v12 =	vld.idx.msk [tilespmem:v16+s4+$0x0], $0xffff;
	v14 =	vcvt.f32.s32 v17;
	[tilespmem:s29+$0x60] =	vst v5  }
0x191: {  	v19 =	vld.idx.msk [tilespmem:v22+s4+$0x0], $0xffff;
	[tilespmem:s29+$0x10] =	vst v2  }
0x192: {  	v8 =	vld.idx.msk [tilespmem:v8+s4+$0x0], $0xffff;
	[tilespmem:s29+$0xFFFFFC30] =	vst v4  }
0x193: {  	v2 =	vld.idx.msk [tilespmem:v11+s4+$0x0], $0xffff;
	[tilespmem:s29+$0x50] =	vst v13  }
0x194: {  	v3 =	vld.idx.msk [tilespmem:v3+s4+$0x0], $0xffff;
	[tilespmem:s29+$0xFFFFFC20] =	vst v9  }
0x195: {  	[tilespmem:s29+$0x40] =	vst v12;
	v6 =	vld.idx.msk [tilespmem:v10+s4+$0x0], $0xffff  }
0x196: {  	[tilespmem:s29+$0xFFFFFC60] =	vst v19;
	v5 =	vld.idx.msk [tilespmem:v14+s4+$0x0], $0xffff  }
0x197: {  	[tilespmem:s29+$0x30] =	vst v8  }
0x198: {  	[tilespmem:s29+$0xFFFFFC50] =	vst v2  }
0x199: {  	[tilespmem:s29+$0x20] =	vst v3  }
0x19a: {  	[tilespmem:s29+$0xFFFFFC40] =	vst v6  }
0x19b: {  	[tilespmem:s29+$0x70] =	vst v5  }
0x19c: {  	v2 =	vld [tilespmem:s30+$0x10]  }
0x19d: {  	v3 =	vld [tilespmem:s30+$0x60]  }
0x19e: {  	v4 =	vld [tilespmem:s30+$0xFFFFFC10]  }
0x19f: {  	v5 =	vld [tilespmem:s30+$0xFFFFFC00]  }
0x1a0: {  	v6 =	vld [tilespmem:s30+$0xFFFFFC20]  }
0x1a1: {  	v7 =	vld [tilespmem:s30+$0xFFFFFC30]  }
0x1a2: {  	v8 =	vld [tilespmem:s30+$0x20]  }
0x1a3: {  	v9 =	vld [tilespmem:s30+$0xFFFFFC70]  }
0x1a4: {  	v12 =	vld [tilespmem:s30+$0xFFFFFC50]  }
0x1a5: {  	v11 =	vld [tilespmem:s30+$0x50];
	v2 =	vsub.f32 v2, v1;
	v3 =	vsub.f32 v3, v1  }
0x1a6: {  	v4 =	vsub.f32 v4, v1;
	v5 =	vsub.f32 v5, v1  }
0x1a7: {  	v6 =	vsub.f32 v6, v1;
	v8 =	vsub.f32 v8, v1  }
0x1a8: {  	v7 =	vsub.f32 v7, v1;
	v17 =	vsub.f32 v9, v1  }
0x1a9: {  	v12 =	vsub.f32 v12, v1;
	v2 =	vmul.f32 v2, v0;
	v3 =	vmul.f32 v3, v0  }
0x1aa: {  	v9 =	vsub.f32 v11, v1;
	v4 =	vmul.f32 v4, v0;
	v8 =	vmul.f32 v8, v0  }
0x1ab: {  	v10 =	vld [tilespmem:s30+$0x0];
	v7 =	vmul.f32 v7, v0;
	v12 =	vmul.f32 v12, v0;
	v2 =	vmax.f32 v2, $0.0e+00  }
0x1ac: {  	v3 =	vmax.f32 v3, $0.0e+00;
	v4 =	vmax.f32 v4, $0.0e+00;
	v8 =	vmax.f32 v8, $0.0e+00  }
0x1ad: {  	v14 =	vld [tilespmem:s30+$0x30];
	v13 =	vmin.f32 v3, $6.300000000e+01;
	v3 =	vmul.f32 v5, v0;
	v4 =	vmin.f32 v4, $6.300000000e+01  }
0x1ae: {  	v15 =	vld [tilespmem:s30+$0xFFFFFC40];
	v7 =	vmax.f32 v7, $0.0e+00;
	v4 =	vtrunc.f32 v4;
	v5 =	vtrunc.f32 v13  }
0x1af: {  	v13 =	vmul.f32 v9, v0;
	v9 =	vmul.f32 v6, v0;
	v3 =	vmax.f32 v3, $0.0e+00  }
0x1b0: {  	v16 =	vmin.f32 v3, $6.300000000e+01;
	v3 =	vcvt.f32.s32 v4;
	v4 =	vsub.f32 v10, v1  }
0x1b1: {  	v2 =	vmin.f32 v2, $6.300000000e+01;
	v6 =	vmul.f32 v17, v0;
	v11 =	vtrunc.f32 v16;
	v16 =	vld [tilespmem:s30+$0x40]  }
0x1b2: {  	v10 =	vsub.f32 v14, v1;
	v4 =	vmul.f32 v4, v0;
	v14 =	vcvt.f32.s32 v11  }
0x1b3: {  	v8 =	vmin.f32 v8, $6.300000000e+01;
	v2 =	vtrunc.f32 v2;
	v11 =	vsub.f32 v15, v1;
	v15 =	vld [tilespmem:s30+$0xFFFFFC60]  }
.Ltmp7:
0x1b4: {  	v17 =	vmax.f32 v12, $0.0e+00;
	v6 =	vmax.f32 v6, $0.0e+00;
	v4 =	vmax.f32 v4, $0.0e+00;
	(pc) =	sbr.rel @!p2 .LBB2_13-.Ltmp7, $4  }
0x1b5: {  	v12 =	vtrunc.f32 v8;
	v6 =	vmin.f32 v6, $6.300000000e+01;
	v4 =	vmin.f32 v4, $6.300000000e+01  }
0x1b6: {  	v6 =	vtrunc.f32 v6;
	v4 =	vtrunc.f32 v4;
	v16 =	vsub.f32 v16, v1  }
0x1b7: {  	s31 =	simm.s32 $0x8700;
	v21 =	vld [tilespmem:s30+$0x70];
	v7 =	vmin.f32 v7, $6.300000000e+01;
	v6 =	vcvt.f32.s32 v6;
	v4 =	vcvt.f32.s32 v4  }
0x1b8: {  	s2 =	sadd.s32 $0x800, s30;
	s29 =	simm.s32 $0x8780;
	s30 =	simm.s32 $0x780;
	v22 =	vsub.f32 v15, v1;
	v15 =	vmin.f32 v17, $6.300000000e+01;
	v8 =	vld.idx.msk [tilespmem:v14+s4+$0x0], $0xffff;
	v20 =	vmul.f32 v16, v0  }
0x1b9: {  	v12 =	vcvt.f32.s32 v12;
	v11 =	vmul.f32 v11, v0  }
0x1ba: {  	v14 =	vld [tilespmem:s2+$0xFFFFFC30];
	v10 =	vmul.f32 v10, v0;
	v15 =	vtrunc.f32 v15  }
0x1bb: {  	v13 =	vmax.f32 v13, $0.0e+00;
	v17 =	vld [tilespmem:s2+$0xFFFFFC70];
	v2 =	vcvt.f32.s32 v2;
	v5 =	vcvt.f32.s32 v5  }
0x1bc: {  	v18 =	vld [tilespmem:s2+$0xFFFFFC10];
	v9 =	vmax.f32 v9, $0.0e+00;
	v7 =	vtrunc.f32 v7;
	v16 =	vmul.f32 v22, v0  }
0x1bd: {  	v23 =	vld [tilespmem:s2+$0x20];
	v13 =	vmin.f32 v13, $6.300000000e+01;
	v19 =	vmax.f32 v20, $0.0e+00;
	v15 =	vcvt.f32.s32 v15  }
0x1be: {  	v24 =	vld [tilespmem:s2+$0x60];
	v9 =	vmin.f32 v9, $6.300000000e+01;
	v7 =	vcvt.f32.s32 v7;
	v13 =	vtrunc.f32 v13  }
0x1bf: {  	v25 =	vld [tilespmem:s2+$0xFFFFFC40];
	v11 =	vmax.f32 v11, $0.0e+00;
	v19 =	vmin.f32 v19, $6.300000000e+01;
	v10 =	vmax.f32 v10, $0.0e+00  }
0x1c0: {  	v28 =	vld [tilespmem:s2+$0xFFFFFC20];
	v9 =	vtrunc.f32 v9;
	v16 =	vmax.f32 v16, $0.0e+00;
	v11 =	vmin.f32 v11, $6.300000000e+01  }
0x1c1: {  	v20 =	vld [tilespmem:s2+$0x10];
	v19 =	vtrunc.f32 v19;
	v10 =	vmin.f32 v10, $6.300000000e+01;
	v13 =	vcvt.f32.s32 v13  }
0x1c2: {  	v29 =	vld [tilespmem:s2+$0xFFFFFC60];
	v9 =	vcvt.f32.s32 v9;
	v16 =	vmin.f32 v16, $6.300000000e+01;
	v11 =	vtrunc.f32 v11  }
0x1c3: {  	v30 =	vld [tilespmem:s2+$0x0];
	v21 =	vsub.f32 v21, v1;
	v10 =	vtrunc.f32 v10;
	v16 =	vtrunc.f32 v16  }
0x1c4: {  	v26 =	vcvt.f32.s32 v11;
	v11 =	vld [tilespmem:s2+$0xFFFFFC00];
	v27 =	vcvt.f32.s32 v10  }
0x1c5: {  	v31 =	vld.idx.msk [tilespmem:v3+s4+$0x0], $0xffff;
	v10 =	vmul.f32 v21, v0;
	v24 =	vsub.f32 v24, v1;
	v16 =	vcvt.f32.s32 v16  }
0x1c6: {  	v6 =	vld.idx.msk [tilespmem:v6+s4+$0x0], $0xffff;
	v19 =	vcvt.f32.s32 v19;
	v18 =	vsub.f32 v18, v1;
	v20 =	vsub.f32 v20, v1  }
0x1c7: {  	v22 =	vld [tilespmem:s2+$0x30];
	v28 =	vsub.f32 v28, v1;
	v10 =	vmax.f32 v10, $0.0e+00;
	v24 =	vmul.f32 v24, v0  }
0x1c8: {  	v21 =	vld [tilespmem:s2+$0xFFFFFC50];
	v18 =	vmul.f32 v18, v0;
	v20 =	vmul.f32 v20, v0;
	v10 =	vmin.f32 v10, $6.300000000e+01  }
0x1c9: {  	v17 =	vsub.f32 v17, v1;
	v32 =	vld.idx.msk [tilespmem:v2+s4+$0x0], $0xffff;
	v10 =	vtrunc.f32 v10;
	v11 =	vsub.f32 v11, v1  }
0x1ca: {  	v24 =	vmax.f32 v24, $0.0e+00;
	v18 =	vmax.f32 v18, $0.0e+00;
	v3 =	vmax.f32 v20, $0.0e+00;
	v20 =	vld [tilespmem:s2+$0x50]  }
0x1cb: {  	v24 =	vmin.f32 v24, $6.300000000e+01;
	v3 =	vmin.f32 v3, $6.300000000e+01;
	v16 =	vld.idx.msk [tilespmem:v16+s4+$0x0], $0xffff;
	v11 =	vmul.f32 v11, v0  }
0x1cc: {  	v13 =	vld.idx.msk [tilespmem:v13+s4+$0x0], $0xffff;
	v33 =	vcvt.f32.s32 v10;
	v2 =	vtrunc.f32 v3;
	v3 =	vmin.f32 v18, $6.300000000e+01  }
0x1cd: {  	v18 =	vsub.f32 v23, v1;
	v23 =	vld [tilespmem:s2+$0x40];
	v3 =	vtrunc.f32 v3;
	v10 =	vmax.f32 v11, $0.0e+00  }
0x1ce: {  	[tilespmem:s31+$0xFFFFFC00] =	vst v8;
	v11 =	vsub.f32 v14, v1;
	v14 =	vld.idx.msk [tilespmem:v5+s4+$0x0], $0xffff;
	v3 =	vcvt.f32.s32 v3;
	v5 =	vtrunc.f32 v24  }
0x1cf: {  	[tilespmem:s31+$0xFFFFFC10] =	vst v31;
	v61 =	vld.idx.msk [tilespmem:v9+s4+$0x0], $0xffff;
	v8 =	vmin.f32 v10, $6.300000000e+01;
	v10 =	vsub.f32 v30, v1;
	v9 =	vsub.f32 v20, v1  }
0x1d0: {  	v20 =	vld.idx.msk [tilespmem:v4+s4+$0x0], $0xffff;
	v4 =	vtrunc.f32 v8;
	v8 =	vsub.f32 v21, v1;
	[tilespmem:s31+$0xFFFFFC60] =	vst v16;
	v16 =	vmul.f32 v18, v0  }
0x1d1: {  	v62 =	vld.idx.msk [tilespmem:v19+s4+$0x0], $0xffff;
	v18 =	vmul.f32 v11, v0;
	v21 =	vmul.f32 v10, v0;
	v10 =	vsub.f32 v22, v1  }
0x1d2: {  	[tilespmem:s31+$0x50] =	vst v13;
	v63 =	vld.idx.msk [tilespmem:v33+s4+$0x0], $0xffff;
	v22 =	vcvt.f32.s32 v4;
	v11 =	vsub.f32 v25, v1;
	v13 =	vmul.f32 v9, v0  }
0x1d3: {  	[tilespmem:s31+$0xFFFFFC70] =	vst v6;
	v9 =	vmul.f32 v28, v0;
	v23 =	vsub.f32 v23, v1;
	v19 =	vmax.f32 v16, $0.0e+00;
	v16 =	vld.idx.msk [tilespmem:v27+s4+$0x0], $0xffff  }
0x1d4: {  	p2 =	por $0x1, $0x1;
	[tilespmem:s31+$0x10] =	vst v32;
	v8 =	vmul.f32 v8, v0;
	v4 =	vmax.f32 v21, $0.0e+00;
	v21 =	vmul.f32 v17, v0;
	v17 =	vld.idx.msk [tilespmem:v15+s4+$0x0], $0xffff  }
.Ltmp8:
0x1d5: {  	[tilespmem:s31+$0x60] =	vst v14;
	v15 =	vmax.f32 v18, $0.0e+00;
	v14 =	vld.idx.msk [tilespmem:v26+s4+$0x0], $0xffff;
	v4 =	vmin.f32 v4, $6.300000000e+01;
	v18 =	vmin.f32 v19, $6.300000000e+01;
	(pc) =	sbr.rel @!p2 .LBB2_15-.Ltmp8, $4  }
0x1d6: {  	v19 =	vld.idx.msk [tilespmem:v12+s4+$0x0], $0xffff;
	v6 =	vmax.f32 v8, $0.0e+00;
	[tilespmem:s31+$0x0] =	vst v20;
	v20 =	vmul.f32 v23, v0;
	v21 =	vmax.f32 v21, $0.0e+00  }
0x1d7: {  	[tilespmem:s31+$0xFFFFFC20] =	vst v61;
	v4 =	vtrunc.f32 v4;
	v12 =	vtrunc.f32 v18;
	v18 =	vld.idx.msk [tilespmem:v7+s4+$0x0], $0xffff;
	v21 =	vmin.f32 v21, $6.300000000e+01  }
0x1d8: {  	s3 =	simm.s32 $0x10;
	s0 =	simm.s32 $0x8F00;
	[tilespmem:s31+$0x40] =	vst v62;
	v7 =	vmin.f32 v15, $6.300000000e+01;
	v8 =	vld.idx.msk [tilespmem:v22+s4+$0x0], $0xffff;
	v22 =	vsub.f32 v29, v1;
	v21 =	vtrunc.f32 v21  }
0x1d9: {  	p1 =	por $0x1, $0x1;
	s15 =	simm.s32 $0x8F00;
	v15 =	vmin.f32 v6, $6.300000000e+01;
	[tilespmem:s31+$0x70] =	vst v63;
	v4 =	vcvt.f32.s32 v4;
	v6 =	vcvt.f32.s32 v21;
	v21 =	vld [tilespmem:s2+$0x70];
	s2 =	sadd.s32 $0x800, s2  }
.LBB2_16:
0x1da: {  	v23 =	vld [tilespmem:s2+$0xFFFFFC30];
	s3 =	sadd.s32 $0x10, s3;
	v22 =	vmul.f32 v22, v0;
	v12 =	vcvt.f32.s32 v12;
	v13 =	vmax.f32 v13, $0.0e+00;
	s15 =	sadd.s32 $0x800, s15;
	[tilespmem:s31+$0x30] =	vst v16  }
0x1db: {  	v11 =	vmul.f32 v11, v0;
	v10 =	vmul.f32 v10, v0;
	v16 =	vld [tilespmem:s2+$0xFFFFFC70];
	p2 =	slt.u32 s3, $0x70;
	v13 =	vmin.f32 v13, $6.300000000e+01;
	[tilespmem:s31+$0xFFFFFC50] =	vst v17  }
0x1dc: {  	v20 =	vmax.f32 v20, $0.0e+00;
	v17 =	vld [tilespmem:s2+$0xFFFFFC10];
	v22 =	vmax.f32 v22, $0.0e+00;
	v13 =	vtrunc.f32 v13;
	[tilespmem:s31+$0x20] =	vst v19  }
0x1dd: {  	v20 =	vmin.f32 v20, $6.300000000e+01;
	v11 =	vmax.f32 v11, $0.0e+00;
	v19 =	vld [tilespmem:s2+$0x10];
	v22 =	vmin.f32 v22, $6.300000000e+01;
	[tilespmem:s31+$0xFFFFFC30] =	vst v18  }
0x1de: {  	v15 =	vtrunc.f32 v15;
	v11 =	vmin.f32 v11, $6.300000000e+01;
	v18 =	vld [tilespmem:s2+$0x30];
	v21 =	vsub.f32 v21, v1;
	[tilespmem:s31+$0xFFFFFC40] =	vst v14;
	s31 =	smov.u32 s0;
	s0 =	smov.u32 s15  }
0x1df: {  	v10 =	vmax.f32 v10, $0.0e+00;
	v14 =	vld [tilespmem:s2+$0x20];
	[tilespmem:s31+$0xFFFFFC00] =	vst v8;
	v8 =	vcvt.f32.s32 v15;
	v15 =	vtrunc.f32 v20  }
0x1e0: {  	v10 =	vmin.f32 v10, $6.300000000e+01;
	v11 =	vtrunc.f32 v11;
	v22 =	vtrunc.f32 v22;
	v20 =	vld [tilespmem:s2+$0x60]  }
0x1e1: {  	v9 =	vmax.f32 v9, $0.0e+00;
	v10 =	vtrunc.f32 v10;
	v25 =	vcvt.f32.s32 v11;
	v24 =	vld [tilespmem:s2+$0xFFFFFC40]  }
0x1e2: {  	v9 =	vmin.f32 v9, $6.300000000e+01;
	v26 =	vcvt.f32.s32 v10;
	v10 =	vmul.f32 v21, v0;
	v11 =	vld [tilespmem:s2+$0xFFFFFC00]  }
0x1e3: {  	v22 =	vcvt.f32.s32 v22;
	v15 =	vcvt.f32.s32 v15;
	v19 =	vsub.f32 v19, v1;
	v21 =	vld [tilespmem:s2+$0xFFFFFC50]  }
0x1e4: {  	v2 =	vcvt.f32.s32 v2;
	v9 =	vtrunc.f32 v9;
	v10 =	vmax.f32 v10, $0.0e+00;
	v27 =	vld [tilespmem:s2+$0xFFFFFC20]  }
0x1e5: {  	v13 =	vcvt.f32.s32 v13;
	v19 =	vmul.f32 v19, v0;
	v28 =	vld [tilespmem:s2+$0xFFFFFC60];
	v20 =	vsub.f32 v20, v1  }
0x1e6: {  	v5 =	vcvt.f32.s32 v5;
	v9 =	vcvt.f32.s32 v9;
	v10 =	vmin.f32 v10, $6.300000000e+01;
	v29 =	vld [tilespmem:s2+$0x0]  }
0x1e7: {  	v17 =	vsub.f32 v17, v1;
	v11 =	vsub.f32 v11, v1;
	v20 =	vmul.f32 v20, v0;
	v3 =	vld.idx.msk [tilespmem:v3+s4+$0x0], $0xffff  }
0x1e8: {  	v7 =	vtrunc.f32 v7;
	v10 =	vtrunc.f32 v10;
	v19 =	vmax.f32 v19, $0.0e+00;
	v30 =	vld [tilespmem:s2+$0x50]  }
0x1e9: {  	v7 =	vcvt.f32.s32 v7;
	v17 =	vmul.f32 v17, v0;
	v20 =	vmax.f32 v20, $0.0e+00;
	v22 =	vld.idx.msk [tilespmem:v22+s4+$0x0], $0xffff  }
0x1ea: {  	v19 =	vmin.f32 v19, $6.300000000e+01;
	v27 =	vsub.f32 v27, v1;
	v20 =	vmin.f32 v20, $6.300000000e+01;
	v31 =	vld.idx.msk [tilespmem:v2+s4+$0x0], $0xffff  }
0x1eb: {  	v17 =	vmax.f32 v17, $0.0e+00;
	v11 =	vmul.f32 v11, v0;
	v2 =	vtrunc.f32 v19;
	v13 =	vld.idx.msk [tilespmem:v13+s4+$0x0], $0xffff  }
0x1ec: {  	v14 =	vsub.f32 v14, v1;
	v32 =	vcvt.f32.s32 v10;
	v17 =	vmin.f32 v17, $6.300000000e+01;
	v19 =	vld [tilespmem:s2+$0x40]  }
0x1ed: {  	v10 =	vmax.f32 v11, $0.0e+00;
	v11 =	vtrunc.f32 v17;
	v17 =	vsub.f32 v23, v1;
	[tilespmem:s31+$0xFFFFFC10] =	vst v3;
	v23 =	vld.idx.msk [tilespmem:v5+s4+$0x0], $0xffff  }
0x1ee: {  	v10 =	vmin.f32 v10, $6.300000000e+01;
	v3 =	vcvt.f32.s32 v11;
	v11 =	vsub.f32 v29, v1;
	v29 =	vld.idx.msk [tilespmem:v9+s4+$0x0], $0xffff  }
0x1ef: {  	v33 =	vsub.f32 v16, v1;
	v5 =	vtrunc.f32 v20;
	v9 =	vsub.f32 v30, v1;
	[tilespmem:s31+$0xFFFFFC60] =	vst v22;
	v20 =	vld.idx.msk [tilespmem:v4+s4+$0x0], $0xffff  }
0x1f0: {  	v14 =	vmul.f32 v14, v0;
	v16 =	vsub.f32 v21, v1;
	v4 =	vtrunc.f32 v10;
	v6 =	vld.idx.msk [tilespmem:v6+s4+$0x0], $0xffff  }
0x1f1: {  	v21 =	vmul.f32 v17, v0;
	v17 =	vmul.f32 v11, v0;
	v10 =	vsub.f32 v18, v1;
	v15 =	vld.idx.msk [tilespmem:v15+s4+$0x0], $0xffff  }
0x1f2: {  	v11 =	vsub.f32 v24, v1;
	v18 =	vmul.f32 v16, v0;
	v22 =	vcvt.f32.s32 v4;
	[tilespmem:s31+$0x50] =	vst v13;
	v24 =	vld.idx.msk [tilespmem:v32+s4+$0x0], $0xffff  }
0x1f3: {  	v14 =	vmax.f32 v14, $0.0e+00;
	v4 =	vmax.f32 v17, $0.0e+00;
	v13 =	vmul.f32 v9, v0;
	v16 =	vld.idx.msk [tilespmem:v26+s4+$0x0], $0xffff;
	[tilespmem:s31+$0x60] =	vst v23  }
0x1f4: {  	v9 =	vmul.f32 v27, v0;
	v4 =	vmin.f32 v4, $6.300000000e+01;
	v23 =	vmul.f32 v33, v0;
	[tilespmem:s31+$0xFFFFFC20] =	vst v29;
	v17 =	vld.idx.msk [tilespmem:v8+s4+$0x0], $0xffff  }
.Ltmp9:
0x1f5: {  	v21 =	vmax.f32 v21, $0.0e+00;
	v4 =	vtrunc.f32 v4;
	v8 =	vmin.f32 v14, $6.300000000e+01;
	v14 =	vld.idx.msk [tilespmem:v25+s4+$0x0], $0xffff;
	[tilespmem:s31+$0x10] =	vst v31;
	(pc) =	sbr.rel @p2 .LBB2_16-.Ltmp9, $4  }
0x1f6: {  	v4 =	vcvt.f32.s32 v4;
	v23 =	vmax.f32 v23, $0.0e+00;
	v25 =	vsub.f32 v19, v1;
	[tilespmem:s31+$0xFFFFFC70] =	vst v6;
	v19 =	vld.idx.msk [tilespmem:v12+s4+$0x0], $0xffff  }
0x1f7: {  	v6 =	vmax.f32 v18, $0.0e+00;
	v23 =	vmin.f32 v23, $6.300000000e+01;
	v12 =	vtrunc.f32 v8;
	v18 =	vld.idx.msk [tilespmem:v7+s4+$0x0], $0xffff;
	[tilespmem:s31+$0x0] =	vst v20  }
0x1f8: {  	v23 =	vtrunc.f32 v23;
	v20 =	vmul.f32 v25, v0;
	v8 =	vld.idx.msk [tilespmem:v22+s4+$0x0], $0xffff;
	v22 =	vsub.f32 v28, v1;
	[tilespmem:s31+$0x40] =	vst v15  }
0x1f9: {  	v7 =	vmin.f32 v21, $6.300000000e+01;
	v15 =	vmin.f32 v6, $6.300000000e+01;
	v6 =	vcvt.f32.s32 v23;
	v21 =	vld [tilespmem:s2+$0x70];
	s2 =	sadd.s32 $0x800, s2;
	[tilespmem:s31+$0x70] =	vst v24  }
0x1fa: {  	s2 =	smov.u32 s31;
	s31 =	smov.u32 s0  }
.LBB2_18:
0x1fb: {  	v22 =	vmul.f32 v22, v0;
	v13 =	vmax.f32 v13, $0.0e+00;
	v5 =	vcvt.f32.s32 v5  }
0x1fc: {  	v9 =	vmax.f32 v9, $0.0e+00;
	v10 =	vmul.f32 v10, v0;
	v2 =	vcvt.f32.s32 v2  }
0x1fd: {  	[tilespmem:s2+$0x30] =	vst @p1 v16;
	v16 =	vmax.f32 v20, $0.0e+00;
	v11 =	vmul.f32 v11, v0;
	v7 =	vtrunc.f32 v7  }
0x1fe: {  	v13 =	vmin.f32 v13, $6.300000000e+01;
	v9 =	vmin.f32 v9, $6.300000000e+01;
	v16 =	vmin.f32 v16, $6.300000000e+01  }
0x1ff: {  	v7 =	vcvt.f32.s32 v7;
	v22 =	vmax.f32 v22, $0.0e+00;
	v13 =	vtrunc.f32 v13  }
0x200: {  	v9 =	vtrunc.f32 v9;
	v10 =	vmax.f32 v10, $0.0e+00;
	v16 =	vtrunc.f32 v16  }
0x201: {  	[tilespmem:s2+$0xFFFFFC50] =	vst @p1 v17;
	v4 =	vld.idx.msk [tilespmem:v4+s4+$0x0], $0xffff;
	v22 =	vmin.f32 v22, $6.300000000e+01;
	v21 =	vsub.f32 v21, v1;
	v13 =	vcvt.f32.s32 v13  }
0x202: {  	v3 =	vld.idx.msk [tilespmem:v3+s4+$0x0], $0xffff;
	[tilespmem:s2+$0x20] =	vst @p1 v19;
	v9 =	vcvt.f32.s32 v9;
	v10 =	vmin.f32 v10, $6.300000000e+01;
	v16 =	vcvt.f32.s32 v16  }
0x203: {  	[tilespmem:s2+$0xFFFFFC40] =	vst @p1 v14;
	v6 =	vld.idx.msk [tilespmem:v6+s4+$0x0], $0xffff;
	v22 =	vtrunc.f32 v22;
	v10 =	vtrunc.f32 v10  }
0x204: {  	[tilespmem:s2+$0xFFFFFC30] =	vst @p1 v18;
	v22 =	vcvt.f32.s32 v22;
	v21 =	vmul.f32 v21, v0;
	v5 =	vld.idx.msk [tilespmem:v5+s4+$0x0], $0xffff  }
0x205: {  	v15 =	vtrunc.f32 v15;
	[tilespmem:s31+$0xFFFFFC00] =	vst v8;
	v8 =	vcvt.f32.s32 v10;
	v10 =	vmax.f32 v11, $0.0e+00;
	v2 =	vld.idx.msk [tilespmem:v2+s4+$0x0], $0xffff  }
0x206: {  	v11 =	vcvt.f32.s32 v15;
	[tilespmem:s31+$0x0] =	vst v4;
	v10 =	vmin.f32 v10, $6.300000000e+01;
	v17 =	vmax.f32 v21, $0.0e+00;
	v4 =	vld.idx.msk [tilespmem:v7+s4+$0x0], $0xffff  }
0x207: {  	[tilespmem:s31+$0xFFFFFC10] =	vst v3;
	v3 =	vcvt.f32.s32 v12;
	v10 =	vtrunc.f32 v10;
	v17 =	vmin.f32 v17, $6.300000000e+01;
	v13 =	vld.idx.msk [tilespmem:v13+s4+$0x0], $0xffff  }
0x208: {  	[tilespmem:s31+$0xFFFFFC70] =	vst v6;
	v10 =	vcvt.f32.s32 v10;
	v17 =	vtrunc.f32 v17;
	v9 =	vld.idx.msk [tilespmem:v9+s4+$0x0], $0xffff  }
0x209: {  	v12 =	vld.idx.msk [tilespmem:v16+s4+$0x0], $0xffff;
	v14 =	vcvt.f32.s32 v17;
	[tilespmem:s31+$0x60] =	vst v5  }
0x20a: {  	v19 =	vld.idx.msk [tilespmem:v22+s4+$0x0], $0xffff;
	[tilespmem:s31+$0x10] =	vst v2  }
0x20b: {  	v8 =	vld.idx.msk [tilespmem:v8+s4+$0x0], $0xffff;
	[tilespmem:s31+$0xFFFFFC30] =	vst v4  }
0x20c: {  	v2 =	vld.idx.msk [tilespmem:v11+s4+$0x0], $0xffff;
	[tilespmem:s31+$0x50] =	vst v13  }
0x20d: {  	v3 =	vld.idx.msk [tilespmem:v3+s4+$0x0], $0xffff;
	[tilespmem:s31+$0xFFFFFC20] =	vst v9  }
0x20e: {  	[tilespmem:s31+$0x40] =	vst v12;
	v6 =	vld.idx.msk [tilespmem:v10+s4+$0x0], $0xffff  }
0x20f: {  	[tilespmem:s31+$0xFFFFFC60] =	vst v19;
	v5 =	vld.idx.msk [tilespmem:v14+s4+$0x0], $0xffff  }
0x210: {  	[tilespmem:s31+$0x30] =	vst v8  }
0x211: {  	[tilespmem:s31+$0xFFFFFC50] =	vst v2  }
0x212: {  	[tilespmem:s31+$0x20] =	vst v3  }
0x213: {  	[tilespmem:s31+$0xFFFFFC40] =	vst v6  }
0x214: {  	[tilespmem:s31+$0x70] =	vst v5  }
0x215: {  	v2 =	vld [tilespmem:s30+$0x10]  }
0x216: {  	v3 =	vld [tilespmem:s30+$0x60]  }
0x217: {  	v4 =	vld [tilespmem:s30+$0xFFFFFC10]  }
0x218: {  	v5 =	vld [tilespmem:s30+$0xFFFFFC00]  }
0x219: {  	v6 =	vld [tilespmem:s30+$0xFFFFFC20]  }
0x21a: {  	v7 =	vld [tilespmem:s30+$0xFFFFFC30]  }
0x21b: {  	v8 =	vld [tilespmem:s30+$0x20]  }
0x21c: {  	v9 =	vld [tilespmem:s30+$0xFFFFFC70]  }
0x21d: {  	v12 =	vld [tilespmem:s30+$0xFFFFFC50]  }
0x21e: {  	v11 =	vld [tilespmem:s30+$0x50];
	v2 =	vsub.f32 v2, v1;
	v3 =	vsub.f32 v3, v1  }
0x21f: {  	v4 =	vsub.f32 v4, v1;
	v5 =	vsub.f32 v5, v1  }
0x220: {  	v6 =	vsub.f32 v6, v1;
	v8 =	vsub.f32 v8, v1  }
0x221: {  	v7 =	vsub.f32 v7, v1;
	v17 =	vsub.f32 v9, v1  }
0x222: {  	v12 =	vsub.f32 v12, v1;
	v2 =	vmul.f32 v2, v0;
	v3 =	vmul.f32 v3, v0  }
0x223: {  	v9 =	vsub.f32 v11, v1;
	v4 =	vmul.f32 v4, v0;
	v8 =	vmul.f32 v8, v0  }
0x224: {  	v10 =	vld [tilespmem:s30+$0x0];
	v7 =	vmul.f32 v7, v0;
	v12 =	vmul.f32 v12, v0;
	v2 =	vmax.f32 v2, $0.0e+00  }
0x225: {  	v3 =	vmax.f32 v3, $0.0e+00;
	v4 =	vmax.f32 v4, $0.0e+00;
	v8 =	vmax.f32 v8, $0.0e+00  }
0x226: {  	v14 =	vld [tilespmem:s30+$0x30];
	v13 =	vmin.f32 v3, $6.300000000e+01;
	v3 =	vmul.f32 v5, v0;
	v4 =	vmin.f32 v4, $6.300000000e+01  }
0x227: {  	v15 =	vld [tilespmem:s30+$0xFFFFFC40];
	v7 =	vmax.f32 v7, $0.0e+00;
	v4 =	vtrunc.f32 v4;
	v5 =	vtrunc.f32 v13  }
0x228: {  	v13 =	vmul.f32 v9, v0;
	v9 =	vmul.f32 v6, v0;
	v3 =	vmax.f32 v3, $0.0e+00  }
0x229: {  	v16 =	vmin.f32 v3, $6.300000000e+01;
	v3 =	vcvt.f32.s32 v4;
	v4 =	vsub.f32 v10, v1  }
0x22a: {  	v2 =	vmin.f32 v2, $6.300000000e+01;
	v6 =	vmul.f32 v17, v0;
	v11 =	vtrunc.f32 v16;
	v16 =	vld [tilespmem:s30+$0x40]  }
0x22b: {  	v10 =	vsub.f32 v14, v1;
	v4 =	vmul.f32 v4, v0;
	v14 =	vcvt.f32.s32 v11  }
0x22c: {  	p2 =	por $0x1, $0x1;
	v8 =	vmin.f32 v8, $6.300000000e+01;
	v2 =	vtrunc.f32 v2;
	v11 =	vsub.f32 v15, v1;
	v15 =	vld [tilespmem:s30+$0xFFFFFC60]  }
.Ltmp10:
0x22d: {  	v17 =	vmax.f32 v12, $0.0e+00;
	v6 =	vmax.f32 v6, $0.0e+00;
	v4 =	vmax.f32 v4, $0.0e+00;
	(pc) =	sbr.rel @!p2 .LBB2_19-.Ltmp10, $4  }
0x22e: {  	v12 =	vtrunc.f32 v8;
	v6 =	vmin.f32 v6, $6.300000000e+01;
	v4 =	vmin.f32 v4, $6.300000000e+01  }
0x22f: {  	v6 =	vtrunc.f32 v6;
	v4 =	vtrunc.f32 v4;
	v16 =	vsub.f32 v16, v1  }
0x230: {  	v21 =	vld [tilespmem:s30+$0x70];
	v7 =	vmin.f32 v7, $6.300000000e+01;
	v6 =	vcvt.f32.s32 v6;
	v4 =	vcvt.f32.s32 v4  }
0x231: {  	s3 =	sadd.s32 $0x800, s30;
	p1 =	por $0x0, $0x0;
	s30 =	simm.s32 $0x800;
	v22 =	vsub.f32 v15, v1;
	v15 =	vmin.f32 v17, $6.300000000e+01;
	v8 =	vld.idx.msk [tilespmem:v14+s4+$0x0], $0xffff;
	v20 =	vmul.f32 v16, v0  }
0x232: {  	v12 =	vcvt.f32.s32 v12;
	v11 =	vmul.f32 v11, v0  }
0x233: {  	v14 =	vld [tilespmem:s3+$0xFFFFFC30];
	v10 =	vmul.f32 v10, v0;
	v15 =	vtrunc.f32 v15  }
0x234: {  	v13 =	vmax.f32 v13, $0.0e+00;
	v17 =	vld [tilespmem:s3+$0xFFFFFC70];
	v2 =	vcvt.f32.s32 v2;
	v5 =	vcvt.f32.s32 v5  }
0x235: {  	v18 =	vld [tilespmem:s3+$0xFFFFFC10];
	v9 =	vmax.f32 v9, $0.0e+00;
	v7 =	vtrunc.f32 v7;
	v16 =	vmul.f32 v22, v0  }
0x236: {  	v23 =	vld [tilespmem:s3+$0x20];
	v13 =	vmin.f32 v13, $6.300000000e+01;
	v19 =	vmax.f32 v20, $0.0e+00;
	v15 =	vcvt.f32.s32 v15  }
0x237: {  	v24 =	vld [tilespmem:s3+$0x60];
	v9 =	vmin.f32 v9, $6.300000000e+01;
	v7 =	vcvt.f32.s32 v7;
	v13 =	vtrunc.f32 v13  }
0x238: {  	v25 =	vld [tilespmem:s3+$0xFFFFFC40];
	v11 =	vmax.f32 v11, $0.0e+00;
	v19 =	vmin.f32 v19, $6.300000000e+01;
	v10 =	vmax.f32 v10, $0.0e+00  }
0x239: {  	v28 =	vld [tilespmem:s3+$0xFFFFFC20];
	v9 =	vtrunc.f32 v9;
	v16 =	vmax.f32 v16, $0.0e+00;
	v11 =	vmin.f32 v11, $6.300000000e+01  }
0x23a: {  	v20 =	vld [tilespmem:s3+$0x10];
	v19 =	vtrunc.f32 v19;
	v10 =	vmin.f32 v10, $6.300000000e+01;
	v13 =	vcvt.f32.s32 v13  }
0x23b: {  	v29 =	vld [tilespmem:s3+$0xFFFFFC60];
	v9 =	vcvt.f32.s32 v9;
	v16 =	vmin.f32 v16, $6.300000000e+01;
	v11 =	vtrunc.f32 v11  }
0x23c: {  	v30 =	vld [tilespmem:s3+$0x0];
	v21 =	vsub.f32 v21, v1;
	v10 =	vtrunc.f32 v10;
	v16 =	vtrunc.f32 v16  }
0x23d: {  	v26 =	vcvt.f32.s32 v11;
	v11 =	vld [tilespmem:s3+$0xFFFFFC00];
	v27 =	vcvt.f32.s32 v10  }
0x23e: {  	v31 =	vld.idx.msk [tilespmem:v3+s4+$0x0], $0xffff;
	v10 =	vmul.f32 v21, v0;
	v24 =	vsub.f32 v24, v1;
	v16 =	vcvt.f32.s32 v16  }
0x23f: {  	v6 =	vld.idx.msk [tilespmem:v6+s4+$0x0], $0xffff;
	v19 =	vcvt.f32.s32 v19;
	v18 =	vsub.f32 v18, v1;
	v20 =	vsub.f32 v20, v1  }
0x240: {  	v22 =	vld [tilespmem:s3+$0x30];
	v28 =	vsub.f32 v28, v1;
	v10 =	vmax.f32 v10, $0.0e+00;
	v24 =	vmul.f32 v24, v0  }
0x241: {  	v21 =	vld [tilespmem:s3+$0xFFFFFC50];
	v18 =	vmul.f32 v18, v0;
	v20 =	vmul.f32 v20, v0;
	v10 =	vmin.f32 v10, $6.300000000e+01  }
0x242: {  	v17 =	vsub.f32 v17, v1;
	v32 =	vld.idx.msk [tilespmem:v2+s4+$0x0], $0xffff;
	v10 =	vtrunc.f32 v10;
	v11 =	vsub.f32 v11, v1  }
0x243: {  	v24 =	vmax.f32 v24, $0.0e+00;
	v18 =	vmax.f32 v18, $0.0e+00;
	v3 =	vmax.f32 v20, $0.0e+00;
	v20 =	vld [tilespmem:s3+$0x50]  }
0x244: {  	v24 =	vmin.f32 v24, $6.300000000e+01;
	v3 =	vmin.f32 v3, $6.300000000e+01;
	v16 =	vld.idx.msk [tilespmem:v16+s4+$0x0], $0xffff;
	v11 =	vmul.f32 v11, v0  }
0x245: {  	v13 =	vld.idx.msk [tilespmem:v13+s4+$0x0], $0xffff;
	v33 =	vcvt.f32.s32 v10;
	v2 =	vtrunc.f32 v3;
	v3 =	vmin.f32 v18, $6.300000000e+01  }
0x246: {  	v18 =	vsub.f32 v23, v1;
	v23 =	vld [tilespmem:s3+$0x40];
	v3 =	vtrunc.f32 v3;
	v10 =	vmax.f32 v11, $0.0e+00  }
0x247: {  	[tilespmem:s29+$0xFFFFFC00] =	vst v8;
	v11 =	vsub.f32 v14, v1;
	v14 =	vld.idx.msk [tilespmem:v5+s4+$0x0], $0xffff;
	v3 =	vcvt.f32.s32 v3;
	v5 =	vtrunc.f32 v24  }
0x248: {  	[tilespmem:s29+$0xFFFFFC10] =	vst v31;
	v61 =	vld.idx.msk [tilespmem:v9+s4+$0x0], $0xffff;
	v8 =	vmin.f32 v10, $6.300000000e+01;
	v10 =	vsub.f32 v30, v1;
	v9 =	vsub.f32 v20, v1  }
0x249: {  	v20 =	vld.idx.msk [tilespmem:v4+s4+$0x0], $0xffff;
	v4 =	vtrunc.f32 v8;
	v8 =	vsub.f32 v21, v1;
	[tilespmem:s29+$0xFFFFFC60] =	vst v16;
	v16 =	vmul.f32 v18, v0  }
0x24a: {  	v62 =	vld.idx.msk [tilespmem:v19+s4+$0x0], $0xffff;
	v18 =	vmul.f32 v11, v0;
	v21 =	vmul.f32 v10, v0;
	v10 =	vsub.f32 v22, v1  }
0x24b: {  	[tilespmem:s29+$0x50] =	vst v13;
	v63 =	vld.idx.msk [tilespmem:v33+s4+$0x0], $0xffff;
	v22 =	vcvt.f32.s32 v4;
	v11 =	vsub.f32 v25, v1;
	v13 =	vmul.f32 v9, v0  }
0x24c: {  	[tilespmem:s29+$0xFFFFFC70] =	vst v6;
	v9 =	vmul.f32 v28, v0;
	v23 =	vsub.f32 v23, v1;
	v19 =	vmax.f32 v16, $0.0e+00;
	v16 =	vld.idx.msk [tilespmem:v27+s4+$0x0], $0xffff  }
0x24d: {  	p4 =	por $0x1, $0x1;
	[tilespmem:s29+$0x10] =	vst v32;
	v8 =	vmul.f32 v8, v0;
	v4 =	vmax.f32 v21, $0.0e+00;
	v21 =	vmul.f32 v17, v0;
	v17 =	vld.idx.msk [tilespmem:v15+s4+$0x0], $0xffff  }
.Ltmp11:
0x24e: {  	[tilespmem:s29+$0x60] =	vst v14;
	v15 =	vmax.f32 v18, $0.0e+00;
	v14 =	vld.idx.msk [tilespmem:v26+s4+$0x0], $0xffff;
	v4 =	vmin.f32 v4, $6.300000000e+01;
	v18 =	vmin.f32 v19, $6.300000000e+01;
	(pc) =	sbr.rel @!p4 .LBB2_21-.Ltmp11, $4  }
0x24f: {  	v19 =	vld.idx.msk [tilespmem:v12+s4+$0x0], $0xffff;
	v6 =	vmax.f32 v8, $0.0e+00;
	[tilespmem:s29+$0x0] =	vst v20;
	v20 =	vmul.f32 v23, v0;
	v21 =	vmax.f32 v21, $0.0e+00  }
0x250: {  	[tilespmem:s29+$0xFFFFFC20] =	vst v61;
	v4 =	vtrunc.f32 v4;
	v12 =	vtrunc.f32 v18;
	v18 =	vld.idx.msk [tilespmem:v7+s4+$0x0], $0xffff;
	v21 =	vmin.f32 v21, $6.300000000e+01  }
0x251: {  	s0 =	sadd.s32 $0x800, s29;
	s2 =	simm.s32 $0x10;
	[tilespmem:s29+$0x40] =	vst v62;
	v7 =	vmin.f32 v15, $6.300000000e+01;
	v8 =	vld.idx.msk [tilespmem:v22+s4+$0x0], $0xffff;
	v22 =	vsub.f32 v29, v1;
	v21 =	vtrunc.f32 v21  }
0x252: {  	p3 =	por $0x1, $0x1;
	s15 =	smov.u32 s0;
	v15 =	vmin.f32 v6, $6.300000000e+01;
	[tilespmem:s29+$0x70] =	vst v63;
	v4 =	vcvt.f32.s32 v4;
	v6 =	vcvt.f32.s32 v21;
	v21 =	vld [tilespmem:s3+$0x70];
	s3 =	sadd.s32 $0x800, s3  }
.LBB2_22:
0x253: {  	v23 =	vld [tilespmem:s3+$0xFFFFFC30];
	s2 =	sadd.s32 $0x10, s2;
	v22 =	vmul.f32 v22, v0;
	v12 =	vcvt.f32.s32 v12;
	v13 =	vmax.f32 v13, $0.0e+00;
	s15 =	sadd.s32 $0x800, s15;
	[tilespmem:s29+$0x30] =	vst v16  }
0x254: {  	v11 =	vmul.f32 v11, v0;
	v10 =	vmul.f32 v10, v0;
	v16 =	vld [tilespmem:s3+$0xFFFFFC70];
	p4 =	slt.u32 s2, $0x70;
	v13 =	vmin.f32 v13, $6.300000000e+01;
	[tilespmem:s29+$0xFFFFFC50] =	vst v17  }
0x255: {  	v20 =	vmax.f32 v20, $0.0e+00;
	v17 =	vld [tilespmem:s3+$0xFFFFFC10];
	v22 =	vmax.f32 v22, $0.0e+00;
	v13 =	vtrunc.f32 v13;
	[tilespmem:s29+$0x20] =	vst v19  }
0x256: {  	v20 =	vmin.f32 v20, $6.300000000e+01;
	v11 =	vmax.f32 v11, $0.0e+00;
	v19 =	vld [tilespmem:s3+$0x10];
	v22 =	vmin.f32 v22, $6.300000000e+01;
	[tilespmem:s29+$0xFFFFFC30] =	vst v18  }
0x257: {  	v15 =	vtrunc.f32 v15;
	v11 =	vmin.f32 v11, $6.300000000e+01;
	v18 =	vld [tilespmem:s3+$0x30];
	v21 =	vsub.f32 v21, v1;
	[tilespmem:s29+$0xFFFFFC40] =	vst v14;
	s29 =	smov.u32 s0;
	s0 =	smov.u32 s15  }
0x258: {  	v10 =	vmax.f32 v10, $0.0e+00;
	v14 =	vld [tilespmem:s3+$0x20];
	[tilespmem:s29+$0xFFFFFC00] =	vst v8;
	v8 =	vcvt.f32.s32 v15;
	v15 =	vtrunc.f32 v20  }
0x259: {  	v10 =	vmin.f32 v10, $6.300000000e+01;
	v11 =	vtrunc.f32 v11;
	v22 =	vtrunc.f32 v22;
	v20 =	vld [tilespmem:s3+$0x60]  }
0x25a: {  	v9 =	vmax.f32 v9, $0.0e+00;
	v10 =	vtrunc.f32 v10;
	v25 =	vcvt.f32.s32 v11;
	v24 =	vld [tilespmem:s3+$0xFFFFFC40]  }
0x25b: {  	v9 =	vmin.f32 v9, $6.300000000e+01;
	v26 =	vcvt.f32.s32 v10;
	v10 =	vmul.f32 v21, v0;
	v11 =	vld [tilespmem:s3+$0xFFFFFC00]  }
0x25c: {  	v22 =	vcvt.f32.s32 v22;
	v15 =	vcvt.f32.s32 v15;
	v19 =	vsub.f32 v19, v1;
	v21 =	vld [tilespmem:s3+$0xFFFFFC50]  }
0x25d: {  	v2 =	vcvt.f32.s32 v2;
	v9 =	vtrunc.f32 v9;
	v10 =	vmax.f32 v10, $0.0e+00;
	v27 =	vld [tilespmem:s3+$0xFFFFFC20]  }
0x25e: {  	v13 =	vcvt.f32.s32 v13;
	v19 =	vmul.f32 v19, v0;
	v28 =	vld [tilespmem:s3+$0xFFFFFC60];
	v20 =	vsub.f32 v20, v1  }
0x25f: {  	v5 =	vcvt.f32.s32 v5;
	v9 =	vcvt.f32.s32 v9;
	v10 =	vmin.f32 v10, $6.300000000e+01;
	v29 =	vld [tilespmem:s3+$0x0]  }
0x260: {  	v17 =	vsub.f32 v17, v1;
	v11 =	vsub.f32 v11, v1;
	v20 =	vmul.f32 v20, v0;
	v3 =	vld.idx.msk [tilespmem:v3+s4+$0x0], $0xffff  }
0x261: {  	v7 =	vtrunc.f32 v7;
	v10 =	vtrunc.f32 v10;
	v19 =	vmax.f32 v19, $0.0e+00;
	v30 =	vld [tilespmem:s3+$0x50]  }
0x262: {  	v7 =	vcvt.f32.s32 v7;
	v17 =	vmul.f32 v17, v0;
	v20 =	vmax.f32 v20, $0.0e+00;
	v22 =	vld.idx.msk [tilespmem:v22+s4+$0x0], $0xffff  }
0x263: {  	v19 =	vmin.f32 v19, $6.300000000e+01;
	v27 =	vsub.f32 v27, v1;
	v20 =	vmin.f32 v20, $6.300000000e+01;
	v31 =	vld.idx.msk [tilespmem:v2+s4+$0x0], $0xffff  }
0x264: {  	v17 =	vmax.f32 v17, $0.0e+00;
	v11 =	vmul.f32 v11, v0;
	v2 =	vtrunc.f32 v19;
	v13 =	vld.idx.msk [tilespmem:v13+s4+$0x0], $0xffff  }
0x265: {  	v14 =	vsub.f32 v14, v1;
	v32 =	vcvt.f32.s32 v10;
	v17 =	vmin.f32 v17, $6.300000000e+01;
	v19 =	vld [tilespmem:s3+$0x40]  }
0x266: {  	v10 =	vmax.f32 v11, $0.0e+00;
	v11 =	vtrunc.f32 v17;
	v17 =	vsub.f32 v23, v1;
	[tilespmem:s29+$0xFFFFFC10] =	vst v3;
	v23 =	vld.idx.msk [tilespmem:v5+s4+$0x0], $0xffff  }
0x267: {  	v10 =	vmin.f32 v10, $6.300000000e+01;
	v3 =	vcvt.f32.s32 v11;
	v11 =	vsub.f32 v29, v1;
	v29 =	vld.idx.msk [tilespmem:v9+s4+$0x0], $0xffff  }
0x268: {  	v33 =	vsub.f32 v16, v1;
	v5 =	vtrunc.f32 v20;
	v9 =	vsub.f32 v30, v1;
	[tilespmem:s29+$0xFFFFFC60] =	vst v22;
	v20 =	vld.idx.msk [tilespmem:v4+s4+$0x0], $0xffff  }
0x269: {  	v14 =	vmul.f32 v14, v0;
	v16 =	vsub.f32 v21, v1;
	v4 =	vtrunc.f32 v10;
	v6 =	vld.idx.msk [tilespmem:v6+s4+$0x0], $0xffff  }
0x26a: {  	v21 =	vmul.f32 v17, v0;
	v17 =	vmul.f32 v11, v0;
	v10 =	vsub.f32 v18, v1;
	v15 =	vld.idx.msk [tilespmem:v15+s4+$0x0], $0xffff  }
0x26b: {  	v11 =	vsub.f32 v24, v1;
	v18 =	vmul.f32 v16, v0;
	v22 =	vcvt.f32.s32 v4;
	[tilespmem:s29+$0x50] =	vst v13;
	v24 =	vld.idx.msk [tilespmem:v32+s4+$0x0], $0xffff  }
0x26c: {  	v14 =	vmax.f32 v14, $0.0e+00;
	v4 =	vmax.f32 v17, $0.0e+00;
	v13 =	vmul.f32 v9, v0;
	v16 =	vld.idx.msk [tilespmem:v26+s4+$0x0], $0xffff;
	[tilespmem:s29+$0x60] =	vst v23  }
0x26d: {  	v9 =	vmul.f32 v27, v0;
	v4 =	vmin.f32 v4, $6.300000000e+01;
	v23 =	vmul.f32 v33, v0;
	[tilespmem:s29+$0xFFFFFC20] =	vst v29;
	v17 =	vld.idx.msk [tilespmem:v8+s4+$0x0], $0xffff  }
.Ltmp12:
0x26e: {  	v21 =	vmax.f32 v21, $0.0e+00;
	v4 =	vtrunc.f32 v4;
	v8 =	vmin.f32 v14, $6.300000000e+01;
	v14 =	vld.idx.msk [tilespmem:v25+s4+$0x0], $0xffff;
	[tilespmem:s29+$0x10] =	vst v31;
	(pc) =	sbr.rel @p4 .LBB2_22-.Ltmp12, $4  }
0x26f: {  	v4 =	vcvt.f32.s32 v4;
	v23 =	vmax.f32 v23, $0.0e+00;
	v25 =	vsub.f32 v19, v1;
	[tilespmem:s29+$0xFFFFFC70] =	vst v6;
	v19 =	vld.idx.msk [tilespmem:v12+s4+$0x0], $0xffff  }
0x270: {  	v6 =	vmax.f32 v18, $0.0e+00;
	v23 =	vmin.f32 v23, $6.300000000e+01;
	v12 =	vtrunc.f32 v8;
	v18 =	vld.idx.msk [tilespmem:v7+s4+$0x0], $0xffff;
	[tilespmem:s29+$0x0] =	vst v20  }
0x271: {  	v23 =	vtrunc.f32 v23;
	v20 =	vmul.f32 v25, v0;
	v8 =	vld.idx.msk [tilespmem:v22+s4+$0x0], $0xffff;
	v22 =	vsub.f32 v28, v1;
	[tilespmem:s29+$0x40] =	vst v15  }
0x272: {  	v7 =	vmin.f32 v21, $6.300000000e+01;
	v15 =	vmin.f32 v6, $6.300000000e+01;
	v6 =	vcvt.f32.s32 v23;
	v21 =	vld [tilespmem:s3+$0x70];
	s3 =	sadd.s32 $0x800, s3;
	[tilespmem:s29+$0x70] =	vst v24  }
0x273: {  	s2 =	smov.u32 s29;
	s29 =	smov.u32 s0  }
.LBB2_24:
0x274: {  	v22 =	vmul.f32 v22, v0;
	v13 =	vmax.f32 v13, $0.0e+00;
	v5 =	vcvt.f32.s32 v5  }
0x275: {  	v9 =	vmax.f32 v9, $0.0e+00;
	v10 =	vmul.f32 v10, v0;
	v2 =	vcvt.f32.s32 v2  }
0x276: {  	[tilespmem:s2+$0x30] =	vst @p3 v16;
	v16 =	vmax.f32 v20, $0.0e+00;
	v11 =	vmul.f32 v11, v0;
	v7 =	vtrunc.f32 v7  }
0x277: {  	v13 =	vmin.f32 v13, $6.300000000e+01;
	v9 =	vmin.f32 v9, $6.300000000e+01;
	v16 =	vmin.f32 v16, $6.300000000e+01  }
0x278: {  	v7 =	vcvt.f32.s32 v7;
	v22 =	vmax.f32 v22, $0.0e+00;
	v13 =	vtrunc.f32 v13  }
0x279: {  	v9 =	vtrunc.f32 v9;
	v10 =	vmax.f32 v10, $0.0e+00;
	v16 =	vtrunc.f32 v16  }
0x27a: {  	[tilespmem:s2+$0xFFFFFC50] =	vst @p3 v17;
	v4 =	vld.idx.msk [tilespmem:v4+s4+$0x0], $0xffff;
	v22 =	vmin.f32 v22, $6.300000000e+01;
	v21 =	vsub.f32 v21, v1;
	v13 =	vcvt.f32.s32 v13  }
0x27b: {  	v3 =	vld.idx.msk [tilespmem:v3+s4+$0x0], $0xffff;
	[tilespmem:s2+$0x20] =	vst @p3 v19;
	v9 =	vcvt.f32.s32 v9;
	v10 =	vmin.f32 v10, $6.300000000e+01;
	v16 =	vcvt.f32.s32 v16  }
0x27c: {  	[tilespmem:s2+$0xFFFFFC40] =	vst @p3 v14;
	v6 =	vld.idx.msk [tilespmem:v6+s4+$0x0], $0xffff;
	v22 =	vtrunc.f32 v22;
	v10 =	vtrunc.f32 v10  }
0x27d: {  	[tilespmem:s2+$0xFFFFFC30] =	vst @p3 v18;
	v22 =	vcvt.f32.s32 v22;
	v21 =	vmul.f32 v21, v0;
	v5 =	vld.idx.msk [tilespmem:v5+s4+$0x0], $0xffff  }
0x27e: {  	v15 =	vtrunc.f32 v15;
	[tilespmem:s29+$0xFFFFFC00] =	vst v8;
	v8 =	vcvt.f32.s32 v10;
	v10 =	vmax.f32 v11, $0.0e+00;
	v2 =	vld.idx.msk [tilespmem:v2+s4+$0x0], $0xffff  }
0x27f: {  	v11 =	vcvt.f32.s32 v15;
	[tilespmem:s29+$0x0] =	vst v4;
	v10 =	vmin.f32 v10, $6.300000000e+01;
	v17 =	vmax.f32 v21, $0.0e+00;
	v4 =	vld.idx.msk [tilespmem:v7+s4+$0x0], $0xffff  }
0x280: {  	[tilespmem:s29+$0xFFFFFC10] =	vst v3;
	v3 =	vcvt.f32.s32 v12;
	v10 =	vtrunc.f32 v10;
	v17 =	vmin.f32 v17, $6.300000000e+01;
	v13 =	vld.idx.msk [tilespmem:v13+s4+$0x0], $0xffff  }
0x281: {  	[tilespmem:s29+$0xFFFFFC70] =	vst v6;
	v10 =	vcvt.f32.s32 v10;
	v17 =	vtrunc.f32 v17;
	v9 =	vld.idx.msk [tilespmem:v9+s4+$0x0], $0xffff  }
0x282: {  	v12 =	vld.idx.msk [tilespmem:v16+s4+$0x0], $0xffff;
	v14 =	vcvt.f32.s32 v17;
	[tilespmem:s29+$0x60] =	vst v5  }
0x283: {  	v19 =	vld.idx.msk [tilespmem:v22+s4+$0x0], $0xffff;
	[tilespmem:s29+$0x10] =	vst v2  }
0x284: {  	v8 =	vld.idx.msk [tilespmem:v8+s4+$0x0], $0xffff;
	[tilespmem:s29+$0xFFFFFC30] =	vst v4  }
0x285: {  	v2 =	vld.idx.msk [tilespmem:v11+s4+$0x0], $0xffff;
	[tilespmem:s29+$0x50] =	vst v13  }
0x286: {  	v3 =	vld.idx.msk [tilespmem:v3+s4+$0x0], $0xffff;
	[tilespmem:s29+$0xFFFFFC20] =	vst v9  }
0x287: {  	[tilespmem:s29+$0x40] =	vst v12;
	v6 =	vld.idx.msk [tilespmem:v10+s4+$0x0], $0xffff  }
0x288: {  	[tilespmem:s29+$0xFFFFFC60] =	vst v19;
	v5 =	vld.idx.msk [tilespmem:v14+s4+$0x0], $0xffff  }
0x289: {  	[tilespmem:s29+$0x30] =	vst v8  }
0x28a: {  	[tilespmem:s29+$0xFFFFFC50] =	vst v2  }
0x28b: {  	[tilespmem:s29+$0x20] =	vst v3  }
0x28c: {  	[tilespmem:s29+$0xFFFFFC40] =	vst v6  }
0x28d: {  	[tilespmem:s29+$0x70] =	vst v5  }
0x28e: {  	v2 =	vld [tilespmem:s30+$0x10]  }
0x28f: {  	v3 =	vld [tilespmem:s30+$0x60]  }
0x290: {  	v4 =	vld [tilespmem:s30+$0xFFFFFC10]  }
0x291: {  	v5 =	vld [tilespmem:s30+$0xFFFFFC00]  }
0x292: {  	v6 =	vld [tilespmem:s30+$0xFFFFFC20]  }
0x293: {  	v7 =	vld [tilespmem:s30+$0xFFFFFC30]  }
0x294: {  	v8 =	vld [tilespmem:s30+$0x20]  }
0x295: {  	v9 =	vld [tilespmem:s30+$0xFFFFFC70]  }
0x296: {  	v12 =	vld [tilespmem:s30+$0xFFFFFC50]  }
0x297: {  	v11 =	vld [tilespmem:s30+$0x50];
	v2 =	vsub.f32 v2, v1;
	v3 =	vsub.f32 v3, v1  }
0x298: {  	v4 =	vsub.f32 v4, v1;
	v5 =	vsub.f32 v5, v1  }
0x299: {  	v6 =	vsub.f32 v6, v1;
	v8 =	vsub.f32 v8, v1  }
0x29a: {  	v7 =	vsub.f32 v7, v1;
	v17 =	vsub.f32 v9, v1  }
0x29b: {  	v12 =	vsub.f32 v12, v1;
	v2 =	vmul.f32 v2, v0;
	v3 =	vmul.f32 v3, v0  }
0x29c: {  	v9 =	vsub.f32 v11, v1;
	v4 =	vmul.f32 v4, v0;
	v8 =	vmul.f32 v8, v0  }
0x29d: {  	v10 =	vld [tilespmem:s30+$0x0];
	v7 =	vmul.f32 v7, v0;
	v12 =	vmul.f32 v12, v0;
	v2 =	vmax.f32 v2, $0.0e+00  }
0x29e: {  	v3 =	vmax.f32 v3, $0.0e+00;
	v4 =	vmax.f32 v4, $0.0e+00;
	v8 =	vmax.f32 v8, $0.0e+00  }
0x29f: {  	v14 =	vld [tilespmem:s30+$0x30];
	v13 =	vmin.f32 v3, $6.300000000e+01;
	v3 =	vmul.f32 v5, v0;
	v4 =	vmin.f32 v4, $6.300000000e+01  }
0x2a0: {  	v15 =	vld [tilespmem:s30+$0xFFFFFC40];
	v7 =	vmax.f32 v7, $0.0e+00;
	v4 =	vtrunc.f32 v4;
	v5 =	vtrunc.f32 v13  }
0x2a1: {  	v13 =	vmul.f32 v9, v0;
	v9 =	vmul.f32 v6, v0;
	v3 =	vmax.f32 v3, $0.0e+00  }
0x2a2: {  	v16 =	vmin.f32 v3, $6.300000000e+01;
	v3 =	vcvt.f32.s32 v4;
	v4 =	vsub.f32 v10, v1  }
0x2a3: {  	v2 =	vmin.f32 v2, $6.300000000e+01;
	v6 =	vmul.f32 v17, v0;
	v11 =	vtrunc.f32 v16;
	v16 =	vld [tilespmem:s30+$0x40]  }
0x2a4: {  	v10 =	vsub.f32 v14, v1;
	v4 =	vmul.f32 v4, v0;
	v14 =	vcvt.f32.s32 v11  }
0x2a5: {  	v8 =	vmin.f32 v8, $6.300000000e+01;
	v2 =	vtrunc.f32 v2;
	v11 =	vsub.f32 v15, v1;
	v15 =	vld [tilespmem:s30+$0xFFFFFC60]  }
.Ltmp13:
0x2a6: {  	v17 =	vmax.f32 v12, $0.0e+00;
	v6 =	vmax.f32 v6, $0.0e+00;
	v4 =	vmax.f32 v4, $0.0e+00;
	(pc) =	sbr.rel @!p2 .LBB2_25-.Ltmp13, $4  }
0x2a7: {  	v12 =	vtrunc.f32 v8;
	v6 =	vmin.f32 v6, $6.300000000e+01;
	v4 =	vmin.f32 v4, $6.300000000e+01  }
0x2a8: {  	v6 =	vtrunc.f32 v6;
	v4 =	vtrunc.f32 v4;
	v16 =	vsub.f32 v16, v1  }
0x2a9: {  	s31 =	simm.s32 $0x8800;
	v21 =	vld [tilespmem:s30+$0x70];
	v7 =	vmin.f32 v7, $6.300000000e+01;
	v6 =	vcvt.f32.s32 v6;
	v4 =	vcvt.f32.s32 v4  }
0x2aa: {  	s2 =	sadd.s32 $0x800, s30;
	s29 =	simm.s32 $0x8880;
	s30 =	simm.s32 $0x880;
	v22 =	vsub.f32 v15, v1;
	v15 =	vmin.f32 v17, $6.300000000e+01;
	v8 =	vld.idx.msk [tilespmem:v14+s4+$0x0], $0xffff;
	v20 =	vmul.f32 v16, v0  }
0x2ab: {  	v12 =	vcvt.f32.s32 v12;
	v11 =	vmul.f32 v11, v0  }
0x2ac: {  	v14 =	vld [tilespmem:s2+$0xFFFFFC30];
	v10 =	vmul.f32 v10, v0;
	v15 =	vtrunc.f32 v15  }
0x2ad: {  	v13 =	vmax.f32 v13, $0.0e+00;
	v17 =	vld [tilespmem:s2+$0xFFFFFC70];
	v2 =	vcvt.f32.s32 v2;
	v5 =	vcvt.f32.s32 v5  }
0x2ae: {  	v18 =	vld [tilespmem:s2+$0xFFFFFC10];
	v9 =	vmax.f32 v9, $0.0e+00;
	v7 =	vtrunc.f32 v7;
	v16 =	vmul.f32 v22, v0  }
0x2af: {  	v23 =	vld [tilespmem:s2+$0x20];
	v13 =	vmin.f32 v13, $6.300000000e+01;
	v19 =	vmax.f32 v20, $0.0e+00;
	v15 =	vcvt.f32.s32 v15  }
0x2b0: {  	v24 =	vld [tilespmem:s2+$0x60];
	v9 =	vmin.f32 v9, $6.300000000e+01;
	v7 =	vcvt.f32.s32 v7;
	v13 =	vtrunc.f32 v13  }
0x2b1: {  	v25 =	vld [tilespmem:s2+$0xFFFFFC40];
	v11 =	vmax.f32 v11, $0.0e+00;
	v19 =	vmin.f32 v19, $6.300000000e+01;
	v10 =	vmax.f32 v10, $0.0e+00  }
0x2b2: {  	v28 =	vld [tilespmem:s2+$0xFFFFFC20];
	v9 =	vtrunc.f32 v9;
	v16 =	vmax.f32 v16, $0.0e+00;
	v11 =	vmin.f32 v11, $6.300000000e+01  }
0x2b3: {  	v20 =	vld [tilespmem:s2+$0x10];
	v19 =	vtrunc.f32 v19;
	v10 =	vmin.f32 v10, $6.300000000e+01;
	v13 =	vcvt.f32.s32 v13  }
0x2b4: {  	v29 =	vld [tilespmem:s2+$0xFFFFFC60];
	v9 =	vcvt.f32.s32 v9;
	v16 =	vmin.f32 v16, $6.300000000e+01;
	v11 =	vtrunc.f32 v11  }
0x2b5: {  	v30 =	vld [tilespmem:s2+$0x0];
	v21 =	vsub.f32 v21, v1;
	v10 =	vtrunc.f32 v10;
	v16 =	vtrunc.f32 v16  }
0x2b6: {  	v26 =	vcvt.f32.s32 v11;
	v11 =	vld [tilespmem:s2+$0xFFFFFC00];
	v27 =	vcvt.f32.s32 v10  }
0x2b7: {  	v31 =	vld.idx.msk [tilespmem:v3+s4+$0x0], $0xffff;
	v10 =	vmul.f32 v21, v0;
	v24 =	vsub.f32 v24, v1;
	v16 =	vcvt.f32.s32 v16  }
0x2b8: {  	v6 =	vld.idx.msk [tilespmem:v6+s4+$0x0], $0xffff;
	v19 =	vcvt.f32.s32 v19;
	v18 =	vsub.f32 v18, v1;
	v20 =	vsub.f32 v20, v1  }
0x2b9: {  	v22 =	vld [tilespmem:s2+$0x30];
	v28 =	vsub.f32 v28, v1;
	v10 =	vmax.f32 v10, $0.0e+00;
	v24 =	vmul.f32 v24, v0  }
0x2ba: {  	v21 =	vld [tilespmem:s2+$0xFFFFFC50];
	v18 =	vmul.f32 v18, v0;
	v20 =	vmul.f32 v20, v0;
	v10 =	vmin.f32 v10, $6.300000000e+01  }
0x2bb: {  	v17 =	vsub.f32 v17, v1;
	v32 =	vld.idx.msk [tilespmem:v2+s4+$0x0], $0xffff;
	v10 =	vtrunc.f32 v10;
	v11 =	vsub.f32 v11, v1  }
0x2bc: {  	v24 =	vmax.f32 v24, $0.0e+00;
	v18 =	vmax.f32 v18, $0.0e+00;
	v3 =	vmax.f32 v20, $0.0e+00;
	v20 =	vld [tilespmem:s2+$0x50]  }
0x2bd: {  	v24 =	vmin.f32 v24, $6.300000000e+01;
	v3 =	vmin.f32 v3, $6.300000000e+01;
	v16 =	vld.idx.msk [tilespmem:v16+s4+$0x0], $0xffff;
	v11 =	vmul.f32 v11, v0  }
0x2be: {  	v13 =	vld.idx.msk [tilespmem:v13+s4+$0x0], $0xffff;
	v33 =	vcvt.f32.s32 v10;
	v2 =	vtrunc.f32 v3;
	v3 =	vmin.f32 v18, $6.300000000e+01  }
0x2bf: {  	v18 =	vsub.f32 v23, v1;
	v23 =	vld [tilespmem:s2+$0x40];
	v3 =	vtrunc.f32 v3;
	v10 =	vmax.f32 v11, $0.0e+00  }
0x2c0: {  	[tilespmem:s31+$0xFFFFFC00] =	vst v8;
	v11 =	vsub.f32 v14, v1;
	v14 =	vld.idx.msk [tilespmem:v5+s4+$0x0], $0xffff;
	v3 =	vcvt.f32.s32 v3;
	v5 =	vtrunc.f32 v24  }
0x2c1: {  	[tilespmem:s31+$0xFFFFFC10] =	vst v31;
	v61 =	vld.idx.msk [tilespmem:v9+s4+$0x0], $0xffff;
	v8 =	vmin.f32 v10, $6.300000000e+01;
	v10 =	vsub.f32 v30, v1;
	v9 =	vsub.f32 v20, v1  }
0x2c2: {  	v20 =	vld.idx.msk [tilespmem:v4+s4+$0x0], $0xffff;
	v4 =	vtrunc.f32 v8;
	v8 =	vsub.f32 v21, v1;
	[tilespmem:s31+$0xFFFFFC60] =	vst v16;
	v16 =	vmul.f32 v18, v0  }
0x2c3: {  	v62 =	vld.idx.msk [tilespmem:v19+s4+$0x0], $0xffff;
	v18 =	vmul.f32 v11, v0;
	v21 =	vmul.f32 v10, v0;
	v10 =	vsub.f32 v22, v1  }
0x2c4: {  	[tilespmem:s31+$0x50] =	vst v13;
	v63 =	vld.idx.msk [tilespmem:v33+s4+$0x0], $0xffff;
	v22 =	vcvt.f32.s32 v4;
	v11 =	vsub.f32 v25, v1;
	v13 =	vmul.f32 v9, v0  }
0x2c5: {  	[tilespmem:s31+$0xFFFFFC70] =	vst v6;
	v9 =	vmul.f32 v28, v0;
	v23 =	vsub.f32 v23, v1;
	v19 =	vmax.f32 v16, $0.0e+00;
	v16 =	vld.idx.msk [tilespmem:v27+s4+$0x0], $0xffff  }
0x2c6: {  	p2 =	por $0x1, $0x1;
	[tilespmem:s31+$0x10] =	vst v32;
	v8 =	vmul.f32 v8, v0;
	v4 =	vmax.f32 v21, $0.0e+00;
	v21 =	vmul.f32 v17, v0;
	v17 =	vld.idx.msk [tilespmem:v15+s4+$0x0], $0xffff  }
.Ltmp14:
0x2c7: {  	[tilespmem:s31+$0x60] =	vst v14;
	v15 =	vmax.f32 v18, $0.0e+00;
	v14 =	vld.idx.msk [tilespmem:v26+s4+$0x0], $0xffff;
	v4 =	vmin.f32 v4, $6.300000000e+01;
	v18 =	vmin.f32 v19, $6.300000000e+01;
	(pc) =	sbr.rel @!p2 .LBB2_27-.Ltmp14, $4  }
0x2c8: {  	v19 =	vld.idx.msk [tilespmem:v12+s4+$0x0], $0xffff;
	v6 =	vmax.f32 v8, $0.0e+00;
	[tilespmem:s31+$0x0] =	vst v20;
	v20 =	vmul.f32 v23, v0;
	v21 =	vmax.f32 v21, $0.0e+00  }
0x2c9: {  	[tilespmem:s31+$0xFFFFFC20] =	vst v61;
	v4 =	vtrunc.f32 v4;
	v12 =	vtrunc.f32 v18;
	v18 =	vld.idx.msk [tilespmem:v7+s4+$0x0], $0xffff;
	v21 =	vmin.f32 v21, $6.300000000e+01  }
0x2ca: {  	s3 =	simm.s32 $0x10;
	s0 =	simm.s32 $0x9000;
	[tilespmem:s31+$0x40] =	vst v62;
	v7 =	vmin.f32 v15, $6.300000000e+01;
	v8 =	vld.idx.msk [tilespmem:v22+s4+$0x0], $0xffff;
	v22 =	vsub.f32 v29, v1;
	v21 =	vtrunc.f32 v21  }
0x2cb: {  	p1 =	por $0x1, $0x1;
	s15 =	simm.s32 $0x9000;
	v15 =	vmin.f32 v6, $6.300000000e+01;
	[tilespmem:s31+$0x70] =	vst v63;
	v4 =	vcvt.f32.s32 v4;
	v6 =	vcvt.f32.s32 v21;
	v21 =	vld [tilespmem:s2+$0x70];
	s2 =	sadd.s32 $0x800, s2  }
.LBB2_28:
0x2cc: {  	v23 =	vld [tilespmem:s2+$0xFFFFFC30];
	s3 =	sadd.s32 $0x10, s3;
	v22 =	vmul.f32 v22, v0;
	v12 =	vcvt.f32.s32 v12;
	v13 =	vmax.f32 v13, $0.0e+00;
	s15 =	sadd.s32 $0x800, s15;
	[tilespmem:s31+$0x30] =	vst v16  }
0x2cd: {  	v11 =	vmul.f32 v11, v0;
	v10 =	vmul.f32 v10, v0;
	v16 =	vld [tilespmem:s2+$0xFFFFFC70];
	p2 =	slt.u32 s3, $0x70;
	v13 =	vmin.f32 v13, $6.300000000e+01;
	[tilespmem:s31+$0xFFFFFC50] =	vst v17  }
0x2ce: {  	v20 =	vmax.f32 v20, $0.0e+00;
	v17 =	vld [tilespmem:s2+$0xFFFFFC10];
	v22 =	vmax.f32 v22, $0.0e+00;
	v13 =	vtrunc.f32 v13;
	[tilespmem:s31+$0x20] =	vst v19  }
0x2cf: {  	v20 =	vmin.f32 v20, $6.300000000e+01;
	v11 =	vmax.f32 v11, $0.0e+00;
	v19 =	vld [tilespmem:s2+$0x10];
	v22 =	vmin.f32 v22, $6.300000000e+01;
	[tilespmem:s31+$0xFFFFFC30] =	vst v18  }
0x2d0: {  	v15 =	vtrunc.f32 v15;
	v11 =	vmin.f32 v11, $6.300000000e+01;
	v18 =	vld [tilespmem:s2+$0x30];
	v21 =	vsub.f32 v21, v1;
	[tilespmem:s31+$0xFFFFFC40] =	vst v14;
	s31 =	smov.u32 s0;
	s0 =	smov.u32 s15  }
0x2d1: {  	v10 =	vmax.f32 v10, $0.0e+00;
	v14 =	vld [tilespmem:s2+$0x20];
	[tilespmem:s31+$0xFFFFFC00] =	vst v8;
	v8 =	vcvt.f32.s32 v15;
	v15 =	vtrunc.f32 v20  }
0x2d2: {  	v10 =	vmin.f32 v10, $6.300000000e+01;
	v11 =	vtrunc.f32 v11;
	v22 =	vtrunc.f32 v22;
	v20 =	vld [tilespmem:s2+$0x60]  }
0x2d3: {  	v9 =	vmax.f32 v9, $0.0e+00;
	v10 =	vtrunc.f32 v10;
	v25 =	vcvt.f32.s32 v11;
	v24 =	vld [tilespmem:s2+$0xFFFFFC40]  }
0x2d4: {  	v9 =	vmin.f32 v9, $6.300000000e+01;
	v26 =	vcvt.f32.s32 v10;
	v10 =	vmul.f32 v21, v0;
	v11 =	vld [tilespmem:s2+$0xFFFFFC00]  }
0x2d5: {  	v22 =	vcvt.f32.s32 v22;
	v15 =	vcvt.f32.s32 v15;
	v19 =	vsub.f32 v19, v1;
	v21 =	vld [tilespmem:s2+$0xFFFFFC50]  }
0x2d6: {  	v2 =	vcvt.f32.s32 v2;
	v9 =	vtrunc.f32 v9;
	v10 =	vmax.f32 v10, $0.0e+00;
	v27 =	vld [tilespmem:s2+$0xFFFFFC20]  }
0x2d7: {  	v13 =	vcvt.f32.s32 v13;
	v19 =	vmul.f32 v19, v0;
	v28 =	vld [tilespmem:s2+$0xFFFFFC60];
	v20 =	vsub.f32 v20, v1  }
0x2d8: {  	v5 =	vcvt.f32.s32 v5;
	v9 =	vcvt.f32.s32 v9;
	v10 =	vmin.f32 v10, $6.300000000e+01;
	v29 =	vld [tilespmem:s2+$0x0]  }
0x2d9: {  	v17 =	vsub.f32 v17, v1;
	v11 =	vsub.f32 v11, v1;
	v20 =	vmul.f32 v20, v0;
	v3 =	vld.idx.msk [tilespmem:v3+s4+$0x0], $0xffff  }
0x2da: {  	v7 =	vtrunc.f32 v7;
	v10 =	vtrunc.f32 v10;
	v19 =	vmax.f32 v19, $0.0e+00;
	v30 =	vld [tilespmem:s2+$0x50]  }
0x2db: {  	v7 =	vcvt.f32.s32 v7;
	v17 =	vmul.f32 v17, v0;
	v20 =	vmax.f32 v20, $0.0e+00;
	v22 =	vld.idx.msk [tilespmem:v22+s4+$0x0], $0xffff  }
0x2dc: {  	v19 =	vmin.f32 v19, $6.300000000e+01;
	v27 =	vsub.f32 v27, v1;
	v20 =	vmin.f32 v20, $6.300000000e+01;
	v31 =	vld.idx.msk [tilespmem:v2+s4+$0x0], $0xffff  }
0x2dd: {  	v17 =	vmax.f32 v17, $0.0e+00;
	v11 =	vmul.f32 v11, v0;
	v2 =	vtrunc.f32 v19;
	v13 =	vld.idx.msk [tilespmem:v13+s4+$0x0], $0xffff  }
0x2de: {  	v14 =	vsub.f32 v14, v1;
	v32 =	vcvt.f32.s32 v10;
	v17 =	vmin.f32 v17, $6.300000000e+01;
	v19 =	vld [tilespmem:s2+$0x40]  }
0x2df: {  	v10 =	vmax.f32 v11, $0.0e+00;
	v11 =	vtrunc.f32 v17;
	v17 =	vsub.f32 v23, v1;
	[tilespmem:s31+$0xFFFFFC10] =	vst v3;
	v23 =	vld.idx.msk [tilespmem:v5+s4+$0x0], $0xffff  }
0x2e0: {  	v10 =	vmin.f32 v10, $6.300000000e+01;
	v3 =	vcvt.f32.s32 v11;
	v11 =	vsub.f32 v29, v1;
	v29 =	vld.idx.msk [tilespmem:v9+s4+$0x0], $0xffff  }
0x2e1: {  	v33 =	vsub.f32 v16, v1;
	v5 =	vtrunc.f32 v20;
	v9 =	vsub.f32 v30, v1;
	[tilespmem:s31+$0xFFFFFC60] =	vst v22;
	v20 =	vld.idx.msk [tilespmem:v4+s4+$0x0], $0xffff  }
0x2e2: {  	v14 =	vmul.f32 v14, v0;
	v16 =	vsub.f32 v21, v1;
	v4 =	vtrunc.f32 v10;
	v6 =	vld.idx.msk [tilespmem:v6+s4+$0x0], $0xffff  }
0x2e3: {  	v21 =	vmul.f32 v17, v0;
	v17 =	vmul.f32 v11, v0;
	v10 =	vsub.f32 v18, v1;
	v15 =	vld.idx.msk [tilespmem:v15+s4+$0x0], $0xffff  }
0x2e4: {  	v11 =	vsub.f32 v24, v1;
	v18 =	vmul.f32 v16, v0;
	v22 =	vcvt.f32.s32 v4;
	[tilespmem:s31+$0x50] =	vst v13;
	v24 =	vld.idx.msk [tilespmem:v32+s4+$0x0], $0xffff  }
0x2e5: {  	v14 =	vmax.f32 v14, $0.0e+00;
	v4 =	vmax.f32 v17, $0.0e+00;
	v13 =	vmul.f32 v9, v0;
	v16 =	vld.idx.msk [tilespmem:v26+s4+$0x0], $0xffff;
	[tilespmem:s31+$0x60] =	vst v23  }
0x2e6: {  	v9 =	vmul.f32 v27, v0;
	v4 =	vmin.f32 v4, $6.300000000e+01;
	v23 =	vmul.f32 v33, v0;
	[tilespmem:s31+$0xFFFFFC20] =	vst v29;
	v17 =	vld.idx.msk [tilespmem:v8+s4+$0x0], $0xffff  }
.Ltmp15:
0x2e7: {  	v21 =	vmax.f32 v21, $0.0e+00;
	v4 =	vtrunc.f32 v4;
	v8 =	vmin.f32 v14, $6.300000000e+01;
	v14 =	vld.idx.msk [tilespmem:v25+s4+$0x0], $0xffff;
	[tilespmem:s31+$0x10] =	vst v31;
	(pc) =	sbr.rel @p2 .LBB2_28-.Ltmp15, $4  }
0x2e8: {  	v4 =	vcvt.f32.s32 v4;
	v23 =	vmax.f32 v23, $0.0e+00;
	v25 =	vsub.f32 v19, v1;
	[tilespmem:s31+$0xFFFFFC70] =	vst v6;
	v19 =	vld.idx.msk [tilespmem:v12+s4+$0x0], $0xffff  }
0x2e9: {  	v6 =	vmax.f32 v18, $0.0e+00;
	v23 =	vmin.f32 v23, $6.300000000e+01;
	v12 =	vtrunc.f32 v8;
	v18 =	vld.idx.msk [tilespmem:v7+s4+$0x0], $0xffff;
	[tilespmem:s31+$0x0] =	vst v20  }
0x2ea: {  	v23 =	vtrunc.f32 v23;
	v20 =	vmul.f32 v25, v0;
	v8 =	vld.idx.msk [tilespmem:v22+s4+$0x0], $0xffff;
	v22 =	vsub.f32 v28, v1;
	[tilespmem:s31+$0x40] =	vst v15  }
0x2eb: {  	v7 =	vmin.f32 v21, $6.300000000e+01;
	v15 =	vmin.f32 v6, $6.300000000e+01;
	v6 =	vcvt.f32.s32 v23;
	v21 =	vld [tilespmem:s2+$0x70];
	s2 =	sadd.s32 $0x800, s2;
	[tilespmem:s31+$0x70] =	vst v24  }
0x2ec: {  	s2 =	smov.u32 s31;
	s31 =	smov.u32 s0  }
.LBB2_30:
0x2ed: {  	v22 =	vmul.f32 v22, v0;
	v13 =	vmax.f32 v13, $0.0e+00;
	v5 =	vcvt.f32.s32 v5  }
0x2ee: {  	v9 =	vmax.f32 v9, $0.0e+00;
	v10 =	vmul.f32 v10, v0;
	v2 =	vcvt.f32.s32 v2  }
0x2ef: {  	[tilespmem:s2+$0x30] =	vst @p1 v16;
	v16 =	vmax.f32 v20, $0.0e+00;
	v11 =	vmul.f32 v11, v0;
	v7 =	vtrunc.f32 v7  }
0x2f0: {  	v13 =	vmin.f32 v13, $6.300000000e+01;
	v9 =	vmin.f32 v9, $6.300000000e+01;
	v16 =	vmin.f32 v16, $6.300000000e+01  }
0x2f1: {  	v7 =	vcvt.f32.s32 v7;
	v22 =	vmax.f32 v22, $0.0e+00;
	v13 =	vtrunc.f32 v13  }
0x2f2: {  	v9 =	vtrunc.f32 v9;
	v10 =	vmax.f32 v10, $0.0e+00;
	v16 =	vtrunc.f32 v16  }
0x2f3: {  	[tilespmem:s2+$0xFFFFFC50] =	vst @p1 v17;
	v4 =	vld.idx.msk [tilespmem:v4+s4+$0x0], $0xffff;
	v22 =	vmin.f32 v22, $6.300000000e+01;
	v21 =	vsub.f32 v21, v1;
	v13 =	vcvt.f32.s32 v13  }
0x2f4: {  	v3 =	vld.idx.msk [tilespmem:v3+s4+$0x0], $0xffff;
	[tilespmem:s2+$0x20] =	vst @p1 v19;
	v9 =	vcvt.f32.s32 v9;
	v10 =	vmin.f32 v10, $6.300000000e+01;
	v16 =	vcvt.f32.s32 v16  }
0x2f5: {  	[tilespmem:s2+$0xFFFFFC40] =	vst @p1 v14;
	v6 =	vld.idx.msk [tilespmem:v6+s4+$0x0], $0xffff;
	v22 =	vtrunc.f32 v22;
	v10 =	vtrunc.f32 v10  }
0x2f6: {  	[tilespmem:s2+$0xFFFFFC30] =	vst @p1 v18;
	v22 =	vcvt.f32.s32 v22;
	v21 =	vmul.f32 v21, v0;
	v5 =	vld.idx.msk [tilespmem:v5+s4+$0x0], $0xffff  }
0x2f7: {  	v15 =	vtrunc.f32 v15;
	[tilespmem:s31+$0xFFFFFC00] =	vst v8;
	v8 =	vcvt.f32.s32 v10;
	v10 =	vmax.f32 v11, $0.0e+00;
	v2 =	vld.idx.msk [tilespmem:v2+s4+$0x0], $0xffff  }
0x2f8: {  	v11 =	vcvt.f32.s32 v15;
	[tilespmem:s31+$0x0] =	vst v4;
	v10 =	vmin.f32 v10, $6.300000000e+01;
	v17 =	vmax.f32 v21, $0.0e+00;
	v4 =	vld.idx.msk [tilespmem:v7+s4+$0x0], $0xffff  }
0x2f9: {  	[tilespmem:s31+$0xFFFFFC10] =	vst v3;
	v3 =	vcvt.f32.s32 v12;
	v10 =	vtrunc.f32 v10;
	v17 =	vmin.f32 v17, $6.300000000e+01;
	v13 =	vld.idx.msk [tilespmem:v13+s4+$0x0], $0xffff  }
0x2fa: {  	[tilespmem:s31+$0xFFFFFC70] =	vst v6;
	v10 =	vcvt.f32.s32 v10;
	v17 =	vtrunc.f32 v17;
	v9 =	vld.idx.msk [tilespmem:v9+s4+$0x0], $0xffff  }
0x2fb: {  	v12 =	vld.idx.msk [tilespmem:v16+s4+$0x0], $0xffff;
	v14 =	vcvt.f32.s32 v17;
	[tilespmem:s31+$0x60] =	vst v5  }
0x2fc: {  	v19 =	vld.idx.msk [tilespmem:v22+s4+$0x0], $0xffff;
	[tilespmem:s31+$0x10] =	vst v2  }
0x2fd: {  	v8 =	vld.idx.msk [tilespmem:v8+s4+$0x0], $0xffff;
	[tilespmem:s31+$0xFFFFFC30] =	vst v4  }
0x2fe: {  	v2 =	vld.idx.msk [tilespmem:v11+s4+$0x0], $0xffff;
	[tilespmem:s31+$0x50] =	vst v13  }
0x2ff: {  	v3 =	vld.idx.msk [tilespmem:v3+s4+$0x0], $0xffff;
	[tilespmem:s31+$0xFFFFFC20] =	vst v9  }
0x300: {  	[tilespmem:s31+$0x40] =	vst v12;
	v6 =	vld.idx.msk [tilespmem:v10+s4+$0x0], $0xffff  }
0x301: {  	[tilespmem:s31+$0xFFFFFC60] =	vst v19;
	v5 =	vld.idx.msk [tilespmem:v14+s4+$0x0], $0xffff  }
0x302: {  	[tilespmem:s31+$0x30] =	vst v8  }
0x303: {  	[tilespmem:s31+$0xFFFFFC50] =	vst v2  }
0x304: {  	[tilespmem:s31+$0x20] =	vst v3  }
0x305: {  	[tilespmem:s31+$0xFFFFFC40] =	vst v6  }
0x306: {  	[tilespmem:s31+$0x70] =	vst v5  }
0x307: {  	v2 =	vld [tilespmem:s30+$0x10]  }
0x308: {  	v3 =	vld [tilespmem:s30+$0x60]  }
0x309: {  	v4 =	vld [tilespmem:s30+$0xFFFFFC10]  }
0x30a: {  	v5 =	vld [tilespmem:s30+$0xFFFFFC00]  }
0x30b: {  	v6 =	vld [tilespmem:s30+$0xFFFFFC20]  }
0x30c: {  	v7 =	vld [tilespmem:s30+$0xFFFFFC30]  }
0x30d: {  	v8 =	vld [tilespmem:s30+$0x20]  }
0x30e: {  	v9 =	vld [tilespmem:s30+$0xFFFFFC70]  }
0x30f: {  	v12 =	vld [tilespmem:s30+$0xFFFFFC50]  }
0x310: {  	v11 =	vld [tilespmem:s30+$0x50];
	v2 =	vsub.f32 v2, v1;
	v3 =	vsub.f32 v3, v1  }
0x311: {  	v4 =	vsub.f32 v4, v1;
	v5 =	vsub.f32 v5, v1  }
0x312: {  	v6 =	vsub.f32 v6, v1;
	v8 =	vsub.f32 v8, v1  }
0x313: {  	v7 =	vsub.f32 v7, v1;
	v17 =	vsub.f32 v9, v1  }
0x314: {  	v12 =	vsub.f32 v12, v1;
	v2 =	vmul.f32 v2, v0;
	v3 =	vmul.f32 v3, v0  }
0x315: {  	v9 =	vsub.f32 v11, v1;
	v4 =	vmul.f32 v4, v0;
	v8 =	vmul.f32 v8, v0  }
0x316: {  	v10 =	vld [tilespmem:s30+$0x0];
	v7 =	vmul.f32 v7, v0;
	v12 =	vmul.f32 v12, v0;
	v2 =	vmax.f32 v2, $0.0e+00  }
0x317: {  	v3 =	vmax.f32 v3, $0.0e+00;
	v4 =	vmax.f32 v4, $0.0e+00;
	v8 =	vmax.f32 v8, $0.0e+00  }
0x318: {  	v14 =	vld [tilespmem:s30+$0x30];
	v13 =	vmin.f32 v3, $6.300000000e+01;
	v3 =	vmul.f32 v5, v0;
	v4 =	vmin.f32 v4, $6.300000000e+01  }
0x319: {  	v15 =	vld [tilespmem:s30+$0xFFFFFC40];
	v7 =	vmax.f32 v7, $0.0e+00;
	v4 =	vtrunc.f32 v4;
	v5 =	vtrunc.f32 v13  }
0x31a: {  	v13 =	vmul.f32 v9, v0;
	v9 =	vmul.f32 v6, v0;
	v3 =	vmax.f32 v3, $0.0e+00  }
0x31b: {  	v16 =	vmin.f32 v3, $6.300000000e+01;
	v3 =	vcvt.f32.s32 v4;
	v4 =	vsub.f32 v10, v1  }
0x31c: {  	v2 =	vmin.f32 v2, $6.300000000e+01;
	v6 =	vmul.f32 v17, v0;
	v11 =	vtrunc.f32 v16;
	v16 =	vld [tilespmem:s30+$0x40]  }
0x31d: {  	v10 =	vsub.f32 v14, v1;
	v4 =	vmul.f32 v4, v0;
	v14 =	vcvt.f32.s32 v11  }
0x31e: {  	p2 =	por $0x1, $0x1;
	v8 =	vmin.f32 v8, $6.300000000e+01;
	v2 =	vtrunc.f32 v2;
	v11 =	vsub.f32 v15, v1;
	v15 =	vld [tilespmem:s30+$0xFFFFFC60]  }
.Ltmp16:
0x31f: {  	v17 =	vmax.f32 v12, $0.0e+00;
	v6 =	vmax.f32 v6, $0.0e+00;
	v4 =	vmax.f32 v4, $0.0e+00;
	(pc) =	sbr.rel @!p2 .LBB2_31-.Ltmp16, $4  }
0x320: {  	v12 =	vtrunc.f32 v8;
	v6 =	vmin.f32 v6, $6.300000000e+01;
	v4 =	vmin.f32 v4, $6.300000000e+01  }
0x321: {  	v6 =	vtrunc.f32 v6;
	v4 =	vtrunc.f32 v4;
	v16 =	vsub.f32 v16, v1  }
0x322: {  	v21 =	vld [tilespmem:s30+$0x70];
	v7 =	vmin.f32 v7, $6.300000000e+01;
	v6 =	vcvt.f32.s32 v6;
	v4 =	vcvt.f32.s32 v4  }
0x323: {  	s3 =	sadd.s32 $0x800, s30;
	p1 =	por $0x0, $0x0;
	s30 =	simm.s32 $0x900;
	v22 =	vsub.f32 v15, v1;
	v15 =	vmin.f32 v17, $6.300000000e+01;
	v8 =	vld.idx.msk [tilespmem:v14+s4+$0x0], $0xffff;
	v20 =	vmul.f32 v16, v0  }
0x324: {  	v12 =	vcvt.f32.s32 v12;
	v11 =	vmul.f32 v11, v0  }
0x325: {  	v14 =	vld [tilespmem:s3+$0xFFFFFC30];
	v10 =	vmul.f32 v10, v0;
	v15 =	vtrunc.f32 v15  }
0x326: {  	v13 =	vmax.f32 v13, $0.0e+00;
	v17 =	vld [tilespmem:s3+$0xFFFFFC70];
	v2 =	vcvt.f32.s32 v2;
	v5 =	vcvt.f32.s32 v5  }
0x327: {  	v18 =	vld [tilespmem:s3+$0xFFFFFC10];
	v9 =	vmax.f32 v9, $0.0e+00;
	v7 =	vtrunc.f32 v7;
	v16 =	vmul.f32 v22, v0  }
0x328: {  	v23 =	vld [tilespmem:s3+$0x20];
	v13 =	vmin.f32 v13, $6.300000000e+01;
	v19 =	vmax.f32 v20, $0.0e+00;
	v15 =	vcvt.f32.s32 v15  }
0x329: {  	v24 =	vld [tilespmem:s3+$0x60];
	v9 =	vmin.f32 v9, $6.300000000e+01;
	v7 =	vcvt.f32.s32 v7;
	v13 =	vtrunc.f32 v13  }
0x32a: {  	v25 =	vld [tilespmem:s3+$0xFFFFFC40];
	v11 =	vmax.f32 v11, $0.0e+00;
	v19 =	vmin.f32 v19, $6.300000000e+01;
	v10 =	vmax.f32 v10, $0.0e+00  }
0x32b: {  	v28 =	vld [tilespmem:s3+$0xFFFFFC20];
	v9 =	vtrunc.f32 v9;
	v16 =	vmax.f32 v16, $0.0e+00;
	v11 =	vmin.f32 v11, $6.300000000e+01  }
0x32c: {  	v20 =	vld [tilespmem:s3+$0x10];
	v19 =	vtrunc.f32 v19;
	v10 =	vmin.f32 v10, $6.300000000e+01;
	v13 =	vcvt.f32.s32 v13  }
0x32d: {  	v29 =	vld [tilespmem:s3+$0xFFFFFC60];
	v9 =	vcvt.f32.s32 v9;
	v16 =	vmin.f32 v16, $6.300000000e+01;
	v11 =	vtrunc.f32 v11  }
0x32e: {  	v30 =	vld [tilespmem:s3+$0x0];
	v21 =	vsub.f32 v21, v1;
	v10 =	vtrunc.f32 v10;
	v16 =	vtrunc.f32 v16  }
0x32f: {  	v26 =	vcvt.f32.s32 v11;
	v11 =	vld [tilespmem:s3+$0xFFFFFC00];
	v27 =	vcvt.f32.s32 v10  }
0x330: {  	v31 =	vld.idx.msk [tilespmem:v3+s4+$0x0], $0xffff;
	v10 =	vmul.f32 v21, v0;
	v24 =	vsub.f32 v24, v1;
	v16 =	vcvt.f32.s32 v16  }
0x331: {  	v6 =	vld.idx.msk [tilespmem:v6+s4+$0x0], $0xffff;
	v19 =	vcvt.f32.s32 v19;
	v18 =	vsub.f32 v18, v1;
	v20 =	vsub.f32 v20, v1  }
0x332: {  	v22 =	vld [tilespmem:s3+$0x30];
	v28 =	vsub.f32 v28, v1;
	v10 =	vmax.f32 v10, $0.0e+00;
	v24 =	vmul.f32 v24, v0  }
0x333: {  	v21 =	vld [tilespmem:s3+$0xFFFFFC50];
	v18 =	vmul.f32 v18, v0;
	v20 =	vmul.f32 v20, v0;
	v10 =	vmin.f32 v10, $6.300000000e+01  }
0x334: {  	v17 =	vsub.f32 v17, v1;
	v32 =	vld.idx.msk [tilespmem:v2+s4+$0x0], $0xffff;
	v10 =	vtrunc.f32 v10;
	v11 =	vsub.f32 v11, v1  }
0x335: {  	v24 =	vmax.f32 v24, $0.0e+00;
	v18 =	vmax.f32 v18, $0.0e+00;
	v3 =	vmax.f32 v20, $0.0e+00;
	v20 =	vld [tilespmem:s3+$0x50]  }
0x336: {  	v24 =	vmin.f32 v24, $6.300000000e+01;
	v3 =	vmin.f32 v3, $6.300000000e+01;
	v16 =	vld.idx.msk [tilespmem:v16+s4+$0x0], $0xffff;
	v11 =	vmul.f32 v11, v0  }
0x337: {  	v13 =	vld.idx.msk [tilespmem:v13+s4+$0x0], $0xffff;
	v33 =	vcvt.f32.s32 v10;
	v2 =	vtrunc.f32 v3;
	v3 =	vmin.f32 v18, $6.300000000e+01  }
0x338: {  	v18 =	vsub.f32 v23, v1;
	v23 =	vld [tilespmem:s3+$0x40];
	v3 =	vtrunc.f32 v3;
	v10 =	vmax.f32 v11, $0.0e+00  }
0x339: {  	[tilespmem:s29+$0xFFFFFC00] =	vst v8;
	v11 =	vsub.f32 v14, v1;
	v14 =	vld.idx.msk [tilespmem:v5+s4+$0x0], $0xffff;
	v3 =	vcvt.f32.s32 v3;
	v5 =	vtrunc.f32 v24  }
0x33a: {  	[tilespmem:s29+$0xFFFFFC10] =	vst v31;
	v61 =	vld.idx.msk [tilespmem:v9+s4+$0x0], $0xffff;
	v8 =	vmin.f32 v10, $6.300000000e+01;
	v10 =	vsub.f32 v30, v1;
	v9 =	vsub.f32 v20, v1  }
0x33b: {  	v20 =	vld.idx.msk [tilespmem:v4+s4+$0x0], $0xffff;
	v4 =	vtrunc.f32 v8;
	v8 =	vsub.f32 v21, v1;
	[tilespmem:s29+$0xFFFFFC60] =	vst v16;
	v16 =	vmul.f32 v18, v0  }
0x33c: {  	v62 =	vld.idx.msk [tilespmem:v19+s4+$0x0], $0xffff;
	v18 =	vmul.f32 v11, v0;
	v21 =	vmul.f32 v10, v0;
	v10 =	vsub.f32 v22, v1  }
0x33d: {  	[tilespmem:s29+$0x50] =	vst v13;
	v63 =	vld.idx.msk [tilespmem:v33+s4+$0x0], $0xffff;
	v22 =	vcvt.f32.s32 v4;
	v11 =	vsub.f32 v25, v1;
	v13 =	vmul.f32 v9, v0  }
0x33e: {  	[tilespmem:s29+$0xFFFFFC70] =	vst v6;
	v9 =	vmul.f32 v28, v0;
	v23 =	vsub.f32 v23, v1;
	v19 =	vmax.f32 v16, $0.0e+00;
	v16 =	vld.idx.msk [tilespmem:v27+s4+$0x0], $0xffff  }
0x33f: {  	p4 =	por $0x1, $0x1;
	[tilespmem:s29+$0x10] =	vst v32;
	v8 =	vmul.f32 v8, v0;
	v4 =	vmax.f32 v21, $0.0e+00;
	v21 =	vmul.f32 v17, v0;
	v17 =	vld.idx.msk [tilespmem:v15+s4+$0x0], $0xffff  }
.Ltmp17:
0x340: {  	[tilespmem:s29+$0x60] =	vst v14;
	v15 =	vmax.f32 v18, $0.0e+00;
	v14 =	vld.idx.msk [tilespmem:v26+s4+$0x0], $0xffff;
	v4 =	vmin.f32 v4, $6.300000000e+01;
	v18 =	vmin.f32 v19, $6.300000000e+01;
	(pc) =	sbr.rel @!p4 .LBB2_33-.Ltmp17, $4  }
0x341: {  	v19 =	vld.idx.msk [tilespmem:v12+s4+$0x0], $0xffff;
	v6 =	vmax.f32 v8, $0.0e+00;
	[tilespmem:s29+$0x0] =	vst v20;
	v20 =	vmul.f32 v23, v0;
	v21 =	vmax.f32 v21, $0.0e+00  }
0x342: {  	[tilespmem:s29+$0xFFFFFC20] =	vst v61;
	v4 =	vtrunc.f32 v4;
	v12 =	vtrunc.f32 v18;
	v18 =	vld.idx.msk [tilespmem:v7+s4+$0x0], $0xffff;
	v21 =	vmin.f32 v21, $6.300000000e+01  }
0x343: {  	s0 =	sadd.s32 $0x800, s29;
	s2 =	simm.s32 $0x10;
	[tilespmem:s29+$0x40] =	vst v62;
	v7 =	vmin.f32 v15, $6.300000000e+01;
	v8 =	vld.idx.msk [tilespmem:v22+s4+$0x0], $0xffff;
	v22 =	vsub.f32 v29, v1;
	v21 =	vtrunc.f32 v21  }
0x344: {  	p3 =	por $0x1, $0x1;
	s15 =	smov.u32 s0;
	v15 =	vmin.f32 v6, $6.300000000e+01;
	[tilespmem:s29+$0x70] =	vst v63;
	v4 =	vcvt.f32.s32 v4;
	v6 =	vcvt.f32.s32 v21;
	v21 =	vld [tilespmem:s3+$0x70];
	s3 =	sadd.s32 $0x800, s3  }
.LBB2_34:
0x345: {  	v23 =	vld [tilespmem:s3+$0xFFFFFC30];
	s2 =	sadd.s32 $0x10, s2;
	v22 =	vmul.f32 v22, v0;
	v12 =	vcvt.f32.s32 v12;
	v13 =	vmax.f32 v13, $0.0e+00;
	s15 =	sadd.s32 $0x800, s15;
	[tilespmem:s29+$0x30] =	vst v16  }
0x346: {  	v11 =	vmul.f32 v11, v0;
	v10 =	vmul.f32 v10, v0;
	v16 =	vld [tilespmem:s3+$0xFFFFFC70];
	p4 =	slt.u32 s2, $0x70;
	v13 =	vmin.f32 v13, $6.300000000e+01;
	[tilespmem:s29+$0xFFFFFC50] =	vst v17  }
0x347: {  	v20 =	vmax.f32 v20, $0.0e+00;
	v17 =	vld [tilespmem:s3+$0xFFFFFC10];
	v22 =	vmax.f32 v22, $0.0e+00;
	v13 =	vtrunc.f32 v13;
	[tilespmem:s29+$0x20] =	vst v19  }
0x348: {  	v20 =	vmin.f32 v20, $6.300000000e+01;
	v11 =	vmax.f32 v11, $0.0e+00;
	v19 =	vld [tilespmem:s3+$0x10];
	v22 =	vmin.f32 v22, $6.300000000e+01;
	[tilespmem:s29+$0xFFFFFC30] =	vst v18  }
0x349: {  	v15 =	vtrunc.f32 v15;
	v11 =	vmin.f32 v11, $6.300000000e+01;
	v18 =	vld [tilespmem:s3+$0x30];
	v21 =	vsub.f32 v21, v1;
	[tilespmem:s29+$0xFFFFFC40] =	vst v14;
	s29 =	smov.u32 s0;
	s0 =	smov.u32 s15  }
0x34a: {  	v10 =	vmax.f32 v10, $0.0e+00;
	v14 =	vld [tilespmem:s3+$0x20];
	[tilespmem:s29+$0xFFFFFC00] =	vst v8;
	v8 =	vcvt.f32.s32 v15;
	v15 =	vtrunc.f32 v20  }
0x34b: {  	v10 =	vmin.f32 v10, $6.300000000e+01;
	v11 =	vtrunc.f32 v11;
	v22 =	vtrunc.f32 v22;
	v20 =	vld [tilespmem:s3+$0x60]  }
0x34c: {  	v9 =	vmax.f32 v9, $0.0e+00;
	v10 =	vtrunc.f32 v10;
	v25 =	vcvt.f32.s32 v11;
	v24 =	vld [tilespmem:s3+$0xFFFFFC40]  }
0x34d: {  	v9 =	vmin.f32 v9, $6.300000000e+01;
	v26 =	vcvt.f32.s32 v10;
	v10 =	vmul.f32 v21, v0;
	v11 =	vld [tilespmem:s3+$0xFFFFFC00]  }
0x34e: {  	v22 =	vcvt.f32.s32 v22;
	v15 =	vcvt.f32.s32 v15;
	v19 =	vsub.f32 v19, v1;
	v21 =	vld [tilespmem:s3+$0xFFFFFC50]  }
0x34f: {  	v2 =	vcvt.f32.s32 v2;
	v9 =	vtrunc.f32 v9;
	v10 =	vmax.f32 v10, $0.0e+00;
	v27 =	vld [tilespmem:s3+$0xFFFFFC20]  }
0x350: {  	v13 =	vcvt.f32.s32 v13;
	v19 =	vmul.f32 v19, v0;
	v28 =	vld [tilespmem:s3+$0xFFFFFC60];
	v20 =	vsub.f32 v20, v1  }
0x351: {  	v5 =	vcvt.f32.s32 v5;
	v9 =	vcvt.f32.s32 v9;
	v10 =	vmin.f32 v10, $6.300000000e+01;
	v29 =	vld [tilespmem:s3+$0x0]  }
0x352: {  	v17 =	vsub.f32 v17, v1;
	v11 =	vsub.f32 v11, v1;
	v20 =	vmul.f32 v20, v0;
	v3 =	vld.idx.msk [tilespmem:v3+s4+$0x0], $0xffff  }
0x353: {  	v7 =	vtrunc.f32 v7;
	v10 =	vtrunc.f32 v10;
	v19 =	vmax.f32 v19, $0.0e+00;
	v30 =	vld [tilespmem:s3+$0x50]  }
0x354: {  	v7 =	vcvt.f32.s32 v7;
	v17 =	vmul.f32 v17, v0;
	v20 =	vmax.f32 v20, $0.0e+00;
	v22 =	vld.idx.msk [tilespmem:v22+s4+$0x0], $0xffff  }
0x355: {  	v19 =	vmin.f32 v19, $6.300000000e+01;
	v27 =	vsub.f32 v27, v1;
	v20 =	vmin.f32 v20, $6.300000000e+01;
	v31 =	vld.idx.msk [tilespmem:v2+s4+$0x0], $0xffff  }
0x356: {  	v17 =	vmax.f32 v17, $0.0e+00;
	v11 =	vmul.f32 v11, v0;
	v2 =	vtrunc.f32 v19;
	v13 =	vld.idx.msk [tilespmem:v13+s4+$0x0], $0xffff  }
0x357: {  	v14 =	vsub.f32 v14, v1;
	v32 =	vcvt.f32.s32 v10;
	v17 =	vmin.f32 v17, $6.300000000e+01;
	v19 =	vld [tilespmem:s3+$0x40]  }
0x358: {  	v10 =	vmax.f32 v11, $0.0e+00;
	v11 =	vtrunc.f32 v17;
	v17 =	vsub.f32 v23, v1;
	[tilespmem:s29+$0xFFFFFC10] =	vst v3;
	v23 =	vld.idx.msk [tilespmem:v5+s4+$0x0], $0xffff  }
0x359: {  	v10 =	vmin.f32 v10, $6.300000000e+01;
	v3 =	vcvt.f32.s32 v11;
	v11 =	vsub.f32 v29, v1;
	v29 =	vld.idx.msk [tilespmem:v9+s4+$0x0], $0xffff  }
0x35a: {  	v33 =	vsub.f32 v16, v1;
	v5 =	vtrunc.f32 v20;
	v9 =	vsub.f32 v30, v1;
	[tilespmem:s29+$0xFFFFFC60] =	vst v22;
	v20 =	vld.idx.msk [tilespmem:v4+s4+$0x0], $0xffff  }
0x35b: {  	v14 =	vmul.f32 v14, v0;
	v16 =	vsub.f32 v21, v1;
	v4 =	vtrunc.f32 v10;
	v6 =	vld.idx.msk [tilespmem:v6+s4+$0x0], $0xffff  }
0x35c: {  	v21 =	vmul.f32 v17, v0;
	v17 =	vmul.f32 v11, v0;
	v10 =	vsub.f32 v18, v1;
	v15 =	vld.idx.msk [tilespmem:v15+s4+$0x0], $0xffff  }
0x35d: {  	v11 =	vsub.f32 v24, v1;
	v18 =	vmul.f32 v16, v0;
	v22 =	vcvt.f32.s32 v4;
	[tilespmem:s29+$0x50] =	vst v13;
	v24 =	vld.idx.msk [tilespmem:v32+s4+$0x0], $0xffff  }
0x35e: {  	v14 =	vmax.f32 v14, $0.0e+00;
	v4 =	vmax.f32 v17, $0.0e+00;
	v13 =	vmul.f32 v9, v0;
	v16 =	vld.idx.msk [tilespmem:v26+s4+$0x0], $0xffff;
	[tilespmem:s29+$0x60] =	vst v23  }
0x35f: {  	v9 =	vmul.f32 v27, v0;
	v4 =	vmin.f32 v4, $6.300000000e+01;
	v23 =	vmul.f32 v33, v0;
	[tilespmem:s29+$0xFFFFFC20] =	vst v29;
	v17 =	vld.idx.msk [tilespmem:v8+s4+$0x0], $0xffff  }
.Ltmp18:
0x360: {  	v21 =	vmax.f32 v21, $0.0e+00;
	v4 =	vtrunc.f32 v4;
	v8 =	vmin.f32 v14, $6.300000000e+01;
	v14 =	vld.idx.msk [tilespmem:v25+s4+$0x0], $0xffff;
	[tilespmem:s29+$0x10] =	vst v31;
	(pc) =	sbr.rel @p4 .LBB2_34-.Ltmp18, $4  }
0x361: {  	v4 =	vcvt.f32.s32 v4;
	v23 =	vmax.f32 v23, $0.0e+00;
	v25 =	vsub.f32 v19, v1;
	[tilespmem:s29+$0xFFFFFC70] =	vst v6;
	v19 =	vld.idx.msk [tilespmem:v12+s4+$0x0], $0xffff  }
0x362: {  	v6 =	vmax.f32 v18, $0.0e+00;
	v23 =	vmin.f32 v23, $6.300000000e+01;
	v12 =	vtrunc.f32 v8;
	v18 =	vld.idx.msk [tilespmem:v7+s4+$0x0], $0xffff;
	[tilespmem:s29+$0x0] =	vst v20  }
0x363: {  	v23 =	vtrunc.f32 v23;
	v20 =	vmul.f32 v25, v0;
	v8 =	vld.idx.msk [tilespmem:v22+s4+$0x0], $0xffff;
	v22 =	vsub.f32 v28, v1;
	[tilespmem:s29+$0x40] =	vst v15  }
0x364: {  	v7 =	vmin.f32 v21, $6.300000000e+01;
	v15 =	vmin.f32 v6, $6.300000000e+01;
	v6 =	vcvt.f32.s32 v23;
	v21 =	vld [tilespmem:s3+$0x70];
	s3 =	sadd.s32 $0x800, s3;
	[tilespmem:s29+$0x70] =	vst v24  }
0x365: {  	s2 =	smov.u32 s29;
	s29 =	smov.u32 s0  }
.LBB2_36:
0x366: {  	v22 =	vmul.f32 v22, v0;
	v13 =	vmax.f32 v13, $0.0e+00;
	v5 =	vcvt.f32.s32 v5  }
0x367: {  	v9 =	vmax.f32 v9, $0.0e+00;
	v10 =	vmul.f32 v10, v0;
	v2 =	vcvt.f32.s32 v2  }
0x368: {  	[tilespmem:s2+$0x30] =	vst @p3 v16;
	v16 =	vmax.f32 v20, $0.0e+00;
	v11 =	vmul.f32 v11, v0;
	v7 =	vtrunc.f32 v7  }
0x369: {  	v13 =	vmin.f32 v13, $6.300000000e+01;
	v9 =	vmin.f32 v9, $6.300000000e+01;
	v16 =	vmin.f32 v16, $6.300000000e+01  }
0x36a: {  	v7 =	vcvt.f32.s32 v7;
	v22 =	vmax.f32 v22, $0.0e+00;
	v13 =	vtrunc.f32 v13  }
0x36b: {  	v9 =	vtrunc.f32 v9;
	v10 =	vmax.f32 v10, $0.0e+00;
	v16 =	vtrunc.f32 v16  }
0x36c: {  	[tilespmem:s2+$0xFFFFFC50] =	vst @p3 v17;
	v4 =	vld.idx.msk [tilespmem:v4+s4+$0x0], $0xffff;
	v22 =	vmin.f32 v22, $6.300000000e+01;
	v21 =	vsub.f32 v21, v1;
	v13 =	vcvt.f32.s32 v13  }
0x36d: {  	v3 =	vld.idx.msk [tilespmem:v3+s4+$0x0], $0xffff;
	[tilespmem:s2+$0x20] =	vst @p3 v19;
	v9 =	vcvt.f32.s32 v9;
	v10 =	vmin.f32 v10, $6.300000000e+01;
	v16 =	vcvt.f32.s32 v16  }
0x36e: {  	[tilespmem:s2+$0xFFFFFC40] =	vst @p3 v14;
	v6 =	vld.idx.msk [tilespmem:v6+s4+$0x0], $0xffff;
	v22 =	vtrunc.f32 v22;
	v10 =	vtrunc.f32 v10  }
0x36f: {  	[tilespmem:s2+$0xFFFFFC30] =	vst @p3 v18;
	v22 =	vcvt.f32.s32 v22;
	v21 =	vmul.f32 v21, v0;
	v5 =	vld.idx.msk [tilespmem:v5+s4+$0x0], $0xffff  }
0x370: {  	v15 =	vtrunc.f32 v15;
	[tilespmem:s29+$0xFFFFFC00] =	vst v8;
	v8 =	vcvt.f32.s32 v10;
	v10 =	vmax.f32 v11, $0.0e+00;
	v2 =	vld.idx.msk [tilespmem:v2+s4+$0x0], $0xffff  }
0x371: {  	v11 =	vcvt.f32.s32 v15;
	[tilespmem:s29+$0x0] =	vst v4;
	v10 =	vmin.f32 v10, $6.300000000e+01;
	v17 =	vmax.f32 v21, $0.0e+00;
	v4 =	vld.idx.msk [tilespmem:v7+s4+$0x0], $0xffff  }
0x372: {  	[tilespmem:s29+$0xFFFFFC10] =	vst v3;
	v3 =	vcvt.f32.s32 v12;
	v10 =	vtrunc.f32 v10;
	v17 =	vmin.f32 v17, $6.300000000e+01;
	v13 =	vld.idx.msk [tilespmem:v13+s4+$0x0], $0xffff  }
0x373: {  	[tilespmem:s29+$0xFFFFFC70] =	vst v6;
	v10 =	vcvt.f32.s32 v10;
	v17 =	vtrunc.f32 v17;
	v9 =	vld.idx.msk [tilespmem:v9+s4+$0x0], $0xffff  }
0x374: {  	v12 =	vld.idx.msk [tilespmem:v16+s4+$0x0], $0xffff;
	v14 =	vcvt.f32.s32 v17;
	[tilespmem:s29+$0x60] =	vst v5  }
0x375: {  	v19 =	vld.idx.msk [tilespmem:v22+s4+$0x0], $0xffff;
	[tilespmem:s29+$0x10] =	vst v2  }
0x376: {  	v8 =	vld.idx.msk [tilespmem:v8+s4+$0x0], $0xffff;
	[tilespmem:s29+$0xFFFFFC30] =	vst v4  }
0x377: {  	v2 =	vld.idx.msk [tilespmem:v11+s4+$0x0], $0xffff;
	[tilespmem:s29+$0x50] =	vst v13  }
0x378: {  	v3 =	vld.idx.msk [tilespmem:v3+s4+$0x0], $0xffff;
	[tilespmem:s29+$0xFFFFFC20] =	vst v9  }
0x379: {  	[tilespmem:s29+$0x40] =	vst v12;
	v6 =	vld.idx.msk [tilespmem:v10+s4+$0x0], $0xffff  }
0x37a: {  	[tilespmem:s29+$0xFFFFFC60] =	vst v19;
	v5 =	vld.idx.msk [tilespmem:v14+s4+$0x0], $0xffff  }
0x37b: {  	[tilespmem:s29+$0x30] =	vst v8  }
0x37c: {  	[tilespmem:s29+$0xFFFFFC50] =	vst v2  }
0x37d: {  	[tilespmem:s29+$0x20] =	vst v3  }
0x37e: {  	[tilespmem:s29+$0xFFFFFC40] =	vst v6  }
0x37f: {  	[tilespmem:s29+$0x70] =	vst v5  }
0x380: {  	v2 =	vld [tilespmem:s30+$0x10]  }
0x381: {  	v3 =	vld [tilespmem:s30+$0x60]  }
0x382: {  	v4 =	vld [tilespmem:s30+$0xFFFFFC10]  }
0x383: {  	v5 =	vld [tilespmem:s30+$0xFFFFFC00]  }
0x384: {  	v6 =	vld [tilespmem:s30+$0xFFFFFC20]  }
0x385: {  	v7 =	vld [tilespmem:s30+$0xFFFFFC30]  }
0x386: {  	v8 =	vld [tilespmem:s30+$0x20]  }
0x387: {  	v9 =	vld [tilespmem:s30+$0xFFFFFC70]  }
0x388: {  	v12 =	vld [tilespmem:s30+$0xFFFFFC50]  }
0x389: {  	v11 =	vld [tilespmem:s30+$0x50];
	v2 =	vsub.f32 v2, v1;
	v3 =	vsub.f32 v3, v1  }
0x38a: {  	v4 =	vsub.f32 v4, v1;
	v5 =	vsub.f32 v5, v1  }
0x38b: {  	v6 =	vsub.f32 v6, v1;
	v8 =	vsub.f32 v8, v1  }
0x38c: {  	v7 =	vsub.f32 v7, v1;
	v17 =	vsub.f32 v9, v1  }
0x38d: {  	v12 =	vsub.f32 v12, v1;
	v2 =	vmul.f32 v2, v0;
	v3 =	vmul.f32 v3, v0  }
0x38e: {  	v10 =	vld [tilespmem:s30+$0x0];
	v9 =	vsub.f32 v11, v1;
	v4 =	vmul.f32 v4, v0;
	v8 =	vmul.f32 v8, v0  }
0x38f: {  	v14 =	vld [tilespmem:s30+$0x30];
	v7 =	vmul.f32 v7, v0;
	v12 =	vmul.f32 v12, v0;
	v3 =	vmax.f32 v3, $0.0e+00  }
0x390: {  	v4 =	vmax.f32 v4, $0.0e+00;
	v13 =	vmin.f32 v3, $6.300000000e+01;
	v3 =	vmul.f32 v5, v0  }
0x391: {  	v2 =	vmax.f32 v2, $0.0e+00;
	v8 =	vmax.f32 v8, $0.0e+00;
	v4 =	vmin.f32 v4, $6.300000000e+01  }
0x392: {  	v15 =	vld [tilespmem:s30+$0xFFFFFC40];
	v7 =	vmax.f32 v7, $0.0e+00;
	v4 =	vtrunc.f32 v4;
	v3 =	vmax.f32 v3, $0.0e+00  }
0x393: {  	v5 =	vtrunc.f32 v13;
	v13 =	vld [tilespmem:s30+$0x40];
	v16 =	vmin.f32 v3, $6.300000000e+01;
	v3 =	vcvt.f32.s32 v4  }
0x394: {  	v4 =	vsub.f32 v10, v1;
	v10 =	vsub.f32 v14, v1;
	v14 =	vmul.f32 v9, v0  }
0x395: {  	v2 =	vmin.f32 v2, $6.300000000e+01;
	v9 =	vmul.f32 v6, v0;
	v11 =	vtrunc.f32 v16  }
0x396: {  	v8 =	vmin.f32 v8, $6.300000000e+01;
	v6 =	vmul.f32 v17, v0;
	v16 =	vcvt.f32.s32 v11  }
0x397: {  	v2 =	vtrunc.f32 v2;
	v4 =	vmul.f32 v4, v0;
	v11 =	vsub.f32 v15, v1;
	v15 =	vld [tilespmem:s30+$0xFFFFFC60]  }
.Ltmp19:
0x398: {  	v17 =	vmax.f32 v12, $0.0e+00;
	v6 =	vmax.f32 v6, $0.0e+00;
	v13 =	vsub.f32 v13, v1;
	(pc) =	sbr.rel @!p2 .LBB2_37-.Ltmp19, $4  }
0x399: {  	v12 =	vtrunc.f32 v8;
	v6 =	vmin.f32 v6, $6.300000000e+01;
	v4 =	vmax.f32 v4, $0.0e+00  }
0x39a: {  	v6 =	vtrunc.f32 v6;
	v4 =	vmin.f32 v4, $6.300000000e+01;
	v20 =	vmul.f32 v13, v0  }
0x39b: {  	v21 =	vld [tilespmem:s30+$0x70];
	v7 =	vmin.f32 v7, $6.300000000e+01;
	v6 =	vcvt.f32.s32 v6;
	v4 =	vtrunc.f32 v4  }
0x39c: {  	s0 =	simm.s32 $0x8900;
	s2 =	sadd.s32 $0x800, s30;
	v4 =	vcvt.f32.s32 v4;
	v22 =	vsub.f32 v15, v1;
	v15 =	vmin.f32 v17, $6.300000000e+01;
	v8 =	vld.idx.msk [tilespmem:v16+s4+$0x0], $0xffff  }
0x39d: {  	v12 =	vcvt.f32.s32 v12  }
0x39e: {  	v13 =	vld [tilespmem:s2+$0xFFFFFC30];
	v14 =	vmax.f32 v14, $0.0e+00;
	v11 =	vmul.f32 v11, v0;
	v10 =	vmul.f32 v10, v0  }
0x39f: {  	v17 =	vld [tilespmem:s2+$0xFFFFFC70];
	v19 =	vmax.f32 v20, $0.0e+00;
	v15 =	vtrunc.f32 v15;
	v2 =	vcvt.f32.s32 v2  }
0x3a0: {  	v18 =	vld [tilespmem:s2+$0xFFFFFC10];
	v9 =	vmax.f32 v9, $0.0e+00;
	v5 =	vcvt.f32.s32 v5;
	v7 =	vtrunc.f32 v7  }
0x3a1: {  	v20 =	vld [tilespmem:s2+$0x10];
	v16 =	vmul.f32 v22, v0;
	v14 =	vmin.f32 v14, $6.300000000e+01;
	v19 =	vmin.f32 v19, $6.300000000e+01  }
0x3a2: {  	v23 =	vld [tilespmem:s2+$0x20];
	v15 =	vcvt.f32.s32 v15;
	v9 =	vmin.f32 v9, $6.300000000e+01;
	v7 =	vcvt.f32.s32 v7  }
0x3a3: {  	v24 =	vld [tilespmem:s2+$0x60];
	v14 =	vtrunc.f32 v14;
	v11 =	vmax.f32 v11, $0.0e+00;
	v10 =	vmax.f32 v10, $0.0e+00  }
0x3a4: {  	v25 =	vld [tilespmem:s2+$0xFFFFFC40];
	v19 =	vtrunc.f32 v19;
	v9 =	vtrunc.f32 v9;
	v16 =	vmax.f32 v16, $0.0e+00  }
0x3a5: {  	v28 =	vld [tilespmem:s2+$0xFFFFFC20];
	v11 =	vmin.f32 v11, $6.300000000e+01;
	v10 =	vmin.f32 v10, $6.300000000e+01;
	v19 =	vcvt.f32.s32 v19  }
0x3a6: {  	v30 =	vld [tilespmem:s2+$0x0];
	v14 =	vcvt.f32.s32 v14;
	v16 =	vmin.f32 v16, $6.300000000e+01;
	v11 =	vtrunc.f32 v11  }
0x3a7: {  	v31 =	vld.idx.msk [tilespmem:v3+s4+$0x0], $0xffff;
	v21 =	vsub.f32 v21, v1;
	v10 =	vtrunc.f32 v10;
	v16 =	vtrunc.f32 v16  }
0x3a8: {  	v6 =	vld.idx.msk [tilespmem:v6+s4+$0x0], $0xffff;
	v26 =	vcvt.f32.s32 v11;
	v27 =	vcvt.f32.s32 v10  }
0x3a9: {  	v11 =	vld [tilespmem:s2+$0xFFFFFC00];
	v10 =	vmul.f32 v21, v0;
	v20 =	vsub.f32 v20, v1;
	v18 =	vsub.f32 v18, v1  }
0x3aa: {  	v22 =	vld [tilespmem:s2+$0x30];
	v9 =	vcvt.f32.s32 v9;
	v24 =	vsub.f32 v24, v1;
	v16 =	vcvt.f32.s32 v16  }
0x3ab: {  	v21 =	vld [tilespmem:s2+$0xFFFFFC50];
	v10 =	vmax.f32 v10, $0.0e+00;
	v20 =	vmul.f32 v20, v0;
	v18 =	vmul.f32 v18, v0  }
0x3ac: {  	v28 =	vsub.f32 v28, v1;
	v32 =	vld.idx.msk [tilespmem:v2+s4+$0x0], $0xffff;
	v24 =	vmul.f32 v24, v0;
	v10 =	vmin.f32 v10, $6.300000000e+01  }
0x3ad: {  	v3 =	vmax.f32 v20, $0.0e+00;
	v20 =	vld [tilespmem:s2+$0x50];
	v10 =	vtrunc.f32 v10;
	v18 =	vmax.f32 v18, $0.0e+00  }
0x3ae: {  	v14 =	vld.idx.msk [tilespmem:v14+s4+$0x0], $0xffff;
	v11 =	vsub.f32 v11, v1;
	v3 =	vmin.f32 v3, $6.300000000e+01;
	v33 =	vcvt.f32.s32 v10  }
0x3af: {  	v2 =	vtrunc.f32 v3;
	v3 =	vmin.f32 v18, $6.300000000e+01;
	v18 =	vsub.f32 v23, v1;
	v23 =	vld [tilespmem:s2+$0x40]  }
0x3b0: {  	v24 =	vmax.f32 v24, $0.0e+00;
	v16 =	vld.idx.msk [tilespmem:v16+s4+$0x0], $0xffff;
	v11 =	vmul.f32 v11, v0;
	v3 =	vtrunc.f32 v3  }
0x3b1: {  	v17 =	vsub.f32 v17, v1;
	v61 =	vld.idx.msk [tilespmem:v9+s4+$0x0], $0xffff;
	v24 =	vmin.f32 v24, $6.300000000e+01;
	v3 =	vcvt.f32.s32 v3  }
0x3b2: {  	v62 =	vld.idx.msk [tilespmem:v19+s4+$0x0], $0xffff;
	v10 =	vmax.f32 v11, $0.0e+00;
	v11 =	vsub.f32 v13, v1;
	v9 =	vsub.f32 v20, v1  }
0x3b3: {  	[tilespmem:s0+$0xFFFFFC00] =	vst v8;
	v13 =	vld.idx.msk [tilespmem:v5+s4+$0x0], $0xffff;
	v5 =	vtrunc.f32 v24;
	v8 =	vmin.f32 v10, $6.300000000e+01;
	v10 =	vsub.f32 v30, v1  }
0x3b4: {  	v20 =	vld.idx.msk [tilespmem:v4+s4+$0x0], $0xffff;
	[tilespmem:s0+$0x50] =	vst v14;
	v4 =	vtrunc.f32 v8;
	v8 =	vsub.f32 v21, v1;
	v14 =	vmul.f32 v9, v0  }
0x3b5: {  	v29 =	vld [tilespmem:s2+$0xFFFFFC60];
	v9 =	vmul.f32 v28, v0;
	v23 =	vsub.f32 v23, v1;
	[tilespmem:s0+$0xFFFFFC60] =	vst v16;
	v16 =	vmul.f32 v18, v0  }
0x3b6: {  	[tilespmem:s0+$0xFFFFFC10] =	vst v31;
	v63 =	vld.idx.msk [tilespmem:v33+s4+$0x0], $0xffff;
	v21 =	vmul.f32 v10, v0;
	v10 =	vsub.f32 v22, v1;
	v22 =	vcvt.f32.s32 v4  }
0x3b7: {  	[tilespmem:s0+$0xFFFFFC70] =	vst v6;
	v18 =	vmul.f32 v11, v0;
	v11 =	vsub.f32 v25, v1;
	v19 =	vmax.f32 v16, $0.0e+00;
	v16 =	vld.idx.msk [tilespmem:v27+s4+$0x0], $0xffff  }
0x3b8: {  	p2 =	por $0x1, $0x1;
	v8 =	vmul.f32 v8, v0;
	v4 =	vmax.f32 v21, $0.0e+00;
	[tilespmem:s0+$0x60] =	vst v13;
	v21 =	vmul.f32 v17, v0;
	v17 =	vld.idx.msk [tilespmem:v15+s4+$0x0], $0xffff  }
.Ltmp20:
0x3b9: {  	v15 =	vmax.f32 v18, $0.0e+00;
	v13 =	vld.idx.msk [tilespmem:v26+s4+$0x0], $0xffff;
	[tilespmem:s0+$0x0] =	vst v20;
	v20 =	vmul.f32 v23, v0;
	v4 =	vmin.f32 v4, $6.300000000e+01;
	(pc) =	sbr.rel @!p2 .LBB2_39-.Ltmp20, $4  }
0x3ba: {  	[tilespmem:s0+$0x10] =	vst v32;
	v18 =	vmin.f32 v19, $6.300000000e+01;
	v19 =	vld.idx.msk [tilespmem:v12+s4+$0x0], $0xffff;
	v6 =	vmax.f32 v8, $0.0e+00;
	v21 =	vmax.f32 v21, $0.0e+00  }
0x3bb: {  	[tilespmem:s0+$0xFFFFFC20] =	vst v61;
	v4 =	vtrunc.f32 v4;
	v12 =	vtrunc.f32 v18;
	v18 =	vld.idx.msk [tilespmem:v7+s4+$0x0], $0xffff;
	v21 =	vmin.f32 v21, $6.300000000e+01  }
0x3bc: {  	s29 =	simm.s32 $0x10;
	s3 =	simm.s32 $0x9100;
	[tilespmem:s0+$0x40] =	vst v62;
	v7 =	vmin.f32 v15, $6.300000000e+01;
	v8 =	vld.idx.msk [tilespmem:v22+s4+$0x0], $0xffff;
	v22 =	vsub.f32 v29, v1;
	v21 =	vtrunc.f32 v21  }
0x3bd: {  	p1 =	por $0x1, $0x1;
	s15 =	simm.s32 $0x9100;
	v15 =	vmin.f32 v6, $6.300000000e+01;
	[tilespmem:s0+$0x70] =	vst v63;
	v4 =	vcvt.f32.s32 v4;
	v6 =	vcvt.f32.s32 v21;
	v21 =	vld [tilespmem:s2+$0x70];
	s2 =	sadd.s32 $0x800, s2  }
.LBB2_40:
0x3be: {  	v23 =	vld [tilespmem:s2+$0xFFFFFC30];
	s29 =	sadd.s32 $0x10, s29;
	v22 =	vmul.f32 v22, v0;
	v12 =	vcvt.f32.s32 v12;
	v14 =	vmax.f32 v14, $0.0e+00;
	s15 =	sadd.s32 $0x800, s15;
	[tilespmem:s0+$0x30] =	vst v16  }
0x3bf: {  	v11 =	vmul.f32 v11, v0;
	v10 =	vmul.f32 v10, v0;
	v16 =	vld [tilespmem:s2+$0xFFFFFC70];
	p2 =	slt.u32 s29, $0x70;
	v14 =	vmin.f32 v14, $6.300000000e+01;
	[tilespmem:s0+$0xFFFFFC50] =	vst v17  }
0x3c0: {  	v20 =	vmax.f32 v20, $0.0e+00;
	v17 =	vld [tilespmem:s2+$0xFFFFFC10];
	v22 =	vmax.f32 v22, $0.0e+00;
	v14 =	vtrunc.f32 v14;
	[tilespmem:s0+$0x20] =	vst v19  }
0x3c1: {  	v20 =	vmin.f32 v20, $6.300000000e+01;
	v11 =	vmax.f32 v11, $0.0e+00;
	v19 =	vld [tilespmem:s2+$0x10];
	v22 =	vmin.f32 v22, $6.300000000e+01;
	[tilespmem:s0+$0xFFFFFC30] =	vst v18  }
0x3c2: {  	v15 =	vtrunc.f32 v15;
	v11 =	vmin.f32 v11, $6.300000000e+01;
	v18 =	vld [tilespmem:s2+$0x30];
	v21 =	vsub.f32 v21, v1;
	[tilespmem:s0+$0xFFFFFC40] =	vst v13;
	s0 =	smov.u32 s3;
	s3 =	smov.u32 s15  }
0x3c3: {  	v10 =	vmax.f32 v10, $0.0e+00;
	v13 =	vld [tilespmem:s2+$0x20];
	[tilespmem:s0+$0xFFFFFC00] =	vst v8;
	v8 =	vcvt.f32.s32 v15;
	v15 =	vtrunc.f32 v20  }
0x3c4: {  	v10 =	vmin.f32 v10, $6.300000000e+01;
	v11 =	vtrunc.f32 v11;
	v22 =	vtrunc.f32 v22;
	v20 =	vld [tilespmem:s2+$0x60]  }
0x3c5: {  	v9 =	vmax.f32 v9, $0.0e+00;
	v10 =	vtrunc.f32 v10;
	v25 =	vcvt.f32.s32 v11;
	v24 =	vld [tilespmem:s2+$0xFFFFFC40]  }
0x3c6: {  	v9 =	vmin.f32 v9, $6.300000000e+01;
	v26 =	vcvt.f32.s32 v10;
	v10 =	vmul.f32 v21, v0;
	v11 =	vld [tilespmem:s2+$0xFFFFFC00]  }
0x3c7: {  	v22 =	vcvt.f32.s32 v22;
	v15 =	vcvt.f32.s32 v15;
	v19 =	vsub.f32 v19, v1;
	v21 =	vld [tilespmem:s2+$0xFFFFFC50]  }
0x3c8: {  	v2 =	vcvt.f32.s32 v2;
	v9 =	vtrunc.f32 v9;
	v10 =	vmax.f32 v10, $0.0e+00;
	v27 =	vld [tilespmem:s2+$0xFFFFFC20]  }
0x3c9: {  	v14 =	vcvt.f32.s32 v14;
	v19 =	vmul.f32 v19, v0;
	v28 =	vld [tilespmem:s2+$0xFFFFFC60];
	v20 =	vsub.f32 v20, v1  }
0x3ca: {  	v5 =	vcvt.f32.s32 v5;
	v9 =	vcvt.f32.s32 v9;
	v10 =	vmin.f32 v10, $6.300000000e+01;
	v29 =	vld [tilespmem:s2+$0x0]  }
0x3cb: {  	v17 =	vsub.f32 v17, v1;
	v11 =	vsub.f32 v11, v1;
	v20 =	vmul.f32 v20, v0;
	v3 =	vld.idx.msk [tilespmem:v3+s4+$0x0], $0xffff  }
0x3cc: {  	v7 =	vtrunc.f32 v7;
	v10 =	vtrunc.f32 v10;
	v19 =	vmax.f32 v19, $0.0e+00;
	v30 =	vld [tilespmem:s2+$0x50]  }
0x3cd: {  	v7 =	vcvt.f32.s32 v7;
	v17 =	vmul.f32 v17, v0;
	v20 =	vmax.f32 v20, $0.0e+00;
	v22 =	vld.idx.msk [tilespmem:v22+s4+$0x0], $0xffff  }
0x3ce: {  	v19 =	vmin.f32 v19, $6.300000000e+01;
	v27 =	vsub.f32 v27, v1;
	v20 =	vmin.f32 v20, $6.300000000e+01;
	v31 =	vld.idx.msk [tilespmem:v2+s4+$0x0], $0xffff  }
0x3cf: {  	v17 =	vmax.f32 v17, $0.0e+00;
	v11 =	vmul.f32 v11, v0;
	v2 =	vtrunc.f32 v19;
	v14 =	vld.idx.msk [tilespmem:v14+s4+$0x0], $0xffff  }
0x3d0: {  	v13 =	vsub.f32 v13, v1;
	v32 =	vcvt.f32.s32 v10;
	v17 =	vmin.f32 v17, $6.300000000e+01;
	v19 =	vld [tilespmem:s2+$0x40]  }
0x3d1: {  	v10 =	vmax.f32 v11, $0.0e+00;
	v11 =	vtrunc.f32 v17;
	v17 =	vsub.f32 v23, v1;
	[tilespmem:s0+$0xFFFFFC10] =	vst v3;
	v23 =	vld.idx.msk [tilespmem:v5+s4+$0x0], $0xffff  }
0x3d2: {  	v10 =	vmin.f32 v10, $6.300000000e+01;
	v3 =	vcvt.f32.s32 v11;
	v11 =	vsub.f32 v29, v1;
	v29 =	vld.idx.msk [tilespmem:v9+s4+$0x0], $0xffff  }
0x3d3: {  	v33 =	vsub.f32 v16, v1;
	v5 =	vtrunc.f32 v20;
	v9 =	vsub.f32 v30, v1;
	[tilespmem:s0+$0xFFFFFC60] =	vst v22;
	v20 =	vld.idx.msk [tilespmem:v4+s4+$0x0], $0xffff  }
0x3d4: {  	v13 =	vmul.f32 v13, v0;
	v16 =	vsub.f32 v21, v1;
	v4 =	vtrunc.f32 v10;
	v6 =	vld.idx.msk [tilespmem:v6+s4+$0x0], $0xffff  }
0x3d5: {  	v21 =	vmul.f32 v17, v0;
	v17 =	vmul.f32 v11, v0;
	v10 =	vsub.f32 v18, v1;
	v15 =	vld.idx.msk [tilespmem:v15+s4+$0x0], $0xffff  }
0x3d6: {  	v11 =	vsub.f32 v24, v1;
	v18 =	vmul.f32 v16, v0;
	v22 =	vcvt.f32.s32 v4;
	[tilespmem:s0+$0x50] =	vst v14;
	v24 =	vld.idx.msk [tilespmem:v32+s4+$0x0], $0xffff  }
0x3d7: {  	v13 =	vmax.f32 v13, $0.0e+00;
	v4 =	vmax.f32 v17, $0.0e+00;
	v14 =	vmul.f32 v9, v0;
	v16 =	vld.idx.msk [tilespmem:v26+s4+$0x0], $0xffff;
	[tilespmem:s0+$0x60] =	vst v23  }
0x3d8: {  	v9 =	vmul.f32 v27, v0;
	v4 =	vmin.f32 v4, $6.300000000e+01;
	v23 =	vmul.f32 v33, v0;
	[tilespmem:s0+$0xFFFFFC20] =	vst v29;
	v17 =	vld.idx.msk [tilespmem:v8+s4+$0x0], $0xffff  }
.Ltmp21:
0x3d9: {  	v21 =	vmax.f32 v21, $0.0e+00;
	v4 =	vtrunc.f32 v4;
	v8 =	vmin.f32 v13, $6.300000000e+01;
	v13 =	vld.idx.msk [tilespmem:v25+s4+$0x0], $0xffff;
	[tilespmem:s0+$0x10] =	vst v31;
	(pc) =	sbr.rel @p2 .LBB2_40-.Ltmp21, $4  }
0x3da: {  	v4 =	vcvt.f32.s32 v4;
	v23 =	vmax.f32 v23, $0.0e+00;
	v25 =	vsub.f32 v19, v1;
	[tilespmem:s0+$0xFFFFFC70] =	vst v6;
	v19 =	vld.idx.msk [tilespmem:v12+s4+$0x0], $0xffff  }
0x3db: {  	v6 =	vmax.f32 v18, $0.0e+00;
	v23 =	vmin.f32 v23, $6.300000000e+01;
	v12 =	vtrunc.f32 v8;
	v18 =	vld.idx.msk [tilespmem:v7+s4+$0x0], $0xffff;
	[tilespmem:s0+$0x0] =	vst v20  }
0x3dc: {  	v23 =	vtrunc.f32 v23;
	v20 =	vmul.f32 v25, v0;
	v8 =	vld.idx.msk [tilespmem:v22+s4+$0x0], $0xffff;
	v22 =	vsub.f32 v28, v1;
	[tilespmem:s0+$0x40] =	vst v15  }
0x3dd: {  	v7 =	vmin.f32 v21, $6.300000000e+01;
	v15 =	vmin.f32 v6, $6.300000000e+01;
	v6 =	vcvt.f32.s32 v23;
	v21 =	vld [tilespmem:s2+$0x70];
	s2 =	sadd.s32 $0x800, s2;
	[tilespmem:s0+$0x70] =	vst v24  }
0x3de: {  	s2 =	smov.u32 s0;
	s0 =	smov.u32 s3  }
.LBB2_42:
0x3df: {  	v22 =	vmul.f32 v22, v0;
	v14 =	vmax.f32 v14, $0.0e+00;
	v5 =	vcvt.f32.s32 v5  }
0x3e0: {  	v9 =	vmax.f32 v9, $0.0e+00;
	v10 =	vmul.f32 v10, v0;
	v2 =	vcvt.f32.s32 v2  }
0x3e1: {  	v53 =	vmax.f32 v20, $0.0e+00;
	v11 =	vmul.f32 v11, v0;
	v7 =	vtrunc.f32 v7  }
0x3e2: {  	[tilespmem:s2+$0x30] =	vst @p1 v16;
	v14 =	vmin.f32 v14, $6.300000000e+01;
	v9 =	vmin.f32 v9, $6.300000000e+01;
	v16 =	vmin.f32 v53, $6.300000000e+01  }
0x3e3: {  	v7 =	vcvt.f32.s32 v7;
	v22 =	vmax.f32 v22, $0.0e+00;
	v14 =	vtrunc.f32 v14  }
0x3e4: {  	v9 =	vtrunc.f32 v9;
	v10 =	vmax.f32 v10, $0.0e+00;
	v16 =	vtrunc.f32 v16  }
0x3e5: {  	[tilespmem:s2+$0xFFFFFC50] =	vst @p1 v17;
	v3 =	vld.idx.msk [tilespmem:v3+s4+$0x0], $0xffff;
	v22 =	vmin.f32 v22, $6.300000000e+01;
	v21 =	vsub.f32 v21, v1;
	v14 =	vcvt.f32.s32 v14  }
0x3e6: {  	[tilespmem:s2+$0x20] =	vst @p1 v19;
	v6 =	vld.idx.msk [tilespmem:v6+s4+$0x0], $0xffff;
	v9 =	vcvt.f32.s32 v9;
	v10 =	vmin.f32 v10, $6.300000000e+01;
	v16 =	vcvt.f32.s32 v16  }
0x3e7: {  	[tilespmem:s2+$0xFFFFFC40] =	vst @p1 v13;
	v4 =	vld.idx.msk [tilespmem:v4+s4+$0x0], $0xffff;
	v22 =	vtrunc.f32 v22;
	v10 =	vtrunc.f32 v10  }
0x3e8: {  	[tilespmem:s2+$0xFFFFFC30] =	vst @p1 v18;
	v22 =	vcvt.f32.s32 v22;
	v21 =	vmul.f32 v21, v0;
	v5 =	vld.idx.msk [tilespmem:v5+s4+$0x0], $0xffff  }
0x3e9: {  	v15 =	vtrunc.f32 v15;
	[tilespmem:s0+$0xFFFFFC00] =	vst v8;
	v58 =	vmax.f32 v11, $0.0e+00;
	v57 =	vcvt.f32.s32 v10;
	v2 =	vld.idx.msk [tilespmem:v2+s4+$0x0], $0xffff  }
0x3ea: {  	v59 =	vcvt.f32.s32 v15;
	[tilespmem:s0+$0xFFFFFC10] =	vst v3;
	v10 =	vmin.f32 v58, $6.300000000e+01;
	v54 =	vmax.f32 v21, $0.0e+00;
	v62 =	vld.idx.msk [tilespmem:v7+s4+$0x0], $0xffff  }
0x3eb: {  	v3 =	vcvt.f32.s32 v12;
	[tilespmem:s0+$0xFFFFFC70] =	vst v6;
	v10 =	vtrunc.f32 v10;
	v17 =	vmin.f32 v54, $6.300000000e+01;
	v14 =	vld.idx.msk [tilespmem:v14+s4+$0x0], $0xffff  }
0x3ec: {  	[tilespmem:s0+$0x0] =	vst v4;
	v10 =	vcvt.f32.s32 v10;
	v17 =	vtrunc.f32 v17;
	v9 =	vld.idx.msk [tilespmem:v9+s4+$0x0], $0xffff  }
0x3ed: {  	v60 =	vld.idx.msk [tilespmem:v16+s4+$0x0], $0xffff;
	v56 =	vcvt.f32.s32 v17;
	[tilespmem:s0+$0x60] =	vst v5  }
0x3ee: {  	v55 =	vld.idx.msk [tilespmem:v22+s4+$0x0], $0xffff;
	[tilespmem:s0+$0x10] =	vst v2  }
0x3ef: {  	v8 =	vld.idx.msk [tilespmem:v57+s4+$0x0], $0xffff;
	[tilespmem:s0+$0xFFFFFC30] =	vst v62  }
0x3f0: {  	v2 =	vld.idx.msk [tilespmem:v59+s4+$0x0], $0xffff;
	[tilespmem:s0+$0x50] =	vst v14  }
0x3f1: {  	v3 =	vld.idx.msk [tilespmem:v3+s4+$0x0], $0xffff;
	[tilespmem:s0+$0xFFFFFC20] =	vst v9  }
0x3f2: {  	v63 =	vld.idx.msk [tilespmem:v10+s4+$0x0], $0xffff;
	[tilespmem:s0+$0x40] =	vst v60  }
0x3f3: {  	[tilespmem:s0+$0xFFFFFC60] =	vst v55;
	v61 =	vld.idx.msk [tilespmem:v56+s4+$0x0], $0xffff  }
0x3f4: {  	p1 =	sne.s32 s26, $0x1F;
	[tilespmem:s0+$0x30] =	vst v8  }
.Ltmp22:
0x3f5: {  	[tilespmem:s0+$0xFFFFFC50] =	vst v2;
	(pc) =	sbr.rel @p1 .LBB2_44-.Ltmp22, $4  }
0x3f6: {  	[tilespmem:s0+$0x20] =	vst v3  }
0x3f7: {  	s29 =	sshll.u32 s26, $0xC;
	[tilespmem:s0+$0xFFFFFC40] =	vst v63  }
0x3f8: {  	s31 =	sadd.s32 s29, s9;
	[tilespmem:s0+$0x70] =	vst v61  }
0x3f9: {  	[hbm4b:s31+s4] =	stream.linear.scatter [tilespmem:s20], [sflag:$0x3], $0x4000, $0x38;
	[tilespmem:$0x10180] =	vst v63  }
.Ltmp23:
0x3fa: {  	(pc) =	sbr.rel .LBB2_45-.Ltmp23, $4  }
0x3fb: {  	_ = 	snop  }
0x3fc: {  	_ =	swait.ge [sflag:s21], $0x4000  }
0x3fd: {  	[sflag:s21] =	ssyncset.done $0x0  }
0x3fe: {  	[sflag:s21] =	ssyncadd.s32 $0xFFFFC000  }
.LBB2_44:
0x3ff: {  	s0 =	sadd.s32 s28, s10  }
0x400: {  	s0 =	sshll.u32 s0, $0xB  }
0x401: {  	s0 =	sand.u32 $0x1FFFF000, s0  }
.Ltmp24:
0x402: {  	s0 =	sadd.s32 s1, s0;
	(pc) =	sbr.rel @p0 .LBB2_46-.Ltmp24, $4  }
0x403: {  	[tilespmem:s17], [sflag:$0x1] =	stream.linear.gather [hbm4b:s0+s4], $0x4000, $0x38;
	[tilespmem:$0x10180] =	vst v63  }
0x404: {  	_ =	swait.ge [sflag:s21], $0x4000  }
0x405: {  	[sflag:s21] =	ssyncset.done $0x0  }
0x406: {  	[sflag:s21] =	ssyncadd.s32 $0xFFFFC000  }
.LBB2_45:
0x407: {  	_ =	swait.ge [sflag:s22], $0x4000  }
0x408: {  	[sflag:s22] =	ssyncset.done $0x0  }
0x409: {  	[sflag:s22] =	ssyncadd.s32 $0xFFFFC000  }
.LBB2_46:
0x40a: {  	s0 =	simm.s32 $0x4580  }
0x40b: {  	v2 =	vld [tilespmem:s0+$0x10]  }
0x40c: {  	v3 =	vld [tilespmem:s0+$0x60]  }
0x40d: {  	v4 =	vld [tilespmem:s0+$0xFFFFFC10]  }
0x40e: {  	v5 =	vld [tilespmem:s0+$0xFFFFFC00]  }
0x40f: {  	v6 =	vld [tilespmem:s0+$0xFFFFFC20]  }
0x410: {  	v7 =	vld [tilespmem:s0+$0xFFFFFC30]  }
0x411: {  	v8 =	vld [tilespmem:s0+$0x20]  }
0x412: {  	v9 =	vld [tilespmem:s0+$0xFFFFFC70]  }
0x413: {  	v10 =	vld [tilespmem:s0+$0x0]  }
0x414: {  	v11 =	vld [tilespmem:s0+$0x50]  }
0x415: {  	v12 =	vld [tilespmem:s0+$0xFFFFFC50]  }
0x416: {  	v13 =	vld [tilespmem:s0+$0x30];
	v2 =	vsub.f32 v2, v1;
	v3 =	vsub.f32 v3, v1  }
0x417: {  	v14 =	vld [tilespmem:s0+$0xFFFFFC40];
	v4 =	vsub.f32 v4, v1;
	v5 =	vsub.f32 v5, v1  }
0x418: {  	v15 =	vld [tilespmem:s0+$0x40];
	v6 =	vsub.f32 v6, v1;
	v8 =	vsub.f32 v8, v1  }
0x419: {  	v16 =	vld [tilespmem:s0+$0xFFFFFC60];
	v7 =	vsub.f32 v7, v1;
	v10 =	vsub.f32 v10, v1  }
0x41a: {  	s15 =	simm.s32 $0x4D80;
	v17 =	vld [tilespmem:s0+$0x70];
	v9 =	vsub.f32 v9, v1;
	v11 =	vsub.f32 v11, v1  }
0x41b: {  	v21 =	vld [tilespmem:s15+$0x10];
	v12 =	vsub.f32 v12, v1;
	v13 =	vsub.f32 v13, v1  }
0x41c: {  	v24 =	vld [tilespmem:s15+$0x60];
	v14 =	vsub.f32 v14, v1;
	v2 =	vmul.f32 v2, v0;
	v3 =	vmul.f32 v3, v0  }
0x41d: {  	v20 =	vld [tilespmem:s15+$0xFFFFFC10];
	v15 =	vsub.f32 v15, v1;
	v4 =	vmul.f32 v4, v0;
	v5 =	vmul.f32 v5, v0  }
0x41e: {  	v18 =	vld [tilespmem:s15+$0xFFFFFC30];
	v16 =	vsub.f32 v16, v1;
	v8 =	vmul.f32 v8, v0;
	v7 =	vmul.f32 v7, v0  }
0x41f: {  	v17 =	vsub.f32 v17, v1;
	v10 =	vmul.f32 v10, v0;
	v12 =	vmul.f32 v12, v0  }
0x420: {  	v21 =	vsub.f32 v21, v1;
	v11 =	vmul.f32 v11, v0;
	v6 =	vmul.f32 v6, v0  }
0x421: {  	v24 =	vsub.f32 v24, v1;
	v9 =	vmul.f32 v9, v0;
	v15 =	vmul.f32 v15, v0  }
0x422: {  	v20 =	vsub.f32 v20, v1;
	v16 =	vmul.f32 v16, v0;
	v14 =	vmul.f32 v14, v0  }
0x423: {  	v18 =	vsub.f32 v18, v1;
	v13 =	vmul.f32 v13, v0;
	v17 =	vmul.f32 v17, v0  }
0x424: {  	v21 =	vmul.f32 v21, v0;
	v24 =	vmul.f32 v24, v0  }
0x425: {  	v20 =	vmul.f32 v20, v0;
	v60 =	vmul.f32 v18, v0;
	v2 =	vmax.f32 v2, $0.0e+00  }
0x426: {  	v3 =	vmax.f32 v3, $0.0e+00;
	v4 =	vmax.f32 v4, $0.0e+00;
	v5 =	vmax.f32 v5, $0.0e+00  }
0x427: {  	v10 =	vmax.f32 v10, $0.0e+00;
	v8 =	vmax.f32 v8, $0.0e+00;
	v7 =	vmax.f32 v7, $0.0e+00  }
0x428: {  	v9 =	vmax.f32 v9, $0.0e+00;
	v12 =	vmax.f32 v12, $0.0e+00;
	v11 =	vmax.f32 v11, $0.0e+00  }
0x429: {  	v16 =	vmax.f32 v16, $0.0e+00;
	v15 =	vmax.f32 v15, $0.0e+00;
	v14 =	vmax.f32 v14, $0.0e+00  }
0x42a: {  	v13 =	vmax.f32 v13, $0.0e+00;
	v6 =	vmax.f32 v6, $0.0e+00;
	v17 =	vmax.f32 v17, $0.0e+00  }
0x42b: {  	v2 =	vmin.f32 v2, $6.300000000e+01;
	v3 =	vmin.f32 v3, $6.300000000e+01;
	v4 =	vmin.f32 v4, $6.300000000e+01  }
0x42c: {  	v5 =	vmin.f32 v5, $6.300000000e+01;
	v10 =	vmin.f32 v10, $6.300000000e+01;
	v8 =	vmin.f32 v8, $6.300000000e+01  }
0x42d: {  	v9 =	vmin.f32 v9, $6.300000000e+01;
	v2 =	vtrunc.f32 v2;
	v4 =	vtrunc.f32 v4  }
0x42e: {  	v19 =	vld [tilespmem:s15+$0xFFFFFC70];
	v12 =	vmin.f32 v12, $6.300000000e+01;
	v3 =	vtrunc.f32 v3;
	v5 =	vtrunc.f32 v5  }
0x42f: {  	v22 =	vld [tilespmem:s15+$0x30];
	v11 =	vmin.f32 v11, $6.300000000e+01;
	v10 =	vtrunc.f32 v10;
	v8 =	vtrunc.f32 v8  }
0x430: {  	v23 =	vld [tilespmem:s15+$0x20];
	v15 =	vmin.f32 v15, $6.300000000e+01;
	v9 =	vtrunc.f32 v9;
	v11 =	vtrunc.f32 v11  }
0x431: {  	v25 =	vld [tilespmem:s15+$0xFFFFFC40];
	v14 =	vmin.f32 v14, $6.300000000e+01;
	v12 =	vtrunc.f32 v12;
	v15 =	vtrunc.f32 v15  }
0x432: {  	v27 =	vld [tilespmem:s15+$0xFFFFFC50];
	v16 =	vmin.f32 v16, $6.300000000e+01;
	v14 =	vtrunc.f32 v14;
	v5 =	vcvt.f32.s32 v5  }
0x433: {  	v28 =	vld [tilespmem:s15+$0xFFFFFC20];
	v13 =	vmin.f32 v13, $6.300000000e+01;
	v16 =	vtrunc.f32 v16;
	v4 =	vcvt.f32.s32 v4  }
0x434: {  	v29 =	vld [tilespmem:s15+$0xFFFFFC60];
	v6 =	vmin.f32 v6, $6.300000000e+01;
	v13 =	vtrunc.f32 v13;
	v16 =	vcvt.f32.s32 v16  }
0x435: {  	v30 =	vld [tilespmem:s15+$0x0];
	v21 =	vmax.f32 v21, $0.0e+00;
	v6 =	vtrunc.f32 v6;
	v2 =	vcvt.f32.s32 v2  }
0x436: {  	v7 =	vmin.f32 v7, $6.300000000e+01;
	v26 =	vcvt.f32.s32 v14;
	v14 =	vld [tilespmem:s15+$0xFFFFFC00];
	v11 =	vcvt.f32.s32 v11  }
0x437: {  	v31 =	vld [tilespmem:s15+$0x50];
	v17 =	vmin.f32 v17, $6.300000000e+01;
	v7 =	vtrunc.f32 v7;
	v3 =	vcvt.f32.s32 v3  }
0x438: {  	v24 =	vmax.f32 v24, $0.0e+00;
	v17 =	vtrunc.f32 v17;
	v6 =	vcvt.f32.s32 v6;
	v5 =	vld.idx.msk [tilespmem:v5+s4+$0x0], $0xffff  }
0x439: {  	v20 =	vmax.f32 v20, $0.0e+00;
	v10 =	vcvt.f32.s32 v10;
	v9 =	vcvt.f32.s32 v9;
	v4 =	vld.idx.msk [tilespmem:v4+s4+$0x0], $0xffff  }
0x43a: {  	v21 =	vmin.f32 v21, $6.300000000e+01;
	v8 =	vcvt.f32.s32 v8;
	v32 =	vcvt.f32.s32 v7;
	v7 =	vld.idx.msk [tilespmem:v16+s4+$0x0], $0xffff  }
0x43b: {  	v12 =	vcvt.f32.s32 v12;
	v15 =	vcvt.f32.s32 v15;
	v14 =	vsub.f32 v14, v1;
	v58 =	vld.idx.msk [tilespmem:v2+s4+$0x0], $0xffff  }
0x43c: {  	v17 =	vcvt.f32.s32 v17;
	v2 =	vtrunc.f32 v21;
	v21 =	vld.idx.msk [tilespmem:v11+s4+$0x0], $0xffff;
	v11 =	vmin.f32 v20, $6.300000000e+01  }
0x43d: {  	v24 =	vmin.f32 v24, $6.300000000e+01;
	v33 =	vld.idx.msk [tilespmem:v3+s4+$0x0], $0xffff;
	v14 =	vmul.f32 v14, v0;
	v11 =	vtrunc.f32 v11  }
0x43e: {  	v13 =	vcvt.f32.s32 v13;
	v6 =	vld.idx.msk [tilespmem:v6+s4+$0x0], $0xffff;
	v3 =	vcvt.f32.s32 v11;
	v11 =	vsub.f32 v30, v1  }
0x43f: {  	s30 =	simm.s32 $0xC580;
	v16 =	vsub.f32 v28, v1;
	v20 =	vsub.f32 v23, v1;
	v23 =	vld [tilespmem:s15+$0x40];
	v14 =	vmax.f32 v14, $0.0e+00  }
0x440: {  	v59 =	vld.idx.msk [tilespmem:v10+s4+$0x0], $0xffff;
	v10 =	vsub.f32 v27, v1;
	v14 =	vmin.f32 v14, $6.300000000e+01;
	v18 =	vmul.f32 v11, v0;
	[tilespmem:s30+$0xFFFFFC00] =	vst v5  }
0x441: {  	v61 =	vld.idx.msk [tilespmem:v15+s4+$0x0], $0xffff;
	v11 =	vsub.f32 v25, v1;
	[tilespmem:s30+$0xFFFFFC10] =	vst v4;
	v4 =	vsub.f32 v19, v1;
	v5 =	vtrunc.f32 v24  }
0x442: {  	v62 =	vld.idx.msk [tilespmem:v17+s4+$0x0], $0xffff;
	v19 =	vsub.f32 v31, v1;
	[tilespmem:s30+$0xFFFFFC60] =	vst v7;
	v7 =	vtrunc.f32 v14;
	v14 =	vmul.f32 v20, v0  }
0x443: {  	v20 =	vld.idx.msk [tilespmem:v9+s4+$0x0], $0xffff;
	v9 =	vsub.f32 v22, v1;
	[tilespmem:s30+$0xFFFFFC20] =	vst v6;
	v6 =	vmax.f32 v60, $0.0e+00;
	v22 =	vcvt.f32.s32 v7  }
0x444: {  	[tilespmem:s30+$0x50] =	vst v21;
	v7 =	vmul.f32 v10, v0;
	v15 =	vmax.f32 v18, $0.0e+00;
	v17 =	vmax.f32 v14, $0.0e+00;
	v14 =	vld.idx.msk [tilespmem:v13+s4+$0x0], $0xffff  }
0x445: {  	[tilespmem:s30+$0x60] =	vst v33;
	v10 =	vmul.f32 v16, v0;
	v4 =	vmul.f32 v4, v0;
	v13 =	vmin.f32 v15, $6.300000000e+01;
	v15 =	vld.idx.msk [tilespmem:v12+s4+$0x0], $0xffff  }
0x446: {  	[tilespmem:s30+$0x10] =	vst v58;
	v21 =	vsub.f32 v23, v1;
	v18 =	vmul.f32 v19, v0;
	v12 =	vld.idx.msk [tilespmem:v26+s4+$0x0], $0xffff;
	v13 =	vtrunc.f32 v13  }
0x447: {  	[tilespmem:s30+$0x0] =	vst v59;
	v16 =	vmin.f32 v17, $6.300000000e+01;
	v17 =	vld.idx.msk [tilespmem:v8+s4+$0x0], $0xffff;
	v23 =	vmax.f32 v7, $0.0e+00;
	v19 =	vmax.f32 v4, $0.0e+00  }
0x448: {  	[tilespmem:s30+$0x40] =	vst v61;
	v4 =	vcvt.f32.s32 v13;
	v7 =	vtrunc.f32 v16;
	v16 =	vld.idx.msk [tilespmem:v32+s4+$0x0], $0xffff;
	v8 =	vmin.f32 v19, $6.300000000e+01  }
0x449: {  	s2 =	simm.s32 $0x10;
	s3 =	simm.s32 $0xCD80;
	[tilespmem:s30+$0xFFFFFC70] =	vst v20;
	v20 =	vmul.f32 v21, v0;
	v63 =	vtrunc.f32 v8;
	v13 =	vld.idx.msk [tilespmem:v22+s4+$0x0], $0xffff;
	v22 =	vsub.f32 v29, v1  }
0x44a: {  	s31 =	simm.s32 $0xCD80;
	s0 =	simm.s32 $0x4600;
	[tilespmem:s30+$0x70] =	vst v62;
	v19 =	vmin.f32 v23, $6.300000000e+01;
	v21 =	vld [tilespmem:s15+$0x70];
	s15 =	simm.s32 $0x5580;
	v8 =	vmin.f32 v6, $6.300000000e+01;
	v6 =	vcvt.f32.s32 v63  }
.LBB2_47:
0x44b: {  	v23 =	vld [tilespmem:s15+$0xFFFFFC30];
	s2 =	sadd.s32 $0x10, s2;
	v22 =	vmul.f32 v22, v0;
	v7 =	vcvt.f32.s32 v7;
	v18 =	vmax.f32 v18, $0.0e+00;
	s3 =	sadd.s32 $0x800, s3;
	[tilespmem:s30+$0x30] =	vst v14  }
0x44c: {  	v11 =	vmul.f32 v11, v0;
	v9 =	vmul.f32 v9, v0;
	v14 =	vld [tilespmem:s15+$0xFFFFFC70];
	p0 =	slt.u32 s2, $0x70;
	v18 =	vmin.f32 v18, $6.300000000e+01;
	[tilespmem:s30+$0xFFFFFC50] =	vst v15  }
0x44d: {  	v20 =	vmax.f32 v20, $0.0e+00;
	v15 =	vld [tilespmem:s15+$0xFFFFFC10];
	v22 =	vmax.f32 v22, $0.0e+00;
	v18 =	vtrunc.f32 v18;
	[tilespmem:s30+$0x20] =	vst v17  }
0x44e: {  	v20 =	vmin.f32 v20, $6.300000000e+01;
	v11 =	vmax.f32 v11, $0.0e+00;
	v17 =	vld [tilespmem:s15+$0x10];
	v22 =	vmin.f32 v22, $6.300000000e+01;
	[tilespmem:s30+$0xFFFFFC30] =	vst v16  }
0x44f: {  	v19 =	vtrunc.f32 v19;
	v11 =	vmin.f32 v11, $6.300000000e+01;
	v16 =	vld [tilespmem:s15+$0x30];
	v21 =	vsub.f32 v21, v1;
	[tilespmem:s30+$0xFFFFFC40] =	vst v12;
	s30 =	smov.u32 s31;
	s31 =	smov.u32 s3  }
0x450: {  	v9 =	vmax.f32 v9, $0.0e+00;
	v12 =	vld [tilespmem:s15+$0x20];
	[tilespmem:s30+$0xFFFFFC00] =	vst v13;
	v13 =	vcvt.f32.s32 v19;
	v19 =	vtrunc.f32 v20  }
0x451: {  	v9 =	vmin.f32 v9, $6.300000000e+01;
	v11 =	vtrunc.f32 v11;
	v22 =	vtrunc.f32 v22;
	v20 =	vld [tilespmem:s15+$0x60]  }
0x452: {  	v10 =	vmax.f32 v10, $0.0e+00;
	v9 =	vtrunc.f32 v9;
	v25 =	vcvt.f32.s32 v11;
	v24 =	vld [tilespmem:s15+$0xFFFFFC40]  }
0x453: {  	v10 =	vmin.f32 v10, $6.300000000e+01;
	v26 =	vcvt.f32.s32 v9;
	v9 =	vmul.f32 v21, v0;
	v11 =	vld [tilespmem:s15+$0xFFFFFC00]  }
0x454: {  	v22 =	vcvt.f32.s32 v22;
	v19 =	vcvt.f32.s32 v19;
	v17 =	vsub.f32 v17, v1;
	v21 =	vld [tilespmem:s15+$0xFFFFFC50]  }
0x455: {  	v2 =	vcvt.f32.s32 v2;
	v10 =	vtrunc.f32 v10;
	v9 =	vmax.f32 v9, $0.0e+00;
	v27 =	vld [tilespmem:s15+$0xFFFFFC20]  }
0x456: {  	v18 =	vcvt.f32.s32 v18;
	v17 =	vmul.f32 v17, v0;
	v28 =	vld [tilespmem:s15+$0xFFFFFC60];
	v20 =	vsub.f32 v20, v1  }
0x457: {  	v5 =	vcvt.f32.s32 v5;
	v10 =	vcvt.f32.s32 v10;
	v9 =	vmin.f32 v9, $6.300000000e+01;
	v29 =	vld [tilespmem:s15+$0x0]  }
0x458: {  	v15 =	vsub.f32 v15, v1;
	v11 =	vsub.f32 v11, v1;
	v20 =	vmul.f32 v20, v0;
	v3 =	vld.idx.msk [tilespmem:v3+s4+$0x0], $0xffff  }
0x459: {  	v8 =	vtrunc.f32 v8;
	v9 =	vtrunc.f32 v9;
	v17 =	vmax.f32 v17, $0.0e+00;
	v30 =	vld [tilespmem:s15+$0x50]  }
0x45a: {  	v8 =	vcvt.f32.s32 v8;
	v15 =	vmul.f32 v15, v0;
	v20 =	vmax.f32 v20, $0.0e+00;
	v22 =	vld.idx.msk [tilespmem:v22+s4+$0x0], $0xffff  }
0x45b: {  	v17 =	vmin.f32 v17, $6.300000000e+01;
	v27 =	vsub.f32 v27, v1;
	v20 =	vmin.f32 v20, $6.300000000e+01;
	v31 =	vld.idx.msk [tilespmem:v2+s4+$0x0], $0xffff  }
0x45c: {  	v15 =	vmax.f32 v15, $0.0e+00;
	v11 =	vmul.f32 v11, v0;
	v2 =	vtrunc.f32 v17;
	v17 =	vld.idx.msk [tilespmem:v18+s4+$0x0], $0xffff  }
0x45d: {  	v12 =	vsub.f32 v12, v1;
	v15 =	vmin.f32 v15, $6.300000000e+01;
	v18 =	vcvt.f32.s32 v9;
	v32 =	vld [tilespmem:s15+$0x40]  }
0x45e: {  	v9 =	vmax.f32 v11, $0.0e+00;
	v11 =	vtrunc.f32 v15;
	v15 =	vsub.f32 v23, v1;
	[tilespmem:s30+$0xFFFFFC10] =	vst v3;
	v23 =	vld.idx.msk [tilespmem:v5+s4+$0x0], $0xffff  }
0x45f: {  	v9 =	vmin.f32 v9, $6.300000000e+01;
	v3 =	vcvt.f32.s32 v11;
	v11 =	vsub.f32 v29, v1;
	v29 =	vld.idx.msk [tilespmem:v10+s4+$0x0], $0xffff  }
0x460: {  	v33 =	vsub.f32 v14, v1;
	v5 =	vtrunc.f32 v20;
	v10 =	vsub.f32 v30, v1;
	[tilespmem:s30+$0xFFFFFC60] =	vst v22;
	v20 =	vld.idx.msk [tilespmem:v4+s4+$0x0], $0xffff  }
0x461: {  	v12 =	vmul.f32 v12, v0;
	v14 =	vsub.f32 v21, v1;
	v4 =	vtrunc.f32 v9;
	v6 =	vld.idx.msk [tilespmem:v6+s4+$0x0], $0xffff  }
0x462: {  	v21 =	vmul.f32 v15, v0;
	v15 =	vmul.f32 v11, v0;
	v9 =	vsub.f32 v16, v1;
	v19 =	vld.idx.msk [tilespmem:v19+s4+$0x0], $0xffff  }
0x463: {  	v11 =	vsub.f32 v24, v1;
	v16 =	vmul.f32 v14, v0;
	v22 =	vcvt.f32.s32 v4;
	[tilespmem:s30+$0x50] =	vst v17;
	v24 =	vld.idx.msk [tilespmem:v18+s4+$0x0], $0xffff  }
0x464: {  	v12 =	vmax.f32 v12, $0.0e+00;
	v4 =	vmax.f32 v15, $0.0e+00;
	v18 =	vmul.f32 v10, v0;
	v14 =	vld.idx.msk [tilespmem:v26+s4+$0x0], $0xffff;
	[tilespmem:s30+$0x60] =	vst v23  }
0x465: {  	v10 =	vmul.f32 v27, v0;
	v17 =	vmul.f32 v33, v0;
	v4 =	vmin.f32 v4, $6.300000000e+01;
	[tilespmem:s30+$0xFFFFFC20] =	vst v29;
	v15 =	vld.idx.msk [tilespmem:v13+s4+$0x0], $0xffff  }
.Ltmp25:
0x466: {  	v21 =	vmax.f32 v21, $0.0e+00;
	v4 =	vtrunc.f32 v4;
	v13 =	vmin.f32 v12, $6.300000000e+01;
	v12 =	vld.idx.msk [tilespmem:v25+s4+$0x0], $0xffff;
	[tilespmem:s30+$0x10] =	vst v31;
	(pc) =	sbr.rel @p0 .LBB2_47-.Ltmp25, $4  }
0x467: {  	v23 =	vmax.f32 v17, $0.0e+00;
	v4 =	vcvt.f32.s32 v4;
	v25 =	vsub.f32 v32, v1;
	[tilespmem:s30+$0xFFFFFC70] =	vst v6;
	v17 =	vld.idx.msk [tilespmem:v7+s4+$0x0], $0xffff  }
0x468: {  	v23 =	vmin.f32 v23, $6.300000000e+01;
	v6 =	vmax.f32 v16, $0.0e+00;
	v7 =	vtrunc.f32 v13;
	v16 =	vld.idx.msk [tilespmem:v8+s4+$0x0], $0xffff;
	[tilespmem:s30+$0x0] =	vst v20  }
0x469: {  	v23 =	vtrunc.f32 v23;
	v20 =	vmul.f32 v25, v0;
	v13 =	vld.idx.msk [tilespmem:v22+s4+$0x0], $0xffff;
	v22 =	vsub.f32 v28, v1;
	[tilespmem:s30+$0x40] =	vst v19  }
0x46a: {  	v8 =	vmin.f32 v21, $6.300000000e+01;
	v19 =	vmin.f32 v6, $6.300000000e+01;
	v6 =	vcvt.f32.s32 v23;
	v21 =	vld [tilespmem:s15+$0x70];
	s15 =	sadd.s32 $0x800, s15;
	[tilespmem:s30+$0x70] =	vst v24  }
0x46b: {  	v22 =	vmul.f32 v22, v0  }
0x46c: {  	v18 =	vmax.f32 v18, $0.0e+00;
	v10 =	vmax.f32 v10, $0.0e+00;
	v5 =	vcvt.f32.s32 v5  }
0x46d: {  	[tilespmem:s30+$0x30] =	vst v14;
	v9 =	vmul.f32 v9, v0;
	v14 =	vmax.f32 v20, $0.0e+00;
	v2 =	vcvt.f32.s32 v2  }
0x46e: {  	v11 =	vmul.f32 v11, v0;
	v8 =	vtrunc.f32 v8;
	v18 =	vmin.f32 v18, $6.300000000e+01  }
0x46f: {  	v10 =	vmin.f32 v10, $6.300000000e+01;
	v14 =	vmin.f32 v14, $6.300000000e+01;
	v8 =	vcvt.f32.s32 v8  }
0x470: {  	v22 =	vmax.f32 v22, $0.0e+00;
	v18 =	vtrunc.f32 v18;
	v10 =	vtrunc.f32 v10  }
0x471: {  	v3 =	vld.idx.msk [tilespmem:v3+s4+$0x0], $0xffff;
	v9 =	vmax.f32 v9, $0.0e+00;
	v14 =	vtrunc.f32 v14;
	v22 =	vmin.f32 v22, $6.300000000e+01  }
0x472: {  	[tilespmem:s30+$0xFFFFFC50] =	vst v15;
	v4 =	vld.idx.msk [tilespmem:v4+s4+$0x0], $0xffff;
	v18 =	vcvt.f32.s32 v18;
	v10 =	vcvt.f32.s32 v10;
	v21 =	vsub.f32 v21, v1  }
0x473: {  	[tilespmem:s30+$0xFFFFFC40] =	vst v12;
	v9 =	vmin.f32 v9, $6.300000000e+01;
	v14 =	vcvt.f32.s32 v14;
	v22 =	vtrunc.f32 v22  }
0x474: {  	[tilespmem:s30+$0x20] =	vst v17;
	v6 =	vld.idx.msk [tilespmem:v6+s4+$0x0], $0xffff;
	v9 =	vtrunc.f32 v9;
	v21 =	vmul.f32 v21, v0  }
0x475: {  	[tilespmem:s30+$0xFFFFFC30] =	vst v16;
	v11 =	vmax.f32 v11, $0.0e+00;
	v22 =	vcvt.f32.s32 v22;
	v9 =	vcvt.f32.s32 v9;
	v5 =	vld.idx.msk [tilespmem:v5+s4+$0x0], $0xffff  }
0x476: {  	[tilespmem:s31+$0xFFFFFC10] =	vst v3;
	v3 =	vcvt.f32.s32 v7;
	v7 =	vmin.f32 v11, $6.300000000e+01;
	v2 =	vld.idx.msk [tilespmem:v2+s4+$0x0], $0xffff;
	v15 =	vmax.f32 v21, $0.0e+00  }
0x477: {  	[tilespmem:s31+$0x0] =	vst v4;
	v7 =	vtrunc.f32 v7;
	v4 =	vld.idx.msk [tilespmem:v8+s4+$0x0], $0xffff;
	v15 =	vmin.f32 v15, $6.300000000e+01  }
0x478: {  	[tilespmem:s31+$0xFFFFFC00] =	vst v13;
	v7 =	vcvt.f32.s32 v7;
	v16 =	vld.idx.msk [tilespmem:v18+s4+$0x0], $0xffff;
	v15 =	vtrunc.f32 v15  }
0x479: {  	[tilespmem:s31+$0xFFFFFC70] =	vst v6;
	v10 =	vld.idx.msk [tilespmem:v10+s4+$0x0], $0xffff;
	v12 =	vcvt.f32.s32 v15;
	v15 =	vtrunc.f32 v19  }
0x47a: {  	v11 =	vld.idx.msk [tilespmem:v14+s4+$0x0], $0xffff;
	[tilespmem:s31+$0x60] =	vst v5;
	v13 =	vcvt.f32.s32 v15  }
0x47b: {  	v17 =	vld.idx.msk [tilespmem:v22+s4+$0x0], $0xffff;
	[tilespmem:s31+$0x10] =	vst v2  }
0x47c: {  	v9 =	vld.idx.msk [tilespmem:v9+s4+$0x0], $0xffff;
	[tilespmem:s31+$0xFFFFFC30] =	vst v4  }
0x47d: {  	v3 =	vld.idx.msk [tilespmem:v3+s4+$0x0], $0xffff;
	[tilespmem:s31+$0x50] =	vst v16  }
0x47e: {  	v6 =	vld.idx.msk [tilespmem:v7+s4+$0x0], $0xffff;
	[tilespmem:s31+$0xFFFFFC20] =	vst v10  }
0x47f: {  	[tilespmem:s31+$0x40] =	vst v11;
	v5 =	vld.idx.msk [tilespmem:v12+s4+$0x0], $0xffff  }
0x480: {  	[tilespmem:s31+$0xFFFFFC60] =	vst v17;
	v2 =	vld.idx.msk [tilespmem:v13+s4+$0x0], $0xffff  }
0x481: {  	[tilespmem:s31+$0x30] =	vst v9  }
0x482: {  	[tilespmem:s31+$0x20] =	vst v3  }
0x483: {  	[tilespmem:s31+$0xFFFFFC40] =	vst v6  }
0x484: {  	[tilespmem:s31+$0x70] =	vst v5  }
0x485: {  	[tilespmem:s31+$0xFFFFFC50] =	vst v2  }
0x486: {  	v2 =	vld [tilespmem:s0+$0x10]  }
0x487: {  	v3 =	vld [tilespmem:s0+$0x60]  }
0x488: {  	v4 =	vld [tilespmem:s0+$0xFFFFFC10]  }
0x489: {  	v5 =	vld [tilespmem:s0+$0xFFFFFC00]  }
0x48a: {  	v6 =	vld [tilespmem:s0+$0xFFFFFC20]  }
0x48b: {  	v7 =	vld [tilespmem:s0+$0xFFFFFC30]  }
0x48c: {  	v8 =	vld [tilespmem:s0+$0x20]  }
0x48d: {  	v9 =	vld [tilespmem:s0+$0xFFFFFC70]  }
0x48e: {  	v10 =	vld [tilespmem:s0+$0x0]  }
0x48f: {  	v11 =	vld [tilespmem:s0+$0x50]  }
0x490: {  	v12 =	vld [tilespmem:s0+$0xFFFFFC50]  }
0x491: {  	v13 =	vld [tilespmem:s0+$0x30];
	v2 =	vsub.f32 v2, v1;
	v3 =	vsub.f32 v3, v1  }
0x492: {  	v14 =	vld [tilespmem:s0+$0xFFFFFC40];
	v4 =	vsub.f32 v4, v1;
	v5 =	vsub.f32 v5, v1  }
0x493: {  	v15 =	vld [tilespmem:s0+$0x40];
	v6 =	vsub.f32 v6, v1;
	v8 =	vsub.f32 v8, v1  }
0x494: {  	v16 =	vld [tilespmem:s0+$0xFFFFFC60];
	v7 =	vsub.f32 v7, v1;
	v10 =	vsub.f32 v10, v1  }
0x495: {  	s3 =	simm.s32 $0x4E00;
	v17 =	vld [tilespmem:s0+$0x70];
	v9 =	vsub.f32 v9, v1;
	v11 =	vsub.f32 v11, v1  }
0x496: {  	v21 =	vld [tilespmem:s3+$0x10];
	v12 =	vsub.f32 v12, v1;
	v13 =	vsub.f32 v13, v1  }
0x497: {  	v24 =	vld [tilespmem:s3+$0x60];
	v14 =	vsub.f32 v14, v1;
	v2 =	vmul.f32 v2, v0;
	v3 =	vmul.f32 v3, v0  }
0x498: {  	v20 =	vld [tilespmem:s3+$0xFFFFFC10];
	v15 =	vsub.f32 v15, v1;
	v4 =	vmul.f32 v4, v0;
	v5 =	vmul.f32 v5, v0  }
0x499: {  	v18 =	vld [tilespmem:s3+$0xFFFFFC30];
	v16 =	vsub.f32 v16, v1;
	v8 =	vmul.f32 v8, v0;
	v7 =	vmul.f32 v7, v0  }
0x49a: {  	v17 =	vsub.f32 v17, v1;
	v10 =	vmul.f32 v10, v0;
	v12 =	vmul.f32 v12, v0  }
0x49b: {  	v21 =	vsub.f32 v21, v1;
	v11 =	vmul.f32 v11, v0;
	v6 =	vmul.f32 v6, v0  }
0x49c: {  	v24 =	vsub.f32 v24, v1;
	v9 =	vmul.f32 v9, v0;
	v15 =	vmul.f32 v15, v0  }
0x49d: {  	v20 =	vsub.f32 v20, v1;
	v16 =	vmul.f32 v16, v0;
	v14 =	vmul.f32 v14, v0  }
0x49e: {  	v18 =	vsub.f32 v18, v1;
	v13 =	vmul.f32 v13, v0;
	v17 =	vmul.f32 v17, v0  }
0x49f: {  	v21 =	vmul.f32 v21, v0;
	v24 =	vmul.f32 v24, v0  }
0x4a0: {  	v20 =	vmul.f32 v20, v0;
	v60 =	vmul.f32 v18, v0;
	v2 =	vmax.f32 v2, $0.0e+00  }
0x4a1: {  	v3 =	vmax.f32 v3, $0.0e+00;
	v4 =	vmax.f32 v4, $0.0e+00;
	v5 =	vmax.f32 v5, $0.0e+00  }
0x4a2: {  	v10 =	vmax.f32 v10, $0.0e+00;
	v8 =	vmax.f32 v8, $0.0e+00;
	v7 =	vmax.f32 v7, $0.0e+00  }
0x4a3: {  	v9 =	vmax.f32 v9, $0.0e+00;
	v12 =	vmax.f32 v12, $0.0e+00;
	v11 =	vmax.f32 v11, $0.0e+00  }
0x4a4: {  	v16 =	vmax.f32 v16, $0.0e+00;
	v15 =	vmax.f32 v15, $0.0e+00;
	v14 =	vmax.f32 v14, $0.0e+00  }
0x4a5: {  	v13 =	vmax.f32 v13, $0.0e+00;
	v6 =	vmax.f32 v6, $0.0e+00;
	v17 =	vmax.f32 v17, $0.0e+00  }
0x4a6: {  	v2 =	vmin.f32 v2, $6.300000000e+01;
	v3 =	vmin.f32 v3, $6.300000000e+01;
	v4 =	vmin.f32 v4, $6.300000000e+01  }
0x4a7: {  	v5 =	vmin.f32 v5, $6.300000000e+01;
	v10 =	vmin.f32 v10, $6.300000000e+01;
	v8 =	vmin.f32 v8, $6.300000000e+01  }
0x4a8: {  	v9 =	vmin.f32 v9, $6.300000000e+01;
	v2 =	vtrunc.f32 v2;
	v4 =	vtrunc.f32 v4  }
0x4a9: {  	v19 =	vld [tilespmem:s3+$0xFFFFFC70];
	v12 =	vmin.f32 v12, $6.300000000e+01;
	v3 =	vtrunc.f32 v3;
	v5 =	vtrunc.f32 v5  }
0x4aa: {  	v22 =	vld [tilespmem:s3+$0x30];
	v11 =	vmin.f32 v11, $6.300000000e+01;
	v10 =	vtrunc.f32 v10;
	v8 =	vtrunc.f32 v8  }
0x4ab: {  	v23 =	vld [tilespmem:s3+$0x20];
	v15 =	vmin.f32 v15, $6.300000000e+01;
	v9 =	vtrunc.f32 v9;
	v11 =	vtrunc.f32 v11  }
0x4ac: {  	v25 =	vld [tilespmem:s3+$0xFFFFFC40];
	v14 =	vmin.f32 v14, $6.300000000e+01;
	v12 =	vtrunc.f32 v12;
	v15 =	vtrunc.f32 v15  }
0x4ad: {  	v27 =	vld [tilespmem:s3+$0xFFFFFC50];
	v16 =	vmin.f32 v16, $6.300000000e+01;
	v14 =	vtrunc.f32 v14;
	v5 =	vcvt.f32.s32 v5  }
0x4ae: {  	v28 =	vld [tilespmem:s3+$0xFFFFFC20];
	v13 =	vmin.f32 v13, $6.300000000e+01;
	v16 =	vtrunc.f32 v16;
	v4 =	vcvt.f32.s32 v4  }
0x4af: {  	v29 =	vld [tilespmem:s3+$0xFFFFFC60];
	v6 =	vmin.f32 v6, $6.300000000e+01;
	v13 =	vtrunc.f32 v13;
	v16 =	vcvt.f32.s32 v16  }
0x4b0: {  	v30 =	vld [tilespmem:s3+$0x0];
	v21 =	vmax.f32 v21, $0.0e+00;
	v6 =	vtrunc.f32 v6;
	v2 =	vcvt.f32.s32 v2  }
0x4b1: {  	v7 =	vmin.f32 v7, $6.300000000e+01;
	v26 =	vcvt.f32.s32 v14;
	v14 =	vld [tilespmem:s3+$0xFFFFFC00];
	v11 =	vcvt.f32.s32 v11  }
0x4b2: {  	v31 =	vld [tilespmem:s3+$0x50];
	v17 =	vmin.f32 v17, $6.300000000e+01;
	v7 =	vtrunc.f32 v7;
	v3 =	vcvt.f32.s32 v3  }
0x4b3: {  	v24 =	vmax.f32 v24, $0.0e+00;
	v17 =	vtrunc.f32 v17;
	v6 =	vcvt.f32.s32 v6;
	v5 =	vld.idx.msk [tilespmem:v5+s4+$0x0], $0xffff  }
0x4b4: {  	v20 =	vmax.f32 v20, $0.0e+00;
	v10 =	vcvt.f32.s32 v10;
	v9 =	vcvt.f32.s32 v9;
	v4 =	vld.idx.msk [tilespmem:v4+s4+$0x0], $0xffff  }
0x4b5: {  	v21 =	vmin.f32 v21, $6.300000000e+01;
	v8 =	vcvt.f32.s32 v8;
	v32 =	vcvt.f32.s32 v7;
	v7 =	vld.idx.msk [tilespmem:v16+s4+$0x0], $0xffff  }
0x4b6: {  	v12 =	vcvt.f32.s32 v12;
	v15 =	vcvt.f32.s32 v15;
	v14 =	vsub.f32 v14, v1;
	v58 =	vld.idx.msk [tilespmem:v2+s4+$0x0], $0xffff  }
0x4b7: {  	v17 =	vcvt.f32.s32 v17;
	v2 =	vtrunc.f32 v21;
	v21 =	vld.idx.msk [tilespmem:v11+s4+$0x0], $0xffff;
	v11 =	vmin.f32 v20, $6.300000000e+01  }
0x4b8: {  	v24 =	vmin.f32 v24, $6.300000000e+01;
	v33 =	vld.idx.msk [tilespmem:v3+s4+$0x0], $0xffff;
	v14 =	vmul.f32 v14, v0;
	v11 =	vtrunc.f32 v11  }
0x4b9: {  	v13 =	vcvt.f32.s32 v13;
	v6 =	vld.idx.msk [tilespmem:v6+s4+$0x0], $0xffff;
	v3 =	vcvt.f32.s32 v11;
	v11 =	vsub.f32 v30, v1  }
0x4ba: {  	s31 =	simm.s32 $0xC600;
	v16 =	vsub.f32 v28, v1;
	v20 =	vsub.f32 v23, v1;
	v23 =	vld [tilespmem:s3+$0x40];
	v14 =	vmax.f32 v14, $0.0e+00  }
0x4bb: {  	v59 =	vld.idx.msk [tilespmem:v10+s4+$0x0], $0xffff;
	v10 =	vsub.f32 v27, v1;
	v14 =	vmin.f32 v14, $6.300000000e+01;
	v18 =	vmul.f32 v11, v0;
	[tilespmem:s31+$0xFFFFFC00] =	vst v5  }
0x4bc: {  	v61 =	vld.idx.msk [tilespmem:v15+s4+$0x0], $0xffff;
	v11 =	vsub.f32 v25, v1;
	[tilespmem:s31+$0xFFFFFC10] =	vst v4;
	v4 =	vsub.f32 v19, v1;
	v5 =	vtrunc.f32 v24  }
0x4bd: {  	v62 =	vld.idx.msk [tilespmem:v17+s4+$0x0], $0xffff;
	v19 =	vsub.f32 v31, v1;
	[tilespmem:s31+$0xFFFFFC60] =	vst v7;
	v7 =	vtrunc.f32 v14;
	v14 =	vmul.f32 v20, v0  }
0x4be: {  	v20 =	vld.idx.msk [tilespmem:v9+s4+$0x0], $0xffff;
	v9 =	vsub.f32 v22, v1;
	[tilespmem:s31+$0xFFFFFC20] =	vst v6;
	v6 =	vmax.f32 v60, $0.0e+00;
	v22 =	vcvt.f32.s32 v7  }
0x4bf: {  	[tilespmem:s31+$0x50] =	vst v21;
	v7 =	vmul.f32 v10, v0;
	v15 =	vmax.f32 v18, $0.0e+00;
	v17 =	vmax.f32 v14, $0.0e+00;
	v14 =	vld.idx.msk [tilespmem:v13+s4+$0x0], $0xffff  }
0x4c0: {  	[tilespmem:s31+$0x60] =	vst v33;
	v10 =	vmul.f32 v16, v0;
	v4 =	vmul.f32 v4, v0;
	v13 =	vmin.f32 v15, $6.300000000e+01;
	v15 =	vld.idx.msk [tilespmem:v12+s4+$0x0], $0xffff  }
0x4c1: {  	[tilespmem:s31+$0x10] =	vst v58;
	v21 =	vsub.f32 v23, v1;
	v18 =	vmul.f32 v19, v0;
	v12 =	vld.idx.msk [tilespmem:v26+s4+$0x0], $0xffff;
	v13 =	vtrunc.f32 v13  }
0x4c2: {  	[tilespmem:s31+$0x0] =	vst v59;
	v16 =	vmin.f32 v17, $6.300000000e+01;
	v17 =	vld.idx.msk [tilespmem:v8+s4+$0x0], $0xffff;
	v23 =	vmax.f32 v7, $0.0e+00;
	v19 =	vmax.f32 v4, $0.0e+00  }
0x4c3: {  	[tilespmem:s31+$0x40] =	vst v61;
	v4 =	vcvt.f32.s32 v13;
	v7 =	vtrunc.f32 v16;
	v16 =	vld.idx.msk [tilespmem:v32+s4+$0x0], $0xffff;
	v8 =	vmin.f32 v19, $6.300000000e+01  }
0x4c4: {  	s2 =	simm.s32 $0x10;
	s15 =	simm.s32 $0xCE00;
	s16 =	simm.s32 $0x5600;
	[tilespmem:s31+$0xFFFFFC70] =	vst v20;
	v20 =	vmul.f32 v21, v0;
	v63 =	vtrunc.f32 v8;
	v13 =	vld.idx.msk [tilespmem:v22+s4+$0x0], $0xffff;
	v22 =	vsub.f32 v29, v1  }
0x4c5: {  	s30 =	simm.s32 $0xC680;
	s0 =	simm.s32 $0x4680;
	[tilespmem:s31+$0x70] =	vst v62;
	v19 =	vmin.f32 v23, $6.300000000e+01;
	v21 =	vld [tilespmem:s3+$0x70];
	s3 =	simm.s32 $0xCE00;
	v8 =	vmin.f32 v6, $6.300000000e+01;
	v6 =	vcvt.f32.s32 v63  }
.LBB2_49:
0x4c6: {  	v23 =	vld [tilespmem:s16+$0xFFFFFC30];
	s2 =	sadd.s32 $0x10, s2;
	v22 =	vmul.f32 v22, v0;
	v7 =	vcvt.f32.s32 v7;
	v18 =	vmax.f32 v18, $0.0e+00;
	s15 =	sadd.s32 $0x800, s15;
	[tilespmem:s31+$0x30] =	vst v14  }
0x4c7: {  	v11 =	vmul.f32 v11, v0;
	v9 =	vmul.f32 v9, v0;
	v14 =	vld [tilespmem:s16+$0xFFFFFC70];
	p0 =	slt.u32 s2, $0x70;
	v18 =	vmin.f32 v18, $6.300000000e+01;
	[tilespmem:s31+$0xFFFFFC50] =	vst v15  }
0x4c8: {  	v20 =	vmax.f32 v20, $0.0e+00;
	v15 =	vld [tilespmem:s16+$0xFFFFFC10];
	v22 =	vmax.f32 v22, $0.0e+00;
	v18 =	vtrunc.f32 v18;
	[tilespmem:s31+$0x20] =	vst v17  }
0x4c9: {  	v20 =	vmin.f32 v20, $6.300000000e+01;
	v11 =	vmax.f32 v11, $0.0e+00;
	v17 =	vld [tilespmem:s16+$0x10];
	v22 =	vmin.f32 v22, $6.300000000e+01;
	[tilespmem:s31+$0xFFFFFC30] =	vst v16  }
0x4ca: {  	v19 =	vtrunc.f32 v19;
	v11 =	vmin.f32 v11, $6.300000000e+01;
	v16 =	vld [tilespmem:s16+$0x30];
	v21 =	vsub.f32 v21, v1;
	[tilespmem:s31+$0xFFFFFC40] =	vst v12;
	s31 =	smov.u32 s3;
	s3 =	smov.u32 s15  }
0x4cb: {  	v9 =	vmax.f32 v9, $0.0e+00;
	v12 =	vld [tilespmem:s16+$0x20];
	[tilespmem:s31+$0xFFFFFC00] =	vst v13;
	v13 =	vcvt.f32.s32 v19;
	v19 =	vtrunc.f32 v20  }
0x4cc: {  	v9 =	vmin.f32 v9, $6.300000000e+01;
	v11 =	vtrunc.f32 v11;
	v22 =	vtrunc.f32 v22;
	v20 =	vld [tilespmem:s16+$0x60]  }
0x4cd: {  	v10 =	vmax.f32 v10, $0.0e+00;
	v9 =	vtrunc.f32 v9;
	v25 =	vcvt.f32.s32 v11;
	v24 =	vld [tilespmem:s16+$0xFFFFFC40]  }
0x4ce: {  	v10 =	vmin.f32 v10, $6.300000000e+01;
	v26 =	vcvt.f32.s32 v9;
	v9 =	vmul.f32 v21, v0;
	v11 =	vld [tilespmem:s16+$0xFFFFFC00]  }
0x4cf: {  	v22 =	vcvt.f32.s32 v22;
	v19 =	vcvt.f32.s32 v19;
	v17 =	vsub.f32 v17, v1;
	v21 =	vld [tilespmem:s16+$0xFFFFFC50]  }
0x4d0: {  	v2 =	vcvt.f32.s32 v2;
	v10 =	vtrunc.f32 v10;
	v9 =	vmax.f32 v9, $0.0e+00;
	v27 =	vld [tilespmem:s16+$0xFFFFFC20]  }
0x4d1: {  	v18 =	vcvt.f32.s32 v18;
	v17 =	vmul.f32 v17, v0;
	v28 =	vld [tilespmem:s16+$0xFFFFFC60];
	v20 =	vsub.f32 v20, v1  }
0x4d2: {  	v5 =	vcvt.f32.s32 v5;
	v10 =	vcvt.f32.s32 v10;
	v9 =	vmin.f32 v9, $6.300000000e+01;
	v29 =	vld [tilespmem:s16+$0x0]  }
0x4d3: {  	v15 =	vsub.f32 v15, v1;
	v11 =	vsub.f32 v11, v1;
	v20 =	vmul.f32 v20, v0;
	v3 =	vld.idx.msk [tilespmem:v3+s4+$0x0], $0xffff  }
0x4d4: {  	v8 =	vtrunc.f32 v8;
	v9 =	vtrunc.f32 v9;
	v17 =	vmax.f32 v17, $0.0e+00;
	v30 =	vld [tilespmem:s16+$0x50]  }
0x4d5: {  	v8 =	vcvt.f32.s32 v8;
	v15 =	vmul.f32 v15, v0;
	v20 =	vmax.f32 v20, $0.0e+00;
	v22 =	vld.idx.msk [tilespmem:v22+s4+$0x0], $0xffff  }
0x4d6: {  	v17 =	vmin.f32 v17, $6.300000000e+01;
	v27 =	vsub.f32 v27, v1;
	v20 =	vmin.f32 v20, $6.300000000e+01;
	v31 =	vld.idx.msk [tilespmem:v2+s4+$0x0], $0xffff  }
0x4d7: {  	v15 =	vmax.f32 v15, $0.0e+00;
	v11 =	vmul.f32 v11, v0;
	v2 =	vtrunc.f32 v17;
	v17 =	vld.idx.msk [tilespmem:v18+s4+$0x0], $0xffff  }
0x4d8: {  	v12 =	vsub.f32 v12, v1;
	v15 =	vmin.f32 v15, $6.300000000e+01;
	v18 =	vcvt.f32.s32 v9;
	v32 =	vld [tilespmem:s16+$0x40]  }
0x4d9: {  	v9 =	vmax.f32 v11, $0.0e+00;
	v11 =	vtrunc.f32 v15;
	v15 =	vsub.f32 v23, v1;
	[tilespmem:s31+$0xFFFFFC10] =	vst v3;
	v23 =	vld.idx.msk [tilespmem:v5+s4+$0x0], $0xffff  }
0x4da: {  	v9 =	vmin.f32 v9, $6.300000000e+01;
	v3 =	vcvt.f32.s32 v11;
	v11 =	vsub.f32 v29, v1;
	v29 =	vld.idx.msk [tilespmem:v10+s4+$0x0], $0xffff  }
0x4db: {  	v33 =	vsub.f32 v14, v1;
	v5 =	vtrunc.f32 v20;
	v10 =	vsub.f32 v30, v1;
	[tilespmem:s31+$0xFFFFFC60] =	vst v22;
	v20 =	vld.idx.msk [tilespmem:v4+s4+$0x0], $0xffff  }
0x4dc: {  	v12 =	vmul.f32 v12, v0;
	v14 =	vsub.f32 v21, v1;
	v4 =	vtrunc.f32 v9;
	v6 =	vld.idx.msk [tilespmem:v6+s4+$0x0], $0xffff  }
0x4dd: {  	v21 =	vmul.f32 v15, v0;
	v15 =	vmul.f32 v11, v0;
	v9 =	vsub.f32 v16, v1;
	v19 =	vld.idx.msk [tilespmem:v19+s4+$0x0], $0xffff  }
0x4de: {  	v11 =	vsub.f32 v24, v1;
	v16 =	vmul.f32 v14, v0;
	v22 =	vcvt.f32.s32 v4;
	[tilespmem:s31+$0x50] =	vst v17;
	v24 =	vld.idx.msk [tilespmem:v18+s4+$0x0], $0xffff  }
0x4df: {  	v12 =	vmax.f32 v12, $0.0e+00;
	v4 =	vmax.f32 v15, $0.0e+00;
	v18 =	vmul.f32 v10, v0;
	v14 =	vld.idx.msk [tilespmem:v26+s4+$0x0], $0xffff;
	[tilespmem:s31+$0x60] =	vst v23  }
0x4e0: {  	v10 =	vmul.f32 v27, v0;
	v17 =	vmul.f32 v33, v0;
	v4 =	vmin.f32 v4, $6.300000000e+01;
	[tilespmem:s31+$0xFFFFFC20] =	vst v29;
	v15 =	vld.idx.msk [tilespmem:v13+s4+$0x0], $0xffff  }
.Ltmp26:
0x4e1: {  	v21 =	vmax.f32 v21, $0.0e+00;
	v4 =	vtrunc.f32 v4;
	v13 =	vmin.f32 v12, $6.300000000e+01;
	v12 =	vld.idx.msk [tilespmem:v25+s4+$0x0], $0xffff;
	[tilespmem:s31+$0x10] =	vst v31;
	(pc) =	sbr.rel @p0 .LBB2_49-.Ltmp26, $4  }
0x4e2: {  	v23 =	vmax.f32 v17, $0.0e+00;
	v4 =	vcvt.f32.s32 v4;
	v25 =	vsub.f32 v32, v1;
	[tilespmem:s31+$0xFFFFFC70] =	vst v6;
	v17 =	vld.idx.msk [tilespmem:v7+s4+$0x0], $0xffff  }
0x4e3: {  	v23 =	vmin.f32 v23, $6.300000000e+01;
	v6 =	vmax.f32 v16, $0.0e+00;
	v7 =	vtrunc.f32 v13;
	v16 =	vld.idx.msk [tilespmem:v8+s4+$0x0], $0xffff;
	[tilespmem:s31+$0x0] =	vst v20  }
0x4e4: {  	v23 =	vtrunc.f32 v23;
	v20 =	vmul.f32 v25, v0;
	v13 =	vld.idx.msk [tilespmem:v22+s4+$0x0], $0xffff;
	v22 =	vsub.f32 v28, v1;
	[tilespmem:s31+$0x40] =	vst v19  }
0x4e5: {  	v8 =	vmin.f32 v21, $6.300000000e+01;
	v19 =	vmin.f32 v6, $6.300000000e+01;
	v6 =	vcvt.f32.s32 v23;
	v21 =	vld [tilespmem:s16+$0x70];
	s16 =	sadd.s32 $0x800, s16;
	[tilespmem:s31+$0x70] =	vst v24  }
0x4e6: {  	v22 =	vmul.f32 v22, v0  }
0x4e7: {  	v18 =	vmax.f32 v18, $0.0e+00;
	v10 =	vmax.f32 v10, $0.0e+00;
	v5 =	vcvt.f32.s32 v5  }
0x4e8: {  	[tilespmem:s31+$0x30] =	vst v14;
	v9 =	vmul.f32 v9, v0;
	v14 =	vmax.f32 v20, $0.0e+00;
	v2 =	vcvt.f32.s32 v2  }
0x4e9: {  	v11 =	vmul.f32 v11, v0;
	v8 =	vtrunc.f32 v8;
	v18 =	vmin.f32 v18, $6.300000000e+01  }
0x4ea: {  	v10 =	vmin.f32 v10, $6.300000000e+01;
	v14 =	vmin.f32 v14, $6.300000000e+01;
	v8 =	vcvt.f32.s32 v8  }
0x4eb: {  	v22 =	vmax.f32 v22, $0.0e+00;
	v18 =	vtrunc.f32 v18;
	v10 =	vtrunc.f32 v10  }
0x4ec: {  	v3 =	vld.idx.msk [tilespmem:v3+s4+$0x0], $0xffff;
	v9 =	vmax.f32 v9, $0.0e+00;
	v14 =	vtrunc.f32 v14;
	v22 =	vmin.f32 v22, $6.300000000e+01  }
0x4ed: {  	[tilespmem:s31+$0xFFFFFC50] =	vst v15;
	v4 =	vld.idx.msk [tilespmem:v4+s4+$0x0], $0xffff;
	v18 =	vcvt.f32.s32 v18;
	v10 =	vcvt.f32.s32 v10;
	v21 =	vsub.f32 v21, v1  }
0x4ee: {  	[tilespmem:s31+$0xFFFFFC40] =	vst v12;
	v9 =	vmin.f32 v9, $6.300000000e+01;
	v14 =	vcvt.f32.s32 v14;
	v22 =	vtrunc.f32 v22  }
0x4ef: {  	[tilespmem:s31+$0x20] =	vst v17;
	v6 =	vld.idx.msk [tilespmem:v6+s4+$0x0], $0xffff;
	v9 =	vtrunc.f32 v9;
	v21 =	vmul.f32 v21, v0  }
0x4f0: {  	[tilespmem:s31+$0xFFFFFC30] =	vst v16;
	v11 =	vmax.f32 v11, $0.0e+00;
	v22 =	vcvt.f32.s32 v22;
	v9 =	vcvt.f32.s32 v9;
	v5 =	vld.idx.msk [tilespmem:v5+s4+$0x0], $0xffff  }
0x4f1: {  	[tilespmem:s3+$0xFFFFFC10] =	vst v3;
	v3 =	vcvt.f32.s32 v7;
	v7 =	vmin.f32 v11, $6.300000000e+01;
	v2 =	vld.idx.msk [tilespmem:v2+s4+$0x0], $0xffff;
	v15 =	vmax.f32 v21, $0.0e+00  }
0x4f2: {  	[tilespmem:s3+$0x0] =	vst v4;
	v7 =	vtrunc.f32 v7;
	v4 =	vld.idx.msk [tilespmem:v8+s4+$0x0], $0xffff;
	v15 =	vmin.f32 v15, $6.300000000e+01  }
0x4f3: {  	[tilespmem:s3+$0xFFFFFC00] =	vst v13;
	v7 =	vcvt.f32.s32 v7;
	v16 =	vld.idx.msk [tilespmem:v18+s4+$0x0], $0xffff;
	v15 =	vtrunc.f32 v15  }
0x4f4: {  	[tilespmem:s3+$0xFFFFFC70] =	vst v6;
	v10 =	vld.idx.msk [tilespmem:v10+s4+$0x0], $0xffff;
	v12 =	vcvt.f32.s32 v15;
	v15 =	vtrunc.f32 v19  }
0x4f5: {  	v11 =	vld.idx.msk [tilespmem:v14+s4+$0x0], $0xffff;
	[tilespmem:s3+$0x60] =	vst v5;
	v13 =	vcvt.f32.s32 v15  }
0x4f6: {  	v17 =	vld.idx.msk [tilespmem:v22+s4+$0x0], $0xffff;
	[tilespmem:s3+$0x10] =	vst v2  }
0x4f7: {  	v9 =	vld.idx.msk [tilespmem:v9+s4+$0x0], $0xffff;
	[tilespmem:s3+$0xFFFFFC30] =	vst v4  }
0x4f8: {  	v3 =	vld.idx.msk [tilespmem:v3+s4+$0x0], $0xffff;
	[tilespmem:s3+$0x50] =	vst v16  }
0x4f9: {  	v6 =	vld.idx.msk [tilespmem:v7+s4+$0x0], $0xffff;
	[tilespmem:s3+$0xFFFFFC20] =	vst v10  }
0x4fa: {  	[tilespmem:s3+$0x40] =	vst v11;
	v5 =	vld.idx.msk [tilespmem:v12+s4+$0x0], $0xffff  }
0x4fb: {  	[tilespmem:s3+$0xFFFFFC60] =	vst v17;
	v2 =	vld.idx.msk [tilespmem:v13+s4+$0x0], $0xffff  }
0x4fc: {  	[tilespmem:s3+$0x30] =	vst v9  }
0x4fd: {  	[tilespmem:s3+$0x20] =	vst v3  }
0x4fe: {  	[tilespmem:s3+$0xFFFFFC40] =	vst v6  }
0x4ff: {  	[tilespmem:s3+$0x70] =	vst v5  }
0x500: {  	[tilespmem:s3+$0xFFFFFC50] =	vst v2  }
0x501: {  	v2 =	vld [tilespmem:s0+$0x10]  }
0x502: {  	v3 =	vld [tilespmem:s0+$0x60]  }
0x503: {  	v4 =	vld [tilespmem:s0+$0xFFFFFC10]  }
0x504: {  	v5 =	vld [tilespmem:s0+$0xFFFFFC00]  }
0x505: {  	v6 =	vld [tilespmem:s0+$0xFFFFFC20]  }
0x506: {  	v7 =	vld [tilespmem:s0+$0xFFFFFC30]  }
0x507: {  	v8 =	vld [tilespmem:s0+$0x20]  }
0x508: {  	v9 =	vld [tilespmem:s0+$0xFFFFFC70]  }
0x509: {  	v12 =	vld [tilespmem:s0+$0xFFFFFC50]  }
0x50a: {  	v11 =	vld [tilespmem:s0+$0x50];
	v2 =	vsub.f32 v2, v1;
	v3 =	vsub.f32 v3, v1  }
0x50b: {  	v4 =	vsub.f32 v4, v1;
	v5 =	vsub.f32 v5, v1  }
0x50c: {  	v6 =	vsub.f32 v6, v1;
	v8 =	vsub.f32 v8, v1  }
0x50d: {  	v7 =	vsub.f32 v7, v1;
	v17 =	vsub.f32 v9, v1  }
0x50e: {  	v12 =	vsub.f32 v12, v1;
	v2 =	vmul.f32 v2, v0;
	v3 =	vmul.f32 v3, v0  }
0x50f: {  	v9 =	vsub.f32 v11, v1;
	v4 =	vmul.f32 v4, v0;
	v8 =	vmul.f32 v8, v0  }
0x510: {  	v10 =	vld [tilespmem:s0+$0x0];
	v7 =	vmul.f32 v7, v0;
	v12 =	vmul.f32 v12, v0;
	v2 =	vmax.f32 v2, $0.0e+00  }
0x511: {  	v3 =	vmax.f32 v3, $0.0e+00;
	v4 =	vmax.f32 v4, $0.0e+00;
	v8 =	vmax.f32 v8, $0.0e+00  }
0x512: {  	v14 =	vld [tilespmem:s0+$0x30];
	v13 =	vmin.f32 v3, $6.300000000e+01;
	v3 =	vmul.f32 v5, v0;
	v4 =	vmin.f32 v4, $6.300000000e+01  }
0x513: {  	v15 =	vld [tilespmem:s0+$0xFFFFFC40];
	v7 =	vmax.f32 v7, $0.0e+00;
	v4 =	vtrunc.f32 v4;
	v5 =	vtrunc.f32 v13  }
0x514: {  	v13 =	vmul.f32 v9, v0;
	v9 =	vmul.f32 v6, v0;
	v3 =	vmax.f32 v3, $0.0e+00  }
0x515: {  	v16 =	vmin.f32 v3, $6.300000000e+01;
	v3 =	vcvt.f32.s32 v4;
	v4 =	vsub.f32 v10, v1  }
0x516: {  	v2 =	vmin.f32 v2, $6.300000000e+01;
	v6 =	vmul.f32 v17, v0;
	v11 =	vtrunc.f32 v16;
	v16 =	vld [tilespmem:s0+$0x40]  }
0x517: {  	v10 =	vsub.f32 v14, v1;
	v4 =	vmul.f32 v4, v0;
	v14 =	vcvt.f32.s32 v11  }
0x518: {  	p1 =	por $0x1, $0x1;
	v8 =	vmin.f32 v8, $6.300000000e+01;
	v2 =	vtrunc.f32 v2;
	v11 =	vsub.f32 v15, v1;
	v15 =	vld [tilespmem:s0+$0xFFFFFC60]  }
.Ltmp27:
0x519: {  	v17 =	vmax.f32 v12, $0.0e+00;
	v6 =	vmax.f32 v6, $0.0e+00;
	v4 =	vmax.f32 v4, $0.0e+00;
	(pc) =	sbr.rel @!p1 .LBB2_51-.Ltmp27, $4  }
0x51a: {  	v12 =	vtrunc.f32 v8;
	v6 =	vmin.f32 v6, $6.300000000e+01;
	v4 =	vmin.f32 v4, $6.300000000e+01  }
0x51b: {  	v6 =	vtrunc.f32 v6;
	v4 =	vtrunc.f32 v4;
	v16 =	vsub.f32 v16, v1  }
0x51c: {  	v21 =	vld [tilespmem:s0+$0x70];
	v7 =	vmin.f32 v7, $6.300000000e+01;
	v6 =	vcvt.f32.s32 v6;
	v4 =	vcvt.f32.s32 v4  }
0x51d: {  	s2 =	simm.s32 $0x4E80;
	p0 =	por $0x0, $0x0;
	s31 =	simm.s32 $0x4700;
	v22 =	vsub.f32 v15, v1;
	v15 =	vmin.f32 v17, $6.300000000e+01;
	v8 =	vld.idx.msk [tilespmem:v14+s4+$0x0], $0xffff;
	v20 =	vmul.f32 v16, v0  }
0x51e: {  	v12 =	vcvt.f32.s32 v12;
	v11 =	vmul.f32 v11, v0  }
0x51f: {  	v14 =	vld [tilespmem:s2+$0xFFFFFC30];
	v10 =	vmul.f32 v10, v0;
	v15 =	vtrunc.f32 v15  }
0x520: {  	v13 =	vmax.f32 v13, $0.0e+00;
	v17 =	vld [tilespmem:s2+$0xFFFFFC70];
	v2 =	vcvt.f32.s32 v2;
	v5 =	vcvt.f32.s32 v5  }
0x521: {  	v18 =	vld [tilespmem:s2+$0xFFFFFC10];
	v9 =	vmax.f32 v9, $0.0e+00;
	v7 =	vtrunc.f32 v7;
	v16 =	vmul.f32 v22, v0  }
0x522: {  	v23 =	vld [tilespmem:s2+$0x20];
	v13 =	vmin.f32 v13, $6.300000000e+01;
	v19 =	vmax.f32 v20, $0.0e+00;
	v15 =	vcvt.f32.s32 v15  }
0x523: {  	v24 =	vld [tilespmem:s2+$0x60];
	v9 =	vmin.f32 v9, $6.300000000e+01;
	v7 =	vcvt.f32.s32 v7;
	v13 =	vtrunc.f32 v13  }
0x524: {  	v25 =	vld [tilespmem:s2+$0xFFFFFC40];
	v11 =	vmax.f32 v11, $0.0e+00;
	v19 =	vmin.f32 v19, $6.300000000e+01;
	v10 =	vmax.f32 v10, $0.0e+00  }
0x525: {  	v28 =	vld [tilespmem:s2+$0xFFFFFC20];
	v9 =	vtrunc.f32 v9;
	v16 =	vmax.f32 v16, $0.0e+00;
	v11 =	vmin.f32 v11, $6.300000000e+01  }
0x526: {  	v20 =	vld [tilespmem:s2+$0x10];
	v19 =	vtrunc.f32 v19;
	v10 =	vmin.f32 v10, $6.300000000e+01;
	v13 =	vcvt.f32.s32 v13  }
0x527: {  	v29 =	vld [tilespmem:s2+$0xFFFFFC60];
	v9 =	vcvt.f32.s32 v9;
	v16 =	vmin.f32 v16, $6.300000000e+01;
	v11 =	vtrunc.f32 v11  }
0x528: {  	v30 =	vld [tilespmem:s2+$0x0];
	v21 =	vsub.f32 v21, v1;
	v10 =	vtrunc.f32 v10;
	v16 =	vtrunc.f32 v16  }
0x529: {  	v26 =	vcvt.f32.s32 v11;
	v11 =	vld [tilespmem:s2+$0xFFFFFC00];
	v27 =	vcvt.f32.s32 v10  }
0x52a: {  	v31 =	vld.idx.msk [tilespmem:v3+s4+$0x0], $0xffff;
	v10 =	vmul.f32 v21, v0;
	v24 =	vsub.f32 v24, v1;
	v16 =	vcvt.f32.s32 v16  }
0x52b: {  	v6 =	vld.idx.msk [tilespmem:v6+s4+$0x0], $0xffff;
	v19 =	vcvt.f32.s32 v19;
	v18 =	vsub.f32 v18, v1;
	v20 =	vsub.f32 v20, v1  }
0x52c: {  	v22 =	vld [tilespmem:s2+$0x30];
	v28 =	vsub.f32 v28, v1;
	v10 =	vmax.f32 v10, $0.0e+00;
	v24 =	vmul.f32 v24, v0  }
0x52d: {  	v21 =	vld [tilespmem:s2+$0xFFFFFC50];
	v18 =	vmul.f32 v18, v0;
	v20 =	vmul.f32 v20, v0;
	v10 =	vmin.f32 v10, $6.300000000e+01  }
0x52e: {  	v17 =	vsub.f32 v17, v1;
	v32 =	vld.idx.msk [tilespmem:v2+s4+$0x0], $0xffff;
	v10 =	vtrunc.f32 v10;
	v11 =	vsub.f32 v11, v1  }
0x52f: {  	v24 =	vmax.f32 v24, $0.0e+00;
	v18 =	vmax.f32 v18, $0.0e+00;
	v3 =	vmax.f32 v20, $0.0e+00;
	v20 =	vld [tilespmem:s2+$0x50]  }
0x530: {  	v24 =	vmin.f32 v24, $6.300000000e+01;
	v3 =	vmin.f32 v3, $6.300000000e+01;
	v16 =	vld.idx.msk [tilespmem:v16+s4+$0x0], $0xffff;
	v11 =	vmul.f32 v11, v0  }
0x531: {  	v13 =	vld.idx.msk [tilespmem:v13+s4+$0x0], $0xffff;
	v33 =	vcvt.f32.s32 v10;
	v2 =	vtrunc.f32 v3;
	v3 =	vmin.f32 v18, $6.300000000e+01  }
0x532: {  	v18 =	vsub.f32 v23, v1;
	v23 =	vld [tilespmem:s2+$0x40];
	v3 =	vtrunc.f32 v3;
	v10 =	vmax.f32 v11, $0.0e+00  }
0x533: {  	[tilespmem:s30+$0xFFFFFC00] =	vst v8;
	v11 =	vsub.f32 v14, v1;
	v14 =	vld.idx.msk [tilespmem:v5+s4+$0x0], $0xffff;
	v3 =	vcvt.f32.s32 v3;
	v5 =	vtrunc.f32 v24  }
0x534: {  	[tilespmem:s30+$0xFFFFFC10] =	vst v31;
	v61 =	vld.idx.msk [tilespmem:v9+s4+$0x0], $0xffff;
	v8 =	vmin.f32 v10, $6.300000000e+01;
	v10 =	vsub.f32 v30, v1;
	v9 =	vsub.f32 v20, v1  }
0x535: {  	v20 =	vld.idx.msk [tilespmem:v4+s4+$0x0], $0xffff;
	v4 =	vtrunc.f32 v8;
	v8 =	vsub.f32 v21, v1;
	[tilespmem:s30+$0xFFFFFC60] =	vst v16;
	v16 =	vmul.f32 v18, v0  }
0x536: {  	v62 =	vld.idx.msk [tilespmem:v19+s4+$0x0], $0xffff;
	v18 =	vmul.f32 v11, v0;
	v21 =	vmul.f32 v10, v0;
	v10 =	vsub.f32 v22, v1  }
0x537: {  	[tilespmem:s30+$0x50] =	vst v13;
	v63 =	vld.idx.msk [tilespmem:v33+s4+$0x0], $0xffff;
	v22 =	vcvt.f32.s32 v4;
	v11 =	vsub.f32 v25, v1;
	v13 =	vmul.f32 v9, v0  }
0x538: {  	[tilespmem:s30+$0xFFFFFC70] =	vst v6;
	v9 =	vmul.f32 v28, v0;
	v23 =	vsub.f32 v23, v1;
	v19 =	vmax.f32 v16, $0.0e+00;
	v16 =	vld.idx.msk [tilespmem:v27+s4+$0x0], $0xffff  }
0x539: {  	p3 =	por $0x1, $0x1;
	[tilespmem:s30+$0x10] =	vst v32;
	v8 =	vmul.f32 v8, v0;
	v4 =	vmax.f32 v21, $0.0e+00;
	v21 =	vmul.f32 v17, v0;
	v17 =	vld.idx.msk [tilespmem:v15+s4+$0x0], $0xffff  }
.Ltmp28:
0x53a: {  	[tilespmem:s30+$0x60] =	vst v14;
	v15 =	vmax.f32 v18, $0.0e+00;
	v14 =	vld.idx.msk [tilespmem:v26+s4+$0x0], $0xffff;
	v4 =	vmin.f32 v4, $6.300000000e+01;
	v18 =	vmin.f32 v19, $6.300000000e+01;
	(pc) =	sbr.rel @!p3 .LBB2_53-.Ltmp28, $4  }
0x53b: {  	v19 =	vld.idx.msk [tilespmem:v12+s4+$0x0], $0xffff;
	v6 =	vmax.f32 v8, $0.0e+00;
	[tilespmem:s30+$0x0] =	vst v20;
	v20 =	vmul.f32 v23, v0;
	v21 =	vmax.f32 v21, $0.0e+00  }
0x53c: {  	[tilespmem:s30+$0xFFFFFC20] =	vst v61;
	v4 =	vtrunc.f32 v4;
	v12 =	vtrunc.f32 v18;
	v18 =	vld.idx.msk [tilespmem:v7+s4+$0x0], $0xffff;
	v21 =	vmin.f32 v21, $6.300000000e+01  }
0x53d: {  	s3 =	simm.s32 $0x10;
	s0 =	simm.s32 $0xCE80;
	[tilespmem:s30+$0x40] =	vst v62;
	v7 =	vmin.f32 v15, $6.300000000e+01;
	v8 =	vld.idx.msk [tilespmem:v22+s4+$0x0], $0xffff;
	v22 =	vsub.f32 v29, v1;
	v21 =	vtrunc.f32 v21  }
0x53e: {  	p2 =	por $0x1, $0x1;
	s15 =	simm.s32 $0xCE80;
	v15 =	vmin.f32 v6, $6.300000000e+01;
	[tilespmem:s30+$0x70] =	vst v63;
	v4 =	vcvt.f32.s32 v4;
	v6 =	vcvt.f32.s32 v21;
	v21 =	vld [tilespmem:s2+$0x70];
	s2 =	simm.s32 $0x5680  }
.LBB2_54:
0x53f: {  	v23 =	vld [tilespmem:s2+$0xFFFFFC30];
	s3 =	sadd.s32 $0x10, s3;
	v22 =	vmul.f32 v22, v0;
	v12 =	vcvt.f32.s32 v12;
	v13 =	vmax.f32 v13, $0.0e+00;
	s15 =	sadd.s32 $0x800, s15;
	[tilespmem:s30+$0x30] =	vst v16  }
0x540: {  	v11 =	vmul.f32 v11, v0;
	v10 =	vmul.f32 v10, v0;
	v16 =	vld [tilespmem:s2+$0xFFFFFC70];
	p3 =	slt.u32 s3, $0x70;
	v13 =	vmin.f32 v13, $6.300000000e+01;
	[tilespmem:s30+$0xFFFFFC50] =	vst v17  }
0x541: {  	v20 =	vmax.f32 v20, $0.0e+00;
	v17 =	vld [tilespmem:s2+$0xFFFFFC10];
	v22 =	vmax.f32 v22, $0.0e+00;
	v13 =	vtrunc.f32 v13;
	[tilespmem:s30+$0x20] =	vst v19  }
0x542: {  	v20 =	vmin.f32 v20, $6.300000000e+01;
	v11 =	vmax.f32 v11, $0.0e+00;
	v19 =	vld [tilespmem:s2+$0x10];
	v22 =	vmin.f32 v22, $6.300000000e+01;
	[tilespmem:s30+$0xFFFFFC30] =	vst v18  }
0x543: {  	v15 =	vtrunc.f32 v15;
	v11 =	vmin.f32 v11, $6.300000000e+01;
	v18 =	vld [tilespmem:s2+$0x30];
	v21 =	vsub.f32 v21, v1;
	[tilespmem:s30+$0xFFFFFC40] =	vst v14;
	s30 =	smov.u32 s0;
	s0 =	smov.u32 s15  }
0x544: {  	v10 =	vmax.f32 v10, $0.0e+00;
	v14 =	vld [tilespmem:s2+$0x20];
	[tilespmem:s30+$0xFFFFFC00] =	vst v8;
	v8 =	vcvt.f32.s32 v15;
	v15 =	vtrunc.f32 v20  }
0x545: {  	v10 =	vmin.f32 v10, $6.300000000e+01;
	v11 =	vtrunc.f32 v11;
	v22 =	vtrunc.f32 v22;
	v20 =	vld [tilespmem:s2+$0x60]  }
0x546: {  	v9 =	vmax.f32 v9, $0.0e+00;
	v10 =	vtrunc.f32 v10;
	v25 =	vcvt.f32.s32 v11;
	v24 =	vld [tilespmem:s2+$0xFFFFFC40]  }
0x547: {  	v9 =	vmin.f32 v9, $6.300000000e+01;
	v26 =	vcvt.f32.s32 v10;
	v10 =	vmul.f32 v21, v0;
	v11 =	vld [tilespmem:s2+$0xFFFFFC00]  }
0x548: {  	v22 =	vcvt.f32.s32 v22;
	v15 =	vcvt.f32.s32 v15;
	v19 =	vsub.f32 v19, v1;
	v21 =	vld [tilespmem:s2+$0xFFFFFC50]  }
0x549: {  	v2 =	vcvt.f32.s32 v2;
	v9 =	vtrunc.f32 v9;
	v10 =	vmax.f32 v10, $0.0e+00;
	v27 =	vld [tilespmem:s2+$0xFFFFFC20]  }
0x54a: {  	v13 =	vcvt.f32.s32 v13;
	v19 =	vmul.f32 v19, v0;
	v28 =	vld [tilespmem:s2+$0xFFFFFC60];
	v20 =	vsub.f32 v20, v1  }
0x54b: {  	v5 =	vcvt.f32.s32 v5;
	v9 =	vcvt.f32.s32 v9;
	v10 =	vmin.f32 v10, $6.300000000e+01;
	v29 =	vld [tilespmem:s2+$0x0]  }
0x54c: {  	v17 =	vsub.f32 v17, v1;
	v11 =	vsub.f32 v11, v1;
	v20 =	vmul.f32 v20, v0;
	v3 =	vld.idx.msk [tilespmem:v3+s4+$0x0], $0xffff  }
0x54d: {  	v7 =	vtrunc.f32 v7;
	v10 =	vtrunc.f32 v10;
	v19 =	vmax.f32 v19, $0.0e+00;
	v30 =	vld [tilespmem:s2+$0x50]  }
0x54e: {  	v7 =	vcvt.f32.s32 v7;
	v17 =	vmul.f32 v17, v0;
	v20 =	vmax.f32 v20, $0.0e+00;
	v22 =	vld.idx.msk [tilespmem:v22+s4+$0x0], $0xffff  }
0x54f: {  	v19 =	vmin.f32 v19, $6.300000000e+01;
	v27 =	vsub.f32 v27, v1;
	v20 =	vmin.f32 v20, $6.300000000e+01;
	v31 =	vld.idx.msk [tilespmem:v2+s4+$0x0], $0xffff  }
0x550: {  	v17 =	vmax.f32 v17, $0.0e+00;
	v11 =	vmul.f32 v11, v0;
	v2 =	vtrunc.f32 v19;
	v13 =	vld.idx.msk [tilespmem:v13+s4+$0x0], $0xffff  }
0x551: {  	v14 =	vsub.f32 v14, v1;
	v32 =	vcvt.f32.s32 v10;
	v17 =	vmin.f32 v17, $6.300000000e+01;
	v19 =	vld [tilespmem:s2+$0x40]  }
0x552: {  	v10 =	vmax.f32 v11, $0.0e+00;
	v11 =	vtrunc.f32 v17;
	v17 =	vsub.f32 v23, v1;
	[tilespmem:s30+$0xFFFFFC10] =	vst v3;
	v23 =	vld.idx.msk [tilespmem:v5+s4+$0x0], $0xffff  }
0x553: {  	v10 =	vmin.f32 v10, $6.300000000e+01;
	v3 =	vcvt.f32.s32 v11;
	v11 =	vsub.f32 v29, v1;
	v29 =	vld.idx.msk [tilespmem:v9+s4+$0x0], $0xffff  }
0x554: {  	v33 =	vsub.f32 v16, v1;
	v5 =	vtrunc.f32 v20;
	v9 =	vsub.f32 v30, v1;
	[tilespmem:s30+$0xFFFFFC60] =	vst v22;
	v20 =	vld.idx.msk [tilespmem:v4+s4+$0x0], $0xffff  }
0x555: {  	v14 =	vmul.f32 v14, v0;
	v16 =	vsub.f32 v21, v1;
	v4 =	vtrunc.f32 v10;
	v6 =	vld.idx.msk [tilespmem:v6+s4+$0x0], $0xffff  }
0x556: {  	v21 =	vmul.f32 v17, v0;
	v17 =	vmul.f32 v11, v0;
	v10 =	vsub.f32 v18, v1;
	v15 =	vld.idx.msk [tilespmem:v15+s4+$0x0], $0xffff  }
0x557: {  	v11 =	vsub.f32 v24, v1;
	v18 =	vmul.f32 v16, v0;
	v22 =	vcvt.f32.s32 v4;
	[tilespmem:s30+$0x50] =	vst v13;
	v24 =	vld.idx.msk [tilespmem:v32+s4+$0x0], $0xffff  }
0x558: {  	v14 =	vmax.f32 v14, $0.0e+00;
	v4 =	vmax.f32 v17, $0.0e+00;
	v13 =	vmul.f32 v9, v0;
	v16 =	vld.idx.msk [tilespmem:v26+s4+$0x0], $0xffff;
	[tilespmem:s30+$0x60] =	vst v23  }
0x559: {  	v9 =	vmul.f32 v27, v0;
	v4 =	vmin.f32 v4, $6.300000000e+01;
	v23 =	vmul.f32 v33, v0;
	[tilespmem:s30+$0xFFFFFC20] =	vst v29;
	v17 =	vld.idx.msk [tilespmem:v8+s4+$0x0], $0xffff  }
.Ltmp29:
0x55a: {  	v21 =	vmax.f32 v21, $0.0e+00;
	v4 =	vtrunc.f32 v4;
	v8 =	vmin.f32 v14, $6.300000000e+01;
	v14 =	vld.idx.msk [tilespmem:v25+s4+$0x0], $0xffff;
	[tilespmem:s30+$0x10] =	vst v31;
	(pc) =	sbr.rel @p3 .LBB2_54-.Ltmp29, $4  }
0x55b: {  	v4 =	vcvt.f32.s32 v4;
	v23 =	vmax.f32 v23, $0.0e+00;
	v25 =	vsub.f32 v19, v1;
	[tilespmem:s30+$0xFFFFFC70] =	vst v6;
	v19 =	vld.idx.msk [tilespmem:v12+s4+$0x0], $0xffff  }
0x55c: {  	v6 =	vmax.f32 v18, $0.0e+00;
	v23 =	vmin.f32 v23, $6.300000000e+01;
	v12 =	vtrunc.f32 v8;
	v18 =	vld.idx.msk [tilespmem:v7+s4+$0x0], $0xffff;
	[tilespmem:s30+$0x0] =	vst v20  }
0x55d: {  	v23 =	vtrunc.f32 v23;
	v20 =	vmul.f32 v25, v0;
	v8 =	vld.idx.msk [tilespmem:v22+s4+$0x0], $0xffff;
	v22 =	vsub.f32 v28, v1;
	[tilespmem:s30+$0x40] =	vst v15  }
0x55e: {  	v7 =	vmin.f32 v21, $6.300000000e+01;
	v15 =	vmin.f32 v6, $6.300000000e+01;
	v6 =	vcvt.f32.s32 v23;
	v21 =	vld [tilespmem:s2+$0x70];
	s2 =	sadd.s32 $0x800, s2;
	[tilespmem:s30+$0x70] =	vst v24  }
0x55f: {  	s2 =	smov.u32 s30;
	s30 =	smov.u32 s0  }
.LBB2_56:
0x560: {  	v22 =	vmul.f32 v22, v0;
	v13 =	vmax.f32 v13, $0.0e+00;
	v5 =	vcvt.f32.s32 v5  }
0x561: {  	v9 =	vmax.f32 v9, $0.0e+00;
	v10 =	vmul.f32 v10, v0;
	v2 =	vcvt.f32.s32 v2  }
0x562: {  	[tilespmem:s2+$0x30] =	vst @p2 v16;
	v16 =	vmax.f32 v20, $0.0e+00;
	v11 =	vmul.f32 v11, v0;
	v7 =	vtrunc.f32 v7  }
0x563: {  	v13 =	vmin.f32 v13, $6.300000000e+01;
	v9 =	vmin.f32 v9, $6.300000000e+01;
	v16 =	vmin.f32 v16, $6.300000000e+01  }
0x564: {  	v7 =	vcvt.f32.s32 v7;
	v22 =	vmax.f32 v22, $0.0e+00;
	v13 =	vtrunc.f32 v13  }
0x565: {  	v9 =	vtrunc.f32 v9;
	v10 =	vmax.f32 v10, $0.0e+00;
	v16 =	vtrunc.f32 v16  }
0x566: {  	[tilespmem:s2+$0xFFFFFC50] =	vst @p2 v17;
	v4 =	vld.idx.msk [tilespmem:v4+s4+$0x0], $0xffff;
	v22 =	vmin.f32 v22, $6.300000000e+01;
	v21 =	vsub.f32 v21, v1;
	v13 =	vcvt.f32.s32 v13  }
0x567: {  	v3 =	vld.idx.msk [tilespmem:v3+s4+$0x0], $0xffff;
	[tilespmem:s2+$0x20] =	vst @p2 v19;
	v9 =	vcvt.f32.s32 v9;
	v10 =	vmin.f32 v10, $6.300000000e+01;
	v16 =	vcvt.f32.s32 v16  }
0x568: {  	[tilespmem:s2+$0xFFFFFC40] =	vst @p2 v14;
	v6 =	vld.idx.msk [tilespmem:v6+s4+$0x0], $0xffff;
	v22 =	vtrunc.f32 v22;
	v10 =	vtrunc.f32 v10  }
0x569: {  	[tilespmem:s2+$0xFFFFFC30] =	vst @p2 v18;
	v22 =	vcvt.f32.s32 v22;
	v21 =	vmul.f32 v21, v0;
	v5 =	vld.idx.msk [tilespmem:v5+s4+$0x0], $0xffff  }
0x56a: {  	v15 =	vtrunc.f32 v15;
	[tilespmem:s30+$0xFFFFFC00] =	vst v8;
	v8 =	vcvt.f32.s32 v10;
	v10 =	vmax.f32 v11, $0.0e+00;
	v2 =	vld.idx.msk [tilespmem:v2+s4+$0x0], $0xffff  }
0x56b: {  	v11 =	vcvt.f32.s32 v15;
	[tilespmem:s30+$0x0] =	vst v4;
	v10 =	vmin.f32 v10, $6.300000000e+01;
	v17 =	vmax.f32 v21, $0.0e+00;
	v4 =	vld.idx.msk [tilespmem:v7+s4+$0x0], $0xffff  }
0x56c: {  	[tilespmem:s30+$0xFFFFFC10] =	vst v3;
	v3 =	vcvt.f32.s32 v12;
	v10 =	vtrunc.f32 v10;
	v17 =	vmin.f32 v17, $6.300000000e+01;
	v13 =	vld.idx.msk [tilespmem:v13+s4+$0x0], $0xffff  }
0x56d: {  	[tilespmem:s30+$0xFFFFFC70] =	vst v6;
	v10 =	vcvt.f32.s32 v10;
	v17 =	vtrunc.f32 v17;
	v9 =	vld.idx.msk [tilespmem:v9+s4+$0x0], $0xffff  }
0x56e: {  	v12 =	vld.idx.msk [tilespmem:v16+s4+$0x0], $0xffff;
	v14 =	vcvt.f32.s32 v17;
	[tilespmem:s30+$0x60] =	vst v5  }
0x56f: {  	v19 =	vld.idx.msk [tilespmem:v22+s4+$0x0], $0xffff;
	[tilespmem:s30+$0x10] =	vst v2  }
0x570: {  	v8 =	vld.idx.msk [tilespmem:v8+s4+$0x0], $0xffff;
	[tilespmem:s30+$0xFFFFFC30] =	vst v4  }
0x571: {  	v2 =	vld.idx.msk [tilespmem:v11+s4+$0x0], $0xffff;
	[tilespmem:s30+$0x50] =	vst v13  }
0x572: {  	v3 =	vld.idx.msk [tilespmem:v3+s4+$0x0], $0xffff;
	[tilespmem:s30+$0xFFFFFC20] =	vst v9  }
0x573: {  	[tilespmem:s30+$0x40] =	vst v12;
	v6 =	vld.idx.msk [tilespmem:v10+s4+$0x0], $0xffff  }
0x574: {  	[tilespmem:s30+$0xFFFFFC60] =	vst v19;
	v5 =	vld.idx.msk [tilespmem:v14+s4+$0x0], $0xffff  }
0x575: {  	[tilespmem:s30+$0x30] =	vst v8  }
0x576: {  	[tilespmem:s30+$0xFFFFFC50] =	vst v2  }
0x577: {  	[tilespmem:s30+$0x20] =	vst v3  }
0x578: {  	[tilespmem:s30+$0xFFFFFC40] =	vst v6  }
0x579: {  	[tilespmem:s30+$0x70] =	vst v5  }
0x57a: {  	v2 =	vld [tilespmem:s31+$0x10]  }
0x57b: {  	v3 =	vld [tilespmem:s31+$0x60]  }
0x57c: {  	v4 =	vld [tilespmem:s31+$0xFFFFFC10]  }
0x57d: {  	v5 =	vld [tilespmem:s31+$0xFFFFFC00]  }
0x57e: {  	v6 =	vld [tilespmem:s31+$0xFFFFFC20]  }
0x57f: {  	v7 =	vld [tilespmem:s31+$0xFFFFFC30]  }
0x580: {  	v8 =	vld [tilespmem:s31+$0x20]  }
0x581: {  	v9 =	vld [tilespmem:s31+$0xFFFFFC70]  }
0x582: {  	v12 =	vld [tilespmem:s31+$0xFFFFFC50]  }
0x583: {  	v11 =	vld [tilespmem:s31+$0x50];
	v2 =	vsub.f32 v2, v1;
	v3 =	vsub.f32 v3, v1  }
0x584: {  	v4 =	vsub.f32 v4, v1;
	v5 =	vsub.f32 v5, v1  }
0x585: {  	v6 =	vsub.f32 v6, v1;
	v8 =	vsub.f32 v8, v1  }
0x586: {  	v7 =	vsub.f32 v7, v1;
	v17 =	vsub.f32 v9, v1  }
0x587: {  	v12 =	vsub.f32 v12, v1;
	v2 =	vmul.f32 v2, v0;
	v3 =	vmul.f32 v3, v0  }
0x588: {  	v9 =	vsub.f32 v11, v1;
	v4 =	vmul.f32 v4, v0;
	v8 =	vmul.f32 v8, v0  }
0x589: {  	v10 =	vld [tilespmem:s31+$0x0];
	v7 =	vmul.f32 v7, v0;
	v12 =	vmul.f32 v12, v0;
	v2 =	vmax.f32 v2, $0.0e+00  }
0x58a: {  	v3 =	vmax.f32 v3, $0.0e+00;
	v4 =	vmax.f32 v4, $0.0e+00;
	v8 =	vmax.f32 v8, $0.0e+00  }
0x58b: {  	v14 =	vld [tilespmem:s31+$0x30];
	v13 =	vmin.f32 v3, $6.300000000e+01;
	v3 =	vmul.f32 v5, v0;
	v4 =	vmin.f32 v4, $6.300000000e+01  }
0x58c: {  	v15 =	vld [tilespmem:s31+$0xFFFFFC40];
	v7 =	vmax.f32 v7, $0.0e+00;
	v4 =	vtrunc.f32 v4;
	v5 =	vtrunc.f32 v13  }
0x58d: {  	v13 =	vmul.f32 v9, v0;
	v9 =	vmul.f32 v6, v0;
	v3 =	vmax.f32 v3, $0.0e+00  }
0x58e: {  	v16 =	vmin.f32 v3, $6.300000000e+01;
	v3 =	vcvt.f32.s32 v4;
	v4 =	vsub.f32 v10, v1  }
0x58f: {  	v2 =	vmin.f32 v2, $6.300000000e+01;
	v6 =	vmul.f32 v17, v0;
	v11 =	vtrunc.f32 v16;
	v16 =	vld [tilespmem:s31+$0x40]  }
0x590: {  	v10 =	vsub.f32 v14, v1;
	v4 =	vmul.f32 v4, v0;
	v14 =	vcvt.f32.s32 v11  }
0x591: {  	v8 =	vmin.f32 v8, $6.300000000e+01;
	v2 =	vtrunc.f32 v2;
	v11 =	vsub.f32 v15, v1;
	v15 =	vld [tilespmem:s31+$0xFFFFFC60]  }
.Ltmp30:
0x592: {  	v17 =	vmax.f32 v12, $0.0e+00;
	v6 =	vmax.f32 v6, $0.0e+00;
	v4 =	vmax.f32 v4, $0.0e+00;
	(pc) =	sbr.rel @!p1 .LBB2_57-.Ltmp30, $4  }
0x593: {  	v12 =	vtrunc.f32 v8;
	v6 =	vmin.f32 v6, $6.300000000e+01;
	v4 =	vmin.f32 v4, $6.300000000e+01  }
0x594: {  	v6 =	vtrunc.f32 v6;
	v4 =	vtrunc.f32 v4;
	v16 =	vsub.f32 v16, v1  }
0x595: {  	s0 =	simm.s32 $0xC700;
	v21 =	vld [tilespmem:s31+$0x70];
	v7 =	vmin.f32 v7, $6.300000000e+01;
	v6 =	vcvt.f32.s32 v6;
	v4 =	vcvt.f32.s32 v4  }
0x596: {  	s15 =	sadd.s32 $0x800, s31;
	s30 =	simm.s32 $0xC780;
	s31 =	simm.s32 $0x4780;
	v22 =	vsub.f32 v15, v1;
	v15 =	vmin.f32 v17, $6.300000000e+01;
	v8 =	vld.idx.msk [tilespmem:v14+s4+$0x0], $0xffff;
	v20 =	vmul.f32 v16, v0  }
0x597: {  	v12 =	vcvt.f32.s32 v12;
	v11 =	vmul.f32 v11, v0  }
0x598: {  	v14 =	vld [tilespmem:s15+$0xFFFFFC30];
	v10 =	vmul.f32 v10, v0;
	v15 =	vtrunc.f32 v15  }
0x599: {  	v13 =	vmax.f32 v13, $0.0e+00;
	v17 =	vld [tilespmem:s15+$0xFFFFFC70];
	v2 =	vcvt.f32.s32 v2;
	v5 =	vcvt.f32.s32 v5  }
0x59a: {  	v18 =	vld [tilespmem:s15+$0xFFFFFC10];
	v9 =	vmax.f32 v9, $0.0e+00;
	v7 =	vtrunc.f32 v7;
	v16 =	vmul.f32 v22, v0  }
0x59b: {  	v23 =	vld [tilespmem:s15+$0x20];
	v13 =	vmin.f32 v13, $6.300000000e+01;
	v19 =	vmax.f32 v20, $0.0e+00;
	v15 =	vcvt.f32.s32 v15  }
0x59c: {  	v24 =	vld [tilespmem:s15+$0x60];
	v9 =	vmin.f32 v9, $6.300000000e+01;
	v7 =	vcvt.f32.s32 v7;
	v13 =	vtrunc.f32 v13  }
0x59d: {  	v25 =	vld [tilespmem:s15+$0xFFFFFC40];
	v11 =	vmax.f32 v11, $0.0e+00;
	v19 =	vmin.f32 v19, $6.300000000e+01;
	v10 =	vmax.f32 v10, $0.0e+00  }
0x59e: {  	v28 =	vld [tilespmem:s15+$0xFFFFFC20];
	v9 =	vtrunc.f32 v9;
	v16 =	vmax.f32 v16, $0.0e+00;
	v11 =	vmin.f32 v11, $6.300000000e+01  }
0x59f: {  	v20 =	vld [tilespmem:s15+$0x10];
	v19 =	vtrunc.f32 v19;
	v10 =	vmin.f32 v10, $6.300000000e+01;
	v13 =	vcvt.f32.s32 v13  }
0x5a0: {  	v29 =	vld [tilespmem:s15+$0xFFFFFC60];
	v9 =	vcvt.f32.s32 v9;
	v16 =	vmin.f32 v16, $6.300000000e+01;
	v11 =	vtrunc.f32 v11  }
0x5a1: {  	v30 =	vld [tilespmem:s15+$0x0];
	v21 =	vsub.f32 v21, v1;
	v10 =	vtrunc.f32 v10;
	v16 =	vtrunc.f32 v16  }
0x5a2: {  	v26 =	vcvt.f32.s32 v11;
	v11 =	vld [tilespmem:s15+$0xFFFFFC00];
	v27 =	vcvt.f32.s32 v10  }
0x5a3: {  	v31 =	vld.idx.msk [tilespmem:v3+s4+$0x0], $0xffff;
	v10 =	vmul.f32 v21, v0;
	v24 =	vsub.f32 v24, v1;
	v16 =	vcvt.f32.s32 v16  }
0x5a4: {  	v6 =	vld.idx.msk [tilespmem:v6+s4+$0x0], $0xffff;
	v19 =	vcvt.f32.s32 v19;
	v18 =	vsub.f32 v18, v1;
	v20 =	vsub.f32 v20, v1  }
0x5a5: {  	v22 =	vld [tilespmem:s15+$0x30];
	v28 =	vsub.f32 v28, v1;
	v10 =	vmax.f32 v10, $0.0e+00;
	v24 =	vmul.f32 v24, v0  }
0x5a6: {  	v21 =	vld [tilespmem:s15+$0xFFFFFC50];
	v18 =	vmul.f32 v18, v0;
	v20 =	vmul.f32 v20, v0;
	v10 =	vmin.f32 v10, $6.300000000e+01  }
0x5a7: {  	v17 =	vsub.f32 v17, v1;
	v32 =	vld.idx.msk [tilespmem:v2+s4+$0x0], $0xffff;
	v10 =	vtrunc.f32 v10;
	v11 =	vsub.f32 v11, v1  }
0x5a8: {  	v24 =	vmax.f32 v24, $0.0e+00;
	v18 =	vmax.f32 v18, $0.0e+00;
	v3 =	vmax.f32 v20, $0.0e+00;
	v20 =	vld [tilespmem:s15+$0x50]  }
0x5a9: {  	v24 =	vmin.f32 v24, $6.300000000e+01;
	v3 =	vmin.f32 v3, $6.300000000e+01;
	v16 =	vld.idx.msk [tilespmem:v16+s4+$0x0], $0xffff;
	v11 =	vmul.f32 v11, v0  }
0x5aa: {  	v13 =	vld.idx.msk [tilespmem:v13+s4+$0x0], $0xffff;
	v33 =	vcvt.f32.s32 v10;
	v2 =	vtrunc.f32 v3;
	v3 =	vmin.f32 v18, $6.300000000e+01  }
0x5ab: {  	v18 =	vsub.f32 v23, v1;
	v23 =	vld [tilespmem:s15+$0x40];
	v3 =	vtrunc.f32 v3;
	v10 =	vmax.f32 v11, $0.0e+00  }
0x5ac: {  	[tilespmem:s0+$0xFFFFFC00] =	vst v8;
	v11 =	vsub.f32 v14, v1;
	v14 =	vld.idx.msk [tilespmem:v5+s4+$0x0], $0xffff;
	v3 =	vcvt.f32.s32 v3;
	v5 =	vtrunc.f32 v24  }
0x5ad: {  	[tilespmem:s0+$0xFFFFFC10] =	vst v31;
	v61 =	vld.idx.msk [tilespmem:v9+s4+$0x0], $0xffff;
	v8 =	vmin.f32 v10, $6.300000000e+01;
	v10 =	vsub.f32 v30, v1;
	v9 =	vsub.f32 v20, v1  }
0x5ae: {  	v20 =	vld.idx.msk [tilespmem:v4+s4+$0x0], $0xffff;
	v4 =	vtrunc.f32 v8;
	v8 =	vsub.f32 v21, v1;
	[tilespmem:s0+$0xFFFFFC60] =	vst v16;
	v16 =	vmul.f32 v18, v0  }
0x5af: {  	v62 =	vld.idx.msk [tilespmem:v19+s4+$0x0], $0xffff;
	v18 =	vmul.f32 v11, v0;
	v21 =	vmul.f32 v10, v0;
	v10 =	vsub.f32 v22, v1  }
0x5b0: {  	[tilespmem:s0+$0x50] =	vst v13;
	v63 =	vld.idx.msk [tilespmem:v33+s4+$0x0], $0xffff;
	v22 =	vcvt.f32.s32 v4;
	v11 =	vsub.f32 v25, v1;
	v13 =	vmul.f32 v9, v0  }
0x5b1: {  	[tilespmem:s0+$0xFFFFFC70] =	vst v6;
	v9 =	vmul.f32 v28, v0;
	v23 =	vsub.f32 v23, v1;
	v19 =	vmax.f32 v16, $0.0e+00;
	v16 =	vld.idx.msk [tilespmem:v27+s4+$0x0], $0xffff  }
0x5b2: {  	p1 =	por $0x1, $0x1;
	[tilespmem:s0+$0x10] =	vst v32;
	v8 =	vmul.f32 v8, v0;
	v4 =	vmax.f32 v21, $0.0e+00;
	v21 =	vmul.f32 v17, v0;
	v17 =	vld.idx.msk [tilespmem:v15+s4+$0x0], $0xffff  }
.Ltmp31:
0x5b3: {  	[tilespmem:s0+$0x60] =	vst v14;
	v15 =	vmax.f32 v18, $0.0e+00;
	v14 =	vld.idx.msk [tilespmem:v26+s4+$0x0], $0xffff;
	v4 =	vmin.f32 v4, $6.300000000e+01;
	v18 =	vmin.f32 v19, $6.300000000e+01;
	(pc) =	sbr.rel @!p1 .LBB2_59-.Ltmp31, $4  }
0x5b4: {  	v19 =	vld.idx.msk [tilespmem:v12+s4+$0x0], $0xffff;
	v6 =	vmax.f32 v8, $0.0e+00;
	[tilespmem:s0+$0x0] =	vst v20;
	v20 =	vmul.f32 v23, v0;
	v21 =	vmax.f32 v21, $0.0e+00  }
0x5b5: {  	[tilespmem:s0+$0xFFFFFC20] =	vst v61;
	v4 =	vtrunc.f32 v4;
	v12 =	vtrunc.f32 v18;
	v18 =	vld.idx.msk [tilespmem:v7+s4+$0x0], $0xffff;
	v21 =	vmin.f32 v21, $6.300000000e+01  }
0x5b6: {  	s2 =	simm.s32 $0x10;
	s3 =	simm.s32 $0xCF00;
	[tilespmem:s0+$0x40] =	vst v62;
	v7 =	vmin.f32 v15, $6.300000000e+01;
	v8 =	vld.idx.msk [tilespmem:v22+s4+$0x0], $0xffff;
	v22 =	vsub.f32 v29, v1;
	v21 =	vtrunc.f32 v21  }
0x5b7: {  	p0 =	por $0x1, $0x1;
	s16 =	simm.s32 $0xCF00;
	v15 =	vmin.f32 v6, $6.300000000e+01;
	[tilespmem:s0+$0x70] =	vst v63;
	v4 =	vcvt.f32.s32 v4;
	v6 =	vcvt.f32.s32 v21;
	v21 =	vld [tilespmem:s15+$0x70];
	s15 =	sadd.s32 $0x800, s15  }
.LBB2_60:
0x5b8: {  	v23 =	vld [tilespmem:s15+$0xFFFFFC30];
	s2 =	sadd.s32 $0x10, s2;
	v22 =	vmul.f32 v22, v0;
	v12 =	vcvt.f32.s32 v12;
	v13 =	vmax.f32 v13, $0.0e+00;
	s16 =	sadd.s32 $0x800, s16;
	[tilespmem:s0+$0x30] =	vst v16  }
0x5b9: {  	v11 =	vmul.f32 v11, v0;
	v10 =	vmul.f32 v10, v0;
	v16 =	vld [tilespmem:s15+$0xFFFFFC70];
	p1 =	slt.u32 s2, $0x70;
	v13 =	vmin.f32 v13, $6.300000000e+01;
	[tilespmem:s0+$0xFFFFFC50] =	vst v17  }
0x5ba: {  	v20 =	vmax.f32 v20, $0.0e+00;
	v17 =	vld [tilespmem:s15+$0xFFFFFC10];
	v22 =	vmax.f32 v22, $0.0e+00;
	v13 =	vtrunc.f32 v13;
	[tilespmem:s0+$0x20] =	vst v19  }
0x5bb: {  	v20 =	vmin.f32 v20, $6.300000000e+01;
	v11 =	vmax.f32 v11, $0.0e+00;
	v19 =	vld [tilespmem:s15+$0x10];
	v22 =	vmin.f32 v22, $6.300000000e+01;
	[tilespmem:s0+$0xFFFFFC30] =	vst v18  }
0x5bc: {  	v15 =	vtrunc.f32 v15;
	v11 =	vmin.f32 v11, $6.300000000e+01;
	v18 =	vld [tilespmem:s15+$0x30];
	v21 =	vsub.f32 v21, v1;
	[tilespmem:s0+$0xFFFFFC40] =	vst v14;
	s0 =	smov.u32 s3;
	s3 =	smov.u32 s16  }
0x5bd: {  	v10 =	vmax.f32 v10, $0.0e+00;
	v14 =	vld [tilespmem:s15+$0x20];
	[tilespmem:s0+$0xFFFFFC00] =	vst v8;
	v8 =	vcvt.f32.s32 v15;
	v15 =	vtrunc.f32 v20  }
0x5be: {  	v10 =	vmin.f32 v10, $6.300000000e+01;
	v11 =	vtrunc.f32 v11;
	v22 =	vtrunc.f32 v22;
	v20 =	vld [tilespmem:s15+$0x60]  }
0x5bf: {  	v9 =	vmax.f32 v9, $0.0e+00;
	v10 =	vtrunc.f32 v10;
	v25 =	vcvt.f32.s32 v11;
	v24 =	vld [tilespmem:s15+$0xFFFFFC40]  }
0x5c0: {  	v9 =	vmin.f32 v9, $6.300000000e+01;
	v26 =	vcvt.f32.s32 v10;
	v10 =	vmul.f32 v21, v0;
	v11 =	vld [tilespmem:s15+$0xFFFFFC00]  }
0x5c1: {  	v22 =	vcvt.f32.s32 v22;
	v15 =	vcvt.f32.s32 v15;
	v19 =	vsub.f32 v19, v1;
	v21 =	vld [tilespmem:s15+$0xFFFFFC50]  }
0x5c2: {  	v2 =	vcvt.f32.s32 v2;
	v9 =	vtrunc.f32 v9;
	v10 =	vmax.f32 v10, $0.0e+00;
	v27 =	vld [tilespmem:s15+$0xFFFFFC20]  }
0x5c3: {  	v13 =	vcvt.f32.s32 v13;
	v19 =	vmul.f32 v19, v0;
	v28 =	vld [tilespmem:s15+$0xFFFFFC60];
	v20 =	vsub.f32 v20, v1  }
0x5c4: {  	v5 =	vcvt.f32.s32 v5;
	v9 =	vcvt.f32.s32 v9;
	v10 =	vmin.f32 v10, $6.300000000e+01;
	v29 =	vld [tilespmem:s15+$0x0]  }
0x5c5: {  	v17 =	vsub.f32 v17, v1;
	v11 =	vsub.f32 v11, v1;
	v20 =	vmul.f32 v20, v0;
	v3 =	vld.idx.msk [tilespmem:v3+s4+$0x0], $0xffff  }
0x5c6: {  	v7 =	vtrunc.f32 v7;
	v10 =	vtrunc.f32 v10;
	v19 =	vmax.f32 v19, $0.0e+00;
	v30 =	vld [tilespmem:s15+$0x50]  }
0x5c7: {  	v7 =	vcvt.f32.s32 v7;
	v17 =	vmul.f32 v17, v0;
	v20 =	vmax.f32 v20, $0.0e+00;
	v22 =	vld.idx.msk [tilespmem:v22+s4+$0x0], $0xffff  }
0x5c8: {  	v19 =	vmin.f32 v19, $6.300000000e+01;
	v27 =	vsub.f32 v27, v1;
	v20 =	vmin.f32 v20, $6.300000000e+01;
	v31 =	vld.idx.msk [tilespmem:v2+s4+$0x0], $0xffff  }
0x5c9: {  	v17 =	vmax.f32 v17, $0.0e+00;
	v11 =	vmul.f32 v11, v0;
	v2 =	vtrunc.f32 v19;
	v13 =	vld.idx.msk [tilespmem:v13+s4+$0x0], $0xffff  }
0x5ca: {  	v14 =	vsub.f32 v14, v1;
	v32 =	vcvt.f32.s32 v10;
	v17 =	vmin.f32 v17, $6.300000000e+01;
	v19 =	vld [tilespmem:s15+$0x40]  }
0x5cb: {  	v10 =	vmax.f32 v11, $0.0e+00;
	v11 =	vtrunc.f32 v17;
	v17 =	vsub.f32 v23, v1;
	[tilespmem:s0+$0xFFFFFC10] =	vst v3;
	v23 =	vld.idx.msk [tilespmem:v5+s4+$0x0], $0xffff  }
0x5cc: {  	v10 =	vmin.f32 v10, $6.300000000e+01;
	v3 =	vcvt.f32.s32 v11;
	v11 =	vsub.f32 v29, v1;
	v29 =	vld.idx.msk [tilespmem:v9+s4+$0x0], $0xffff  }
0x5cd: {  	v33 =	vsub.f32 v16, v1;
	v5 =	vtrunc.f32 v20;
	v9 =	vsub.f32 v30, v1;
	[tilespmem:s0+$0xFFFFFC60] =	vst v22;
	v20 =	vld.idx.msk [tilespmem:v4+s4+$0x0], $0xffff  }
0x5ce: {  	v14 =	vmul.f32 v14, v0;
	v16 =	vsub.f32 v21, v1;
	v4 =	vtrunc.f32 v10;
	v6 =	vld.idx.msk [tilespmem:v6+s4+$0x0], $0xffff  }
0x5cf: {  	v21 =	vmul.f32 v17, v0;
	v17 =	vmul.f32 v11, v0;
	v10 =	vsub.f32 v18, v1;
	v15 =	vld.idx.msk [tilespmem:v15+s4+$0x0], $0xffff  }
0x5d0: {  	v11 =	vsub.f32 v24, v1;
	v18 =	vmul.f32 v16, v0;
	v22 =	vcvt.f32.s32 v4;
	[tilespmem:s0+$0x50] =	vst v13;
	v24 =	vld.idx.msk [tilespmem:v32+s4+$0x0], $0xffff  }
0x5d1: {  	v14 =	vmax.f32 v14, $0.0e+00;
	v4 =	vmax.f32 v17, $0.0e+00;
	v13 =	vmul.f32 v9, v0;
	v16 =	vld.idx.msk [tilespmem:v26+s4+$0x0], $0xffff;
	[tilespmem:s0+$0x60] =	vst v23  }
0x5d2: {  	v9 =	vmul.f32 v27, v0;
	v4 =	vmin.f32 v4, $6.300000000e+01;
	v23 =	vmul.f32 v33, v0;
	[tilespmem:s0+$0xFFFFFC20] =	vst v29;
	v17 =	vld.idx.msk [tilespmem:v8+s4+$0x0], $0xffff  }
.Ltmp32:
0x5d3: {  	v21 =	vmax.f32 v21, $0.0e+00;
	v4 =	vtrunc.f32 v4;
	v8 =	vmin.f32 v14, $6.300000000e+01;
	v14 =	vld.idx.msk [tilespmem:v25+s4+$0x0], $0xffff;
	[tilespmem:s0+$0x10] =	vst v31;
	(pc) =	sbr.rel @p1 .LBB2_60-.Ltmp32, $4  }
0x5d4: {  	v4 =	vcvt.f32.s32 v4;
	v23 =	vmax.f32 v23, $0.0e+00;
	v25 =	vsub.f32 v19, v1;
	[tilespmem:s0+$0xFFFFFC70] =	vst v6;
	v19 =	vld.idx.msk [tilespmem:v12+s4+$0x0], $0xffff  }
0x5d5: {  	v6 =	vmax.f32 v18, $0.0e+00;
	v23 =	vmin.f32 v23, $6.300000000e+01;
	v12 =	vtrunc.f32 v8;
	v18 =	vld.idx.msk [tilespmem:v7+s4+$0x0], $0xffff;
	[tilespmem:s0+$0x0] =	vst v20  }
0x5d6: {  	v23 =	vtrunc.f32 v23;
	v20 =	vmul.f32 v25, v0;
	v8 =	vld.idx.msk [tilespmem:v22+s4+$0x0], $0xffff;
	v22 =	vsub.f32 v28, v1;
	[tilespmem:s0+$0x40] =	vst v15  }
0x5d7: {  	v7 =	vmin.f32 v21, $6.300000000e+01;
	v15 =	vmin.f32 v6, $6.300000000e+01;
	v6 =	vcvt.f32.s32 v23;
	v21 =	vld [tilespmem:s15+$0x70];
	s15 =	sadd.s32 $0x800, s15;
	[tilespmem:s0+$0x70] =	vst v24  }
0x5d8: {  	s2 =	smov.u32 s0;
	s0 =	smov.u32 s3  }
.LBB2_62:
0x5d9: {  	v22 =	vmul.f32 v22, v0;
	v13 =	vmax.f32 v13, $0.0e+00;
	v5 =	vcvt.f32.s32 v5  }
0x5da: {  	v9 =	vmax.f32 v9, $0.0e+00;
	v10 =	vmul.f32 v10, v0;
	v2 =	vcvt.f32.s32 v2  }
0x5db: {  	[tilespmem:s2+$0x30] =	vst @p0 v16;
	v16 =	vmax.f32 v20, $0.0e+00;
	v11 =	vmul.f32 v11, v0;
	v7 =	vtrunc.f32 v7  }
0x5dc: {  	v13 =	vmin.f32 v13, $6.300000000e+01;
	v9 =	vmin.f32 v9, $6.300000000e+01;
	v16 =	vmin.f32 v16, $6.300000000e+01  }
0x5dd: {  	v7 =	vcvt.f32.s32 v7;
	v22 =	vmax.f32 v22, $0.0e+00;
	v13 =	vtrunc.f32 v13  }
0x5de: {  	v9 =	vtrunc.f32 v9;
	v10 =	vmax.f32 v10, $0.0e+00;
	v16 =	vtrunc.f32 v16  }
0x5df: {  	[tilespmem:s2+$0xFFFFFC50] =	vst @p0 v17;
	v4 =	vld.idx.msk [tilespmem:v4+s4+$0x0], $0xffff;
	v22 =	vmin.f32 v22, $6.300000000e+01;
	v21 =	vsub.f32 v21, v1;
	v13 =	vcvt.f32.s32 v13  }
0x5e0: {  	v3 =	vld.idx.msk [tilespmem:v3+s4+$0x0], $0xffff;
	[tilespmem:s2+$0x20] =	vst @p0 v19;
	v9 =	vcvt.f32.s32 v9;
	v10 =	vmin.f32 v10, $6.300000000e+01;
	v16 =	vcvt.f32.s32 v16  }
0x5e1: {  	[tilespmem:s2+$0xFFFFFC40] =	vst @p0 v14;
	v6 =	vld.idx.msk [tilespmem:v6+s4+$0x0], $0xffff;
	v22 =	vtrunc.f32 v22;
	v10 =	vtrunc.f32 v10  }
0x5e2: {  	[tilespmem:s2+$0xFFFFFC30] =	vst @p0 v18;
	v22 =	vcvt.f32.s32 v22;
	v21 =	vmul.f32 v21, v0;
	v5 =	vld.idx.msk [tilespmem:v5+s4+$0x0], $0xffff  }
0x5e3: {  	v15 =	vtrunc.f32 v15;
	[tilespmem:s0+$0xFFFFFC00] =	vst v8;
	v8 =	vcvt.f32.s32 v10;
	v10 =	vmax.f32 v11, $0.0e+00;
	v2 =	vld.idx.msk [tilespmem:v2+s4+$0x0], $0xffff  }
0x5e4: {  	v11 =	vcvt.f32.s32 v15;
	[tilespmem:s0+$0x0] =	vst v4;
	v10 =	vmin.f32 v10, $6.300000000e+01;
	v17 =	vmax.f32 v21, $0.0e+00;
	v4 =	vld.idx.msk [tilespmem:v7+s4+$0x0], $0xffff  }
0x5e5: {  	[tilespmem:s0+$0xFFFFFC10] =	vst v3;
	v3 =	vcvt.f32.s32 v12;
	v10 =	vtrunc.f32 v10;
	v17 =	vmin.f32 v17, $6.300000000e+01;
	v13 =	vld.idx.msk [tilespmem:v13+s4+$0x0], $0xffff  }
0x5e6: {  	[tilespmem:s0+$0xFFFFFC70] =	vst v6;
	v10 =	vcvt.f32.s32 v10;
	v17 =	vtrunc.f32 v17;
	v9 =	vld.idx.msk [tilespmem:v9+s4+$0x0], $0xffff  }
0x5e7: {  	v12 =	vld.idx.msk [tilespmem:v16+s4+$0x0], $0xffff;
	v14 =	vcvt.f32.s32 v17;
	[tilespmem:s0+$0x60] =	vst v5  }
0x5e8: {  	v19 =	vld.idx.msk [tilespmem:v22+s4+$0x0], $0xffff;
	[tilespmem:s0+$0x10] =	vst v2  }
0x5e9: {  	v8 =	vld.idx.msk [tilespmem:v8+s4+$0x0], $0xffff;
	[tilespmem:s0+$0xFFFFFC30] =	vst v4  }
0x5ea: {  	v2 =	vld.idx.msk [tilespmem:v11+s4+$0x0], $0xffff;
	[tilespmem:s0+$0x50] =	vst v13  }
0x5eb: {  	v3 =	vld.idx.msk [tilespmem:v3+s4+$0x0], $0xffff;
	[tilespmem:s0+$0xFFFFFC20] =	vst v9  }
0x5ec: {  	[tilespmem:s0+$0x40] =	vst v12;
	v6 =	vld.idx.msk [tilespmem:v10+s4+$0x0], $0xffff  }
0x5ed: {  	[tilespmem:s0+$0xFFFFFC60] =	vst v19;
	v5 =	vld.idx.msk [tilespmem:v14+s4+$0x0], $0xffff  }
0x5ee: {  	[tilespmem:s0+$0x30] =	vst v8  }
0x5ef: {  	[tilespmem:s0+$0xFFFFFC50] =	vst v2  }
0x5f0: {  	[tilespmem:s0+$0x20] =	vst v3  }
0x5f1: {  	[tilespmem:s0+$0xFFFFFC40] =	vst v6  }
0x5f2: {  	[tilespmem:s0+$0x70] =	vst v5  }
0x5f3: {  	v2 =	vld [tilespmem:s31+$0x10]  }
0x5f4: {  	v3 =	vld [tilespmem:s31+$0x60]  }
0x5f5: {  	v4 =	vld [tilespmem:s31+$0xFFFFFC10]  }
0x5f6: {  	v5 =	vld [tilespmem:s31+$0xFFFFFC00]  }
0x5f7: {  	v6 =	vld [tilespmem:s31+$0xFFFFFC20]  }
0x5f8: {  	v7 =	vld [tilespmem:s31+$0xFFFFFC30]  }
0x5f9: {  	v8 =	vld [tilespmem:s31+$0x20]  }
0x5fa: {  	v9 =	vld [tilespmem:s31+$0xFFFFFC70]  }
0x5fb: {  	v12 =	vld [tilespmem:s31+$0xFFFFFC50]  }
0x5fc: {  	v11 =	vld [tilespmem:s31+$0x50];
	v2 =	vsub.f32 v2, v1;
	v3 =	vsub.f32 v3, v1  }
0x5fd: {  	v4 =	vsub.f32 v4, v1;
	v5 =	vsub.f32 v5, v1  }
0x5fe: {  	v6 =	vsub.f32 v6, v1;
	v8 =	vsub.f32 v8, v1  }
0x5ff: {  	v7 =	vsub.f32 v7, v1;
	v17 =	vsub.f32 v9, v1  }
0x600: {  	v12 =	vsub.f32 v12, v1;
	v2 =	vmul.f32 v2, v0;
	v3 =	vmul.f32 v3, v0  }
0x601: {  	v9 =	vsub.f32 v11, v1;
	v4 =	vmul.f32 v4, v0;
	v8 =	vmul.f32 v8, v0  }
0x602: {  	v10 =	vld [tilespmem:s31+$0x0];
	v7 =	vmul.f32 v7, v0;
	v12 =	vmul.f32 v12, v0;
	v2 =	vmax.f32 v2, $0.0e+00  }
0x603: {  	v3 =	vmax.f32 v3, $0.0e+00;
	v4 =	vmax.f32 v4, $0.0e+00;
	v8 =	vmax.f32 v8, $0.0e+00  }
0x604: {  	v14 =	vld [tilespmem:s31+$0x30];
	v13 =	vmin.f32 v3, $6.300000000e+01;
	v3 =	vmul.f32 v5, v0;
	v4 =	vmin.f32 v4, $6.300000000e+01  }
0x605: {  	v15 =	vld [tilespmem:s31+$0xFFFFFC40];
	v7 =	vmax.f32 v7, $0.0e+00;
	v4 =	vtrunc.f32 v4;
	v5 =	vtrunc.f32 v13  }
0x606: {  	v13 =	vmul.f32 v9, v0;
	v9 =	vmul.f32 v6, v0;
	v3 =	vmax.f32 v3, $0.0e+00  }
0x607: {  	v16 =	vmin.f32 v3, $6.300000000e+01;
	v3 =	vcvt.f32.s32 v4;
	v4 =	vsub.f32 v10, v1  }
0x608: {  	v2 =	vmin.f32 v2, $6.300000000e+01;
	v6 =	vmul.f32 v17, v0;
	v11 =	vtrunc.f32 v16;
	v16 =	vld [tilespmem:s31+$0x40]  }
0x609: {  	v10 =	vsub.f32 v14, v1;
	v4 =	vmul.f32 v4, v0;
	v14 =	vcvt.f32.s32 v11  }
0x60a: {  	p1 =	por $0x1, $0x1;
	v8 =	vmin.f32 v8, $6.300000000e+01;
	v2 =	vtrunc.f32 v2;
	v11 =	vsub.f32 v15, v1;
	v15 =	vld [tilespmem:s31+$0xFFFFFC60]  }
.Ltmp33:
0x60b: {  	v17 =	vmax.f32 v12, $0.0e+00;
	v6 =	vmax.f32 v6, $0.0e+00;
	v4 =	vmax.f32 v4, $0.0e+00;
	(pc) =	sbr.rel @!p1 .LBB2_63-.Ltmp33, $4  }
0x60c: {  	v12 =	vtrunc.f32 v8;
	v6 =	vmin.f32 v6, $6.300000000e+01;
	v4 =	vmin.f32 v4, $6.300000000e+01  }
0x60d: {  	v6 =	vtrunc.f32 v6;
	v4 =	vtrunc.f32 v4;
	v16 =	vsub.f32 v16, v1  }
0x60e: {  	v21 =	vld [tilespmem:s31+$0x70];
	v7 =	vmin.f32 v7, $6.300000000e+01;
	v6 =	vcvt.f32.s32 v6;
	v4 =	vcvt.f32.s32 v4  }
0x60f: {  	s3 =	sadd.s32 $0x800, s31;
	p0 =	por $0x0, $0x0;
	s31 =	simm.s32 $0x4800;
	v22 =	vsub.f32 v15, v1;
	v15 =	vmin.f32 v17, $6.300000000e+01;
	v8 =	vld.idx.msk [tilespmem:v14+s4+$0x0], $0xffff;
	v20 =	vmul.f32 v16, v0  }
0x610: {  	v12 =	vcvt.f32.s32 v12;
	v11 =	vmul.f32 v11, v0  }
0x611: {  	v14 =	vld [tilespmem:s3+$0xFFFFFC30];
	v10 =	vmul.f32 v10, v0;
	v15 =	vtrunc.f32 v15  }
0x612: {  	v13 =	vmax.f32 v13, $0.0e+00;
	v17 =	vld [tilespmem:s3+$0xFFFFFC70];
	v2 =	vcvt.f32.s32 v2;
	v5 =	vcvt.f32.s32 v5  }
0x613: {  	v18 =	vld [tilespmem:s3+$0xFFFFFC10];
	v9 =	vmax.f32 v9, $0.0e+00;
	v7 =	vtrunc.f32 v7;
	v16 =	vmul.f32 v22, v0  }
0x614: {  	v23 =	vld [tilespmem:s3+$0x20];
	v13 =	vmin.f32 v13, $6.300000000e+01;
	v19 =	vmax.f32 v20, $0.0e+00;
	v15 =	vcvt.f32.s32 v15  }
0x615: {  	v24 =	vld [tilespmem:s3+$0x60];
	v9 =	vmin.f32 v9, $6.300000000e+01;
	v7 =	vcvt.f32.s32 v7;
	v13 =	vtrunc.f32 v13  }
0x616: {  	v25 =	vld [tilespmem:s3+$0xFFFFFC40];
	v11 =	vmax.f32 v11, $0.0e+00;
	v19 =	vmin.f32 v19, $6.300000000e+01;
	v10 =	vmax.f32 v10, $0.0e+00  }
0x617: {  	v28 =	vld [tilespmem:s3+$0xFFFFFC20];
	v9 =	vtrunc.f32 v9;
	v16 =	vmax.f32 v16, $0.0e+00;
	v11 =	vmin.f32 v11, $6.300000000e+01  }
0x618: {  	v20 =	vld [tilespmem:s3+$0x10];
	v19 =	vtrunc.f32 v19;
	v10 =	vmin.f32 v10, $6.300000000e+01;
	v13 =	vcvt.f32.s32 v13  }
0x619: {  	v29 =	vld [tilespmem:s3+$0xFFFFFC60];
	v9 =	vcvt.f32.s32 v9;
	v16 =	vmin.f32 v16, $6.300000000e+01;
	v11 =	vtrunc.f32 v11  }
0x61a: {  	v30 =	vld [tilespmem:s3+$0x0];
	v21 =	vsub.f32 v21, v1;
	v10 =	vtrunc.f32 v10;
	v16 =	vtrunc.f32 v16  }
0x61b: {  	v26 =	vcvt.f32.s32 v11;
	v11 =	vld [tilespmem:s3+$0xFFFFFC00];
	v27 =	vcvt.f32.s32 v10  }
0x61c: {  	v31 =	vld.idx.msk [tilespmem:v3+s4+$0x0], $0xffff;
	v10 =	vmul.f32 v21, v0;
	v24 =	vsub.f32 v24, v1;
	v16 =	vcvt.f32.s32 v16  }
0x61d: {  	v6 =	vld.idx.msk [tilespmem:v6+s4+$0x0], $0xffff;
	v19 =	vcvt.f32.s32 v19;
	v18 =	vsub.f32 v18, v1;
	v20 =	vsub.f32 v20, v1  }
0x61e: {  	v22 =	vld [tilespmem:s3+$0x30];
	v28 =	vsub.f32 v28, v1;
	v10 =	vmax.f32 v10, $0.0e+00;
	v24 =	vmul.f32 v24, v0  }
0x61f: {  	v21 =	vld [tilespmem:s3+$0xFFFFFC50];
	v18 =	vmul.f32 v18, v0;
	v20 =	vmul.f32 v20, v0;
	v10 =	vmin.f32 v10, $6.300000000e+01  }
0x620: {  	v17 =	vsub.f32 v17, v1;
	v32 =	vld.idx.msk [tilespmem:v2+s4+$0x0], $0xffff;
	v10 =	vtrunc.f32 v10;
	v11 =	vsub.f32 v11, v1  }
0x621: {  	v24 =	vmax.f32 v24, $0.0e+00;
	v18 =	vmax.f32 v18, $0.0e+00;
	v3 =	vmax.f32 v20, $0.0e+00;
	v20 =	vld [tilespmem:s3+$0x50]  }
0x622: {  	v24 =	vmin.f32 v24, $6.300000000e+01;
	v3 =	vmin.f32 v3, $6.300000000e+01;
	v16 =	vld.idx.msk [tilespmem:v16+s4+$0x0], $0xffff;
	v11 =	vmul.f32 v11, v0  }
0x623: {  	v13 =	vld.idx.msk [tilespmem:v13+s4+$0x0], $0xffff;
	v33 =	vcvt.f32.s32 v10;
	v2 =	vtrunc.f32 v3;
	v3 =	vmin.f32 v18, $6.300000000e+01  }
0x624: {  	v18 =	vsub.f32 v23, v1;
	v23 =	vld [tilespmem:s3+$0x40];
	v3 =	vtrunc.f32 v3;
	v10 =	vmax.f32 v11, $0.0e+00  }
0x625: {  	[tilespmem:s30+$0xFFFFFC00] =	vst v8;
	v11 =	vsub.f32 v14, v1;
	v14 =	vld.idx.msk [tilespmem:v5+s4+$0x0], $0xffff;
	v3 =	vcvt.f32.s32 v3;
	v5 =	vtrunc.f32 v24  }
0x626: {  	[tilespmem:s30+$0xFFFFFC10] =	vst v31;
	v61 =	vld.idx.msk [tilespmem:v9+s4+$0x0], $0xffff;
	v8 =	vmin.f32 v10, $6.300000000e+01;
	v10 =	vsub.f32 v30, v1;
	v9 =	vsub.f32 v20, v1  }
0x627: {  	v20 =	vld.idx.msk [tilespmem:v4+s4+$0x0], $0xffff;
	v4 =	vtrunc.f32 v8;
	v8 =	vsub.f32 v21, v1;
	[tilespmem:s30+$0xFFFFFC60] =	vst v16;
	v16 =	vmul.f32 v18, v0  }
0x628: {  	v62 =	vld.idx.msk [tilespmem:v19+s4+$0x0], $0xffff;
	v18 =	vmul.f32 v11, v0;
	v21 =	vmul.f32 v10, v0;
	v10 =	vsub.f32 v22, v1  }
0x629: {  	[tilespmem:s30+$0x50] =	vst v13;
	v63 =	vld.idx.msk [tilespmem:v33+s4+$0x0], $0xffff;
	v22 =	vcvt.f32.s32 v4;
	v11 =	vsub.f32 v25, v1;
	v13 =	vmul.f32 v9, v0  }
0x62a: {  	[tilespmem:s30+$0xFFFFFC70] =	vst v6;
	v9 =	vmul.f32 v28, v0;
	v23 =	vsub.f32 v23, v1;
	v19 =	vmax.f32 v16, $0.0e+00;
	v16 =	vld.idx.msk [tilespmem:v27+s4+$0x0], $0xffff  }
0x62b: {  	p3 =	por $0x1, $0x1;
	[tilespmem:s30+$0x10] =	vst v32;
	v8 =	vmul.f32 v8, v0;
	v4 =	vmax.f32 v21, $0.0e+00;
	v21 =	vmul.f32 v17, v0;
	v17 =	vld.idx.msk [tilespmem:v15+s4+$0x0], $0xffff  }
.Ltmp34:
0x62c: {  	[tilespmem:s30+$0x60] =	vst v14;
	v15 =	vmax.f32 v18, $0.0e+00;
	v14 =	vld.idx.msk [tilespmem:v26+s4+$0x0], $0xffff;
	v4 =	vmin.f32 v4, $6.300000000e+01;
	v18 =	vmin.f32 v19, $6.300000000e+01;
	(pc) =	sbr.rel @!p3 .LBB2_65-.Ltmp34, $4  }
0x62d: {  	v19 =	vld.idx.msk [tilespmem:v12+s4+$0x0], $0xffff;
	v6 =	vmax.f32 v8, $0.0e+00;
	[tilespmem:s30+$0x0] =	vst v20;
	v20 =	vmul.f32 v23, v0;
	v21 =	vmax.f32 v21, $0.0e+00  }
0x62e: {  	[tilespmem:s30+$0xFFFFFC20] =	vst v61;
	v4 =	vtrunc.f32 v4;
	v12 =	vtrunc.f32 v18;
	v18 =	vld.idx.msk [tilespmem:v7+s4+$0x0], $0xffff;
	v21 =	vmin.f32 v21, $6.300000000e+01  }
0x62f: {  	s0 =	sadd.s32 $0x800, s30;
	s2 =	simm.s32 $0x10;
	[tilespmem:s30+$0x40] =	vst v62;
	v7 =	vmin.f32 v15, $6.300000000e+01;
	v8 =	vld.idx.msk [tilespmem:v22+s4+$0x0], $0xffff;
	v22 =	vsub.f32 v29, v1;
	v21 =	vtrunc.f32 v21  }
0x630: {  	p2 =	por $0x1, $0x1;
	s15 =	smov.u32 s0;
	v15 =	vmin.f32 v6, $6.300000000e+01;
	[tilespmem:s30+$0x70] =	vst v63;
	v4 =	vcvt.f32.s32 v4;
	v6 =	vcvt.f32.s32 v21;
	v21 =	vld [tilespmem:s3+$0x70];
	s3 =	sadd.s32 $0x800, s3  }
.LBB2_66:
0x631: {  	v23 =	vld [tilespmem:s3+$0xFFFFFC30];
	s2 =	sadd.s32 $0x10, s2;
	v22 =	vmul.f32 v22, v0;
	v12 =	vcvt.f32.s32 v12;
	v13 =	vmax.f32 v13, $0.0e+00;
	s15 =	sadd.s32 $0x800, s15;
	[tilespmem:s30+$0x30] =	vst v16  }
0x632: {  	v11 =	vmul.f32 v11, v0;
	v10 =	vmul.f32 v10, v0;
	v16 =	vld [tilespmem:s3+$0xFFFFFC70];
	p3 =	slt.u32 s2, $0x70;
	v13 =	vmin.f32 v13, $6.300000000e+01;
	[tilespmem:s30+$0xFFFFFC50] =	vst v17  }
0x633: {  	v20 =	vmax.f32 v20, $0.0e+00;
	v17 =	vld [tilespmem:s3+$0xFFFFFC10];
	v22 =	vmax.f32 v22, $0.0e+00;
	v13 =	vtrunc.f32 v13;
	[tilespmem:s30+$0x20] =	vst v19  }
0x634: {  	v20 =	vmin.f32 v20, $6.300000000e+01;
	v11 =	vmax.f32 v11, $0.0e+00;
	v19 =	vld [tilespmem:s3+$0x10];
	v22 =	vmin.f32 v22, $6.300000000e+01;
	[tilespmem:s30+$0xFFFFFC30] =	vst v18  }
0x635: {  	v15 =	vtrunc.f32 v15;
	v11 =	vmin.f32 v11, $6.300000000e+01;
	v18 =	vld [tilespmem:s3+$0x30];
	v21 =	vsub.f32 v21, v1;
	[tilespmem:s30+$0xFFFFFC40] =	vst v14;
	s30 =	smov.u32 s0;
	s0 =	smov.u32 s15  }
0x636: {  	v10 =	vmax.f32 v10, $0.0e+00;
	v14 =	vld [tilespmem:s3+$0x20];
	[tilespmem:s30+$0xFFFFFC00] =	vst v8;
	v8 =	vcvt.f32.s32 v15;
	v15 =	vtrunc.f32 v20  }
0x637: {  	v10 =	vmin.f32 v10, $6.300000000e+01;
	v11 =	vtrunc.f32 v11;
	v22 =	vtrunc.f32 v22;
	v20 =	vld [tilespmem:s3+$0x60]  }
0x638: {  	v9 =	vmax.f32 v9, $0.0e+00;
	v10 =	vtrunc.f32 v10;
	v25 =	vcvt.f32.s32 v11;
	v24 =	vld [tilespmem:s3+$0xFFFFFC40]  }
0x639: {  	v9 =	vmin.f32 v9, $6.300000000e+01;
	v26 =	vcvt.f32.s32 v10;
	v10 =	vmul.f32 v21, v0;
	v11 =	vld [tilespmem:s3+$0xFFFFFC00]  }
0x63a: {  	v22 =	vcvt.f32.s32 v22;
	v15 =	vcvt.f32.s32 v15;
	v19 =	vsub.f32 v19, v1;
	v21 =	vld [tilespmem:s3+$0xFFFFFC50]  }
0x63b: {  	v2 =	vcvt.f32.s32 v2;
	v9 =	vtrunc.f32 v9;
	v10 =	vmax.f32 v10, $0.0e+00;
	v27 =	vld [tilespmem:s3+$0xFFFFFC20]  }
0x63c: {  	v13 =	vcvt.f32.s32 v13;
	v19 =	vmul.f32 v19, v0;
	v28 =	vld [tilespmem:s3+$0xFFFFFC60];
	v20 =	vsub.f32 v20, v1  }
0x63d: {  	v5 =	vcvt.f32.s32 v5;
	v9 =	vcvt.f32.s32 v9;
	v10 =	vmin.f32 v10, $6.300000000e+01;
	v29 =	vld [tilespmem:s3+$0x0]  }
0x63e: {  	v17 =	vsub.f32 v17, v1;
	v11 =	vsub.f32 v11, v1;
	v20 =	vmul.f32 v20, v0;
	v3 =	vld.idx.msk [tilespmem:v3+s4+$0x0], $0xffff  }
0x63f: {  	v7 =	vtrunc.f32 v7;
	v10 =	vtrunc.f32 v10;
	v19 =	vmax.f32 v19, $0.0e+00;
	v30 =	vld [tilespmem:s3+$0x50]  }
0x640: {  	v7 =	vcvt.f32.s32 v7;
	v17 =	vmul.f32 v17, v0;
	v20 =	vmax.f32 v20, $0.0e+00;
	v22 =	vld.idx.msk [tilespmem:v22+s4+$0x0], $0xffff  }
0x641: {  	v19 =	vmin.f32 v19, $6.300000000e+01;
	v27 =	vsub.f32 v27, v1;
	v20 =	vmin.f32 v20, $6.300000000e+01;
	v31 =	vld.idx.msk [tilespmem:v2+s4+$0x0], $0xffff  }
0x642: {  	v17 =	vmax.f32 v17, $0.0e+00;
	v11 =	vmul.f32 v11, v0;
	v2 =	vtrunc.f32 v19;
	v13 =	vld.idx.msk [tilespmem:v13+s4+$0x0], $0xffff  }
0x643: {  	v14 =	vsub.f32 v14, v1;
	v32 =	vcvt.f32.s32 v10;
	v17 =	vmin.f32 v17, $6.300000000e+01;
	v19 =	vld [tilespmem:s3+$0x40]  }
0x644: {  	v10 =	vmax.f32 v11, $0.0e+00;
	v11 =	vtrunc.f32 v17;
	v17 =	vsub.f32 v23, v1;
	[tilespmem:s30+$0xFFFFFC10] =	vst v3;
	v23 =	vld.idx.msk [tilespmem:v5+s4+$0x0], $0xffff  }
0x645: {  	v10 =	vmin.f32 v10, $6.300000000e+01;
	v3 =	vcvt.f32.s32 v11;
	v11 =	vsub.f32 v29, v1;
	v29 =	vld.idx.msk [tilespmem:v9+s4+$0x0], $0xffff  }
0x646: {  	v33 =	vsub.f32 v16, v1;
	v5 =	vtrunc.f32 v20;
	v9 =	vsub.f32 v30, v1;
	[tilespmem:s30+$0xFFFFFC60] =	vst v22;
	v20 =	vld.idx.msk [tilespmem:v4+s4+$0x0], $0xffff  }
0x647: {  	v14 =	vmul.f32 v14, v0;
	v16 =	vsub.f32 v21, v1;
	v4 =	vtrunc.f32 v10;
	v6 =	vld.idx.msk [tilespmem:v6+s4+$0x0], $0xffff  }
0x648: {  	v21 =	vmul.f32 v17, v0;
	v17 =	vmul.f32 v11, v0;
	v10 =	vsub.f32 v18, v1;
	v15 =	vld.idx.msk [tilespmem:v15+s4+$0x0], $0xffff  }
0x649: {  	v11 =	vsub.f32 v24, v1;
	v18 =	vmul.f32 v16, v0;
	v22 =	vcvt.f32.s32 v4;
	[tilespmem:s30+$0x50] =	vst v13;
	v24 =	vld.idx.msk [tilespmem:v32+s4+$0x0], $0xffff  }
0x64a: {  	v14 =	vmax.f32 v14, $0.0e+00;
	v4 =	vmax.f32 v17, $0.0e+00;
	v13 =	vmul.f32 v9, v0;
	v16 =	vld.idx.msk [tilespmem:v26+s4+$0x0], $0xffff;
	[tilespmem:s30+$0x60] =	vst v23  }
0x64b: {  	v9 =	vmul.f32 v27, v0;
	v4 =	vmin.f32 v4, $6.300000000e+01;
	v23 =	vmul.f32 v33, v0;
	[tilespmem:s30+$0xFFFFFC20] =	vst v29;
	v17 =	vld.idx.msk [tilespmem:v8+s4+$0x0], $0xffff  }
.Ltmp35:
0x64c: {  	v21 =	vmax.f32 v21, $0.0e+00;
	v4 =	vtrunc.f32 v4;
	v8 =	vmin.f32 v14, $6.300000000e+01;
	v14 =	vld.idx.msk [tilespmem:v25+s4+$0x0], $0xffff;
	[tilespmem:s30+$0x10] =	vst v31;
	(pc) =	sbr.rel @p3 .LBB2_66-.Ltmp35, $4  }
0x64d: {  	v4 =	vcvt.f32.s32 v4;
	v23 =	vmax.f32 v23, $0.0e+00;
	v25 =	vsub.f32 v19, v1;
	[tilespmem:s30+$0xFFFFFC70] =	vst v6;
	v19 =	vld.idx.msk [tilespmem:v12+s4+$0x0], $0xffff  }
0x64e: {  	v6 =	vmax.f32 v18, $0.0e+00;
	v23 =	vmin.f32 v23, $6.300000000e+01;
	v12 =	vtrunc.f32 v8;
	v18 =	vld.idx.msk [tilespmem:v7+s4+$0x0], $0xffff;
	[tilespmem:s30+$0x0] =	vst v20  }
0x64f: {  	v23 =	vtrunc.f32 v23;
	v20 =	vmul.f32 v25, v0;
	v8 =	vld.idx.msk [tilespmem:v22+s4+$0x0], $0xffff;
	v22 =	vsub.f32 v28, v1;
	[tilespmem:s30+$0x40] =	vst v15  }
0x650: {  	v7 =	vmin.f32 v21, $6.300000000e+01;
	v15 =	vmin.f32 v6, $6.300000000e+01;
	v6 =	vcvt.f32.s32 v23;
	v21 =	vld [tilespmem:s3+$0x70];
	s3 =	sadd.s32 $0x800, s3;
	[tilespmem:s30+$0x70] =	vst v24  }
0x651: {  	s2 =	smov.u32 s30;
	s30 =	smov.u32 s0  }
.LBB2_68:
0x652: {  	v22 =	vmul.f32 v22, v0;
	v13 =	vmax.f32 v13, $0.0e+00;
	v5 =	vcvt.f32.s32 v5  }
0x653: {  	v9 =	vmax.f32 v9, $0.0e+00;
	v10 =	vmul.f32 v10, v0;
	v2 =	vcvt.f32.s32 v2  }
0x654: {  	[tilespmem:s2+$0x30] =	vst @p2 v16;
	v16 =	vmax.f32 v20, $0.0e+00;
	v11 =	vmul.f32 v11, v0;
	v7 =	vtrunc.f32 v7  }
0x655: {  	v13 =	vmin.f32 v13, $6.300000000e+01;
	v9 =	vmin.f32 v9, $6.300000000e+01;
	v16 =	vmin.f32 v16, $6.300000000e+01  }
0x656: {  	v7 =	vcvt.f32.s32 v7;
	v22 =	vmax.f32 v22, $0.0e+00;
	v13 =	vtrunc.f32 v13  }
0x657: {  	v9 =	vtrunc.f32 v9;
	v10 =	vmax.f32 v10, $0.0e+00;
	v16 =	vtrunc.f32 v16  }
0x658: {  	[tilespmem:s2+$0xFFFFFC50] =	vst @p2 v17;
	v4 =	vld.idx.msk [tilespmem:v4+s4+$0x0], $0xffff;
	v22 =	vmin.f32 v22, $6.300000000e+01;
	v21 =	vsub.f32 v21, v1;
	v13 =	vcvt.f32.s32 v13  }
0x659: {  	v3 =	vld.idx.msk [tilespmem:v3+s4+$0x0], $0xffff;
	[tilespmem:s2+$0x20] =	vst @p2 v19;
	v9 =	vcvt.f32.s32 v9;
	v10 =	vmin.f32 v10, $6.300000000e+01;
	v16 =	vcvt.f32.s32 v16  }
0x65a: {  	[tilespmem:s2+$0xFFFFFC40] =	vst @p2 v14;
	v6 =	vld.idx.msk [tilespmem:v6+s4+$0x0], $0xffff;
	v22 =	vtrunc.f32 v22;
	v10 =	vtrunc.f32 v10  }
0x65b: {  	[tilespmem:s2+$0xFFFFFC30] =	vst @p2 v18;
	v22 =	vcvt.f32.s32 v22;
	v21 =	vmul.f32 v21, v0;
	v5 =	vld.idx.msk [tilespmem:v5+s4+$0x0], $0xffff  }
0x65c: {  	v15 =	vtrunc.f32 v15;
	[tilespmem:s30+$0xFFFFFC00] =	vst v8;
	v8 =	vcvt.f32.s32 v10;
	v10 =	vmax.f32 v11, $0.0e+00;
	v2 =	vld.idx.msk [tilespmem:v2+s4+$0x0], $0xffff  }
0x65d: {  	v11 =	vcvt.f32.s32 v15;
	[tilespmem:s30+$0x0] =	vst v4;
	v10 =	vmin.f32 v10, $6.300000000e+01;
	v17 =	vmax.f32 v21, $0.0e+00;
	v4 =	vld.idx.msk [tilespmem:v7+s4+$0x0], $0xffff  }
0x65e: {  	[tilespmem:s30+$0xFFFFFC10] =	vst v3;
	v3 =	vcvt.f32.s32 v12;
	v10 =	vtrunc.f32 v10;
	v17 =	vmin.f32 v17, $6.300000000e+01;
	v13 =	vld.idx.msk [tilespmem:v13+s4+$0x0], $0xffff  }
0x65f: {  	[tilespmem:s30+$0xFFFFFC70] =	vst v6;
	v10 =	vcvt.f32.s32 v10;
	v17 =	vtrunc.f32 v17;
	v9 =	vld.idx.msk [tilespmem:v9+s4+$0x0], $0xffff  }
0x660: {  	v12 =	vld.idx.msk [tilespmem:v16+s4+$0x0], $0xffff;
	v14 =	vcvt.f32.s32 v17;
	[tilespmem:s30+$0x60] =	vst v5  }
0x661: {  	v19 =	vld.idx.msk [tilespmem:v22+s4+$0x0], $0xffff;
	[tilespmem:s30+$0x10] =	vst v2  }
0x662: {  	v8 =	vld.idx.msk [tilespmem:v8+s4+$0x0], $0xffff;
	[tilespmem:s30+$0xFFFFFC30] =	vst v4  }
0x663: {  	v2 =	vld.idx.msk [tilespmem:v11+s4+$0x0], $0xffff;
	[tilespmem:s30+$0x50] =	vst v13  }
0x664: {  	v3 =	vld.idx.msk [tilespmem:v3+s4+$0x0], $0xffff;
	[tilespmem:s30+$0xFFFFFC20] =	vst v9  }
0x665: {  	[tilespmem:s30+$0x40] =	vst v12;
	v6 =	vld.idx.msk [tilespmem:v10+s4+$0x0], $0xffff  }
0x666: {  	[tilespmem:s30+$0xFFFFFC60] =	vst v19;
	v5 =	vld.idx.msk [tilespmem:v14+s4+$0x0], $0xffff  }
0x667: {  	[tilespmem:s30+$0x30] =	vst v8  }
0x668: {  	[tilespmem:s30+$0xFFFFFC50] =	vst v2  }
0x669: {  	[tilespmem:s30+$0x20] =	vst v3  }
0x66a: {  	[tilespmem:s30+$0xFFFFFC40] =	vst v6  }
0x66b: {  	[tilespmem:s30+$0x70] =	vst v5  }
0x66c: {  	v2 =	vld [tilespmem:s31+$0x10]  }
0x66d: {  	v3 =	vld [tilespmem:s31+$0x60]  }
0x66e: {  	v4 =	vld [tilespmem:s31+$0xFFFFFC10]  }
0x66f: {  	v5 =	vld [tilespmem:s31+$0xFFFFFC00]  }
0x670: {  	v6 =	vld [tilespmem:s31+$0xFFFFFC20]  }
0x671: {  	v7 =	vld [tilespmem:s31+$0xFFFFFC30]  }
0x672: {  	v8 =	vld [tilespmem:s31+$0x20]  }
0x673: {  	v9 =	vld [tilespmem:s31+$0xFFFFFC70]  }
0x674: {  	v12 =	vld [tilespmem:s31+$0xFFFFFC50]  }
0x675: {  	v11 =	vld [tilespmem:s31+$0x50];
	v2 =	vsub.f32 v2, v1;
	v3 =	vsub.f32 v3, v1  }
0x676: {  	v4 =	vsub.f32 v4, v1;
	v5 =	vsub.f32 v5, v1  }
0x677: {  	v6 =	vsub.f32 v6, v1;
	v8 =	vsub.f32 v8, v1  }
0x678: {  	v7 =	vsub.f32 v7, v1;
	v17 =	vsub.f32 v9, v1  }
0x679: {  	v12 =	vsub.f32 v12, v1;
	v2 =	vmul.f32 v2, v0;
	v3 =	vmul.f32 v3, v0  }
0x67a: {  	v9 =	vsub.f32 v11, v1;
	v4 =	vmul.f32 v4, v0;
	v8 =	vmul.f32 v8, v0  }
0x67b: {  	v10 =	vld [tilespmem:s31+$0x0];
	v7 =	vmul.f32 v7, v0;
	v12 =	vmul.f32 v12, v0;
	v2 =	vmax.f32 v2, $0.0e+00  }
0x67c: {  	v3 =	vmax.f32 v3, $0.0e+00;
	v4 =	vmax.f32 v4, $0.0e+00;
	v8 =	vmax.f32 v8, $0.0e+00  }
0x67d: {  	v14 =	vld [tilespmem:s31+$0x30];
	v13 =	vmin.f32 v3, $6.300000000e+01;
	v3 =	vmul.f32 v5, v0;
	v4 =	vmin.f32 v4, $6.300000000e+01  }
0x67e: {  	v15 =	vld [tilespmem:s31+$0xFFFFFC40];
	v7 =	vmax.f32 v7, $0.0e+00;
	v4 =	vtrunc.f32 v4;
	v5 =	vtrunc.f32 v13  }
0x67f: {  	v13 =	vmul.f32 v9, v0;
	v9 =	vmul.f32 v6, v0;
	v3 =	vmax.f32 v3, $0.0e+00  }
0x680: {  	v16 =	vmin.f32 v3, $6.300000000e+01;
	v3 =	vcvt.f32.s32 v4;
	v4 =	vsub.f32 v10, v1  }
0x681: {  	v2 =	vmin.f32 v2, $6.300000000e+01;
	v6 =	vmul.f32 v17, v0;
	v11 =	vtrunc.f32 v16;
	v16 =	vld [tilespmem:s31+$0x40]  }
0x682: {  	v10 =	vsub.f32 v14, v1;
	v4 =	vmul.f32 v4, v0;
	v14 =	vcvt.f32.s32 v11  }
0x683: {  	v8 =	vmin.f32 v8, $6.300000000e+01;
	v2 =	vtrunc.f32 v2;
	v11 =	vsub.f32 v15, v1;
	v15 =	vld [tilespmem:s31+$0xFFFFFC60]  }
.Ltmp36:
0x684: {  	v17 =	vmax.f32 v12, $0.0e+00;
	v6 =	vmax.f32 v6, $0.0e+00;
	v4 =	vmax.f32 v4, $0.0e+00;
	(pc) =	sbr.rel @!p1 .LBB2_69-.Ltmp36, $4  }
0x685: {  	v12 =	vtrunc.f32 v8;
	v6 =	vmin.f32 v6, $6.300000000e+01;
	v4 =	vmin.f32 v4, $6.300000000e+01  }
0x686: {  	v6 =	vtrunc.f32 v6;
	v4 =	vtrunc.f32 v4;
	v16 =	vsub.f32 v16, v1  }
0x687: {  	s0 =	simm.s32 $0xC800;
	v21 =	vld [tilespmem:s31+$0x70];
	v7 =	vmin.f32 v7, $6.300000000e+01;
	v6 =	vcvt.f32.s32 v6;
	v4 =	vcvt.f32.s32 v4  }
0x688: {  	s15 =	sadd.s32 $0x800, s31;
	s30 =	simm.s32 $0xC880;
	s31 =	simm.s32 $0x4880;
	v22 =	vsub.f32 v15, v1;
	v15 =	vmin.f32 v17, $6.300000000e+01;
	v8 =	vld.idx.msk [tilespmem:v14+s4+$0x0], $0xffff;
	v20 =	vmul.f32 v16, v0  }
0x689: {  	v12 =	vcvt.f32.s32 v12;
	v11 =	vmul.f32 v11, v0  }
0x68a: {  	v14 =	vld [tilespmem:s15+$0xFFFFFC30];
	v10 =	vmul.f32 v10, v0;
	v15 =	vtrunc.f32 v15  }
0x68b: {  	v13 =	vmax.f32 v13, $0.0e+00;
	v17 =	vld [tilespmem:s15+$0xFFFFFC70];
	v2 =	vcvt.f32.s32 v2;
	v5 =	vcvt.f32.s32 v5  }
0x68c: {  	v18 =	vld [tilespmem:s15+$0xFFFFFC10];
	v9 =	vmax.f32 v9, $0.0e+00;
	v7 =	vtrunc.f32 v7;
	v16 =	vmul.f32 v22, v0  }
0x68d: {  	v23 =	vld [tilespmem:s15+$0x20];
	v13 =	vmin.f32 v13, $6.300000000e+01;
	v19 =	vmax.f32 v20, $0.0e+00;
	v15 =	vcvt.f32.s32 v15  }
0x68e: {  	v24 =	vld [tilespmem:s15+$0x60];
	v9 =	vmin.f32 v9, $6.300000000e+01;
	v7 =	vcvt.f32.s32 v7;
	v13 =	vtrunc.f32 v13  }
0x68f: {  	v25 =	vld [tilespmem:s15+$0xFFFFFC40];
	v11 =	vmax.f32 v11, $0.0e+00;
	v19 =	vmin.f32 v19, $6.300000000e+01;
	v10 =	vmax.f32 v10, $0.0e+00  }
0x690: {  	v28 =	vld [tilespmem:s15+$0xFFFFFC20];
	v9 =	vtrunc.f32 v9;
	v16 =	vmax.f32 v16, $0.0e+00;
	v11 =	vmin.f32 v11, $6.300000000e+01  }
0x691: {  	v20 =	vld [tilespmem:s15+$0x10];
	v19 =	vtrunc.f32 v19;
	v10 =	vmin.f32 v10, $6.300000000e+01;
	v13 =	vcvt.f32.s32 v13  }
0x692: {  	v29 =	vld [tilespmem:s15+$0xFFFFFC60];
	v9 =	vcvt.f32.s32 v9;
	v16 =	vmin.f32 v16, $6.300000000e+01;
	v11 =	vtrunc.f32 v11  }
0x693: {  	v30 =	vld [tilespmem:s15+$0x0];
	v21 =	vsub.f32 v21, v1;
	v10 =	vtrunc.f32 v10;
	v16 =	vtrunc.f32 v16  }
0x694: {  	v26 =	vcvt.f32.s32 v11;
	v11 =	vld [tilespmem:s15+$0xFFFFFC00];
	v27 =	vcvt.f32.s32 v10  }
0x695: {  	v31 =	vld.idx.msk [tilespmem:v3+s4+$0x0], $0xffff;
	v10 =	vmul.f32 v21, v0;
	v24 =	vsub.f32 v24, v1;
	v16 =	vcvt.f32.s32 v16  }
0x696: {  	v6 =	vld.idx.msk [tilespmem:v6+s4+$0x0], $0xffff;
	v19 =	vcvt.f32.s32 v19;
	v18 =	vsub.f32 v18, v1;
	v20 =	vsub.f32 v20, v1  }
0x697: {  	v22 =	vld [tilespmem:s15+$0x30];
	v28 =	vsub.f32 v28, v1;
	v10 =	vmax.f32 v10, $0.0e+00;
	v24 =	vmul.f32 v24, v0  }
0x698: {  	v21 =	vld [tilespmem:s15+$0xFFFFFC50];
	v18 =	vmul.f32 v18, v0;
	v20 =	vmul.f32 v20, v0;
	v10 =	vmin.f32 v10, $6.300000000e+01  }
0x699: {  	v17 =	vsub.f32 v17, v1;
	v32 =	vld.idx.msk [tilespmem:v2+s4+$0x0], $0xffff;
	v10 =	vtrunc.f32 v10;
	v11 =	vsub.f32 v11, v1  }
0x69a: {  	v24 =	vmax.f32 v24, $0.0e+00;
	v18 =	vmax.f32 v18, $0.0e+00;
	v3 =	vmax.f32 v20, $0.0e+00;
	v20 =	vld [tilespmem:s15+$0x50]  }
0x69b: {  	v24 =	vmin.f32 v24, $6.300000000e+01;
	v3 =	vmin.f32 v3, $6.300000000e+01;
	v16 =	vld.idx.msk [tilespmem:v16+s4+$0x0], $0xffff;
	v11 =	vmul.f32 v11, v0  }
0x69c: {  	v13 =	vld.idx.msk [tilespmem:v13+s4+$0x0], $0xffff;
	v33 =	vcvt.f32.s32 v10;
	v2 =	vtrunc.f32 v3;
	v3 =	vmin.f32 v18, $6.300000000e+01  }
0x69d: {  	v18 =	vsub.f32 v23, v1;
	v23 =	vld [tilespmem:s15+$0x40];
	v3 =	vtrunc.f32 v3;
	v10 =	vmax.f32 v11, $0.0e+00  }
0x69e: {  	[tilespmem:s0+$0xFFFFFC00] =	vst v8;
	v11 =	vsub.f32 v14, v1;
	v14 =	vld.idx.msk [tilespmem:v5+s4+$0x0], $0xffff;
	v3 =	vcvt.f32.s32 v3;
	v5 =	vtrunc.f32 v24  }
0x69f: {  	[tilespmem:s0+$0xFFFFFC10] =	vst v31;
	v61 =	vld.idx.msk [tilespmem:v9+s4+$0x0], $0xffff;
	v8 =	vmin.f32 v10, $6.300000000e+01;
	v10 =	vsub.f32 v30, v1;
	v9 =	vsub.f32 v20, v1  }
0x6a0: {  	v20 =	vld.idx.msk [tilespmem:v4+s4+$0x0], $0xffff;
	v4 =	vtrunc.f32 v8;
	v8 =	vsub.f32 v21, v1;
	[tilespmem:s0+$0xFFFFFC60] =	vst v16;
	v16 =	vmul.f32 v18, v0  }
0x6a1: {  	v62 =	vld.idx.msk [tilespmem:v19+s4+$0x0], $0xffff;
	v18 =	vmul.f32 v11, v0;
	v21 =	vmul.f32 v10, v0;
	v10 =	vsub.f32 v22, v1  }
0x6a2: {  	[tilespmem:s0+$0x50] =	vst v13;
	v63 =	vld.idx.msk [tilespmem:v33+s4+$0x0], $0xffff;
	v22 =	vcvt.f32.s32 v4;
	v11 =	vsub.f32 v25, v1;
	v13 =	vmul.f32 v9, v0  }
0x6a3: {  	[tilespmem:s0+$0xFFFFFC70] =	vst v6;
	v9 =	vmul.f32 v28, v0;
	v23 =	vsub.f32 v23, v1;
	v19 =	vmax.f32 v16, $0.0e+00;
	v16 =	vld.idx.msk [tilespmem:v27+s4+$0x0], $0xffff  }
0x6a4: {  	p1 =	por $0x1, $0x1;
	[tilespmem:s0+$0x10] =	vst v32;
	v8 =	vmul.f32 v8, v0;
	v4 =	vmax.f32 v21, $0.0e+00;
	v21 =	vmul.f32 v17, v0;
	v17 =	vld.idx.msk [tilespmem:v15+s4+$0x0], $0xffff  }
.Ltmp37:
0x6a5: {  	[tilespmem:s0+$0x60] =	vst v14;
	v15 =	vmax.f32 v18, $0.0e+00;
	v14 =	vld.idx.msk [tilespmem:v26+s4+$0x0], $0xffff;
	v4 =	vmin.f32 v4, $6.300000000e+01;
	v18 =	vmin.f32 v19, $6.300000000e+01;
	(pc) =	sbr.rel @!p1 .LBB2_71-.Ltmp37, $4  }
0x6a6: {  	v19 =	vld.idx.msk [tilespmem:v12+s4+$0x0], $0xffff;
	v6 =	vmax.f32 v8, $0.0e+00;
	[tilespmem:s0+$0x0] =	vst v20;
	v20 =	vmul.f32 v23, v0;
	v21 =	vmax.f32 v21, $0.0e+00  }
0x6a7: {  	[tilespmem:s0+$0xFFFFFC20] =	vst v61;
	v4 =	vtrunc.f32 v4;
	v12 =	vtrunc.f32 v18;
	v18 =	vld.idx.msk [tilespmem:v7+s4+$0x0], $0xffff;
	v21 =	vmin.f32 v21, $6.300000000e+01  }
0x6a8: {  	s2 =	simm.s32 $0x10;
	s3 =	simm.s32 $0xD000;
	[tilespmem:s0+$0x40] =	vst v62;
	v7 =	vmin.f32 v15, $6.300000000e+01;
	v8 =	vld.idx.msk [tilespmem:v22+s4+$0x0], $0xffff;
	v22 =	vsub.f32 v29, v1;
	v21 =	vtrunc.f32 v21  }
0x6a9: {  	p0 =	por $0x1, $0x1;
	s16 =	simm.s32 $0xD000;
	v15 =	vmin.f32 v6, $6.300000000e+01;
	[tilespmem:s0+$0x70] =	vst v63;
	v4 =	vcvt.f32.s32 v4;
	v6 =	vcvt.f32.s32 v21;
	v21 =	vld [tilespmem:s15+$0x70];
	s15 =	sadd.s32 $0x800, s15  }
.LBB2_72:
0x6aa: {  	v23 =	vld [tilespmem:s15+$0xFFFFFC30];
	s2 =	sadd.s32 $0x10, s2;
	v22 =	vmul.f32 v22, v0;
	v12 =	vcvt.f32.s32 v12;
	v13 =	vmax.f32 v13, $0.0e+00;
	s16 =	sadd.s32 $0x800, s16;
	[tilespmem:s0+$0x30] =	vst v16  }
0x6ab: {  	v11 =	vmul.f32 v11, v0;
	v10 =	vmul.f32 v10, v0;
	v16 =	vld [tilespmem:s15+$0xFFFFFC70];
	p1 =	slt.u32 s2, $0x70;
	v13 =	vmin.f32 v13, $6.300000000e+01;
	[tilespmem:s0+$0xFFFFFC50] =	vst v17  }
0x6ac: {  	v20 =	vmax.f32 v20, $0.0e+00;
	v17 =	vld [tilespmem:s15+$0xFFFFFC10];
	v22 =	vmax.f32 v22, $0.0e+00;
	v13 =	vtrunc.f32 v13;
	[tilespmem:s0+$0x20] =	vst v19  }
0x6ad: {  	v20 =	vmin.f32 v20, $6.300000000e+01;
	v11 =	vmax.f32 v11, $0.0e+00;
	v19 =	vld [tilespmem:s15+$0x10];
	v22 =	vmin.f32 v22, $6.300000000e+01;
	[tilespmem:s0+$0xFFFFFC30] =	vst v18  }
0x6ae: {  	v15 =	vtrunc.f32 v15;
	v11 =	vmin.f32 v11, $6.300000000e+01;
	v18 =	vld [tilespmem:s15+$0x30];
	v21 =	vsub.f32 v21, v1;
	[tilespmem:s0+$0xFFFFFC40] =	vst v14;
	s0 =	smov.u32 s3;
	s3 =	smov.u32 s16  }
0x6af: {  	v10 =	vmax.f32 v10, $0.0e+00;
	v14 =	vld [tilespmem:s15+$0x20];
	[tilespmem:s0+$0xFFFFFC00] =	vst v8;
	v8 =	vcvt.f32.s32 v15;
	v15 =	vtrunc.f32 v20  }
0x6b0: {  	v10 =	vmin.f32 v10, $6.300000000e+01;
	v11 =	vtrunc.f32 v11;
	v22 =	vtrunc.f32 v22;
	v20 =	vld [tilespmem:s15+$0x60]  }
0x6b1: {  	v9 =	vmax.f32 v9, $0.0e+00;
	v10 =	vtrunc.f32 v10;
	v25 =	vcvt.f32.s32 v11;
	v24 =	vld [tilespmem:s15+$0xFFFFFC40]  }
0x6b2: {  	v9 =	vmin.f32 v9, $6.300000000e+01;
	v26 =	vcvt.f32.s32 v10;
	v10 =	vmul.f32 v21, v0;
	v11 =	vld [tilespmem:s15+$0xFFFFFC00]  }
0x6b3: {  	v22 =	vcvt.f32.s32 v22;
	v15 =	vcvt.f32.s32 v15;
	v19 =	vsub.f32 v19, v1;
	v21 =	vld [tilespmem:s15+$0xFFFFFC50]  }
0x6b4: {  	v2 =	vcvt.f32.s32 v2;
	v9 =	vtrunc.f32 v9;
	v10 =	vmax.f32 v10, $0.0e+00;
	v27 =	vld [tilespmem:s15+$0xFFFFFC20]  }
0x6b5: {  	v13 =	vcvt.f32.s32 v13;
	v19 =	vmul.f32 v19, v0;
	v28 =	vld [tilespmem:s15+$0xFFFFFC60];
	v20 =	vsub.f32 v20, v1  }
0x6b6: {  	v5 =	vcvt.f32.s32 v5;
	v9 =	vcvt.f32.s32 v9;
	v10 =	vmin.f32 v10, $6.300000000e+01;
	v29 =	vld [tilespmem:s15+$0x0]  }
0x6b7: {  	v17 =	vsub.f32 v17, v1;
	v11 =	vsub.f32 v11, v1;
	v20 =	vmul.f32 v20, v0;
	v3 =	vld.idx.msk [tilespmem:v3+s4+$0x0], $0xffff  }
0x6b8: {  	v7 =	vtrunc.f32 v7;
	v10 =	vtrunc.f32 v10;
	v19 =	vmax.f32 v19, $0.0e+00;
	v30 =	vld [tilespmem:s15+$0x50]  }
0x6b9: {  	v7 =	vcvt.f32.s32 v7;
	v17 =	vmul.f32 v17, v0;
	v20 =	vmax.f32 v20, $0.0e+00;
	v22 =	vld.idx.msk [tilespmem:v22+s4+$0x0], $0xffff  }
0x6ba: {  	v19 =	vmin.f32 v19, $6.300000000e+01;
	v27 =	vsub.f32 v27, v1;
	v20 =	vmin.f32 v20, $6.300000000e+01;
	v31 =	vld.idx.msk [tilespmem:v2+s4+$0x0], $0xffff  }
0x6bb: {  	v17 =	vmax.f32 v17, $0.0e+00;
	v11 =	vmul.f32 v11, v0;
	v2 =	vtrunc.f32 v19;
	v13 =	vld.idx.msk [tilespmem:v13+s4+$0x0], $0xffff  }
0x6bc: {  	v14 =	vsub.f32 v14, v1;
	v32 =	vcvt.f32.s32 v10;
	v17 =	vmin.f32 v17, $6.300000000e+01;
	v19 =	vld [tilespmem:s15+$0x40]  }
0x6bd: {  	v10 =	vmax.f32 v11, $0.0e+00;
	v11 =	vtrunc.f32 v17;
	v17 =	vsub.f32 v23, v1;
	[tilespmem:s0+$0xFFFFFC10] =	vst v3;
	v23 =	vld.idx.msk [tilespmem:v5+s4+$0x0], $0xffff  }
0x6be: {  	v10 =	vmin.f32 v10, $6.300000000e+01;
	v3 =	vcvt.f32.s32 v11;
	v11 =	vsub.f32 v29, v1;
	v29 =	vld.idx.msk [tilespmem:v9+s4+$0x0], $0xffff  }
0x6bf: {  	v33 =	vsub.f32 v16, v1;
	v5 =	vtrunc.f32 v20;
	v9 =	vsub.f32 v30, v1;
	[tilespmem:s0+$0xFFFFFC60] =	vst v22;
	v20 =	vld.idx.msk [tilespmem:v4+s4+$0x0], $0xffff  }
0x6c0: {  	v14 =	vmul.f32 v14, v0;
	v16 =	vsub.f32 v21, v1;
	v4 =	vtrunc.f32 v10;
	v6 =	vld.idx.msk [tilespmem:v6+s4+$0x0], $0xffff  }
0x6c1: {  	v21 =	vmul.f32 v17, v0;
	v17 =	vmul.f32 v11, v0;
	v10 =	vsub.f32 v18, v1;
	v15 =	vld.idx.msk [tilespmem:v15+s4+$0x0], $0xffff  }
0x6c2: {  	v11 =	vsub.f32 v24, v1;
	v18 =	vmul.f32 v16, v0;
	v22 =	vcvt.f32.s32 v4;
	[tilespmem:s0+$0x50] =	vst v13;
	v24 =	vld.idx.msk [tilespmem:v32+s4+$0x0], $0xffff  }
0x6c3: {  	v14 =	vmax.f32 v14, $0.0e+00;
	v4 =	vmax.f32 v17, $0.0e+00;
	v13 =	vmul.f32 v9, v0;
	v16 =	vld.idx.msk [tilespmem:v26+s4+$0x0], $0xffff;
	[tilespmem:s0+$0x60] =	vst v23  }
0x6c4: {  	v9 =	vmul.f32 v27, v0;
	v4 =	vmin.f32 v4, $6.300000000e+01;
	v23 =	vmul.f32 v33, v0;
	[tilespmem:s0+$0xFFFFFC20] =	vst v29;
	v17 =	vld.idx.msk [tilespmem:v8+s4+$0x0], $0xffff  }
.Ltmp38:
0x6c5: {  	v21 =	vmax.f32 v21, $0.0e+00;
	v4 =	vtrunc.f32 v4;
	v8 =	vmin.f32 v14, $6.300000000e+01;
	v14 =	vld.idx.msk [tilespmem:v25+s4+$0x0], $0xffff;
	[tilespmem:s0+$0x10] =	vst v31;
	(pc) =	sbr.rel @p1 .LBB2_72-.Ltmp38, $4  }
0x6c6: {  	v4 =	vcvt.f32.s32 v4;
	v23 =	vmax.f32 v23, $0.0e+00;
	v25 =	vsub.f32 v19, v1;
	[tilespmem:s0+$0xFFFFFC70] =	vst v6;
	v19 =	vld.idx.msk [tilespmem:v12+s4+$0x0], $0xffff  }
0x6c7: {  	v6 =	vmax.f32 v18, $0.0e+00;
	v23 =	vmin.f32 v23, $6.300000000e+01;
	v12 =	vtrunc.f32 v8;
	v18 =	vld.idx.msk [tilespmem:v7+s4+$0x0], $0xffff;
	[tilespmem:s0+$0x0] =	vst v20  }
0x6c8: {  	v23 =	vtrunc.f32 v23;
	v20 =	vmul.f32 v25, v0;
	v8 =	vld.idx.msk [tilespmem:v22+s4+$0x0], $0xffff;
	v22 =	vsub.f32 v28, v1;
	[tilespmem:s0+$0x40] =	vst v15  }
0x6c9: {  	v7 =	vmin.f32 v21, $6.300000000e+01;
	v15 =	vmin.f32 v6, $6.300000000e+01;
	v6 =	vcvt.f32.s32 v23;
	v21 =	vld [tilespmem:s15+$0x70];
	s15 =	sadd.s32 $0x800, s15;
	[tilespmem:s0+$0x70] =	vst v24  }
0x6ca: {  	s2 =	smov.u32 s0;
	s0 =	smov.u32 s3  }
.LBB2_74:
0x6cb: {  	v22 =	vmul.f32 v22, v0;
	v13 =	vmax.f32 v13, $0.0e+00;
	v5 =	vcvt.f32.s32 v5  }
0x6cc: {  	v9 =	vmax.f32 v9, $0.0e+00;
	v10 =	vmul.f32 v10, v0;
	v2 =	vcvt.f32.s32 v2  }
0x6cd: {  	[tilespmem:s2+$0x30] =	vst @p0 v16;
	v16 =	vmax.f32 v20, $0.0e+00;
	v11 =	vmul.f32 v11, v0;
	v7 =	vtrunc.f32 v7  }
0x6ce: {  	v13 =	vmin.f32 v13, $6.300000000e+01;
	v9 =	vmin.f32 v9, $6.300000000e+01;
	v16 =	vmin.f32 v16, $6.300000000e+01  }
0x6cf: {  	v7 =	vcvt.f32.s32 v7;
	v22 =	vmax.f32 v22, $0.0e+00;
	v13 =	vtrunc.f32 v13  }
0x6d0: {  	v9 =	vtrunc.f32 v9;
	v10 =	vmax.f32 v10, $0.0e+00;
	v16 =	vtrunc.f32 v16  }
0x6d1: {  	[tilespmem:s2+$0xFFFFFC50] =	vst @p0 v17;
	v4 =	vld.idx.msk [tilespmem:v4+s4+$0x0], $0xffff;
	v22 =	vmin.f32 v22, $6.300000000e+01;
	v21 =	vsub.f32 v21, v1;
	v13 =	vcvt.f32.s32 v13  }
0x6d2: {  	v3 =	vld.idx.msk [tilespmem:v3+s4+$0x0], $0xffff;
	[tilespmem:s2+$0x20] =	vst @p0 v19;
	v9 =	vcvt.f32.s32 v9;
	v10 =	vmin.f32 v10, $6.300000000e+01;
	v16 =	vcvt.f32.s32 v16  }
0x6d3: {  	[tilespmem:s2+$0xFFFFFC40] =	vst @p0 v14;
	v6 =	vld.idx.msk [tilespmem:v6+s4+$0x0], $0xffff;
	v22 =	vtrunc.f32 v22;
	v10 =	vtrunc.f32 v10  }
0x6d4: {  	[tilespmem:s2+$0xFFFFFC30] =	vst @p0 v18;
	v22 =	vcvt.f32.s32 v22;
	v21 =	vmul.f32 v21, v0;
	v5 =	vld.idx.msk [tilespmem:v5+s4+$0x0], $0xffff  }
0x6d5: {  	v15 =	vtrunc.f32 v15;
	[tilespmem:s0+$0xFFFFFC00] =	vst v8;
	v8 =	vcvt.f32.s32 v10;
	v10 =	vmax.f32 v11, $0.0e+00;
	v2 =	vld.idx.msk [tilespmem:v2+s4+$0x0], $0xffff  }
0x6d6: {  	v11 =	vcvt.f32.s32 v15;
	[tilespmem:s0+$0x0] =	vst v4;
	v10 =	vmin.f32 v10, $6.300000000e+01;
	v17 =	vmax.f32 v21, $0.0e+00;
	v4 =	vld.idx.msk [tilespmem:v7+s4+$0x0], $0xffff  }
0x6d7: {  	[tilespmem:s0+$0xFFFFFC10] =	vst v3;
	v3 =	vcvt.f32.s32 v12;
	v10 =	vtrunc.f32 v10;
	v17 =	vmin.f32 v17, $6.300000000e+01;
	v13 =	vld.idx.msk [tilespmem:v13+s4+$0x0], $0xffff  }
0x6d8: {  	[tilespmem:s0+$0xFFFFFC70] =	vst v6;
	v10 =	vcvt.f32.s32 v10;
	v17 =	vtrunc.f32 v17;
	v9 =	vld.idx.msk [tilespmem:v9+s4+$0x0], $0xffff  }
0x6d9: {  	v12 =	vld.idx.msk [tilespmem:v16+s4+$0x0], $0xffff;
	v14 =	vcvt.f32.s32 v17;
	[tilespmem:s0+$0x60] =	vst v5  }
0x6da: {  	v19 =	vld.idx.msk [tilespmem:v22+s4+$0x0], $0xffff;
	[tilespmem:s0+$0x10] =	vst v2  }
0x6db: {  	v8 =	vld.idx.msk [tilespmem:v8+s4+$0x0], $0xffff;
	[tilespmem:s0+$0xFFFFFC30] =	vst v4  }
0x6dc: {  	v2 =	vld.idx.msk [tilespmem:v11+s4+$0x0], $0xffff;
	[tilespmem:s0+$0x50] =	vst v13  }
0x6dd: {  	v3 =	vld.idx.msk [tilespmem:v3+s4+$0x0], $0xffff;
	[tilespmem:s0+$0xFFFFFC20] =	vst v9  }
0x6de: {  	[tilespmem:s0+$0x40] =	vst v12;
	v6 =	vld.idx.msk [tilespmem:v10+s4+$0x0], $0xffff  }
0x6df: {  	[tilespmem:s0+$0xFFFFFC60] =	vst v19;
	v5 =	vld.idx.msk [tilespmem:v14+s4+$0x0], $0xffff  }
0x6e0: {  	[tilespmem:s0+$0x30] =	vst v8  }
0x6e1: {  	[tilespmem:s0+$0xFFFFFC50] =	vst v2  }
0x6e2: {  	[tilespmem:s0+$0x20] =	vst v3  }
0x6e3: {  	[tilespmem:s0+$0xFFFFFC40] =	vst v6  }
0x6e4: {  	[tilespmem:s0+$0x70] =	vst v5  }
0x6e5: {  	v2 =	vld [tilespmem:s31+$0x10]  }
0x6e6: {  	v3 =	vld [tilespmem:s31+$0x60]  }
0x6e7: {  	v4 =	vld [tilespmem:s31+$0xFFFFFC10]  }
0x6e8: {  	v5 =	vld [tilespmem:s31+$0xFFFFFC00]  }
0x6e9: {  	v6 =	vld [tilespmem:s31+$0xFFFFFC20]  }
0x6ea: {  	v7 =	vld [tilespmem:s31+$0xFFFFFC30]  }
0x6eb: {  	v8 =	vld [tilespmem:s31+$0x20]  }
0x6ec: {  	v9 =	vld [tilespmem:s31+$0xFFFFFC70]  }
0x6ed: {  	v12 =	vld [tilespmem:s31+$0xFFFFFC50]  }
0x6ee: {  	v11 =	vld [tilespmem:s31+$0x50];
	v2 =	vsub.f32 v2, v1;
	v3 =	vsub.f32 v3, v1  }
0x6ef: {  	v4 =	vsub.f32 v4, v1;
	v5 =	vsub.f32 v5, v1  }
0x6f0: {  	v6 =	vsub.f32 v6, v1;
	v8 =	vsub.f32 v8, v1  }
0x6f1: {  	v7 =	vsub.f32 v7, v1;
	v17 =	vsub.f32 v9, v1  }
0x6f2: {  	v12 =	vsub.f32 v12, v1;
	v2 =	vmul.f32 v2, v0;
	v3 =	vmul.f32 v3, v0  }
0x6f3: {  	v9 =	vsub.f32 v11, v1;
	v4 =	vmul.f32 v4, v0;
	v8 =	vmul.f32 v8, v0  }
0x6f4: {  	v10 =	vld [tilespmem:s31+$0x0];
	v7 =	vmul.f32 v7, v0;
	v12 =	vmul.f32 v12, v0;
	v2 =	vmax.f32 v2, $0.0e+00  }
0x6f5: {  	v3 =	vmax.f32 v3, $0.0e+00;
	v4 =	vmax.f32 v4, $0.0e+00;
	v8 =	vmax.f32 v8, $0.0e+00  }
0x6f6: {  	v14 =	vld [tilespmem:s31+$0x30];
	v13 =	vmin.f32 v3, $6.300000000e+01;
	v3 =	vmul.f32 v5, v0;
	v4 =	vmin.f32 v4, $6.300000000e+01  }
0x6f7: {  	v15 =	vld [tilespmem:s31+$0xFFFFFC40];
	v7 =	vmax.f32 v7, $0.0e+00;
	v4 =	vtrunc.f32 v4;
	v5 =	vtrunc.f32 v13  }
0x6f8: {  	v13 =	vmul.f32 v9, v0;
	v9 =	vmul.f32 v6, v0;
	v3 =	vmax.f32 v3, $0.0e+00  }
0x6f9: {  	v16 =	vmin.f32 v3, $6.300000000e+01;
	v3 =	vcvt.f32.s32 v4;
	v4 =	vsub.f32 v10, v1  }
0x6fa: {  	v2 =	vmin.f32 v2, $6.300000000e+01;
	v6 =	vmul.f32 v17, v0;
	v11 =	vtrunc.f32 v16;
	v16 =	vld [tilespmem:s31+$0x40]  }
0x6fb: {  	v10 =	vsub.f32 v14, v1;
	v4 =	vmul.f32 v4, v0;
	v14 =	vcvt.f32.s32 v11  }
0x6fc: {  	p1 =	por $0x1, $0x1;
	v8 =	vmin.f32 v8, $6.300000000e+01;
	v2 =	vtrunc.f32 v2;
	v11 =	vsub.f32 v15, v1;
	v15 =	vld [tilespmem:s31+$0xFFFFFC60]  }
.Ltmp39:
0x6fd: {  	v17 =	vmax.f32 v12, $0.0e+00;
	v6 =	vmax.f32 v6, $0.0e+00;
	v4 =	vmax.f32 v4, $0.0e+00;
	(pc) =	sbr.rel @!p1 .LBB2_75-.Ltmp39, $4  }
0x6fe: {  	v12 =	vtrunc.f32 v8;
	v6 =	vmin.f32 v6, $6.300000000e+01;
	v4 =	vmin.f32 v4, $6.300000000e+01  }
0x6ff: {  	v6 =	vtrunc.f32 v6;
	v4 =	vtrunc.f32 v4;
	v16 =	vsub.f32 v16, v1  }
0x700: {  	v21 =	vld [tilespmem:s31+$0x70];
	v7 =	vmin.f32 v7, $6.300000000e+01;
	v6 =	vcvt.f32.s32 v6;
	v4 =	vcvt.f32.s32 v4  }
0x701: {  	s3 =	sadd.s32 $0x800, s31;
	p0 =	por $0x0, $0x0;
	s31 =	simm.s32 $0x4900;
	v22 =	vsub.f32 v15, v1;
	v15 =	vmin.f32 v17, $6.300000000e+01;
	v8 =	vld.idx.msk [tilespmem:v14+s4+$0x0], $0xffff;
	v20 =	vmul.f32 v16, v0  }
0x702: {  	v12 =	vcvt.f32.s32 v12;
	v11 =	vmul.f32 v11, v0  }
0x703: {  	v14 =	vld [tilespmem:s3+$0xFFFFFC30];
	v10 =	vmul.f32 v10, v0;
	v15 =	vtrunc.f32 v15  }
0x704: {  	v13 =	vmax.f32 v13, $0.0e+00;
	v17 =	vld [tilespmem:s3+$0xFFFFFC70];
	v2 =	vcvt.f32.s32 v2;
	v5 =	vcvt.f32.s32 v5  }
0x705: {  	v18 =	vld [tilespmem:s3+$0xFFFFFC10];
	v9 =	vmax.f32 v9, $0.0e+00;
	v7 =	vtrunc.f32 v7;
	v16 =	vmul.f32 v22, v0  }
0x706: {  	v23 =	vld [tilespmem:s3+$0x20];
	v13 =	vmin.f32 v13, $6.300000000e+01;
	v19 =	vmax.f32 v20, $0.0e+00;
	v15 =	vcvt.f32.s32 v15  }
0x707: {  	v24 =	vld [tilespmem:s3+$0x60];
	v9 =	vmin.f32 v9, $6.300000000e+01;
	v7 =	vcvt.f32.s32 v7;
	v13 =	vtrunc.f32 v13  }
0x708: {  	v25 =	vld [tilespmem:s3+$0xFFFFFC40];
	v11 =	vmax.f32 v11, $0.0e+00;
	v19 =	vmin.f32 v19, $6.300000000e+01;
	v10 =	vmax.f32 v10, $0.0e+00  }
0x709: {  	v28 =	vld [tilespmem:s3+$0xFFFFFC20];
	v9 =	vtrunc.f32 v9;
	v16 =	vmax.f32 v16, $0.0e+00;
	v11 =	vmin.f32 v11, $6.300000000e+01  }
0x70a: {  	v20 =	vld [tilespmem:s3+$0x10];
	v19 =	vtrunc.f32 v19;
	v10 =	vmin.f32 v10, $6.300000000e+01;
	v13 =	vcvt.f32.s32 v13  }
0x70b: {  	v29 =	vld [tilespmem:s3+$0xFFFFFC60];
	v9 =	vcvt.f32.s32 v9;
	v16 =	vmin.f32 v16, $6.300000000e+01;
	v11 =	vtrunc.f32 v11  }
0x70c: {  	v30 =	vld [tilespmem:s3+$0x0];
	v21 =	vsub.f32 v21, v1;
	v10 =	vtrunc.f32 v10;
	v16 =	vtrunc.f32 v16  }
0x70d: {  	v26 =	vcvt.f32.s32 v11;
	v11 =	vld [tilespmem:s3+$0xFFFFFC00];
	v27 =	vcvt.f32.s32 v10  }
0x70e: {  	v31 =	vld.idx.msk [tilespmem:v3+s4+$0x0], $0xffff;
	v10 =	vmul.f32 v21, v0;
	v24 =	vsub.f32 v24, v1;
	v16 =	vcvt.f32.s32 v16  }
0x70f: {  	v6 =	vld.idx.msk [tilespmem:v6+s4+$0x0], $0xffff;
	v19 =	vcvt.f32.s32 v19;
	v18 =	vsub.f32 v18, v1;
	v20 =	vsub.f32 v20, v1  }
0x710: {  	v22 =	vld [tilespmem:s3+$0x30];
	v28 =	vsub.f32 v28, v1;
	v10 =	vmax.f32 v10, $0.0e+00;
	v24 =	vmul.f32 v24, v0  }
0x711: {  	v21 =	vld [tilespmem:s3+$0xFFFFFC50];
	v18 =	vmul.f32 v18, v0;
	v20 =	vmul.f32 v20, v0;
	v10 =	vmin.f32 v10, $6.300000000e+01  }
0x712: {  	v17 =	vsub.f32 v17, v1;
	v32 =	vld.idx.msk [tilespmem:v2+s4+$0x0], $0xffff;
	v10 =	vtrunc.f32 v10;
	v11 =	vsub.f32 v11, v1  }
0x713: {  	v24 =	vmax.f32 v24, $0.0e+00;
	v18 =	vmax.f32 v18, $0.0e+00;
	v3 =	vmax.f32 v20, $0.0e+00;
	v20 =	vld [tilespmem:s3+$0x50]  }
0x714: {  	v24 =	vmin.f32 v24, $6.300000000e+01;
	v3 =	vmin.f32 v3, $6.300000000e+01;
	v16 =	vld.idx.msk [tilespmem:v16+s4+$0x0], $0xffff;
	v11 =	vmul.f32 v11, v0  }
0x715: {  	v13 =	vld.idx.msk [tilespmem:v13+s4+$0x0], $0xffff;
	v33 =	vcvt.f32.s32 v10;
	v2 =	vtrunc.f32 v3;
	v3 =	vmin.f32 v18, $6.300000000e+01  }
0x716: {  	v18 =	vsub.f32 v23, v1;
	v23 =	vld [tilespmem:s3+$0x40];
	v3 =	vtrunc.f32 v3;
	v10 =	vmax.f32 v11, $0.0e+00  }
0x717: {  	[tilespmem:s30+$0xFFFFFC00] =	vst v8;
	v11 =	vsub.f32 v14, v1;
	v14 =	vld.idx.msk [tilespmem:v5+s4+$0x0], $0xffff;
	v3 =	vcvt.f32.s32 v3;
	v5 =	vtrunc.f32 v24  }
0x718: {  	[tilespmem:s30+$0xFFFFFC10] =	vst v31;
	v61 =	vld.idx.msk [tilespmem:v9+s4+$0x0], $0xffff;
	v8 =	vmin.f32 v10, $6.300000000e+01;
	v10 =	vsub.f32 v30, v1;
	v9 =	vsub.f32 v20, v1  }
0x719: {  	v20 =	vld.idx.msk [tilespmem:v4+s4+$0x0], $0xffff;
	v4 =	vtrunc.f32 v8;
	v8 =	vsub.f32 v21, v1;
	[tilespmem:s30+$0xFFFFFC60] =	vst v16;
	v16 =	vmul.f32 v18, v0  }
0x71a: {  	v62 =	vld.idx.msk [tilespmem:v19+s4+$0x0], $0xffff;
	v18 =	vmul.f32 v11, v0;
	v21 =	vmul.f32 v10, v0;
	v10 =	vsub.f32 v22, v1  }
0x71b: {  	[tilespmem:s30+$0x50] =	vst v13;
	v63 =	vld.idx.msk [tilespmem:v33+s4+$0x0], $0xffff;
	v22 =	vcvt.f32.s32 v4;
	v11 =	vsub.f32 v25, v1;
	v13 =	vmul.f32 v9, v0  }
0x71c: {  	[tilespmem:s30+$0xFFFFFC70] =	vst v6;
	v9 =	vmul.f32 v28, v0;
	v23 =	vsub.f32 v23, v1;
	v19 =	vmax.f32 v16, $0.0e+00;
	v16 =	vld.idx.msk [tilespmem:v27+s4+$0x0], $0xffff  }
0x71d: {  	p3 =	por $0x1, $0x1;
	[tilespmem:s30+$0x10] =	vst v32;
	v8 =	vmul.f32 v8, v0;
	v4 =	vmax.f32 v21, $0.0e+00;
	v21 =	vmul.f32 v17, v0;
	v17 =	vld.idx.msk [tilespmem:v15+s4+$0x0], $0xffff  }
.Ltmp40:
0x71e: {  	[tilespmem:s30+$0x60] =	vst v14;
	v15 =	vmax.f32 v18, $0.0e+00;
	v14 =	vld.idx.msk [tilespmem:v26+s4+$0x0], $0xffff;
	v4 =	vmin.f32 v4, $6.300000000e+01;
	v18 =	vmin.f32 v19, $6.300000000e+01;
	(pc) =	sbr.rel @!p3 .LBB2_77-.Ltmp40, $4  }
0x71f: {  	v19 =	vld.idx.msk [tilespmem:v12+s4+$0x0], $0xffff;
	v6 =	vmax.f32 v8, $0.0e+00;
	[tilespmem:s30+$0x0] =	vst v20;
	v20 =	vmul.f32 v23, v0;
	v21 =	vmax.f32 v21, $0.0e+00  }
0x720: {  	[tilespmem:s30+$0xFFFFFC20] =	vst v61;
	v4 =	vtrunc.f32 v4;
	v12 =	vtrunc.f32 v18;
	v18 =	vld.idx.msk [tilespmem:v7+s4+$0x0], $0xffff;
	v21 =	vmin.f32 v21, $6.300000000e+01  }
0x721: {  	s0 =	sadd.s32 $0x800, s30;
	s2 =	simm.s32 $0x10;
	[tilespmem:s30+$0x40] =	vst v62;
	v7 =	vmin.f32 v15, $6.300000000e+01;
	v8 =	vld.idx.msk [tilespmem:v22+s4+$0x0], $0xffff;
	v22 =	vsub.f32 v29, v1;
	v21 =	vtrunc.f32 v21  }
0x722: {  	p2 =	por $0x1, $0x1;
	s15 =	smov.u32 s0;
	v15 =	vmin.f32 v6, $6.300000000e+01;
	[tilespmem:s30+$0x70] =	vst v63;
	v4 =	vcvt.f32.s32 v4;
	v6 =	vcvt.f32.s32 v21;
	v21 =	vld [tilespmem:s3+$0x70];
	s3 =	sadd.s32 $0x800, s3  }
.LBB2_78:
0x723: {  	v23 =	vld [tilespmem:s3+$0xFFFFFC30];
	s2 =	sadd.s32 $0x10, s2;
	v22 =	vmul.f32 v22, v0;
	v12 =	vcvt.f32.s32 v12;
	v13 =	vmax.f32 v13, $0.0e+00;
	s15 =	sadd.s32 $0x800, s15;
	[tilespmem:s30+$0x30] =	vst v16  }
0x724: {  	v11 =	vmul.f32 v11, v0;
	v10 =	vmul.f32 v10, v0;
	v16 =	vld [tilespmem:s3+$0xFFFFFC70];
	p3 =	slt.u32 s2, $0x70;
	v13 =	vmin.f32 v13, $6.300000000e+01;
	[tilespmem:s30+$0xFFFFFC50] =	vst v17  }
0x725: {  	v20 =	vmax.f32 v20, $0.0e+00;
	v17 =	vld [tilespmem:s3+$0xFFFFFC10];
	v22 =	vmax.f32 v22, $0.0e+00;
	v13 =	vtrunc.f32 v13;
	[tilespmem:s30+$0x20] =	vst v19  }
0x726: {  	v20 =	vmin.f32 v20, $6.300000000e+01;
	v11 =	vmax.f32 v11, $0.0e+00;
	v19 =	vld [tilespmem:s3+$0x10];
	v22 =	vmin.f32 v22, $6.300000000e+01;
	[tilespmem:s30+$0xFFFFFC30] =	vst v18  }
0x727: {  	v15 =	vtrunc.f32 v15;
	v11 =	vmin.f32 v11, $6.300000000e+01;
	v18 =	vld [tilespmem:s3+$0x30];
	v21 =	vsub.f32 v21, v1;
	[tilespmem:s30+$0xFFFFFC40] =	vst v14;
	s30 =	smov.u32 s0;
	s0 =	smov.u32 s15  }
0x728: {  	v10 =	vmax.f32 v10, $0.0e+00;
	v14 =	vld [tilespmem:s3+$0x20];
	[tilespmem:s30+$0xFFFFFC00] =	vst v8;
	v8 =	vcvt.f32.s32 v15;
	v15 =	vtrunc.f32 v20  }
0x729: {  	v10 =	vmin.f32 v10, $6.300000000e+01;
	v11 =	vtrunc.f32 v11;
	v22 =	vtrunc.f32 v22;
	v20 =	vld [tilespmem:s3+$0x60]  }
0x72a: {  	v9 =	vmax.f32 v9, $0.0e+00;
	v10 =	vtrunc.f32 v10;
	v25 =	vcvt.f32.s32 v11;
	v24 =	vld [tilespmem:s3+$0xFFFFFC40]  }
0x72b: {  	v9 =	vmin.f32 v9, $6.300000000e+01;
	v26 =	vcvt.f32.s32 v10;
	v10 =	vmul.f32 v21, v0;
	v11 =	vld [tilespmem:s3+$0xFFFFFC00]  }
0x72c: {  	v22 =	vcvt.f32.s32 v22;
	v15 =	vcvt.f32.s32 v15;
	v19 =	vsub.f32 v19, v1;
	v21 =	vld [tilespmem:s3+$0xFFFFFC50]  }
0x72d: {  	v2 =	vcvt.f32.s32 v2;
	v9 =	vtrunc.f32 v9;
	v10 =	vmax.f32 v10, $0.0e+00;
	v27 =	vld [tilespmem:s3+$0xFFFFFC20]  }
0x72e: {  	v13 =	vcvt.f32.s32 v13;
	v19 =	vmul.f32 v19, v0;
	v28 =	vld [tilespmem:s3+$0xFFFFFC60];
	v20 =	vsub.f32 v20, v1  }
0x72f: {  	v5 =	vcvt.f32.s32 v5;
	v9 =	vcvt.f32.s32 v9;
	v10 =	vmin.f32 v10, $6.300000000e+01;
	v29 =	vld [tilespmem:s3+$0x0]  }
0x730: {  	v17 =	vsub.f32 v17, v1;
	v11 =	vsub.f32 v11, v1;
	v20 =	vmul.f32 v20, v0;
	v3 =	vld.idx.msk [tilespmem:v3+s4+$0x0], $0xffff  }
0x731: {  	v7 =	vtrunc.f32 v7;
	v10 =	vtrunc.f32 v10;
	v19 =	vmax.f32 v19, $0.0e+00;
	v30 =	vld [tilespmem:s3+$0x50]  }
0x732: {  	v7 =	vcvt.f32.s32 v7;
	v17 =	vmul.f32 v17, v0;
	v20 =	vmax.f32 v20, $0.0e+00;
	v22 =	vld.idx.msk [tilespmem:v22+s4+$0x0], $0xffff  }
0x733: {  	v19 =	vmin.f32 v19, $6.300000000e+01;
	v27 =	vsub.f32 v27, v1;
	v20 =	vmin.f32 v20, $6.300000000e+01;
	v31 =	vld.idx.msk [tilespmem:v2+s4+$0x0], $0xffff  }
0x734: {  	v17 =	vmax.f32 v17, $0.0e+00;
	v11 =	vmul.f32 v11, v0;
	v2 =	vtrunc.f32 v19;
	v13 =	vld.idx.msk [tilespmem:v13+s4+$0x0], $0xffff  }
0x735: {  	v14 =	vsub.f32 v14, v1;
	v32 =	vcvt.f32.s32 v10;
	v17 =	vmin.f32 v17, $6.300000000e+01;
	v19 =	vld [tilespmem:s3+$0x40]  }
0x736: {  	v10 =	vmax.f32 v11, $0.0e+00;
	v11 =	vtrunc.f32 v17;
	v17 =	vsub.f32 v23, v1;
	[tilespmem:s30+$0xFFFFFC10] =	vst v3;
	v23 =	vld.idx.msk [tilespmem:v5+s4+$0x0], $0xffff  }
0x737: {  	v10 =	vmin.f32 v10, $6.300000000e+01;
	v3 =	vcvt.f32.s32 v11;
	v11 =	vsub.f32 v29, v1;
	v29 =	vld.idx.msk [tilespmem:v9+s4+$0x0], $0xffff  }
0x738: {  	v33 =	vsub.f32 v16, v1;
	v5 =	vtrunc.f32 v20;
	v9 =	vsub.f32 v30, v1;
	[tilespmem:s30+$0xFFFFFC60] =	vst v22;
	v20 =	vld.idx.msk [tilespmem:v4+s4+$0x0], $0xffff  }
0x739: {  	v14 =	vmul.f32 v14, v0;
	v16 =	vsub.f32 v21, v1;
	v4 =	vtrunc.f32 v10;
	v6 =	vld.idx.msk [tilespmem:v6+s4+$0x0], $0xffff  }
0x73a: {  	v21 =	vmul.f32 v17, v0;
	v17 =	vmul.f32 v11, v0;
	v10 =	vsub.f32 v18, v1;
	v15 =	vld.idx.msk [tilespmem:v15+s4+$0x0], $0xffff  }
0x73b: {  	v11 =	vsub.f32 v24, v1;
	v18 =	vmul.f32 v16, v0;
	v22 =	vcvt.f32.s32 v4;
	[tilespmem:s30+$0x50] =	vst v13;
	v24 =	vld.idx.msk [tilespmem:v32+s4+$0x0], $0xffff  }
0x73c: {  	v14 =	vmax.f32 v14, $0.0e+00;
	v4 =	vmax.f32 v17, $0.0e+00;
	v13 =	vmul.f32 v9, v0;
	v16 =	vld.idx.msk [tilespmem:v26+s4+$0x0], $0xffff;
	[tilespmem:s30+$0x60] =	vst v23  }
0x73d: {  	v9 =	vmul.f32 v27, v0;
	v4 =	vmin.f32 v4, $6.300000000e+01;
	v23 =	vmul.f32 v33, v0;
	[tilespmem:s30+$0xFFFFFC20] =	vst v29;
	v17 =	vld.idx.msk [tilespmem:v8+s4+$0x0], $0xffff  }
.Ltmp41:
0x73e: {  	v21 =	vmax.f32 v21, $0.0e+00;
	v4 =	vtrunc.f32 v4;
	v8 =	vmin.f32 v14, $6.300000000e+01;
	v14 =	vld.idx.msk [tilespmem:v25+s4+$0x0], $0xffff;
	[tilespmem:s30+$0x10] =	vst v31;
	(pc) =	sbr.rel @p3 .LBB2_78-.Ltmp41, $4  }
0x73f: {  	v4 =	vcvt.f32.s32 v4;
	v23 =	vmax.f32 v23, $0.0e+00;
	v25 =	vsub.f32 v19, v1;
	[tilespmem:s30+$0xFFFFFC70] =	vst v6;
	v19 =	vld.idx.msk [tilespmem:v12+s4+$0x0], $0xffff  }
0x740: {  	v6 =	vmax.f32 v18, $0.0e+00;
	v23 =	vmin.f32 v23, $6.300000000e+01;
	v12 =	vtrunc.f32 v8;
	v18 =	vld.idx.msk [tilespmem:v7+s4+$0x0], $0xffff;
	[tilespmem:s30+$0x0] =	vst v20  }
0x741: {  	v23 =	vtrunc.f32 v23;
	v20 =	vmul.f32 v25, v0;
	v8 =	vld.idx.msk [tilespmem:v22+s4+$0x0], $0xffff;
	v22 =	vsub.f32 v28, v1;
	[tilespmem:s30+$0x40] =	vst v15  }
0x742: {  	v7 =	vmin.f32 v21, $6.300000000e+01;
	v15 =	vmin.f32 v6, $6.300000000e+01;
	v6 =	vcvt.f32.s32 v23;
	v21 =	vld [tilespmem:s3+$0x70];
	s3 =	sadd.s32 $0x800, s3;
	[tilespmem:s30+$0x70] =	vst v24  }
0x743: {  	s2 =	smov.u32 s30;
	s30 =	smov.u32 s0  }
.LBB2_80:
0x744: {  	v22 =	vmul.f32 v22, v0;
	v13 =	vmax.f32 v13, $0.0e+00;
	v5 =	vcvt.f32.s32 v5  }
0x745: {  	v9 =	vmax.f32 v9, $0.0e+00;
	v10 =	vmul.f32 v10, v0;
	v2 =	vcvt.f32.s32 v2  }
0x746: {  	[tilespmem:s2+$0x30] =	vst @p2 v16;
	v16 =	vmax.f32 v20, $0.0e+00;
	v11 =	vmul.f32 v11, v0;
	v7 =	vtrunc.f32 v7  }
0x747: {  	v13 =	vmin.f32 v13, $6.300000000e+01;
	v9 =	vmin.f32 v9, $6.300000000e+01;
	v16 =	vmin.f32 v16, $6.300000000e+01  }
0x748: {  	v7 =	vcvt.f32.s32 v7;
	v22 =	vmax.f32 v22, $0.0e+00;
	v13 =	vtrunc.f32 v13  }
0x749: {  	v9 =	vtrunc.f32 v9;
	v10 =	vmax.f32 v10, $0.0e+00;
	v16 =	vtrunc.f32 v16  }
0x74a: {  	[tilespmem:s2+$0xFFFFFC50] =	vst @p2 v17;
	v4 =	vld.idx.msk [tilespmem:v4+s4+$0x0], $0xffff;
	v22 =	vmin.f32 v22, $6.300000000e+01;
	v21 =	vsub.f32 v21, v1;
	v13 =	vcvt.f32.s32 v13  }
0x74b: {  	v3 =	vld.idx.msk [tilespmem:v3+s4+$0x0], $0xffff;
	[tilespmem:s2+$0x20] =	vst @p2 v19;
	v9 =	vcvt.f32.s32 v9;
	v10 =	vmin.f32 v10, $6.300000000e+01;
	v16 =	vcvt.f32.s32 v16  }
0x74c: {  	[tilespmem:s2+$0xFFFFFC40] =	vst @p2 v14;
	v6 =	vld.idx.msk [tilespmem:v6+s4+$0x0], $0xffff;
	v22 =	vtrunc.f32 v22;
	v10 =	vtrunc.f32 v10  }
0x74d: {  	[tilespmem:s2+$0xFFFFFC30] =	vst @p2 v18;
	v22 =	vcvt.f32.s32 v22;
	v21 =	vmul.f32 v21, v0;
	v5 =	vld.idx.msk [tilespmem:v5+s4+$0x0], $0xffff  }
0x74e: {  	v15 =	vtrunc.f32 v15;
	[tilespmem:s30+$0xFFFFFC00] =	vst v8;
	v8 =	vcvt.f32.s32 v10;
	v10 =	vmax.f32 v11, $0.0e+00;
	v2 =	vld.idx.msk [tilespmem:v2+s4+$0x0], $0xffff  }
0x74f: {  	v11 =	vcvt.f32.s32 v15;
	[tilespmem:s30+$0x0] =	vst v4;
	v10 =	vmin.f32 v10, $6.300000000e+01;
	v17 =	vmax.f32 v21, $0.0e+00;
	v4 =	vld.idx.msk [tilespmem:v7+s4+$0x0], $0xffff  }
0x750: {  	[tilespmem:s30+$0xFFFFFC10] =	vst v3;
	v3 =	vcvt.f32.s32 v12;
	v10 =	vtrunc.f32 v10;
	v17 =	vmin.f32 v17, $6.300000000e+01;
	v13 =	vld.idx.msk [tilespmem:v13+s4+$0x0], $0xffff  }
0x751: {  	[tilespmem:s30+$0xFFFFFC70] =	vst v6;
	v10 =	vcvt.f32.s32 v10;
	v17 =	vtrunc.f32 v17;
	v9 =	vld.idx.msk [tilespmem:v9+s4+$0x0], $0xffff  }
0x752: {  	v12 =	vld.idx.msk [tilespmem:v16+s4+$0x0], $0xffff;
	v14 =	vcvt.f32.s32 v17;
	[tilespmem:s30+$0x60] =	vst v5  }
0x753: {  	v19 =	vld.idx.msk [tilespmem:v22+s4+$0x0], $0xffff;
	[tilespmem:s30+$0x10] =	vst v2  }
0x754: {  	v8 =	vld.idx.msk [tilespmem:v8+s4+$0x0], $0xffff;
	[tilespmem:s30+$0xFFFFFC30] =	vst v4  }
0x755: {  	v2 =	vld.idx.msk [tilespmem:v11+s4+$0x0], $0xffff;
	[tilespmem:s30+$0x50] =	vst v13  }
0x756: {  	v3 =	vld.idx.msk [tilespmem:v3+s4+$0x0], $0xffff;
	[tilespmem:s30+$0xFFFFFC20] =	vst v9  }
0x757: {  	[tilespmem:s30+$0x40] =	vst v12;
	v6 =	vld.idx.msk [tilespmem:v10+s4+$0x0], $0xffff  }
0x758: {  	[tilespmem:s30+$0xFFFFFC60] =	vst v19;
	v5 =	vld.idx.msk [tilespmem:v14+s4+$0x0], $0xffff  }
0x759: {  	[tilespmem:s30+$0x30] =	vst v8  }
0x75a: {  	[tilespmem:s30+$0xFFFFFC50] =	vst v2  }
0x75b: {  	[tilespmem:s30+$0x20] =	vst v3  }
0x75c: {  	[tilespmem:s30+$0xFFFFFC40] =	vst v6  }
0x75d: {  	[tilespmem:s30+$0x70] =	vst v5  }
0x75e: {  	v2 =	vld [tilespmem:s31+$0x10]  }
0x75f: {  	v3 =	vld [tilespmem:s31+$0x60]  }
0x760: {  	v4 =	vld [tilespmem:s31+$0xFFFFFC10]  }
0x761: {  	v5 =	vld [tilespmem:s31+$0xFFFFFC00]  }
0x762: {  	v6 =	vld [tilespmem:s31+$0xFFFFFC20]  }
0x763: {  	v7 =	vld [tilespmem:s31+$0xFFFFFC30]  }
0x764: {  	v8 =	vld [tilespmem:s31+$0x20]  }
0x765: {  	v9 =	vld [tilespmem:s31+$0xFFFFFC70]  }
0x766: {  	v12 =	vld [tilespmem:s31+$0xFFFFFC50]  }
0x767: {  	v11 =	vld [tilespmem:s31+$0x50];
	v2 =	vsub.f32 v2, v1;
	v3 =	vsub.f32 v3, v1  }
0x768: {  	v4 =	vsub.f32 v4, v1;
	v5 =	vsub.f32 v5, v1  }
0x769: {  	v6 =	vsub.f32 v6, v1;
	v8 =	vsub.f32 v8, v1  }
0x76a: {  	v7 =	vsub.f32 v7, v1;
	v17 =	vsub.f32 v9, v1  }
0x76b: {  	v12 =	vsub.f32 v12, v1;
	v2 =	vmul.f32 v2, v0;
	v3 =	vmul.f32 v3, v0  }
0x76c: {  	v10 =	vld [tilespmem:s31+$0x0];
	v9 =	vsub.f32 v11, v1;
	v4 =	vmul.f32 v4, v0;
	v8 =	vmul.f32 v8, v0  }
0x76d: {  	v14 =	vld [tilespmem:s31+$0x30];
	v7 =	vmul.f32 v7, v0;
	v12 =	vmul.f32 v12, v0;
	v3 =	vmax.f32 v3, $0.0e+00  }
0x76e: {  	v4 =	vmax.f32 v4, $0.0e+00;
	v13 =	vmin.f32 v3, $6.300000000e+01;
	v3 =	vmul.f32 v5, v0  }
0x76f: {  	v2 =	vmax.f32 v2, $0.0e+00;
	v8 =	vmax.f32 v8, $0.0e+00;
	v4 =	vmin.f32 v4, $6.300000000e+01  }
0x770: {  	v15 =	vld [tilespmem:s31+$0xFFFFFC40];
	v7 =	vmax.f32 v7, $0.0e+00;
	v4 =	vtrunc.f32 v4;
	v3 =	vmax.f32 v3, $0.0e+00  }
0x771: {  	v5 =	vtrunc.f32 v13;
	v13 =	vld [tilespmem:s31+$0x40];
	v16 =	vmin.f32 v3, $6.300000000e+01;
	v3 =	vcvt.f32.s32 v4  }
0x772: {  	v4 =	vsub.f32 v10, v1;
	v10 =	vsub.f32 v14, v1;
	v14 =	vmul.f32 v9, v0  }
0x773: {  	v2 =	vmin.f32 v2, $6.300000000e+01;
	v9 =	vmul.f32 v6, v0;
	v11 =	vtrunc.f32 v16  }
0x774: {  	v8 =	vmin.f32 v8, $6.300000000e+01;
	v6 =	vmul.f32 v17, v0;
	v16 =	vcvt.f32.s32 v11  }
0x775: {  	v2 =	vtrunc.f32 v2;
	v4 =	vmul.f32 v4, v0;
	v11 =	vsub.f32 v15, v1;
	v15 =	vld [tilespmem:s31+$0xFFFFFC60]  }
.Ltmp42:
0x776: {  	v17 =	vmax.f32 v12, $0.0e+00;
	v6 =	vmax.f32 v6, $0.0e+00;
	v13 =	vsub.f32 v13, v1;
	(pc) =	sbr.rel @!p1 .LBB2_81-.Ltmp42, $4  }
0x777: {  	v12 =	vtrunc.f32 v8;
	v6 =	vmin.f32 v6, $6.300000000e+01;
	v4 =	vmax.f32 v4, $0.0e+00  }
0x778: {  	v6 =	vtrunc.f32 v6;
	v4 =	vmin.f32 v4, $6.300000000e+01;
	v20 =	vmul.f32 v13, v0  }
0x779: {  	v21 =	vld [tilespmem:s31+$0x70];
	v7 =	vmin.f32 v7, $6.300000000e+01;
	v6 =	vcvt.f32.s32 v6;
	v4 =	vtrunc.f32 v4  }
0x77a: {  	s0 =	simm.s32 $0xC900;
	s15 =	sadd.s32 $0x800, s31;
	v4 =	vcvt.f32.s32 v4;
	v22 =	vsub.f32 v15, v1;
	v15 =	vmin.f32 v17, $6.300000000e+01;
	v8 =	vld.idx.msk [tilespmem:v16+s4+$0x0], $0xffff  }
0x77b: {  	v12 =	vcvt.f32.s32 v12  }
0x77c: {  	v13 =	vld [tilespmem:s15+$0xFFFFFC30];
	v14 =	vmax.f32 v14, $0.0e+00;
	v11 =	vmul.f32 v11, v0;
	v10 =	vmul.f32 v10, v0  }
0x77d: {  	v17 =	vld [tilespmem:s15+$0xFFFFFC70];
	v19 =	vmax.f32 v20, $0.0e+00;
	v15 =	vtrunc.f32 v15;
	v2 =	vcvt.f32.s32 v2  }
0x77e: {  	v18 =	vld [tilespmem:s15+$0xFFFFFC10];
	v9 =	vmax.f32 v9, $0.0e+00;
	v5 =	vcvt.f32.s32 v5;
	v7 =	vtrunc.f32 v7  }
0x77f: {  	v20 =	vld [tilespmem:s15+$0x10];
	v16 =	vmul.f32 v22, v0;
	v14 =	vmin.f32 v14, $6.300000000e+01;
	v19 =	vmin.f32 v19, $6.300000000e+01  }
0x780: {  	v23 =	vld [tilespmem:s15+$0x20];
	v15 =	vcvt.f32.s32 v15;
	v9 =	vmin.f32 v9, $6.300000000e+01;
	v7 =	vcvt.f32.s32 v7  }
0x781: {  	v24 =	vld [tilespmem:s15+$0x60];
	v14 =	vtrunc.f32 v14;
	v11 =	vmax.f32 v11, $0.0e+00;
	v10 =	vmax.f32 v10, $0.0e+00  }
0x782: {  	v25 =	vld [tilespmem:s15+$0xFFFFFC40];
	v19 =	vtrunc.f32 v19;
	v9 =	vtrunc.f32 v9;
	v16 =	vmax.f32 v16, $0.0e+00  }
0x783: {  	v28 =	vld [tilespmem:s15+$0xFFFFFC20];
	v11 =	vmin.f32 v11, $6.300000000e+01;
	v10 =	vmin.f32 v10, $6.300000000e+01;
	v19 =	vcvt.f32.s32 v19  }
0x784: {  	v30 =	vld [tilespmem:s15+$0x0];
	v14 =	vcvt.f32.s32 v14;
	v16 =	vmin.f32 v16, $6.300000000e+01;
	v11 =	vtrunc.f32 v11  }
0x785: {  	v31 =	vld.idx.msk [tilespmem:v3+s4+$0x0], $0xffff;
	v21 =	vsub.f32 v21, v1;
	v10 =	vtrunc.f32 v10;
	v16 =	vtrunc.f32 v16  }
0x786: {  	v6 =	vld.idx.msk [tilespmem:v6+s4+$0x0], $0xffff;
	v26 =	vcvt.f32.s32 v11;
	v27 =	vcvt.f32.s32 v10  }
0x787: {  	v11 =	vld [tilespmem:s15+$0xFFFFFC00];
	v10 =	vmul.f32 v21, v0;
	v20 =	vsub.f32 v20, v1;
	v18 =	vsub.f32 v18, v1  }
0x788: {  	v22 =	vld [tilespmem:s15+$0x30];
	v9 =	vcvt.f32.s32 v9;
	v24 =	vsub.f32 v24, v1;
	v16 =	vcvt.f32.s32 v16  }
0x789: {  	v21 =	vld [tilespmem:s15+$0xFFFFFC50];
	v10 =	vmax.f32 v10, $0.0e+00;
	v20 =	vmul.f32 v20, v0;
	v18 =	vmul.f32 v18, v0  }
0x78a: {  	v28 =	vsub.f32 v28, v1;
	v32 =	vld.idx.msk [tilespmem:v2+s4+$0x0], $0xffff;
	v24 =	vmul.f32 v24, v0;
	v10 =	vmin.f32 v10, $6.300000000e+01  }
0x78b: {  	v3 =	vmax.f32 v20, $0.0e+00;
	v20 =	vld [tilespmem:s15+$0x50];
	v10 =	vtrunc.f32 v10;
	v18 =	vmax.f32 v18, $0.0e+00  }
0x78c: {  	v14 =	vld.idx.msk [tilespmem:v14+s4+$0x0], $0xffff;
	v11 =	vsub.f32 v11, v1;
	v3 =	vmin.f32 v3, $6.300000000e+01;
	v33 =	vcvt.f32.s32 v10  }
0x78d: {  	v2 =	vtrunc.f32 v3;
	v3 =	vmin.f32 v18, $6.300000000e+01;
	v18 =	vsub.f32 v23, v1;
	v23 =	vld [tilespmem:s15+$0x40]  }
0x78e: {  	v24 =	vmax.f32 v24, $0.0e+00;
	v16 =	vld.idx.msk [tilespmem:v16+s4+$0x0], $0xffff;
	v11 =	vmul.f32 v11, v0;
	v3 =	vtrunc.f32 v3  }
0x78f: {  	v17 =	vsub.f32 v17, v1;
	v61 =	vld.idx.msk [tilespmem:v9+s4+$0x0], $0xffff;
	v24 =	vmin.f32 v24, $6.300000000e+01;
	v3 =	vcvt.f32.s32 v3  }
0x790: {  	v62 =	vld.idx.msk [tilespmem:v19+s4+$0x0], $0xffff;
	v10 =	vmax.f32 v11, $0.0e+00;
	v11 =	vsub.f32 v13, v1;
	v9 =	vsub.f32 v20, v1  }
0x791: {  	[tilespmem:s0+$0xFFFFFC00] =	vst v8;
	v13 =	vld.idx.msk [tilespmem:v5+s4+$0x0], $0xffff;
	v5 =	vtrunc.f32 v24;
	v8 =	vmin.f32 v10, $6.300000000e+01;
	v10 =	vsub.f32 v30, v1  }
0x792: {  	v20 =	vld.idx.msk [tilespmem:v4+s4+$0x0], $0xffff;
	[tilespmem:s0+$0x50] =	vst v14;
	v4 =	vtrunc.f32 v8;
	v8 =	vsub.f32 v21, v1;
	v14 =	vmul.f32 v9, v0  }
0x793: {  	v29 =	vld [tilespmem:s15+$0xFFFFFC60];
	v9 =	vmul.f32 v28, v0;
	v23 =	vsub.f32 v23, v1;
	[tilespmem:s0+$0xFFFFFC60] =	vst v16;
	v16 =	vmul.f32 v18, v0  }
0x794: {  	[tilespmem:s0+$0xFFFFFC10] =	vst v31;
	v63 =	vld.idx.msk [tilespmem:v33+s4+$0x0], $0xffff;
	v21 =	vmul.f32 v10, v0;
	v10 =	vsub.f32 v22, v1;
	v22 =	vcvt.f32.s32 v4  }
0x795: {  	[tilespmem:s0+$0xFFFFFC70] =	vst v6;
	v18 =	vmul.f32 v11, v0;
	v11 =	vsub.f32 v25, v1;
	v19 =	vmax.f32 v16, $0.0e+00;
	v16 =	vld.idx.msk [tilespmem:v27+s4+$0x0], $0xffff  }
0x796: {  	p1 =	por $0x1, $0x1;
	v8 =	vmul.f32 v8, v0;
	v4 =	vmax.f32 v21, $0.0e+00;
	[tilespmem:s0+$0x60] =	vst v13;
	v21 =	vmul.f32 v17, v0;
	v17 =	vld.idx.msk [tilespmem:v15+s4+$0x0], $0xffff  }
.Ltmp43:
0x797: {  	v15 =	vmax.f32 v18, $0.0e+00;
	v13 =	vld.idx.msk [tilespmem:v26+s4+$0x0], $0xffff;
	[tilespmem:s0+$0x0] =	vst v20;
	v20 =	vmul.f32 v23, v0;
	v4 =	vmin.f32 v4, $6.300000000e+01;
	(pc) =	sbr.rel @!p1 .LBB2_83-.Ltmp43, $4  }
0x798: {  	[tilespmem:s0+$0x10] =	vst v32;
	v18 =	vmin.f32 v19, $6.300000000e+01;
	v19 =	vld.idx.msk [tilespmem:v12+s4+$0x0], $0xffff;
	v6 =	vmax.f32 v8, $0.0e+00;
	v21 =	vmax.f32 v21, $0.0e+00  }
0x799: {  	[tilespmem:s0+$0xFFFFFC20] =	vst v61;
	v4 =	vtrunc.f32 v4;
	v12 =	vtrunc.f32 v18;
	v18 =	vld.idx.msk [tilespmem:v7+s4+$0x0], $0xffff;
	v21 =	vmin.f32 v21, $6.300000000e+01  }
0x79a: {  	s2 =	simm.s32 $0x10;
	s3 =	simm.s32 $0xD100;
	[tilespmem:s0+$0x40] =	vst v62;
	v7 =	vmin.f32 v15, $6.300000000e+01;
	v8 =	vld.idx.msk [tilespmem:v22+s4+$0x0], $0xffff;
	v22 =	vsub.f32 v29, v1;
	v21 =	vtrunc.f32 v21  }
0x79b: {  	p0 =	por $0x1, $0x1;
	s16 =	simm.s32 $0xD100;
	v15 =	vmin.f32 v6, $6.300000000e+01;
	[tilespmem:s0+$0x70] =	vst v63;
	v4 =	vcvt.f32.s32 v4;
	v6 =	vcvt.f32.s32 v21;
	v21 =	vld [tilespmem:s15+$0x70];
	s15 =	sadd.s32 $0x800, s15  }
.LBB2_84:
0x79c: {  	v23 =	vld [tilespmem:s15+$0xFFFFFC30];
	s2 =	sadd.s32 $0x10, s2;
	v22 =	vmul.f32 v22, v0;
	v12 =	vcvt.f32.s32 v12;
	v14 =	vmax.f32 v14, $0.0e+00;
	s16 =	sadd.s32 $0x800, s16;
	[tilespmem:s0+$0x30] =	vst v16  }
0x79d: {  	v11 =	vmul.f32 v11, v0;
	v10 =	vmul.f32 v10, v0;
	v16 =	vld [tilespmem:s15+$0xFFFFFC70];
	p1 =	slt.u32 s2, $0x70;
	v14 =	vmin.f32 v14, $6.300000000e+01;
	[tilespmem:s0+$0xFFFFFC50] =	vst v17  }
0x79e: {  	v20 =	vmax.f32 v20, $0.0e+00;
	v17 =	vld [tilespmem:s15+$0xFFFFFC10];
	v22 =	vmax.f32 v22, $0.0e+00;
	v14 =	vtrunc.f32 v14;
	[tilespmem:s0+$0x20] =	vst v19  }
0x79f: {  	v20 =	vmin.f32 v20, $6.300000000e+01;
	v11 =	vmax.f32 v11, $0.0e+00;
	v19 =	vld [tilespmem:s15+$0x10];
	v22 =	vmin.f32 v22, $6.300000000e+01;
	[tilespmem:s0+$0xFFFFFC30] =	vst v18  }
0x7a0: {  	v15 =	vtrunc.f32 v15;
	v11 =	vmin.f32 v11, $6.300000000e+01;
	v18 =	vld [tilespmem:s15+$0x30];
	v21 =	vsub.f32 v21, v1;
	[tilespmem:s0+$0xFFFFFC40] =	vst v13;
	s0 =	smov.u32 s3;
	s3 =	smov.u32 s16  }
0x7a1: {  	v10 =	vmax.f32 v10, $0.0e+00;
	v13 =	vld [tilespmem:s15+$0x20];
	[tilespmem:s0+$0xFFFFFC00] =	vst v8;
	v8 =	vcvt.f32.s32 v15;
	v15 =	vtrunc.f32 v20  }
0x7a2: {  	v10 =	vmin.f32 v10, $6.300000000e+01;
	v11 =	vtrunc.f32 v11;
	v22 =	vtrunc.f32 v22;
	v20 =	vld [tilespmem:s15+$0x60]  }
0x7a3: {  	v9 =	vmax.f32 v9, $0.0e+00;
	v10 =	vtrunc.f32 v10;
	v25 =	vcvt.f32.s32 v11;
	v24 =	vld [tilespmem:s15+$0xFFFFFC40]  }
0x7a4: {  	v9 =	vmin.f32 v9, $6.300000000e+01;
	v26 =	vcvt.f32.s32 v10;
	v10 =	vmul.f32 v21, v0;
	v11 =	vld [tilespmem:s15+$0xFFFFFC00]  }
0x7a5: {  	v22 =	vcvt.f32.s32 v22;
	v15 =	vcvt.f32.s32 v15;
	v19 =	vsub.f32 v19, v1;
	v21 =	vld [tilespmem:s15+$0xFFFFFC50]  }
0x7a6: {  	v2 =	vcvt.f32.s32 v2;
	v9 =	vtrunc.f32 v9;
	v10 =	vmax.f32 v10, $0.0e+00;
	v27 =	vld [tilespmem:s15+$0xFFFFFC20]  }
0x7a7: {  	v14 =	vcvt.f32.s32 v14;
	v19 =	vmul.f32 v19, v0;
	v28 =	vld [tilespmem:s15+$0xFFFFFC60];
	v20 =	vsub.f32 v20, v1  }
0x7a8: {  	v5 =	vcvt.f32.s32 v5;
	v9 =	vcvt.f32.s32 v9;
	v10 =	vmin.f32 v10, $6.300000000e+01;
	v29 =	vld [tilespmem:s15+$0x0]  }
0x7a9: {  	v17 =	vsub.f32 v17, v1;
	v11 =	vsub.f32 v11, v1;
	v20 =	vmul.f32 v20, v0;
	v3 =	vld.idx.msk [tilespmem:v3+s4+$0x0], $0xffff  }
0x7aa: {  	v7 =	vtrunc.f32 v7;
	v10 =	vtrunc.f32 v10;
	v19 =	vmax.f32 v19, $0.0e+00;
	v30 =	vld [tilespmem:s15+$0x50]  }
0x7ab: {  	v7 =	vcvt.f32.s32 v7;
	v17 =	vmul.f32 v17, v0;
	v20 =	vmax.f32 v20, $0.0e+00;
	v22 =	vld.idx.msk [tilespmem:v22+s4+$0x0], $0xffff  }
0x7ac: {  	v19 =	vmin.f32 v19, $6.300000000e+01;
	v27 =	vsub.f32 v27, v1;
	v20 =	vmin.f32 v20, $6.300000000e+01;
	v31 =	vld.idx.msk [tilespmem:v2+s4+$0x0], $0xffff  }
0x7ad: {  	v17 =	vmax.f32 v17, $0.0e+00;
	v11 =	vmul.f32 v11, v0;
	v2 =	vtrunc.f32 v19;
	v14 =	vld.idx.msk [tilespmem:v14+s4+$0x0], $0xffff  }
0x7ae: {  	v13 =	vsub.f32 v13, v1;
	v32 =	vcvt.f32.s32 v10;
	v17 =	vmin.f32 v17, $6.300000000e+01;
	v19 =	vld [tilespmem:s15+$0x40]  }
0x7af: {  	v10 =	vmax.f32 v11, $0.0e+00;
	v11 =	vtrunc.f32 v17;
	v17 =	vsub.f32 v23, v1;
	[tilespmem:s0+$0xFFFFFC10] =	vst v3;
	v23 =	vld.idx.msk [tilespmem:v5+s4+$0x0], $0xffff  }
0x7b0: {  	v10 =	vmin.f32 v10, $6.300000000e+01;
	v3 =	vcvt.f32.s32 v11;
	v11 =	vsub.f32 v29, v1;
	v29 =	vld.idx.msk [tilespmem:v9+s4+$0x0], $0xffff  }
0x7b1: {  	v33 =	vsub.f32 v16, v1;
	v5 =	vtrunc.f32 v20;
	v9 =	vsub.f32 v30, v1;
	[tilespmem:s0+$0xFFFFFC60] =	vst v22;
	v20 =	vld.idx.msk [tilespmem:v4+s4+$0x0], $0xffff  }
0x7b2: {  	v13 =	vmul.f32 v13, v0;
	v16 =	vsub.f32 v21, v1;
	v4 =	vtrunc.f32 v10;
	v6 =	vld.idx.msk [tilespmem:v6+s4+$0x0], $0xffff  }
0x7b3: {  	v21 =	vmul.f32 v17, v0;
	v17 =	vmul.f32 v11, v0;
	v10 =	vsub.f32 v18, v1;
	v15 =	vld.idx.msk [tilespmem:v15+s4+$0x0], $0xffff  }
0x7b4: {  	v11 =	vsub.f32 v24, v1;
	v18 =	vmul.f32 v16, v0;
	v22 =	vcvt.f32.s32 v4;
	[tilespmem:s0+$0x50] =	vst v14;
	v24 =	vld.idx.msk [tilespmem:v32+s4+$0x0], $0xffff  }
0x7b5: {  	v13 =	vmax.f32 v13, $0.0e+00;
	v4 =	vmax.f32 v17, $0.0e+00;
	v14 =	vmul.f32 v9, v0;
	v16 =	vld.idx.msk [tilespmem:v26+s4+$0x0], $0xffff;
	[tilespmem:s0+$0x60] =	vst v23  }
0x7b6: {  	v9 =	vmul.f32 v27, v0;
	v4 =	vmin.f32 v4, $6.300000000e+01;
	v23 =	vmul.f32 v33, v0;
	[tilespmem:s0+$0xFFFFFC20] =	vst v29;
	v17 =	vld.idx.msk [tilespmem:v8+s4+$0x0], $0xffff  }
.Ltmp44:
0x7b7: {  	v21 =	vmax.f32 v21, $0.0e+00;
	v4 =	vtrunc.f32 v4;
	v8 =	vmin.f32 v13, $6.300000000e+01;
	v13 =	vld.idx.msk [tilespmem:v25+s4+$0x0], $0xffff;
	[tilespmem:s0+$0x10] =	vst v31;
	(pc) =	sbr.rel @p1 .LBB2_84-.Ltmp44, $4  }
0x7b8: {  	v4 =	vcvt.f32.s32 v4;
	v23 =	vmax.f32 v23, $0.0e+00;
	v25 =	vsub.f32 v19, v1;
	[tilespmem:s0+$0xFFFFFC70] =	vst v6;
	v19 =	vld.idx.msk [tilespmem:v12+s4+$0x0], $0xffff  }
0x7b9: {  	v6 =	vmax.f32 v18, $0.0e+00;
	v23 =	vmin.f32 v23, $6.300000000e+01;
	v12 =	vtrunc.f32 v8;
	v18 =	vld.idx.msk [tilespmem:v7+s4+$0x0], $0xffff;
	[tilespmem:s0+$0x0] =	vst v20  }
0x7ba: {  	v23 =	vtrunc.f32 v23;
	v20 =	vmul.f32 v25, v0;
	v8 =	vld.idx.msk [tilespmem:v22+s4+$0x0], $0xffff;
	v22 =	vsub.f32 v28, v1;
	[tilespmem:s0+$0x40] =	vst v15  }
0x7bb: {  	v7 =	vmin.f32 v21, $6.300000000e+01;
	v15 =	vmin.f32 v6, $6.300000000e+01;
	v6 =	vcvt.f32.s32 v23;
	v21 =	vld [tilespmem:s15+$0x70];
	s15 =	sadd.s32 $0x800, s15;
	[tilespmem:s0+$0x70] =	vst v24  }
0x7bc: {  	s2 =	smov.u32 s0;
	s0 =	smov.u32 s3  }
.LBB2_86:
0x7bd: {  	v22 =	vmul.f32 v22, v0;
	v14 =	vmax.f32 v14, $0.0e+00;
	v5 =	vcvt.f32.s32 v5  }
0x7be: {  	v9 =	vmax.f32 v9, $0.0e+00;
	v10 =	vmul.f32 v10, v0;
	v2 =	vcvt.f32.s32 v2  }
0x7bf: {  	v53 =	vmax.f32 v20, $0.0e+00;
	v11 =	vmul.f32 v11, v0;
	v7 =	vtrunc.f32 v7  }
0x7c0: {  	[tilespmem:s2+$0x30] =	vst @p0 v16;
	v14 =	vmin.f32 v14, $6.300000000e+01;
	v9 =	vmin.f32 v9, $6.300000000e+01;
	v16 =	vmin.f32 v53, $6.300000000e+01  }
0x7c1: {  	v7 =	vcvt.f32.s32 v7;
	v22 =	vmax.f32 v22, $0.0e+00;
	v14 =	vtrunc.f32 v14  }
0x7c2: {  	v9 =	vtrunc.f32 v9;
	v10 =	vmax.f32 v10, $0.0e+00;
	v16 =	vtrunc.f32 v16  }
0x7c3: {  	[tilespmem:s2+$0xFFFFFC50] =	vst @p0 v17;
	v3 =	vld.idx.msk [tilespmem:v3+s4+$0x0], $0xffff;
	v22 =	vmin.f32 v22, $6.300000000e+01;
	v21 =	vsub.f32 v21, v1;
	v14 =	vcvt.f32.s32 v14  }
0x7c4: {  	[tilespmem:s2+$0x20] =	vst @p0 v19;
	v6 =	vld.idx.msk [tilespmem:v6+s4+$0x0], $0xffff;
	v9 =	vcvt.f32.s32 v9;
	v10 =	vmin.f32 v10, $6.300000000e+01;
	v16 =	vcvt.f32.s32 v16  }
0x7c5: {  	[tilespmem:s2+$0xFFFFFC40] =	vst @p0 v13;
	v4 =	vld.idx.msk [tilespmem:v4+s4+$0x0], $0xffff;
	v22 =	vtrunc.f32 v22;
	v10 =	vtrunc.f32 v10  }
0x7c6: {  	[tilespmem:s2+$0xFFFFFC30] =	vst @p0 v18;
	v22 =	vcvt.f32.s32 v22;
	v21 =	vmul.f32 v21, v0;
	v5 =	vld.idx.msk [tilespmem:v5+s4+$0x0], $0xffff  }
0x7c7: {  	v15 =	vtrunc.f32 v15;
	[tilespmem:s0+$0xFFFFFC00] =	vst v8;
	v58 =	vmax.f32 v11, $0.0e+00;
	v57 =	vcvt.f32.s32 v10;
	v2 =	vld.idx.msk [tilespmem:v2+s4+$0x0], $0xffff  }
0x7c8: {  	v59 =	vcvt.f32.s32 v15;
	[tilespmem:s0+$0xFFFFFC10] =	vst v3;
	v10 =	vmin.f32 v58, $6.300000000e+01;
	v54 =	vmax.f32 v21, $0.0e+00;
	v62 =	vld.idx.msk [tilespmem:v7+s4+$0x0], $0xffff  }
0x7c9: {  	v3 =	vcvt.f32.s32 v12;
	[tilespmem:s0+$0xFFFFFC70] =	vst v6;
	v10 =	vtrunc.f32 v10;
	v17 =	vmin.f32 v54, $6.300000000e+01;
	v14 =	vld.idx.msk [tilespmem:v14+s4+$0x0], $0xffff  }
0x7ca: {  	[tilespmem:s0+$0x0] =	vst v4;
	v10 =	vcvt.f32.s32 v10;
	v17 =	vtrunc.f32 v17;
	v9 =	vld.idx.msk [tilespmem:v9+s4+$0x0], $0xffff  }
0x7cb: {  	v60 =	vld.idx.msk [tilespmem:v16+s4+$0x0], $0xffff;
	v56 =	vcvt.f32.s32 v17;
	[tilespmem:s0+$0x60] =	vst v5  }
0x7cc: {  	v55 =	vld.idx.msk [tilespmem:v22+s4+$0x0], $0xffff;
	[tilespmem:s0+$0x10] =	vst v2  }
0x7cd: {  	v8 =	vld.idx.msk [tilespmem:v57+s4+$0x0], $0xffff;
	[tilespmem:s0+$0xFFFFFC30] =	vst v62  }
0x7ce: {  	v2 =	vld.idx.msk [tilespmem:v59+s4+$0x0], $0xffff;
	[tilespmem:s0+$0x50] =	vst v14  }
0x7cf: {  	v3 =	vld.idx.msk [tilespmem:v3+s4+$0x0], $0xffff;
	[tilespmem:s0+$0xFFFFFC20] =	vst v9  }
0x7d0: {  	v63 =	vld.idx.msk [tilespmem:v10+s4+$0x0], $0xffff;
	[tilespmem:s0+$0x40] =	vst v60  }
0x7d1: {  	[tilespmem:s0+$0xFFFFFC60] =	vst v55;
	v61 =	vld.idx.msk [tilespmem:v56+s4+$0x0], $0xffff  }
0x7d2: {  	p0 =	seq.s32 s26, $0x1F;
	[tilespmem:s0+$0x30] =	vst v8  }
.Ltmp45:
0x7d3: {  	[tilespmem:s0+$0xFFFFFC50] =	vst v2;
	(pc) =	sbr.rel @p0 .LBB2_88-.Ltmp45, $4  }
0x7d4: {  	[tilespmem:s0+$0x20] =	vst v3  }
0x7d5: {  	[tilespmem:s0+$0xFFFFFC40] =	vst v63  }
0x7d6: {  	s31 =	sadd.s32 s13, s29;
	[tilespmem:s0+$0x70] =	vst v61  }
0x7d7: {  	[hbm4b:s31+s4] =	stream.linear.scatter [tilespmem:s23], [sflag:$0x4], $0x4000, $0x38;
	[tilespmem:$0x10180] =	vst v63  }
.Ltmp46:
0x7d8: {  	(pc) =	sbr.rel .LBB2_2-.Ltmp46, $4  }
0x7d9: {  	s0 =	sadd.s32 s28, s11  }
0x7da: {  	s0 =	sshll.u32 s0, $0xB  }
0x7db: {  	s26 =	sadd.s32 $0x1, s26;
	s0 =	sadd.s32 s1, s0  }
0x7dc: {  	[tilespmem:s18], [sflag:$0x2] =	stream.linear.gather [hbm4b:s0+s4], $0x4000, $0x38;
	[tilespmem:$0x10180] =	vst v63  }
.LBB2_7:
.Ltmp47:
0x7dd: {  	(pc) =	sbr.rel .LBB2_12-.Ltmp47, $2  }
0x7de: {  	_ =	sdelay $0x2  }
0x7df: {  	p3 =	por $0x0, $0x0  }
.LBB2_13:
.Ltmp48:
0x7e0: {  	(pc) =	sbr.rel .LBB2_18-.Ltmp48, $2  }
0x7e1: {  	_ =	sdelay $0x2  }
0x7e2: {  	_ = 	snop  }
.LBB2_19:
.Ltmp49:
0x7e3: {  	(pc) =	sbr.rel .LBB2_24-.Ltmp49, $2  }
0x7e4: {  	_ =	sdelay $0x2  }
0x7e5: {  	p3 =	por $0x0, $0x0  }
.LBB2_25:
.Ltmp50:
0x7e6: {  	(pc) =	sbr.rel .LBB2_30-.Ltmp50, $2  }
0x7e7: {  	_ =	sdelay $0x2  }
0x7e8: {  	_ = 	snop  }
.LBB2_31:
.Ltmp51:
0x7e9: {  	(pc) =	sbr.rel .LBB2_36-.Ltmp51, $2  }
0x7ea: {  	_ =	sdelay $0x2  }
0x7eb: {  	p3 =	por $0x0, $0x0  }
.LBB2_37:
.Ltmp52:
0x7ec: {  	(pc) =	sbr.rel .LBB2_42-.Ltmp52, $2  }
0x7ed: {  	_ =	sdelay $0x2  }
0x7ee: {  	_ = 	snop  }
.LBB2_51:
.Ltmp53:
0x7ef: {  	(pc) =	sbr.rel .LBB2_56-.Ltmp53, $2  }
0x7f0: {  	_ =	sdelay $0x2  }
0x7f1: {  	p2 =	por $0x0, $0x0  }
.LBB2_57:
.Ltmp54:
0x7f2: {  	(pc) =	sbr.rel .LBB2_62-.Ltmp54, $2  }
0x7f3: {  	_ =	sdelay $0x2  }
0x7f4: {  	_ = 	snop  }
.LBB2_63:
.Ltmp55:
0x7f5: {  	(pc) =	sbr.rel .LBB2_68-.Ltmp55, $2  }
0x7f6: {  	_ =	sdelay $0x2  }
0x7f7: {  	p2 =	por $0x0, $0x0  }
.LBB2_69:
.Ltmp56:
0x7f8: {  	(pc) =	sbr.rel .LBB2_74-.Ltmp56, $2  }
0x7f9: {  	_ =	sdelay $0x2  }
0x7fa: {  	_ = 	snop  }
.LBB2_75:
.Ltmp57:
0x7fb: {  	(pc) =	sbr.rel .LBB2_80-.Ltmp57, $2  }
0x7fc: {  	_ =	sdelay $0x2  }
0x7fd: {  	p2 =	por $0x0, $0x0  }
.LBB2_81:
.Ltmp58:
0x7fe: {  	(pc) =	sbr.rel .LBB2_86-.Ltmp58, $2  }
0x7ff: {  	_ =	sdelay $0x2  }
0x800: {  	_ = 	snop  }
.LBB2_9:
.Ltmp59:
0x801: {  	(pc) =	sbr.rel .LBB2_12-.Ltmp59, $2  }
0x802: {  	_ =	sdelay $0x2  }
0x803: {  	s2 =	simm.s32 $0x8680;
	s29 =	simm.s32 $0x8E80  }
.LBB2_15:
.Ltmp60:
0x804: {  	(pc) =	sbr.rel .LBB2_18-.Ltmp60, $2  }
0x805: {  	_ =	sdelay $0x2  }
0x806: {  	s2 =	simm.s32 $0x8700;
	s31 =	simm.s32 $0x8F00  }
.LBB2_21:
.Ltmp61:
0x807: {  	(pc) =	sbr.rel .LBB2_24-.Ltmp61, $2  }
0x808: {  	_ =	sdelay $0x2  }
0x809: {  	s2 =	smov.u32 s29;
	s29 =	smov.u32 s0  }
.LBB2_27:
.Ltmp62:
0x80a: {  	(pc) =	sbr.rel .LBB2_30-.Ltmp62, $2  }
0x80b: {  	_ =	sdelay $0x2  }
0x80c: {  	s2 =	simm.s32 $0x8800;
	s31 =	simm.s32 $0x9000  }
.LBB2_33:
.Ltmp63:
0x80d: {  	(pc) =	sbr.rel .LBB2_36-.Ltmp63, $2  }
0x80e: {  	_ =	sdelay $0x2  }
0x80f: {  	s2 =	smov.u32 s29;
	s29 =	smov.u32 s0  }
.LBB2_39:
.Ltmp64:
0x810: {  	(pc) =	sbr.rel .LBB2_42-.Ltmp64, $2  }
0x811: {  	_ =	sdelay $0x2  }
0x812: {  	s2 =	simm.s32 $0x8900;
	s0 =	simm.s32 $0x9100  }
.LBB2_53:
.Ltmp65:
0x813: {  	(pc) =	sbr.rel .LBB2_56-.Ltmp65, $2  }
0x814: {  	_ =	sdelay $0x2  }
0x815: {  	s2 =	simm.s32 $0xC680;
	s30 =	simm.s32 $0xCE80  }
.LBB2_59:
.Ltmp66:
0x816: {  	(pc) =	sbr.rel .LBB2_62-.Ltmp66, $2  }
0x817: {  	_ =	sdelay $0x2  }
0x818: {  	s2 =	simm.s32 $0xC700;
	s0 =	simm.s32 $0xCF00  }
.LBB2_65:
.Ltmp67:
0x819: {  	(pc) =	sbr.rel .LBB2_68-.Ltmp67, $2  }
0x81a: {  	_ =	sdelay $0x2  }
0x81b: {  	s2 =	smov.u32 s30;
	s30 =	smov.u32 s0  }
.LBB2_71:
.Ltmp68:
0x81c: {  	(pc) =	sbr.rel .LBB2_74-.Ltmp68, $2  }
0x81d: {  	_ =	sdelay $0x2  }
0x81e: {  	s2 =	simm.s32 $0xC800;
	s0 =	simm.s32 $0xD000  }
.LBB2_77:
.Ltmp69:
0x81f: {  	(pc) =	sbr.rel .LBB2_80-.Ltmp69, $2  }
0x820: {  	_ =	sdelay $0x2  }
0x821: {  	s2 =	smov.u32 s30;
	s30 =	smov.u32 s0  }
.LBB2_83:
.Ltmp70:
0x822: {  	(pc) =	sbr.rel .LBB2_86-.Ltmp70, $2  }
0x823: {  	_ =	sdelay $0x2  }
0x824: {  	s2 =	simm.s32 $0xC900;
	s0 =	simm.s32 $0xD100  }
.LBB2_89:
0x825: {  	_ =	sfence.sel $0x180000  }
0x826: {  	[bflag:$0x0] =	sbarrier.arrive $0xFFFF  }
0x827: {  	_ =	strace $0x90000047  }
0x828: {  	s0 =	stileid.u32;
	[bflag:$0x2] =	sbarrier.arrive $0xFFFF  }
0x829: {  	p0 =	sne.s32 s0, $0x0;
	s0 =	rddreg [dreg:$0x4]  }
0x82a: {  	s0 =	sadd.s32 @!p0 $0x100000, s0  }
0x82b: {  	[sflag:s0] =	ssyncadd.tile.s32 @!p0 $0x1;
	_ =	shalt  }
.Lfunc_end2:
_tile_overlayer_lowered:
.L_overlay_start_2:
0x82c: {  	(tag) =	ssettag $0x2  }
0x82d: {  	s0 =	rddreg [dreg:$0x0];
	s2 =	stileid.u32  }
0x82e: {  	s1 =	rddreg [dreg:$0x1];
	p0 =	sne.s32 s2, $0x0  }
0x82f: {  	s3 =	rddreg [dreg:$0x2];
	[bflag:$0x3] =	sbarrier.arrive $0xFFFF;
	s2 =	simm.s32 @!p0 $0x1C05  }
0x830: {  	[timem:s3], [sflag:s2] =	dma.local @!p0 [hbm:s0], s1  }
0x831: {  	s0 =	simm.s32 @!p0 $0x5  }
0x832: {  	_ =	swait.ge @!p0 [sflag:s0], s1  }
0x833: {  	s1 =	ssub.s32 @!p0 $0x0, s1;
	[sflag:s0] =	ssyncset.done @!p0 $0x0  }
0x834: {  	[sflag:s0] =	ssyncadd.s32 @!p0 s1  }
0x835: {  	[bflag:$0x3] =	sbarrier.arrive $0xFFFF  }
0x836: {  	_ =	shalt  }

</sc_bundles>
